<compile_context>
chip_gen: v7x
topology: tpu7x:2x2x1
jax: 0.10.2.dev20260603
libtpu: 0.0.44.dev20260713+nightly
codegen_flags: <defaults>
</compile_context>

<pallas_src>
import functools

import jax
import jax.numpy as jnp
from jax import lax
from jax.experimental import pallas as pl
from jax.experimental.pallas import tpu as pltpu
from jax.experimental.pallas import tpu_sc as plsc

B, N, S, D1, D2, DO = 8, 4096, 1024, 128, 256, 128
NBLK = 1024
NB = N // NBLK
BN = B * N
BS = B * S

_NC, _NS = 2, 16
NW = _NC * _NS
PPW = BN // NW
P = 128
NCHUNK = PPW // P


def _prep_body(f2_ref, x2t_ref, w1_ref, b1_ref, w2_ref, b2_ref,
               proj2_ref, w_ref, bias_ref, x2m2_ref, n2_ref):
    w = jnp.dot(w2_ref[...], w1_ref[...], preferred_element_type=jnp.float32)
    w_ref[...] = w
    bias_ref[...] = jnp.dot(w2_ref[...], b1_ref[...],
                            preferred_element_type=jnp.float32) + b2_ref[...]
    wb = w[:, D1:]
    proj2_ref[0] = jnp.dot(f2_ref[0], wb.T, preferred_element_type=jnp.float32)
    x2t = x2t_ref[0]
    n2_ref[0] = jnp.sum(x2t * x2t, axis=0, keepdims=True)
    x2m2_ref[0] = -2.0 * x2t


def _knn_body(x1_ref, x2m2_ref, n2_ref, i0_ref, i1_ref, i2_ref):
    b = pl.program_id(0)
    d0 = n2_ref[0] + jnp.dot(x1_ref[0], x2m2_ref[0],
                             preferred_element_type=jnp.float32)
    iota = jax.lax.broadcasted_iota(jnp.int32, (NBLK, S), 1)
    base = b * S
    d = d0
    for k, ref in enumerate((i0_ref, i1_ref, i2_ref)):
        m = jnp.min(d, axis=1, keepdims=True)
        sel = d == m
        r = jnp.min(jnp.where(sel, iota, jnp.int32(S)), axis=1,
                    keepdims=True)
        ref[0] = r + base
        if k < 2:
            d = jnp.where(sel, jnp.float32(jnp.inf), d)


def _combine_body(f1_ref, g_ref, w_ref, bias_ref, out_ref):
    base_t = jax.lax.dot_general(
        w_ref[:, :D1], f1_ref[0], (((1,), (1,)), ((), ())),
        preferred_element_type=jnp.float32)
    out_ref[0] = base_t + g_ref[0].T * (1.0 / 3.0) + bias_ref[...]


def _gather_body(table_hbm, i0_hbm, i1_hbm, i2_hbm, out_hbm,
                 i0a, i1a, i2a, i0b, i1b, i2b,
                 r0a, r1a, r2a, r0b, r1b, r2b,
                 sga, sgb, ssa, ssb):
    wid = lax.axis_index("s") * _NC + lax.axis_index("c")
    wbase = wid * PPW
    idx = ((i0a, i1a, i2a), (i0b, i1b, i2b))
    rows = ((r0a, r1a, r2a), (r0b, r1b, r2b))
    gsem = (sga, sgb)
    ssem = (ssa, ssb)

    def fire(ci, s):
        off = wbase + ci * P
        for iv, ih in zip(idx[s], (i0_hbm, i1_hbm, i2_hbm)):
            pltpu.sync_copy(ih.at[pl.ds(off, P)], iv)
        return [pltpu.async_copy(table_hbm.at[iv], rv, gsem[s])
                for iv, rv in zip(idx[s], rows[s])]

    gh = {0: fire(0, 0)}
    sh = {}
    for ci in range(NCHUNK):
        s = ci % 2
        if ci + 1 < NCHUNK:
            sn = (ci + 1) % 2
            if ci - 1 >= 0:
                sh.pop(ci - 1).wait()
            gh[ci + 1] = fire(ci + 1, sn)
        for h in gh.pop(ci):
            h.wait()
        r0, r1, r2 = rows[s]

        def row(pp, c):
            for dp in range(2):
                p = pp * 2 + dp
                for j in range(DO // 16):
                    sl = pl.ds(j * 16, 16)
                    r0[p, sl] = r0[p, sl] + r1[p, sl] + r2[p, sl]
            return c

        lax.fori_loop(0, P // 2, row, 0)
        sh[ci] = pltpu.async_copy(
            r0, out_hbm.at[pl.ds(wbase + ci * P, P)], ssem[s])
    sh.pop(NCHUNK - 2).wait()
    sh.pop(NCHUNK - 1).wait()


def kernel(xyz1, xyz2, features1, features2, W1, b1, W2, b2):
    xyz1p = jnp.pad(xyz1, ((0, 0), (0, 0), (0, 5)))
    xyz2t = jnp.pad(xyz2, ((0, 0), (0, 0), (0, 5)))
    xyz2t = jnp.transpose(xyz2t, (0, 2, 1))
    b1r = b1.reshape(D2, 1)
    b2r = b2.reshape(DO, 1)

    proj2, w, bias, x2m2, n2 = pl.pallas_call(
        _prep_body,
        grid=(B,),
        in_specs=[
            pl.BlockSpec((1, S, D2), lambda b: (b, 0, 0)),
            pl.BlockSpec((1, 8, S), lambda b: (b, 0, 0)),
            pl.BlockSpec((D2, D1 + D2), lambda b: (0, 0)),
            pl.BlockSpec((D2, 1), lambda b: (0, 0)),
            pl.BlockSpec((DO, D2), lambda b: (0, 0)),
            pl.BlockSpec((DO, 1), lambda b: (0, 0)),
        ],
        out_specs=[
            pl.BlockSpec((1, S, DO), lambda b: (b, 0, 0)),
            pl.BlockSpec((DO, D1 + D2), lambda b: (0, 0)),
            pl.BlockSpec((DO, 1), lambda b: (0, 0)),
            pl.BlockSpec((1, 8, S), lambda b: (b, 0, 0)),
            pl.BlockSpec((1, 1, S), lambda b: (b, 0, 0)),
        ],
        out_shape=[
            jax.ShapeDtypeStruct((B, S, DO), jnp.float32),
            jax.ShapeDtypeStruct((DO, D1 + D2), jnp.float32),
            jax.ShapeDtypeStruct((DO, 1), jnp.float32),
            jax.ShapeDtypeStruct((B, 8, S), jnp.float32),
            jax.ShapeDtypeStruct((B, 1, S), jnp.float32),
        ],
    )(features2, xyz2t, W1, b1r, W2, b2r)

    idx_specs = pl.BlockSpec((1, NBLK, 1), lambda b, nb: (b * NB + nb, 0, 0))
    idx_shape = jax.ShapeDtypeStruct((B * NB, NBLK, 1), jnp.int32)
    i0, i1, i2 = pl.pallas_call(
        _knn_body,
        grid=(B, NB),
        in_specs=[
            pl.BlockSpec((1, NBLK, 8), lambda b, nb: (b, nb, 0)),
            pl.BlockSpec((1, 8, S), lambda b, nb: (b, 0, 0)),
            pl.BlockSpec((1, 1, S), lambda b, nb: (b, 0, 0)),
        ],
        out_specs=[idx_specs, idx_specs, idx_specs],
        out_shape=[idx_shape, idx_shape, idx_shape],
    )(xyz1p, x2m2, n2)

    table = proj2.reshape(BS, DO)
    i0f = i0.reshape(BN)
    i1f = i1.reshape(BN)
    i2f = i2.reshape(BN)

    mesh = plsc.VectorSubcoreMesh(core_axis_name="c", subcore_axis_name="s")
    gsum = functools.partial(
        pl.kernel,
        mesh=mesh,
        out_type=jax.ShapeDtypeStruct((BN, DO), jnp.float32),
        scratch_types=(
            [pltpu.VMEM((P,), jnp.int32)] * 6
            + [pltpu.VMEM((P, DO), jnp.float32)] * 6
            + [pltpu.SemaphoreType.DMA] * 4
        ),
    )(_gather_body)(table, i0f, i1f, i2f)

    gsum = gsum.reshape(B, N, DO)

    out = pl.pallas_call(
        _combine_body,
        grid=(B, NB),
        in_specs=[
            pl.BlockSpec((1, NBLK, D1), lambda b, nb: (b, nb, 0)),
            pl.BlockSpec((1, NBLK, DO), lambda b, nb: (b, nb, 0)),
            pl.BlockSpec((DO, D1 + D2), lambda b, nb: (0, 0)),
            pl.BlockSpec((DO, 1), lambda b, nb: (0, 0)),
        ],
        out_specs=pl.BlockSpec((1, DO, NBLK), lambda b, nb: (b, 0, nb)),
        out_shape=jax.ShapeDtypeStruct((B, DO, N), jnp.float32),
    )(features1, gsum, w, bias)
    return out

# --- scband reference (transcript-rebuilt; emitter-appended) ---
"""Pipeline reference for scband-point-net-feature-propagation-53334903881918 (READ-ONLY COPY).

The authoritative reference and input builder live on the scoring server;
editing this copy changes nothing except your own understanding.
"""

import jax, jax.numpy as jnp
import numpy as np


def setup_inputs(seed: int = 0) -> dict:
    key = jax.random.key(seed)
    ks = jax.random.split(key, 6)
    B, N, S, D1, D2 = 8, 4096, 1024, 128, 256
    xyz1 = jax.random.normal(ks[0], (B, N, 3), dtype=jnp.float32)
    xyz2 = jax.random.normal(ks[1], (B, S, 3), dtype=jnp.float32)
    features1 = jax.random.normal(ks[2], (B, N, D1), dtype=jnp.float32)
    features2 = jax.random.normal(ks[3], (B, S, D2), dtype=jnp.float32)
    # Conv1d(384, 256, 1) and Conv1d(256, 128, 1) weights (kernel size 1 -> plain matmul)
    W1 = jax.random.normal(ks[4], (256, 384), dtype=jnp.float32) * (1.0 / np.sqrt(384))
    b1 = jnp.zeros((256,), dtype=jnp.float32)
    W2 = jax.random.normal(ks[5], (128, 256), dtype=jnp.float32) * (1.0 / np.sqrt(256))
    b2 = jnp.zeros((128,), dtype=jnp.float32)
    return {"xyz1": xyz1, "xyz2": xyz2, "features1": features1, "features2": features2,
            "W1": W1, "b1": b1, "W2": W2, "b2": b2}


def reference(xyz1, xyz2, features1, features2, W1, b1, W2, b2):
    B, N, _ = xyz1.shape
    # torch.cdist (p=2) via expansion to avoid materializing [B,N,S,3]
    sq = (jnp.sum(xyz1 ** 2, axis=-1)[:, :, None]
          + jnp.sum(xyz2 ** 2, axis=-1)[:, None, :]
          - 2.0 * jnp.einsum('bnc,bsc->bns', xyz1, xyz2))
    dists = jnp.sqrt(jnp.maximum(sq, 1e-12))
    # argsort + take first 3 == 3 nearest neighbors
    idx = jnp.argsort(dists, axis=-1)[:, :, :3]  # [B, N, 3]
    batch = jnp.arange(B)[:, None, None]
    gathered = features2[batch, idx]  # [B, N, 3, D2]
    # loop of 3 adds then /= 3 == mean over the 3 neighbors
    interpolated = jnp.sum(gathered, axis=2) / 3.0  # [B, N, D2]
    new_features = jnp.concatenate([features1, interpolated], axis=2)  # [B, N, D1+D2]
    x = jnp.transpose(new_features, (0, 2, 1))  # [B, C, N]
    x = jnp.einsum('oc,bcn->bon', W1, x) + b1[None, :, None]
    x = jnp.einsum('oc,bcn->bon', W2, x) + b2[None, :, None]
    return x

if __name__ == "__main__":
    import jax
    _d = setup_inputs()
    print(jax.jit(kernel)(*tuple(_d.values())))

</pallas_src>

<mosaic_0001>
#map = affine_map<(d0, d1) -> (0, 0)>
#map1 = affine_map<(d0, d1) -> (0)>
module attributes {stable_mosaic.version = 14 : i64} {
  func.func @_gather_body(%arg0: i32, %arg1: i32, %arg2: memref<8192x128xf32, #tpu.memory_space<hbm>>, %arg3: memref<32768xi32, #tpu.memory_space<hbm>>, %arg4: memref<32768xi32, #tpu.memory_space<hbm>>, %arg5: memref<32768xi32, #tpu.memory_space<hbm>>, %arg6: memref<32768x128xf32, #tpu.memory_space<hbm>>, %arg7: memref<128xi32, #tpu.memory_space<vmem>>, %arg8: memref<128xi32, #tpu.memory_space<vmem>>, %arg9: memref<128xi32, #tpu.memory_space<vmem>>, %arg10: memref<128xi32, #tpu.memory_space<vmem>>, %arg11: memref<128xi32, #tpu.memory_space<vmem>>, %arg12: memref<128xi32, #tpu.memory_space<vmem>>, %arg13: memref<128x128xf32, #tpu.memory_space<vmem>>, %arg14: memref<128x128xf32, #tpu.memory_space<vmem>>, %arg15: memref<128x128xf32, #tpu.memory_space<vmem>>, %arg16: memref<128x128xf32, #tpu.memory_space<vmem>>, %arg17: memref<128x128xf32, #tpu.memory_space<vmem>>, %arg18: memref<128x128xf32, #tpu.memory_space<vmem>>, %arg19: memref<!tpu.dma_semaphore, #tpu.memory_space<semaphore_mem>>, %arg20: memref<!tpu.dma_semaphore, #tpu.memory_space<semaphore_mem>>, %arg21: memref<!tpu.dma_semaphore, #tpu.memory_space<semaphore_mem>>, %arg22: memref<!tpu.dma_semaphore, #tpu.memory_space<semaphore_mem>>) attributes {dimension_semantics = [#tpu.dimension_semantics<core_parallel>, #tpu.dimension_semantics<subcore_parallel>], iteration_bounds = array<i64: 2, 16>, scalar_prefetch = 0 : i64, scratch_operands = 16 : i64, tpu.core_type = #tpu.core_type<sc_vector_subcore>, window_params = [{transform_indices = #map}, {transform_indices = #map1}, {transform_indices = #map1}, {transform_indices = #map1}, {transform_indices = #map}]} {
    %mul3A = arith.constant 2 : i32
    %mul3A_0 = arith.muli %arg1, %mul3A : i32
    %add3A = arith.addi %mul3A_0, %arg0 : i32
    %mul3A_1 = arith.constant 1024 : i32
    %mul3A_2 = arith.muli %add3A, %mul3A_1 : i32
    %add3A_3 = arith.constant 0 : i32
    %add3A_4 = arith.addi %mul3A_2, %add3A_3 : i32
    "tpu.region"() ({
      %run_scoped3A = tpu.sem_alloc : memref<!tpu.dma_semaphore, #tpu.memory_space<semaphore_mem>>
      %dma_start3A_288 = tpu.memref_slice %arg3[%add3A_4] : memref<32768xi32, #tpu.memory_space<hbm>> -> memref<128xi32, #tpu.memory_space<hbm>>
      %dma_start3A_289 = tpu.memref_slice %arg3[%add3A_4] : memref<32768xi32, #tpu.memory_space<hbm>> -> memref<128xi32, #tpu.memory_space<hbm>>
      tpu.enqueue_dma source(%dma_start3A_289 : memref<128xi32, #tpu.memory_space<hbm>>) target(%arg7 : memref<128xi32, #tpu.memory_space<vmem>>) target_semaphore(%run_scoped3A : memref<!tpu.dma_semaphore, #tpu.memory_space<semaphore_mem>>)
      %dma_wait3A_290 = tpu.memref_slice %arg3[%add3A_4] : memref<32768xi32, #tpu.memory_space<hbm>> -> memref<128xi32, #tpu.memory_space<hbm>>
      %dma_wait3A_291 = tpu.memref_slice %arg3[%add3A_4] : memref<32768xi32, #tpu.memory_space<hbm>> -> memref<128xi32, #tpu.memory_space<hbm>>
      tpu.wait_dma2 semaphore(%run_scoped3A : memref<!tpu.dma_semaphore, #tpu.memory_space<semaphore_mem>>) src(%dma_wait3A_291 : memref<128xi32, #tpu.memory_space<hbm>>) dst(%arg7 : memref<128xi32, #tpu.memory_space<vmem>>)
      tpu.yield
    }) : () -> ()
    "tpu.region"() ({
      %run_scoped3A = tpu.sem_alloc : memref<!tpu.dma_semaphore, #tpu.memory_space<semaphore_mem>>
      %dma_start3A_288 = tpu.memref_slice %arg4[%add3A_4] : memref<32768xi32, #tpu.memory_space<hbm>> -> memref<128xi32, #tpu.memory_space<hbm>>
      %dma_start3A_289 = tpu.memref_slice %arg4[%add3A_4] : memref<32768xi32, #tpu.memory_space<hbm>> -> memref<128xi32, #tpu.memory_space<hbm>>
      tpu.enqueue_dma source(%dma_start3A_289 : memref<128xi32, #tpu.memory_space<hbm>>) target(%arg8 : memref<128xi32, #tpu.memory_space<vmem>>) target_semaphore(%run_scoped3A : memref<!tpu.dma_semaphore, #tpu.memory_space<semaphore_mem>>)
      %dma_wait3A_290 = tpu.memref_slice %arg4[%add3A_4] : memref<32768xi32, #tpu.memory_space<hbm>> -> memref<128xi32, #tpu.memory_space<hbm>>
      %dma_wait3A_291 = tpu.memref_slice %arg4[%add3A_4] : memref<32768xi32, #tpu.memory_space<hbm>> -> memref<128xi32, #tpu.memory_space<hbm>>
      tpu.wait_dma2 semaphore(%run_scoped3A : memref<!tpu.dma_semaphore, #tpu.memory_space<semaphore_mem>>) src(%dma_wait3A_291 : memref<128xi32, #tpu.memory_space<hbm>>) dst(%arg8 : memref<128xi32, #tpu.memory_space<vmem>>)
      tpu.yield
    }) : () -> ()
    "tpu.region"() ({
      %run_scoped3A = tpu.sem_alloc : memref<!tpu.dma_semaphore, #tpu.memory_space<semaphore_mem>>
      %dma_start3A_288 = tpu.memref_slice %arg5[%add3A_4] : memref<32768xi32, #tpu.memory_space<hbm>> -> memref<128xi32, #tpu.memory_space<hbm>>
      %dma_start3A_289 = tpu.memref_slice %arg5[%add3A_4] : memref<32768xi32, #tpu.memory_space<hbm>> -> memref<128xi32, #tpu.memory_space<hbm>>
      tpu.enqueue_dma source(%dma_start3A_289 : memref<128xi32, #tpu.memory_space<hbm>>) target(%arg9 : memref<128xi32, #tpu.memory_space<vmem>>) target_semaphore(%run_scoped3A : memref<!tpu.dma_semaphore, #tpu.memory_space<semaphore_mem>>)
      %dma_wait3A_290 = tpu.memref_slice %arg5[%add3A_4] : memref<32768xi32, #tpu.memory_space<hbm>> -> memref<128xi32, #tpu.memory_space<hbm>>
      %dma_wait3A_291 = tpu.memref_slice %arg5[%add3A_4] : memref<32768xi32, #tpu.memory_space<hbm>> -> memref<128xi32, #tpu.memory_space<hbm>>
      tpu.wait_dma2 semaphore(%run_scoped3A : memref<!tpu.dma_semaphore, #tpu.memory_space<semaphore_mem>>) src(%dma_wait3A_291 : memref<128xi32, #tpu.memory_space<hbm>>) dst(%arg9 : memref<128xi32, #tpu.memory_space<vmem>>)
      tpu.yield
    }) : () -> ()
    %dma_start3A = arith.constant 0 : i32
    %dma_start3A_5 = arith.constant 0 : i32
    %dma_start3A_6 = tpu.memref_slice %arg2[%dma_start3A, %dma_start3A_5] : memref<8192x128xf32, #tpu.memory_space<hbm>> -> memref<8192x128xf32, #tpu.memory_space<hbm>>
    tpu.enqueue_indirect_dma source(%dma_start3A_6 : memref<8192x128xf32, #tpu.memory_space<hbm>>) target(%arg13 : memref<128x128xf32, #tpu.memory_space<vmem>>) offsets(%arg7 : memref<128xi32, #tpu.memory_space<vmem>>) semaphore(%arg19 : memref<!tpu.dma_semaphore, #tpu.memory_space<semaphore_mem>>)
    %dma_start3A_7 = arith.constant 0 : i32
    %dma_start3A_8 = arith.constant 0 : i32
    %dma_start3A_9 = tpu.memref_slice %arg2[%dma_start3A_7, %dma_start3A_8] : memref<8192x128xf32, #tpu.memory_space<hbm>> -> memref<8192x128xf32, #tpu.memory_space<hbm>>
    tpu.enqueue_indirect_dma source(%dma_start3A_9 : memref<8192x128xf32, #tpu.memory_space<hbm>>) target(%arg14 : memref<128x128xf32, #tpu.memory_space<vmem>>) offsets(%arg8 : memref<128xi32, #tpu.memory_space<vmem>>) semaphore(%arg19 : memref<!tpu.dma_semaphore, #tpu.memory_space<semaphore_mem>>)
    %dma_start3A_10 = arith.constant 0 : i32
    %dma_start3A_11 = arith.constant 0 : i32
    %dma_start3A_12 = tpu.memref_slice %arg2[%dma_start3A_10, %dma_start3A_11] : memref<8192x128xf32, #tpu.memory_space<hbm>> -> memref<8192x128xf32, #tpu.memory_space<hbm>>
    tpu.enqueue_indirect_dma source(%dma_start3A_12 : memref<8192x128xf32, #tpu.memory_space<hbm>>) target(%arg15 : memref<128x128xf32, #tpu.memory_space<vmem>>) offsets(%arg9 : memref<128xi32, #tpu.memory_space<vmem>>) semaphore(%arg19 : memref<!tpu.dma_semaphore, #tpu.memory_space<semaphore_mem>>)
    %add3A_13 = arith.constant 128 : i32
    %add3A_14 = arith.addi %mul3A_2, %add3A_13 : i32
    "tpu.region"() ({
      %run_scoped3A = tpu.sem_alloc : memref<!tpu.dma_semaphore, #tpu.memory_space<semaphore_mem>>
      %dma_start3A_288 = tpu.memref_slice %arg3[%add3A_14] : memref<32768xi32, #tpu.memory_space<hbm>> -> memref<128xi32, #tpu.memory_space<hbm>>
      %dma_start3A_289 = tpu.memref_slice %arg3[%add3A_14] : memref<32768xi32, #tpu.memory_space<hbm>> -> memref<128xi32, #tpu.memory_space<hbm>>
      tpu.enqueue_dma source(%dma_start3A_289 : memref<128xi32, #tpu.memory_space<hbm>>) target(%arg10 : memref<128xi32, #tpu.memory_space<vmem>>) target_semaphore(%run_scoped3A : memref<!tpu.dma_semaphore, #tpu.memory_space<semaphore_mem>>)
      %dma_wait3A_290 = tpu.memref_slice %arg3[%add3A_14] : memref<32768xi32, #tpu.memory_space<hbm>> -> memref<128xi32, #tpu.memory_space<hbm>>
      %dma_wait3A_291 = tpu.memref_slice %arg3[%add3A_14] : memref<32768xi32, #tpu.memory_space<hbm>> -> memref<128xi32, #tpu.memory_space<hbm>>
      tpu.wait_dma2 semaphore(%run_scoped3A : memref<!tpu.dma_semaphore, #tpu.memory_space<semaphore_mem>>) src(%dma_wait3A_291 : memref<128xi32, #tpu.memory_space<hbm>>) dst(%arg10 : memref<128xi32, #tpu.memory_space<vmem>>)
      tpu.yield
    }) : () -> ()
    "tpu.region"() ({
      %run_scoped3A = tpu.sem_alloc : memref<!tpu.dma_semaphore, #tpu.memory_space<semaphore_mem>>
      %dma_start3A_288 = tpu.memref_slice %arg4[%add3A_14] : memref<32768xi32, #tpu.memory_space<hbm>> -> memref<128xi32, #tpu.memory_space<hbm>>
      %dma_start3A_289 = tpu.memref_slice %arg4[%add3A_14] : memref<32768xi32, #tpu.memory_space<hbm>> -> memref<128xi32, #tpu.memory_space<hbm>>
      tpu.enqueue_dma source(%dma_start3A_289 : memref<128xi32, #tpu.memory_space<hbm>>) target(%arg11 : memref<128xi32, #tpu.memory_space<vmem>>) target_semaphore(%run_scoped3A : memref<!tpu.dma_semaphore, #tpu.memory_space<semaphore_mem>>)
      %dma_wait3A_290 = tpu.memref_slice %arg4[%add3A_14] : memref<32768xi32, #tpu.memory_space<hbm>> -> memref<128xi32, #tpu.memory_space<hbm>>
      %dma_wait3A_291 = tpu.memref_slice %arg4[%add3A_14] : memref<32768xi32, #tpu.memory_space<hbm>> -> memref<128xi32, #tpu.memory_space<hbm>>
      tpu.wait_dma2 semaphore(%run_scoped3A : memref<!tpu.dma_semaphore, #tpu.memory_space<semaphore_mem>>) src(%dma_wait3A_291 : memref<128xi32, #tpu.memory_space<hbm>>) dst(%arg11 : memref<128xi32, #tpu.memory_space<vmem>>)
      tpu.yield
    }) : () -> ()
    "tpu.region"() ({
      %run_scoped3A = tpu.sem_alloc : memref<!tpu.dma_semaphore, #tpu.memory_space<semaphore_mem>>
      %dma_start3A_288 = tpu.memref_slice %arg5[%add3A_14] : memref<32768xi32, #tpu.memory_space<hbm>> -> memref<128xi32, #tpu.memory_space<hbm>>
      %dma_start3A_289 = tpu.memref_slice %arg5[%add3A_14] : memref<32768xi32, #tpu.memory_space<hbm>> -> memref<128xi32, #tpu.memory_space<hbm>>
      tpu.enqueue_dma source(%dma_start3A_289 : memref<128xi32, #tpu.memory_space<hbm>>) target(%arg12 : memref<128xi32, #tpu.memory_space<vmem>>) target_semaphore(%run_scoped3A : memref<!tpu.dma_semaphore, #tpu.memory_space<semaphore_mem>>)
      %dma_wait3A_290 = tpu.memref_slice %arg5[%add3A_14] : memref<32768xi32, #tpu.memory_space<hbm>> -> memref<128xi32, #tpu.memory_space<hbm>>
      %dma_wait3A_291 = tpu.memref_slice %arg5[%add3A_14] : memref<32768xi32, #tpu.memory_space<hbm>> -> memref<128xi32, #tpu.memory_space<hbm>>
      tpu.wait_dma2 semaphore(%run_scoped3A : memref<!tpu.dma_semaphore, #tpu.memory_space<semaphore_mem>>) src(%dma_wait3A_291 : memref<128xi32, #tpu.memory_space<hbm>>) dst(%arg12 : memref<128xi32, #tpu.memory_space<vmem>>)
      tpu.yield
    }) : () -> ()
    %dma_start3A_15 = arith.constant 0 : i32
    %dma_start3A_16 = arith.constant 0 : i32
    %dma_start3A_17 = tpu.memref_slice %arg2[%dma_start3A_15, %dma_start3A_16] : memref<8192x128xf32, #tpu.memory_space<hbm>> -> memref<8192x128xf32, #tpu.memory_space<hbm>>
    tpu.enqueue_indirect_dma source(%dma_start3A_17 : memref<8192x128xf32, #tpu.memory_space<hbm>>) target(%arg16 : memref<128x128xf32, #tpu.memory_space<vmem>>) offsets(%arg10 : memref<128xi32, #tpu.memory_space<vmem>>) semaphore(%arg20 : memref<!tpu.dma_semaphore, #tpu.memory_space<semaphore_mem>>)
    %dma_start3A_18 = arith.constant 0 : i32
    %dma_start3A_19 = arith.constant 0 : i32
    %dma_start3A_20 = tpu.memref_slice %arg2[%dma_start3A_18, %dma_start3A_19] : memref<8192x128xf32, #tpu.memory_space<hbm>> -> memref<8192x128xf32, #tpu.memory_space<hbm>>
    tpu.enqueue_indirect_dma source(%dma_start3A_20 : memref<8192x128xf32, #tpu.memory_space<hbm>>) target(%arg17 : memref<128x128xf32, #tpu.memory_space<vmem>>) offsets(%arg11 : memref<128xi32, #tpu.memory_space<vmem>>) semaphore(%arg20 : memref<!tpu.dma_semaphore, #tpu.memory_space<semaphore_mem>>)
    %dma_start3A_21 = arith.constant 0 : i32
    %dma_start3A_22 = arith.constant 0 : i32
    %dma_start3A_23 = tpu.memref_slice %arg2[%dma_start3A_21, %dma_start3A_22] : memref<8192x128xf32, #tpu.memory_space<hbm>> -> memref<8192x128xf32, #tpu.memory_space<hbm>>
    tpu.enqueue_indirect_dma source(%dma_start3A_23 : memref<8192x128xf32, #tpu.memory_space<hbm>>) target(%arg18 : memref<128x128xf32, #tpu.memory_space<vmem>>) offsets(%arg12 : memref<128xi32, #tpu.memory_space<vmem>>) semaphore(%arg20 : memref<!tpu.dma_semaphore, #tpu.memory_space<semaphore_mem>>)
    %dma_wait3A = arith.constant 0 : i32
    %dma_wait3A_24 = arith.constant 0 : i32
    %dma_wait3A_25 = tpu.memref_slice %arg2[%dma_wait3A, %dma_wait3A_24] : memref<8192x128xf32, #tpu.memory_space<hbm>> -> memref<8192x128xf32, #tpu.memory_space<hbm>>
    tpu.wait_indirect_dma semaphore(%arg19 : memref<!tpu.dma_semaphore, #tpu.memory_space<semaphore_mem>>) src(%dma_wait3A_25 : memref<8192x128xf32, #tpu.memory_space<hbm>>) dst(%arg13 : memref<128x128xf32, #tpu.memory_space<vmem>>)
    %dma_wait3A_26 = arith.constant 0 : i32
    %dma_wait3A_27 = arith.constant 0 : i32
    %dma_wait3A_28 = tpu.memref_slice %arg2[%dma_wait3A_26, %dma_wait3A_27] : memref<8192x128xf32, #tpu.memory_space<hbm>> -> memref<8192x128xf32, #tpu.memory_space<hbm>>
    tpu.wait_indirect_dma semaphore(%arg19 : memref<!tpu.dma_semaphore, #tpu.memory_space<semaphore_mem>>) src(%dma_wait3A_28 : memref<8192x128xf32, #tpu.memory_space<hbm>>) dst(%arg14 : memref<128x128xf32, #tpu.memory_space<vmem>>)
    %dma_wait3A_29 = arith.constant 0 : i32
    %dma_wait3A_30 = arith.constant 0 : i32
    %dma_wait3A_31 = tpu.memref_slice %arg2[%dma_wait3A_29, %dma_wait3A_30] : memref<8192x128xf32, #tpu.memory_space<hbm>> -> memref<8192x128xf32, #tpu.memory_space<hbm>>
    tpu.wait_indirect_dma semaphore(%arg19 : memref<!tpu.dma_semaphore, #tpu.memory_space<semaphore_mem>>) src(%dma_wait3A_31 : memref<8192x128xf32, #tpu.memory_space<hbm>>) dst(%arg15 : memref<128x128xf32, #tpu.memory_space<vmem>>)
    %scan3A = arith.constant 0 : i32
    %scan3A_32 = arith.constant 0 : i32
    %scan3A_33 = arith.constant 64 : i32
    %scan3A_34 = arith.addi %scan3A_32, %scan3A_33 : i32
    %scan3A_35 = arith.constant 1 : i32
    scf.for %scan3A_288 = %scan3A_32 to %scan3A_34 step %scan3A_35  : i32 {
      %mul3A_289 = arith.constant 2 : i32
      %mul3A_290 = arith.muli %scan3A_288, %mul3A_289 : i32
      %add3A_291 = arith.constant 0 : i32
      %add3A_292 = arith.addi %mul3A_290, %add3A_291 : i32
      %get3A = arith.index_cast %add3A_292 : i32 to index
      %get3A_293 = arith.constant 0 : index
      %get3A_294 = tpu.vector_load %arg13[%get3A, %get3A_293] {strides = array<i32>} : memref<128x128xf32, #tpu.memory_space<vmem>>, vector<1x16xf32>,
      %get3A_295 = vector.shape_cast %get3A_294 : vector<1x16xf32> to vector<16xf32>
      %get3A_296 = arith.index_cast %add3A_292 : i32 to index
      %get3A_297 = arith.constant 0 : index
      %get3A_298 = tpu.vector_load %arg14[%get3A_296, %get3A_297] {strides = array<i32>} : memref<128x128xf32, #tpu.memory_space<vmem>>, vector<1x16xf32>,
      %get3A_299 = vector.shape_cast %get3A_298 : vector<1x16xf32> to vector<16xf32>
      %add3A_300 = arith.addf %get3A_295, %get3A_299 : vector<16xf32>
      %get3A_301 = arith.index_cast %add3A_292 : i32 to index
      %get3A_302 = arith.constant 0 : index
      %get3A_303 = tpu.vector_load %arg15[%get3A_301, %get3A_302] {strides = array<i32>} : memref<128x128xf32, #tpu.memory_space<vmem>>, vector<1x16xf32>,
      %get3A_304 = vector.shape_cast %get3A_303 : vector<1x16xf32> to vector<16xf32>
      %add3A_305 = arith.addf %add3A_300, %get3A_304 : vector<16xf32>
      %swap3A = arith.index_cast %add3A_292 : i32 to index
      %swap3A_306 = arith.constant 0 : index
      %swap3A_307 = tpu.vector_load %arg13[%swap3A, %swap3A_306] {strides = array<i32>} : memref<128x128xf32, #tpu.memory_space<vmem>>, vector<1x16xf32>,
      %swap3A_308 = vector.shape_cast %swap3A_307 : vector<1x16xf32> to vector<16xf32>
      %swap3A_309 = vector.shape_cast %add3A_305 : vector<16xf32> to vector<1x16xf32>
      tpu.vector_store %arg13[%swap3A, %swap3A_306], %swap3A_309 {strides = array<i32>} : memref<128x128xf32, #tpu.memory_space<vmem>>, vector<1x16xf32>,
      %get3A_310 = arith.index_cast %add3A_292 : i32 to index
      %get3A_311 = arith.constant 16 : index
      %get3A_312 = tpu.vector_load %arg13[%get3A_310, %get3A_311] {strides = array<i32>} : memref<128x128xf32, #tpu.memory_space<vmem>>, vector<1x16xf32>,
      %get3A_313 = vector.shape_cast %get3A_312 : vector<1x16xf32> to vector<16xf32>
      %get3A_314 = arith.index_cast %add3A_292 : i32 to index
      %get3A_315 = arith.constant 16 : index
      %get3A_316 = tpu.vector_load %arg14[%get3A_314, %get3A_315] {strides = array<i32>} : memref<128x128xf32, #tpu.memory_space<vmem>>, vector<1x16xf32>,
      %get3A_317 = vector.shape_cast %get3A_316 : vector<1x16xf32> to vector<16xf32>
      %add3A_318 = arith.addf %get3A_313, %get3A_317 : vector<16xf32>
      %get3A_319 = arith.index_cast %add3A_292 : i32 to index
      %get3A_320 = arith.constant 16 : index
      %get3A_321 = tpu.vector_load %arg15[%get3A_319, %get3A_320] {strides = array<i32>} : memref<128x128xf32, #tpu.memory_space<vmem>>, vector<1x16xf32>,
      %get3A_322 = vector.shape_cast %get3A_321 : vector<1x16xf32> to vector<16xf32>
      %add3A_323 = arith.addf %add3A_318, %get3A_322 : vector<16xf32>
      %swap3A_324 = arith.index_cast %add3A_292 : i32 to index
      %swap3A_325 = arith.constant 16 : index
      %swap3A_326 = tpu.vector_load %arg13[%swap3A_324, %swap3A_325] {strides = array<i32>} : memref<128x128xf32, #tpu.memory_space<vmem>>, vector<1x16xf32>,
      %swap3A_327 = vector.shape_cast %swap3A_326 : vector<1x16xf32> to vector<16xf32>
      %swap3A_328 = vector.shape_cast %add3A_323 : vector<16xf32> to vector<1x16xf32>
      tpu.vector_store %arg13[%swap3A_324, %swap3A_325], %swap3A_328 {strides = array<i32>} : memref<128x128xf32, #tpu.memory_space<vmem>>, vector<1x16xf32>,
      %get3A_329 = arith.index_cast %add3A_292 : i32 to index
      %get3A_330 = arith.constant 32 : index
      %get3A_331 = tpu.vector_load %arg13[%get3A_329, %get3A_330] {strides = array<i32>} : memref<128x128xf32, #tpu.memory_space<vmem>>, vector<1x16xf32>,
      %get3A_332 = vector.shape_cast %get3A_331 : vector<1x16xf32> to vector<16xf32>
      %get3A_333 = arith.index_cast %add3A_292 : i32 to index
      %get3A_334 = arith.constant 32 : index
      %get3A_335 = tpu.vector_load %arg14[%get3A_333, %get3A_334] {strides = array<i32>} : memref<128x128xf32, #tpu.memory_space<vmem>>, vector<1x16xf32>,
      %get3A_336 = vector.shape_cast %get3A_335 : vector<1x16xf32> to vector<16xf32>
      %add3A_337 = arith.addf %get3A_332, %get3A_336 : vector<16xf32>
      %get3A_338 = arith.index_cast %add3A_292 : i32 to index
      %get3A_339 = arith.constant 32 : index
      %get3A_340 = tpu.vector_load %arg15[%get3A_338, %get3A_339] {strides = array<i32>} : memref<128x128xf32, #tpu.memory_space<vmem>>, vector<1x16xf32>,
      %get3A_341 = vector.shape_cast %get3A_340 : vector<1x16xf32> to vector<16xf32>
      %add3A_342 = arith.addf %add3A_337, %get3A_341 : vector<16xf32>
      %swap3A_343 = arith.index_cast %add3A_292 : i32 to index
      %swap3A_344 = arith.constant 32 : index
      %swap3A_345 = tpu.vector_load %arg13[%swap3A_343, %swap3A_344] {strides = array<i32>} : memref<128x128xf32, #tpu.memory_space<vmem>>, vector<1x16xf32>,
      %swap3A_346 = vector.shape_cast %swap3A_345 : vector<1x16xf32> to vector<16xf32>
      %swap3A_347 = vector.shape_cast %add3A_342 : vector<16xf32> to vector<1x16xf32>
      tpu.vector_store %arg13[%swap3A_343, %swap3A_344], %swap3A_347 {strides = array<i32>} : memref<128x128xf32, #tpu.memory_space<vmem>>, vector<1x16xf32>,
      %get3A_348 = arith.index_cast %add3A_292 : i32 to index
      %get3A_349 = arith.constant 48 : index
      %get3A_350 = tpu.vector_load %arg13[%get3A_348, %get3A_349] {strides = array<i32>} : memref<128x128xf32, #tpu.memory_space<vmem>>, vector<1x16xf32>,
      %get3A_351 = vector.shape_cast %get3A_350 : vector<1x16xf32> to vector<16xf32>
      %get3A_352 = arith.index_cast %add3A_292 : i32 to index
      %get3A_353 = arith.constant 48 : index
      %get3A_354 = tpu.vector_load %arg14[%get3A_352, %get3A_353] {strides = array<i32>} : memref<128x128xf32, #tpu.memory_space<vmem>>, vector<1x16xf32>,
      %get3A_355 = vector.shape_cast %get3A_354 : vector<1x16xf32> to vector<16xf32>
      %add3A_356 = arith.addf %get3A_351, %get3A_355 : vector<16xf32>
      %get3A_357 = arith.index_cast %add3A_292 : i32 to index
      %get3A_358 = arith.constant 48 : index
      %get3A_359 = tpu.vector_load %arg15[%get3A_357, %get3A_358] {strides = array<i32>} : memref<128x128xf32, #tpu.memory_space<vmem>>, vector<1x16xf32>,
      %get3A_360 = vector.shape_cast %get3A_359 : vector<1x16xf32> to vector<16xf32>
      %add3A_361 = arith.addf %add3A_356, %get3A_360 : vector<16xf32>
      %swap3A_362 = arith.index_cast %add3A_292 : i32 to index
      %swap3A_363 = arith.constant 48 : index
      %swap3A_364 = tpu.vector_load %arg13[%swap3A_362, %swap3A_363] {strides = array<i32>} : memref<128x128xf32, #tpu.memory_space<vmem>>, vector<1x16xf32>,
      %swap3A_365 = vector.shape_cast %swap3A_364 : vector<1x16xf32> to vector<16xf32>
      %swap3A_366 = vector.shape_cast %add3A_361 : vector<16xf32> to vector<1x16xf32>
      tpu.vector_store %arg13[%swap3A_362, %swap3A_363], %swap3A_366 {strides = array<i32>} : memref<128x128xf32, #tpu.memory_space<vmem>>, vector<1x16xf32>,
      %get3A_367 = arith.index_cast %add3A_292 : i32 to index
      %get3A_368 = arith.constant 64 : index
      %get3A_369 = tpu.vector_load %arg13[%get3A_367, %get3A_368] {strides = array<i32>} : memref<128x128xf32, #tpu.memory_space<vmem>>, vector<1x16xf32>,
      %get3A_370 = vector.shape_cast %get3A_369 : vector<1x16xf32> to vector<16xf32>
      %get3A_371 = arith.index_cast %add3A_292 : i32 to index
      %get3A_372 = arith.constant 64 : index
      %get3A_373 = tpu.vector_load %arg14[%get3A_371, %get3A_372] {strides = array<i32>} : memref<128x128xf32, #tpu.memory_space<vmem>>, vector<1x16xf32>,
      %get3A_374 = vector.shape_cast %get3A_373 : vector<1x16xf32> to vector<16xf32>
      %add3A_375 = arith.addf %get3A_370, %get3A_374 : vector<16xf32>
      %get3A_376 = arith.index_cast %add3A_292 : i32 to index
      %get3A_377 = arith.constant 64 : index
      %get3A_378 = tpu.vector_load %arg15[%get3A_376, %get3A_377] {strides = array<i32>} : memref<128x128xf32, #tpu.memory_space<vmem>>, vector<1x16xf32>,
      %get3A_379 = vector.shape_cast %get3A_378 : vector<1x16xf32> to vector<16xf32>
      %add3A_380 = arith.addf %add3A_375, %get3A_379 : vector<16xf32>
      %swap3A_381 = arith.index_cast %add3A_292 : i32 to index
      %swap3A_382 = arith.constant 64 : index
      %swap3A_383 = tpu.vector_load %arg13[%swap3A_381, %swap3A_382] {strides = array<i32>} : memref<128x128xf32, #tpu.memory_space<vmem>>, vector<1x16xf32>,
      %swap3A_384 = vector.shape_cast %swap3A_383 : vector<1x16xf32> to vector<16xf32>
      %swap3A_385 = vector.shape_cast %add3A_380 : vector<16xf32> to vector<1x16xf32>
      tpu.vector_store %arg13[%swap3A_381, %swap3A_382], %swap3A_385 {strides = array<i32>} : memref<128x128xf32, #tpu.memory_space<vmem>>, vector<1x16xf32>,
      %get3A_386 = arith.index_cast %add3A_292 : i32 to index
      %get3A_387 = arith.constant 80 : index
      %get3A_388 = tpu.vector_load %arg13[%get3A_386, %get3A_387] {strides = array<i32>} : memref<128x128xf32, #tpu.memory_space<vmem>>, vector<1x16xf32>,
      %get3A_389 = vector.shape_cast %get3A_388 : vector<1x16xf32> to vector<16xf32>
      %get3A_390 = arith.index_cast %add3A_292 : i32 to index
      %get3A_391 = arith.constant 80 : index
      %get3A_392 = tpu.vector_load %arg14[%get3A_390, %get3A_391] {strides = array<i32>} : memref<128x128xf32, #tpu.memory_space<vmem>>, vector<1x16xf32>,
      %get3A_393 = vector.shape_cast %get3A_392 : vector<1x16xf32> to vector<16xf32>
      %add3A_394 = arith.addf %get3A_389, %get3A_393 : vector<16xf32>
      %get3A_395 = arith.index_cast %add3A_292 : i32 to index
      %get3A_396 = arith.constant 80 : index
      %get3A_397 = tpu.vector_load %arg15[%get3A_395, %get3A_396] {strides = array<i32>} : memref<128x128xf32, #tpu.memory_space<vmem>>, vector<1x16xf32>,
      %get3A_398 = vector.shape_cast %get3A_397 : vector<1x16xf32> to vector<16xf32>
      %add3A_399 = arith.addf %add3A_394, %get3A_398 : vector<16xf32>
      %swap3A_400 = arith.index_cast %add3A_292 : i32 to index
      %swap3A_401 = arith.constant 80 : index
      %swap3A_402 = tpu.vector_load %arg13[%swap3A_400, %swap3A_401] {strides = array<i32>} : memref<128x128xf32, #tpu.memory_space<vmem>>, vector<1x16xf32>,
      %swap3A_403 = vector.shape_cast %swap3A_402 : vector<1x16xf32> to vector<16xf32>
      %swap3A_404 = vector.shape_cast %add3A_399 : vector<16xf32> to vector<1x16xf32>
      tpu.vector_store %arg13[%swap3A_400, %swap3A_401], %swap3A_404 {strides = array<i32>} : memref<128x128xf32, #tpu.memory_space<vmem>>, vector<1x16xf32>,
      %get3A_405 = arith.index_cast %add3A_292 : i32 to index
      %get3A_406 = arith.constant 96 : index
      %get3A_407 = tpu.vector_load %arg13[%get3A_405, %get3A_406] {strides = array<i32>} : memref<128x128xf32, #tpu.memory_space<vmem>>, vector<1x16xf32>,
      %get3A_408 = vector.shape_cast %get3A_407 : vector<1x16xf32> to vector<16xf32>
      %get3A_409 = arith.index_cast %add3A_292 : i32 to index
      %get3A_410 = arith.constant 96 : index
      %get3A_411 = tpu.vector_load %arg14[%get3A_409, %get3A_410] {strides = array<i32>} : memref<128x128xf32, #tpu.memory_space<vmem>>, vector<1x16xf32>,
      %get3A_412 = vector.shape_cast %get3A_411 : vector<1x16xf32> to vector<16xf32>
      %add3A_413 = arith.addf %get3A_408, %get3A_412 : vector<16xf32>
      %get3A_414 = arith.index_cast %add3A_292 : i32 to index
      %get3A_415 = arith.constant 96 : index
      %get3A_416 = tpu.vector_load %arg15[%get3A_414, %get3A_415] {strides = array<i32>} : memref<128x128xf32, #tpu.memory_space<vmem>>, vector<1x16xf32>,
      %get3A_417 = vector.shape_cast %get3A_416 : vector<1x16xf32> to vector<16xf32>
      %add3A_418 = arith.addf %add3A_413, %get3A_417 : vector<16xf32>
      %swap3A_419 = arith.index_cast %add3A_292 : i32 to index
      %swap3A_420 = arith.constant 96 : index
      %swap3A_421 = tpu.vector_load %arg13[%swap3A_419, %swap3A_420] {strides = array<i32>} : memref<128x128xf32, #tpu.memory_space<vmem>>, vector<1x16xf32>,
      %swap3A_422 = vector.shape_cast %swap3A_421 : vector<1x16xf32> to vector<16xf32>
      %swap3A_423 = vector.shape_cast %add3A_418 : vector<16xf32> to vector<1x16xf32>
      tpu.vector_store %arg13[%swap3A_419, %swap3A_420], %swap3A_423 {strides = array<i32>} : memref<128x128xf32, #tpu.memory_space<vmem>>, vector<1x16xf32>,
      %get3A_424 = arith.index_cast %add3A_292 : i32 to index
      %get3A_425 = arith.constant 112 : index
      %get3A_426 = tpu.vector_load %arg13[%get3A_424, %get3A_425] {strides = array<i32>} : memref<128x128xf32, #tpu.memory_space<vmem>>, vector<1x16xf32>,
      %get3A_427 = vector.shape_cast %get3A_426 : vector<1x16xf32> to vector<16xf32>
      %get3A_428 = arith.index_cast %add3A_292 : i32 to index
      %get3A_429 = arith.constant 112 : index
      %get3A_430 = tpu.vector_load %arg14[%get3A_428, %get3A_429] {strides = array<i32>} : memref<128x128xf32, #tpu.memory_space<vmem>>, vector<1x16xf32>,
      %get3A_431 = vector.shape_cast %get3A_430 : vector<1x16xf32> to vector<16xf32>
      %add3A_432 = arith.addf %get3A_427, %get3A_431 : vector<16xf32>
      %get3A_433 = arith.index_cast %add3A_292 : i32 to index
      %get3A_434 = arith.constant 112 : index
      %get3A_435 = tpu.vector_load %arg15[%get3A_433, %get3A_434] {strides = array<i32>} : memref<128x128xf32, #tpu.memory_space<vmem>>, vector<1x16xf32>,
      %get3A_436 = vector.shape_cast %get3A_435 : vector<1x16xf32> to vector<16xf32>
      %add3A_437 = arith.addf %add3A_432, %get3A_436 : vector<16xf32>
      %swap3A_438 = arith.index_cast %add3A_292 : i32 to index
      %swap3A_439 = arith.constant 112 : index
      %swap3A_440 = tpu.vector_load %arg13[%swap3A_438, %swap3A_439] {strides = array<i32>} : memref<128x128xf32, #tpu.memory_space<vmem>>, vector<1x16xf32>,
      %swap3A_441 = vector.shape_cast %swap3A_440 : vector<1x16xf32> to vector<16xf32>
      %swap3A_442 = vector.shape_cast %add3A_437 : vector<16xf32> to vector<1x16xf32>
      tpu.vector_store %arg13[%swap3A_438, %swap3A_439], %swap3A_442 {strides = array<i32>} : memref<128x128xf32, #tpu.memory_space<vmem>>, vector<1x16xf32>,
      %mul3A_443 = arith.constant 2 : i32
      %mul3A_444 = arith.muli %scan3A_288, %mul3A_443 : i32
      %add3A_445 = arith.constant 1 : i32
      %add3A_446 = arith.addi %mul3A_444, %add3A_445 : i32
      %get3A_447 = arith.index_cast %add3A_446 : i32 to index
      %get3A_448 = arith.constant 0 : index
      %get3A_449 = tpu.vector_load %arg13[%get3A_447, %get3A_448] {strides = array<i32>} : memref<128x128xf32, #tpu.memory_space<vmem>>, vector<1x16xf32>,
      %get3A_450 = vector.shape_cast %get3A_449 : vector<1x16xf32> to vector<16xf32>
      %get3A_451 = arith.index_cast %add3A_446 : i32 to index
      %get3A_452 = arith.constant 0 : index
      %get3A_453 = tpu.vector_load %arg14[%get3A_451, %get3A_452] {strides = array<i32>} : memref<128x128xf32, #tpu.memory_space<vmem>>, vector<1x16xf32>,
      %get3A_454 = vector.shape_cast %get3A_453 : vector<1x16xf32> to vector<16xf32>
      %add3A_455 = arith.addf %get3A_450, %get3A_454 : vector<16xf32>
      %get3A_456 = arith.index_cast %add3A_446 : i32 to index
      %get3A_457 = arith.constant 0 : index
      %get3A_458 = tpu.vector_load %arg15[%get3A_456, %get3A_457] {strides = array<i32>} : memref<128x128xf32, #tpu.memory_space<vmem>>, vector<1x16xf32>,
      %get3A_459 = vector.shape_cast %get3A_458 : vector<1x16xf32> to vector<16xf32>
      %add3A_460 = arith.addf %add3A_455, %get3A_459 : vector<16xf32>
      %swap3A_461 = arith.index_cast %add3A_446 : i32 to index
      %swap3A_462 = arith.constant 0 : index
      %swap3A_463 = tpu.vector_load %arg13[%swap3A_461, %swap3A_462] {strides = array<i32>} : memref<128x128xf32, #tpu.memory_space<vmem>>, vector<1x16xf32>,
      %swap3A_464 = vector.shape_cast %swap3A_463 : vector<1x16xf32> to vector<16xf32>
      %swap3A_465 = vector.shape_cast %add3A_460 : vector<16xf32> to vector<1x16xf32>
      tpu.vector_store %arg13[%swap3A_461, %swap3A_462], %swap3A_465 {strides = array<i32>} : memref<128x128xf32, #tpu.memory_space<vmem>>, vector<1x16xf32>,
      %get3A_466 = arith.index_cast %add3A_446 : i32 to index
      %get3A_467 = arith.constant 16 : index
      %get3A_468 = tpu.vector_load %arg13[%get3A_466, %get3A_467] {strides = array<i32>} : memref<128x128xf32, #tpu.memory_space<vmem>>, vector<1x16xf32>,
      %get3A_469 = vector.shape_cast %get3A_468 : vector<1x16xf32> to vector<16xf32>
      %get3A_470 = arith.index_cast %add3A_446 : i32 to index
      %get3A_471 = arith.constant 16 : index
      %get3A_472 = tpu.vector_load %arg14[%get3A_470, %get3A_471] {strides = array<i32>} : memref<128x128xf32, #tpu.memory_space<vmem>>, vector<1x16xf32>,
      %get3A_473 = vector.shape_cast %get3A_472 : vector<1x16xf32> to vector<16xf32>
      %add3A_474 = arith.addf %get3A_469, %get3A_473 : vector<16xf32>
      %get3A_475 = arith.index_cast %add3A_446 : i32 to index
      %get3A_476 = arith.constant 16 : index
      %get3A_477 = tpu.vector_load %arg15[%get3A_475, %get3A_476] {strides = array<i32>} : memref<128x128xf32, #tpu.memory_space<vmem>>, vector<1x16xf32>,
      %get3A_478 = vector.shape_cast %get3A_477 : vector<1x16xf32> to vector<16xf32>
      %add3A_479 = arith.addf %add3A_474, %get3A_478 : vector<16xf32>
      %swap3A_480 = arith.index_cast %add3A_446 : i32 to index
      %swap3A_481 = arith.constant 16 : index
      %swap3A_482 = tpu.vector_load %arg13[%swap3A_480, %swap3A_481] {strides = array<i32>} : memref<128x128xf32, #tpu.memory_space<vmem>>, vector<1x16xf32>,
      %swap3A_483 = vector.shape_cast %swap3A_482 : vector<1x16xf32> to vector<16xf32>
      %swap3A_484 = vector.shape_cast %add3A_479 : vector<16xf32> to vector<1x16xf32>
      tpu.vector_store %arg13[%swap3A_480, %swap3A_481], %swap3A_484 {strides = array<i32>} : memref<128x128xf32, #tpu.memory_space<vmem>>, vector<1x16xf32>,
      %get3A_485 = arith.index_cast %add3A_446 : i32 to index
      %get3A_486 = arith.constant 32 : index
      %get3A_487 = tpu.vector_load %arg13[%get3A_485, %get3A_486] {strides = array<i32>} : memref<128x128xf32, #tpu.memory_space<vmem>>, vector<1x16xf32>,
      %get3A_488 = vector.shape_cast %get3A_487 : vector<1x16xf32> to vector<16xf32>
      %get3A_489 = arith.index_cast %add3A_446 : i32 to index
      %get3A_490 = arith.constant 32 : index
      %get3A_491 = tpu.vector_load %arg14[%get3A_489, %get3A_490] {strides = array<i32>} : memref<128x128xf32, #tpu.memory_space<vmem>>, vector<1x16xf32>,
      %get3A_492 = vector.shape_cast %get3A_491 : vector<1x16xf32> to vector<16xf32>
      %add3A_493 = arith.addf %get3A_488, %get3A_492 : vector<16xf32>
      %get3A_494 = arith.index_cast %add3A_446 : i32 to index
      %get3A_495 = arith.constant 32 : index
      %get3A_496 = tpu.vector_load %arg15[%get3A_494, %get3A_495] {strides = array<i32>} : memref<128x128xf32, #tpu.memory_space<vmem>>, vector<1x16xf32>,
      %get3A_497 = vector.shape_cast %get3A_496 : vector<1x16xf32> to vector<16xf32>
      %add3A_498 = arith.addf %add3A_493, %get3A_497 : vector<16xf32>
      %swap3A_499 = arith.index_cast %add3A_446 : i32 to index
      %swap3A_500 = arith.constant 32 : index
      %swap3A_501 = tpu.vector_load %arg13[%swap3A_499, %swap3A_500] {strides = array<i32>} : memref<128x128xf32, #tpu.memory_space<vmem>>, vector<1x16xf32>,
      %swap3A_502 = vector.shape_cast %swap3A_501 : vector<1x16xf32> to vector<16xf32>
      %swap3A_503 = vector.shape_cast %add3A_498 : vector<16xf32> to vector<1x16xf32>
      tpu.vector_store %arg13[%swap3A_499, %swap3A_500], %swap3A_503 {strides = array<i32>} : memref<128x128xf32, #tpu.memory_space<vmem>>, vector<1x16xf32>,
      %get3A_504 = arith.index_cast %add3A_446 : i32 to index
      %get3A_505 = arith.constant 48 : index
      %get3A_506 = tpu.vector_load %arg13[%get3A_504, %get3A_505] {strides = array<i32>} : memref<128x128xf32, #tpu.memory_space<vmem>>, vector<1x16xf32>,
      %get3A_507 = vector.shape_cast %get3A_506 : vector<1x16xf32> to vector<16xf32>
      %get3A_508 = arith.index_cast %add3A_446 : i32 to index
      %get3A_509 = arith.constant 48 : index
      %get3A_510 = tpu.vector_load %arg14[%get3A_508, %get3A_509] {strides = array<i32>} : memref<128x128xf32, #tpu.memory_space<vmem>>, vector<1x16xf32>,
      %get3A_511 = vector.shape_cast %get3A_510 : vector<1x16xf32> to vector<16xf32>
      %add3A_512 = arith.addf %get3A_507, %get3A_511 : vector<16xf32>
      %get3A_513 = arith.index_cast %add3A_446 : i32 to index
      %get3A_514 = arith.constant 48 : index
      %get3A_515 = tpu.vector_load %arg15[%get3A_513, %get3A_514] {strides = array<i32>} : memref<128x128xf32, #tpu.memory_space<vmem>>, vector<1x16xf32>,
      %get3A_516 = vector.shape_cast %get3A_515 : vector<1x16xf32> to vector<16xf32>
      %add3A_517 = arith.addf %add3A_512, %get3A_516 : vector<16xf32>
      %swap3A_518 = arith.index_cast %add3A_446 : i32 to index
      %swap3A_519 = arith.constant 48 : index
      %swap3A_520 = tpu.vector_load %arg13[%swap3A_518, %swap3A_519] {strides = array<i32>} : memref<128x128xf32, #tpu.memory_space<vmem>>, vector<1x16xf32>,
      %swap3A_521 = vector.shape_cast %swap3A_520 : vector<1x16xf32> to vector<16xf32>
      %swap3A_522 = vector.shape_cast %add3A_517 : vector<16xf32> to vector<1x16xf32>
      tpu.vector_store %arg13[%swap3A_518, %swap3A_519], %swap3A_522 {strides = array<i32>} : memref<128x128xf32, #tpu.memory_space<vmem>>, vector<1x16xf32>,
      %get3A_523 = arith.index_cast %add3A_446 : i32 to index
      %get3A_524 = arith.constant 64 : index
      %get3A_525 = tpu.vector_load %arg13[%get3A_523, %get3A_524] {strides = array<i32>} : memref<128x128xf32, #tpu.memory_space<vmem>>, vector<1x16xf32>,
      %get3A_526 = vector.shape_cast %get3A_525 : vector<1x16xf32> to vector<16xf32>
      %get3A_527 = arith.index_cast %add3A_446 : i32 to index
      %get3A_528 = arith.constant 64 : index
      %get3A_529 = tpu.vector_load %arg14[%get3A_527, %get3A_528] {strides = array<i32>} : memref<128x128xf32, #tpu.memory_space<vmem>>, vector<1x16xf32>,
      %get3A_530 = vector.shape_cast %get3A_529 : vector<1x16xf32> to vector<16xf32>
      %add3A_531 = arith.addf %get3A_526, %get3A_530 : vector<16xf32>
      %get3A_532 = arith.index_cast %add3A_446 : i32 to index
      %get3A_533 = arith.constant 64 : index
      %get3A_534 = tpu.vector_load %arg15[%get3A_532, %get3A_533] {strides = array<i32>} : memref<128x128xf32, #tpu.memory_space<vmem>>, vector<1x16xf32>,
      %get3A_535 = vector.shape_cast %get3A_534 : vector<1x16xf32> to vector<16xf32>
      %add3A_536 = arith.addf %add3A_531, %get3A_535 : vector<16xf32>
      %swap3A_537 = arith.index_cast %add3A_446 : i32 to index
      %swap3A_538 = arith.constant 64 : index
      %swap3A_539 = tpu.vector_load %arg13[%swap3A_537, %swap3A_538] {strides = array<i32>} : memref<128x128xf32, #tpu.memory_space<vmem>>, vector<1x16xf32>,
      %swap3A_540 = vector.shape_cast %swap3A_539 : vector<1x16xf32> to vector<16xf32>
      %swap3A_541 = vector.shape_cast %add3A_536 : vector<16xf32> to vector<1x16xf32>
      tpu.vector_store %arg13[%swap3A_537, %swap3A_538], %swap3A_541 {strides = array<i32>} : memref<128x128xf32, #tpu.memory_space<vmem>>, vector<1x16xf32>,
      %get3A_542 = arith.index_cast %add3A_446 : i32 to index
      %get3A_543 = arith.constant 80 : index
      %get3A_544 = tpu.vector_load %arg13[%get3A_542, %get3A_543] {strides = array<i32>} : memref<128x128xf32, #tpu.memory_space<vmem>>, vector<1x16xf32>,
      %get3A_545 = vector.shape_cast %get3A_544 : vector<1x16xf32> to vector<16xf32>
      %get3A_546 = arith.index_cast %add3A_446 : i32 to index
      %get3A_547 = arith.constant 80 : index
      %get3A_548 = tpu.vector_load %arg14[%get3A_546, %get3A_547] {strides = array<i32>} : memref<128x128xf32, #tpu.memory_space<vmem>>, vector<1x16xf32>,
      %get3A_549 = vector.shape_cast %get3A_548 : vector<1x16xf32> to vector<16xf32>
      %add3A_550 = arith.addf %get3A_545, %get3A_549 : vector<16xf32>
      %get3A_551 = arith.index_cast %add3A_446 : i32 to index
      %get3A_552 = arith.constant 80 : index
      %get3A_553 = tpu.vector_load %arg15[%get3A_551, %get3A_552] {strides = array<i32>} : memref<128x128xf32, #tpu.memory_space<vmem>>, vector<1x16xf32>,
      %get3A_554 = vector.shape_cast %get3A_553 : vector<1x16xf32> to vector<16xf32>
      %add3A_555 = arith.addf %add3A_550, %get3A_554 : vector<16xf32>
      %swap3A_556 = arith.index_cast %add3A_446 : i32 to index
      %swap3A_557 = arith.constant 80 : index
      %swap3A_558 = tpu.vector_load %arg13[%swap3A_556, %swap3A_557] {strides = array<i32>} : memref<128x128xf32, #tpu.memory_space<vmem>>, vector<1x16xf32>,
      %swap3A_559 = vector.shape_cast %swap3A_558 : vector<1x16xf32> to vector<16xf32>
      %swap3A_560 = vector.shape_cast %add3A_555 : vector<16xf32> to vector<1x16xf32>
      tpu.vector_store %arg13[%swap3A_556, %swap3A_557], %swap3A_560 {strides = array<i32>} : memref<128x128xf32, #tpu.memory_space<vmem>>, vector<1x16xf32>,
      %get3A_561 = arith.index_cast %add3A_446 : i32 to index
      %get3A_562 = arith.constant 96 : index
      %get3A_563 = tpu.vector_load %arg13[%get3A_561, %get3A_562] {strides = array<i32>} : memref<128x128xf32, #tpu.memory_space<vmem>>, vector<1x16xf32>,
      %get3A_564 = vector.shape_cast %get3A_563 : vector<1x16xf32> to vector<16xf32>
      %get3A_565 = arith.index_cast %add3A_446 : i32 to index
      %get3A_566 = arith.constant 96 : index
      %get3A_567 = tpu.vector_load %arg14[%get3A_565, %get3A_566] {strides = array<i32>} : memref<128x128xf32, #tpu.memory_space<vmem>>, vector<1x16xf32>,
      %get3A_568 = vector.shape_cast %get3A_567 : vector<1x16xf32> to vector<16xf32>
      %add3A_569 = arith.addf %get3A_564, %get3A_568 : vector<16xf32>
      %get3A_570 = arith.index_cast %add3A_446 : i32 to index
      %get3A_571 = arith.constant 96 : index
      %get3A_572 = tpu.vector_load %arg15[%get3A_570, %get3A_571] {strides = array<i32>} : memref<128x128xf32, #tpu.memory_space<vmem>>, vector<1x16xf32>,
      %get3A_573 = vector.shape_cast %get3A_572 : vector<1x16xf32> to vector<16xf32>
      %add3A_574 = arith.addf %add3A_569, %get3A_573 : vector<16xf32>
      %swap3A_575 = arith.index_cast %add3A_446 : i32 to index
      %swap3A_576 = arith.constant 96 : index
      %swap3A_577 = tpu.vector_load %arg13[%swap3A_575, %swap3A_576] {strides = array<i32>} : memref<128x128xf32, #tpu.memory_space<vmem>>, vector<1x16xf32>,
      %swap3A_578 = vector.shape_cast %swap3A_577 : vector<1x16xf32> to vector<16xf32>
      %swap3A_579 = vector.shape_cast %add3A_574 : vector<16xf32> to vector<1x16xf32>
      tpu.vector_store %arg13[%swap3A_575, %swap3A_576], %swap3A_579 {strides = array<i32>} : memref<128x128xf32, #tpu.memory_space<vmem>>, vector<1x16xf32>,
      %get3A_580 = arith.index_cast %add3A_446 : i32 to index
      %get3A_581 = arith.constant 112 : index
      %get3A_582 = tpu.vector_load %arg13[%get3A_580, %get3A_581] {strides = array<i32>} : memref<128x128xf32, #tpu.memory_space<vmem>>, vector<1x16xf32>,
      %get3A_583 = vector.shape_cast %get3A_582 : vector<1x16xf32> to vector<16xf32>
      %get3A_584 = arith.index_cast %add3A_446 : i32 to index
      %get3A_585 = arith.constant 112 : index
      %get3A_586 = tpu.vector_load %arg14[%get3A_584, %get3A_585] {strides = array<i32>} : memref<128x128xf32, #tpu.memory_space<vmem>>, vector<1x16xf32>,
      %get3A_587 = vector.shape_cast %get3A_586 : vector<1x16xf32> to vector<16xf32>
      %add3A_588 = arith.addf %get3A_583, %get3A_587 : vector<16xf32>
      %get3A_589 = arith.index_cast %add3A_446 : i32 to index
      %get3A_590 = arith.constant 112 : index
      %get3A_591 = tpu.vector_load %arg15[%get3A_589, %get3A_590] {strides = array<i32>} : memref<128x128xf32, #tpu.memory_space<vmem>>, vector<1x16xf32>,
      %get3A_592 = vector.shape_cast %get3A_591 : vector<1x16xf32> to vector<16xf32>
      %add3A_593 = arith.addf %add3A_588, %get3A_592 : vector<16xf32>
      %swap3A_594 = arith.index_cast %add3A_446 : i32 to index
      %swap3A_595 = arith.constant 112 : index
      %swap3A_596 = tpu.vector_load %arg13[%swap3A_594, %swap3A_595] {strides = array<i32>} : memref<128x128xf32, #tpu.memory_space<vmem>>, vector<1x16xf32>,
      %swap3A_597 = vector.shape_cast %swap3A_596 : vector<1x16xf32> to vector<16xf32>
      %swap3A_598 = vector.shape_cast %add3A_593 : vector<16xf32> to vector<1x16xf32>
      tpu.vector_store %arg13[%swap3A_594, %swap3A_595], %swap3A_598 {strides = array<i32>} : memref<128x128xf32, #tpu.memory_space<vmem>>, vector<1x16xf32>,
    }
    %scan3A_36 = arith.constant 64 : i32
    %add3A_37 = arith.constant 0 : i32
    %add3A_38 = arith.addi %mul3A_2, %add3A_37 : i32
    %dma_start3A_39 = arith.constant 0 : i32
    %dma_start3A_40 = tpu.memref_slice %arg6[%add3A_38, %dma_start3A_39] : memref<32768x128xf32, #tpu.memory_space<hbm>> -> memref<128x128xf32, #tpu.memory_space<hbm>>
    %dma_start3A_41 = arith.constant 0 : i32
    %dma_start3A_42 = tpu.memref_slice %arg6[%add3A_38, %dma_start3A_41] : memref<32768x128xf32, #tpu.memory_space<hbm>> -> memref<128x128xf32, #tpu.memory_space<hbm>>
    tpu.enqueue_dma source(%arg13 : memref<128x128xf32, #tpu.memory_space<vmem>>) target(%dma_start3A_42 : memref<128x128xf32, #tpu.memory_space<hbm>>) target_semaphore(%arg21 : memref<!tpu.dma_semaphore, #tpu.memory_space<semaphore_mem>>)
    %dma_wait3A_43 = arith.constant 0 : i32
    %dma_wait3A_44 = tpu.memref_slice %arg6[%add3A_38, %dma_wait3A_43] : memref<32768x128xf32, #tpu.memory_space<hbm>> -> memref<128x128xf32, #tpu.memory_space<hbm>>
    %dma_wait3A_45 = arith.constant 0 : i32
    %dma_wait3A_46 = tpu.memref_slice %arg6[%add3A_38, %dma_wait3A_45] : memref<32768x128xf32, #tpu.memory_space<hbm>> -> memref<128x128xf32, #tpu.memory_space<hbm>>
    tpu.wait_dma2 semaphore(%arg21 : memref<!tpu.dma_semaphore, #tpu.memory_space<semaphore_mem>>) src(%arg13 : memref<128x128xf32, #tpu.memory_space<vmem>>) dst(%dma_wait3A_46 : memref<128x128xf32, #tpu.memory_space<hbm>>)
    %add3A_47 = arith.constant 256 : i32
    %add3A_48 = arith.addi %mul3A_2, %add3A_47 : i32
    "tpu.region"() ({
      %run_scoped3A = tpu.sem_alloc : memref<!tpu.dma_semaphore, #tpu.memory_space<semaphore_mem>>
      %dma_start3A_288 = tpu.memref_slice %arg3[%add3A_48] : memref<32768xi32, #tpu.memory_space<hbm>> -> memref<128xi32, #tpu.memory_space<hbm>>
      %dma_start3A_289 = tpu.memref_slice %arg3[%add3A_48] : memref<32768xi32, #tpu.memory_space<hbm>> -> memref<128xi32, #tpu.memory_space<hbm>>
      tpu.enqueue_dma source(%dma_start3A_289 : memref<128xi32, #tpu.memory_space<hbm>>) target(%arg7 : memref<128xi32, #tpu.memory_space<vmem>>) target_semaphore(%run_scoped3A : memref<!tpu.dma_semaphore, #tpu.memory_space<semaphore_mem>>)
      %dma_wait3A_290 = tpu.memref_slice %arg3[%add3A_48] : memref<32768xi32, #tpu.memory_space<hbm>> -> memref<128xi32, #tpu.memory_space<hbm>>
      %dma_wait3A_291 = tpu.memref_slice %arg3[%add3A_48] : memref<32768xi32, #tpu.memory_space<hbm>> -> memref<128xi32, #tpu.memory_space<hbm>>
      tpu.wait_dma2 semaphore(%run_scoped3A : memref<!tpu.dma_semaphore, #tpu.memory_space<semaphore_mem>>) src(%dma_wait3A_291 : memref<128xi32, #tpu.memory_space<hbm>>) dst(%arg7 : memref<128xi32, #tpu.memory_space<vmem>>)
      tpu.yield
    }) : () -> ()
    "tpu.region"() ({
      %run_scoped3A = tpu.sem_alloc : memref<!tpu.dma_semaphore, #tpu.memory_space<semaphore_mem>>
      %dma_start3A_288 = tpu.memref_slice %arg4[%add3A_48] : memref<32768xi32, #tpu.memory_space<hbm>> -> memref<128xi32, #tpu.memory_space<hbm>>
      %dma_start3A_289 = tpu.memref_slice %arg4[%add3A_48] : memref<32768xi32, #tpu.memory_space<hbm>> -> memref<128xi32, #tpu.memory_space<hbm>>
      tpu.enqueue_dma source(%dma_start3A_289 : memref<128xi32, #tpu.memory_space<hbm>>) target(%arg8 : memref<128xi32, #tpu.memory_space<vmem>>) target_semaphore(%run_scoped3A : memref<!tpu.dma_semaphore, #tpu.memory_space<semaphore_mem>>)
      %dma_wait3A_290 = tpu.memref_slice %arg4[%add3A_48] : memref<32768xi32, #tpu.memory_space<hbm>> -> memref<128xi32, #tpu.memory_space<hbm>>
      %dma_wait3A_291 = tpu.memref_slice %arg4[%add3A_48] : memref<32768xi32, #tpu.memory_space<hbm>> -> memref<128xi32, #tpu.memory_space<hbm>>
      tpu.wait_dma2 semaphore(%run_scoped3A : memref<!tpu.dma_semaphore, #tpu.memory_space<semaphore_mem>>) src(%dma_wait3A_291 : memref<128xi32, #tpu.memory_space<hbm>>) dst(%arg8 : memref<128xi32, #tpu.memory_space<vmem>>)
      tpu.yield
    }) : () -> ()
    "tpu.region"() ({
      %run_scoped3A = tpu.sem_alloc : memref<!tpu.dma_semaphore, #tpu.memory_space<semaphore_mem>>
      %dma_start3A_288 = tpu.memref_slice %arg5[%add3A_48] : memref<32768xi32, #tpu.memory_space<hbm>> -> memref<128xi32, #tpu.memory_space<hbm>>
      %dma_start3A_289 = tpu.memref_slice %arg5[%add3A_48] : memref<32768xi32, #tpu.memory_space<hbm>> -> memref<128xi32, #tpu.memory_space<hbm>>
      tpu.enqueue_dma source(%dma_start3A_289 : memref<128xi32, #tpu.memory_space<hbm>>) target(%arg9 : memref<128xi32, #tpu.memory_space<vmem>>) target_semaphore(%run_scoped3A : memref<!tpu.dma_semaphore, #tpu.memory_space<semaphore_mem>>)
      %dma_wait3A_290 = tpu.memref_slice %arg5[%add3A_48] : memref<32768xi32, #tpu.memory_space<hbm>> -> memref<128xi32, #tpu.memory_space<hbm>>
      %dma_wait3A_291 = tpu.memref_slice %arg5[%add3A_48] : memref<32768xi32, #tpu.memory_space<hbm>> -> memref<128xi32, #tpu.memory_space<hbm>>
      tpu.wait_dma2 semaphore(%run_scoped3A : memref<!tpu.dma_semaphore, #tpu.memory_space<semaphore_mem>>) src(%dma_wait3A_291 : memref<128xi32, #tpu.memory_space<hbm>>) dst(%arg9 : memref<128xi32, #tpu.memory_space<vmem>>)
      tpu.yield
    }) : () -> ()
    %dma_start3A_49 = arith.constant 0 : i32
    %dma_start3A_50 = arith.constant 0 : i32
    %dma_start3A_51 = tpu.memref_slice %arg2[%dma_start3A_49, %dma_start3A_50] : memref<8192x128xf32, #tpu.memory_space<hbm>> -> memref<8192x128xf32, #tpu.memory_space<hbm>>
    tpu.enqueue_indirect_dma source(%dma_start3A_51 : memref<8192x128xf32, #tpu.memory_space<hbm>>) target(%arg13 : memref<128x128xf32, #tpu.memory_space<vmem>>) offsets(%arg7 : memref<128xi32, #tpu.memory_space<vmem>>) semaphore(%arg19 : memref<!tpu.dma_semaphore, #tpu.memory_space<semaphore_mem>>)
    %dma_start3A_52 = arith.constant 0 : i32
    %dma_start3A_53 = arith.constant 0 : i32
    %dma_start3A_54 = tpu.memref_slice %arg2[%dma_start3A_52, %dma_start3A_53] : memref<8192x128xf32, #tpu.memory_space<hbm>> -> memref<8192x128xf32, #tpu.memory_space<hbm>>
    tpu.enqueue_indirect_dma source(%dma_start3A_54 : memref<8192x128xf32, #tpu.memory_space<hbm>>) target(%arg14 : memref<128x128xf32, #tpu.memory_space<vmem>>) offsets(%arg8 : memref<128xi32, #tpu.memory_space<vmem>>) semaphore(%arg19 : memref<!tpu.dma_semaphore, #tpu.memory_space<semaphore_mem>>)
    %dma_start3A_55 = arith.constant 0 : i32
    %dma_start3A_56 = arith.constant 0 : i32
    %dma_start3A_57 = tpu.memref_slice %arg2[%dma_start3A_55, %dma_start3A_56] : memref<8192x128xf32, #tpu.memory_space<hbm>> -> memref<8192x128xf32, #tpu.memory_space<hbm>>
    tpu.enqueue_indirect_dma source(%dma_start3A_57 : memref<8192x128xf32, #tpu.memory_space<hbm>>) target(%arg15 : memref<128x128xf32, #tpu.memory_space<vmem>>) offsets(%arg9 : memref<128xi32, #tpu.memory_space<vmem>>) semaphore(%arg19 : memref<!tpu.dma_semaphore, #tpu.memory_space<semaphore_mem>>)
    %dma_wait3A_58 = arith.constant 0 : i32
    %dma_wait3A_59 = arith.constant 0 : i32
    %dma_wait3A_60 = tpu.memref_slice %arg2[%dma_wait3A_58, %dma_wait3A_59] : memref<8192x128xf32, #tpu.memory_space<hbm>> -> memref<8192x128xf32, #tpu.memory_space<hbm>>
    tpu.wait_indirect_dma semaphore(%arg20 : memref<!tpu.dma_semaphore, #tpu.memory_space<semaphore_mem>>) src(%dma_wait3A_60 : memref<8192x128xf32, #tpu.memory_space<hbm>>) dst(%arg16 : memref<128x128xf32, #tpu.memory_space<vmem>>)
    %dma_wait3A_61 = arith.constant 0 : i32
    %dma_wait3A_62 = arith.constant 0 : i32
    %dma_wait3A_63 = tpu.memref_slice %arg2[%dma_wait3A_61, %dma_wait3A_62] : memref<8192x128xf32, #tpu.memory_space<hbm>> -> memref<8192x128xf32, #tpu.memory_space<hbm>>
    tpu.wait_indirect_dma semaphore(%arg20 : memref<!tpu.dma_semaphore, #tpu.memory_space<semaphore_mem>>) src(%dma_wait3A_63 : memref<8192x128xf32, #tpu.memory_space<hbm>>) dst(%arg17 : memref<128x128xf32, #tpu.memory_space<vmem>>)
    %dma_wait3A_64 = arith.constant 0 : i32
    %dma_wait3A_65 = arith.constant 0 : i32
    %dma_wait3A_66 = tpu.memref_slice %arg2[%dma_wait3A_64, %dma_wait3A_65] : memref<8192x128xf32, #tpu.memory_space<hbm>> -> memref<8192x128xf32, #tpu.memory_space<hbm>>
    tpu.wait_indirect_dma semaphore(%arg20 : memref<!tpu.dma_semaphore, #tpu.memory_space<semaphore_mem>>) src(%dma_wait3A_66 : memref<8192x128xf32, #tpu.memory_space<hbm>>) dst(%arg18 : memref<128x128xf32, #tpu.memory_space<vmem>>)
    %scan3A_67 = arith.constant 0 : i32
    %scan3A_68 = arith.constant 0 : i32
    %scan3A_69 = arith.constant 64 : i32
    %scan3A_70 = arith.addi %scan3A_68, %scan3A_69 : i32
    %scan3A_71 = arith.constant 1 : i32
    scf.for %scan3A_288 = %scan3A_68 to %scan3A_70 step %scan3A_71  : i32 {
      %mul3A_289 = arith.constant 2 : i32
      %mul3A_290 = arith.muli %scan3A_288, %mul3A_289 : i32
      %add3A_291 = arith.constant 0 : i32
      %add3A_292 = arith.addi %mul3A_290, %add3A_291 : i32
      %get3A = arith.index_cast %add3A_292 : i32 to index
      %get3A_293 = arith.constant 0 : index
      %get3A_294 = tpu.vector_load %arg16[%get3A, %get3A_293] {strides = array<i32>} : memref<128x128xf32, #tpu.memory_space<vmem>>, vector<1x16xf32>,
      %get3A_295 = vector.shape_cast %get3A_294 : vector<1x16xf32> to vector<16xf32>
      %get3A_296 = arith.index_cast %add3A_292 : i32 to index
      %get3A_297 = arith.constant 0 : index
      %get3A_298 = tpu.vector_load %arg17[%get3A_296, %get3A_297] {strides = array<i32>} : memref<128x128xf32, #tpu.memory_space<vmem>>, vector<1x16xf32>,
      %get3A_299 = vector.shape_cast %get3A_298 : vector<1x16xf32> to vector<16xf32>
      %add3A_300 = arith.addf %get3A_295, %get3A_299 : vector<16xf32>
      %get3A_301 = arith.index_cast %add3A_292 : i32 to index
      %get3A_302 = arith.constant 0 : index
      %get3A_303 = tpu.vector_load %arg18[%get3A_301, %get3A_302] {strides = array<i32>} : memref<128x128xf32, #tpu.memory_space<vmem>>, vector<1x16xf32>,
      %get3A_304 = vector.shape_cast %get3A_303 : vector<1x16xf32> to vector<16xf32>
      %add3A_305 = arith.addf %add3A_300, %get3A_304 : vector<16xf32>
      %swap3A = arith.index_cast %add3A_292 : i32 to index
      %swap3A_306 = arith.constant 0 : index
      %swap3A_307 = tpu.vector_load %arg16[%swap3A, %swap3A_306] {strides = array<i32>} : memref<128x128xf32, #tpu.memory_space<vmem>>, vector<1x16xf32>,
      %swap3A_308 = vector.shape_cast %swap3A_307 : vector<1x16xf32> to vector<16xf32>
      %swap3A_309 = vector.shape_cast %add3A_305 : vector<16xf32> to vector<1x16xf32>
      tpu.vector_store %arg16[%swap3A, %swap3A_306], %swap3A_309 {strides = array<i32>} : memref<128x128xf32, #tpu.memory_space<vmem>>, vector<1x16xf32>,
      %get3A_310 = arith.index_cast %add3A_292 : i32 to index
      %get3A_311 = arith.constant 16 : index
      %get3A_312 = tpu.vector_load %arg16[%get3A_310, %get3A_311] {strides = array<i32>} : memref<128x128xf32, #tpu.memory_space<vmem>>, vector<1x16xf32>,
      %get3A_313 = vector.shape_cast %get3A_312 : vector<1x16xf32> to vector<16xf32>
      %get3A_314 = arith.index_cast %add3A_292 : i32 to index
      %get3A_315 = arith.constant 16 : index
      %get3A_316 = tpu.vector_load %arg17[%get3A_314, %get3A_315] {strides = array<i32>} : memref<128x128xf32, #tpu.memory_space<vmem>>, vector<1x16xf32>,
      %get3A_317 = vector.shape_cast %get3A_316 : vector<1x16xf32> to vector<16xf32>
      %add3A_318 = arith.addf %get3A_313, %get3A_317 : vector<16xf32>
      %get3A_319 = arith.index_cast %add3A_292 : i32 to index
      %get3A_320 = arith.constant 16 : index
      %get3A_321 = tpu.vector_load %arg18[%get3A_319, %get3A_320] {strides = array<i32>} : memref<128x128xf32, #tpu.memory_space<vmem>>, vector<1x16xf32>,
      %get3A_322 = vector.shape_cast %get3A_321 : vector<1x16xf32> to vector<16xf32>
      %add3A_323 = arith.addf %add3A_318, %get3A_322 : vector<16xf32>
      %swap3A_324 = arith.index_cast %add3A_292 : i32 to index
      %swap3A_325 = arith.constant 16 : index
      %swap3A_326 = tpu.vector_load %arg16[%swap3A_324, %swap3A_325] {strides = array<i32>} : memref<128x128xf32, #tpu.memory_space<vmem>>, vector<1x16xf32>,
      %swap3A_327 = vector.shape_cast %swap3A_326 : vector<1x16xf32> to vector<16xf32>
      %swap3A_328 = vector.shape_cast %add3A_323 : vector<16xf32> to vector<1x16xf32>
      tpu.vector_store %arg16[%swap3A_324, %swap3A_325], %swap3A_328 {strides = array<i32>} : memref<128x128xf32, #tpu.memory_space<vmem>>, vector<1x16xf32>,
      %get3A_329 = arith.index_cast %add3A_292 : i32 to index
      %get3A_330 = arith.constant 32 : index
      %get3A_331 = tpu.vector_load %arg16[%get3A_329, %get3A_330] {strides = array<i32>} : memref<128x128xf32, #tpu.memory_space<vmem>>, vector<1x16xf32>,
      %get3A_332 = vector.shape_cast %get3A_331 : vector<1x16xf32> to vector<16xf32>
      %get3A_333 = arith.index_cast %add3A_292 : i32 to index
      %get3A_334 = arith.constant 32 : index
      %get3A_335 = tpu.vector_load %arg17[%get3A_333, %get3A_334] {strides = array<i32>} : memref<128x128xf32, #tpu.memory_space<vmem>>, vector<1x16xf32>,
      %get3A_336 = vector.shape_cast %get3A_335 : vector<1x16xf32> to vector<16xf32>
      %add3A_337 = arith.addf %get3A_332, %get3A_336 : vector<16xf32>
      %get3A_338 = arith.index_cast %add3A_292 : i32 to index
      %get3A_339 = arith.constant 32 : index
      %get3A_340 = tpu.vector_load %arg18[%get3A_338, %get3A_339] {strides = array<i32>} : memref<128x128xf32, #tpu.memory_space<vmem>>, vector<1x16xf32>,
      %get3A_341 = vector.shape_cast %get3A_340 : vector<1x16xf32> to vector<16xf32>
      %add3A_342 = arith.addf %add3A_337, %get3A_341 : vector<16xf32>
      %swap3A_343 = arith.index_cast %add3A_292 : i32 to index
      %swap3A_344 = arith.constant 32 : index
      %swap3A_345 = tpu.vector_load %arg16[%swap3A_343, %swap3A_344] {strides = array<i32>} : memref<128x128xf32, #tpu.memory_space<vmem>>, vector<1x16xf32>,
      %swap3A_346 = vector.shape_cast %swap3A_345 : vector<1x16xf32> to vector<16xf32>
      %swap3A_347 = vector.shape_cast %add3A_342 : vector<16xf32> to vector<1x16xf32>
      tpu.vector_store %arg16[%swap3A_343, %swap3A_344], %swap3A_347 {strides = array<i32>} : memref<128x128xf32, #tpu.memory_space<vmem>>, vector<1x16xf32>,
      %get3A_348 = arith.index_cast %add3A_292 : i32 to index
      %get3A_349 = arith.constant 48 : index
      %get3A_350 = tpu.vector_load %arg16[%get3A_348, %get3A_349] {strides = array<i32>} : memref<128x128xf32, #tpu.memory_space<vmem>>, vector<1x16xf32>,
      %get3A_351 = vector.shape_cast %get3A_350 : vector<1x16xf32> to vector<16xf32>
      %get3A_352 = arith.index_cast %add3A_292 : i32 to index
      %get3A_353 = arith.constant 48 : index
      %get3A_354 = tpu.vector_load %arg17[%get3A_352, %get3A_353] {strides = array<i32>} : memref<128x128xf32, #tpu.memory_space<vmem>>, vector<1x16xf32>,
      %get3A_355 = vector.shape_cast %get3A_354 : vector<1x16xf32> to vector<16xf32>
      %add3A_356 = arith.addf %get3A_351, %get3A_355 : vector<16xf32>
      %get3A_357 = arith.index_cast %add3A_292 : i32 to index
      %get3A_358 = arith.constant 48 : index
      %get3A_359 = tpu.vector_load %arg18[%get3A_357, %get3A_358] {strides = array<i32>} : memref<128x128xf32, #tpu.memory_space<vmem>>, vector<1x16xf32>,
      %get3A_360 = vector.shape_cast %get3A_359 : vector<1x16xf32> to vector<16xf32>
      %add3A_361 = arith.addf %add3A_356, %get3A_360 : vector<16xf32>
      %swap3A_362 = arith.index_cast %add3A_292 : i32 to index
      %swap3A_363 = arith.constant 48 : index
      %swap3A_364 = tpu.vector_load %arg16[%swap3A_362, %swap3A_363] {strides = array<i32>} : memref<128x128xf32, #tpu.memory_space<vmem>>, vector<1x16xf32>,
      %swap3A_365 = vector.shape_cast %swap3A_364 : vector<1x16xf32> to vector<16xf32>
      %swap3A_366 = vector.shape_cast %add3A_361 : vector<16xf32> to vector<1x16xf32>
      tpu.vector_store %arg16[%swap3A_362, %swap3A_363], %swap3A_366 {strides = array<i32>} : memref<128x128xf32, #tpu.memory_space<vmem>>, vector<1x16xf32>,
      %get3A_367 = arith.index_cast %add3A_292 : i32 to index
      %get3A_368 = arith.constant 64 : index
      %get3A_369 = tpu.vector_load %arg16[%get3A_367, %get3A_368] {strides = array<i32>} : memref<128x128xf32, #tpu.memory_space<vmem>>, vector<1x16xf32>,
      %get3A_370 = vector.shape_cast %get3A_369 : vector<1x16xf32> to vector<16xf32>
      %get3A_371 = arith.index_cast %add3A_292 : i32 to index
      %get3A_372 = arith.constant 64 : index
      %get3A_373 = tpu.vector_load %arg17[%get3A_371, %get3A_372] {strides = array<i32>} : memref<128x128xf32, #tpu.memory_space<vmem>>, vector<1x16xf32>,
      %get3A_374 = vector.shape_cast %get3A_373 : vector<1x16xf32> to vector<16xf32>
      %add3A_375 = arith.addf %get3A_370, %get3A_374 : vector<16xf32>
      %get3A_376 = arith.index_cast %add3A_292 : i32 to index
      %get3A_377 = arith.constant 64 : index
      %get3A_378 = tpu.vector_load %arg18[%get3A_376, %get3A_377] {strides = array<i32>} : memref<128x128xf32, #tpu.memory_space<vmem>>, vector<1x16xf32>,
      %get3A_379 = vector.shape_cast %get3A_378 : vector<1x16xf32> to vector<16xf32>
      %add3A_380 = arith.addf %add3A_375, %get3A_379 : vector<16xf32>
      %swap3A_381 = arith.index_cast %add3A_292 : i32 to index
      %swap3A_382 = arith.constant 64 : index
      %swap3A_383 = tpu.vector_load %arg16[%swap3A_381, %swap3A_382] {strides = array<i32>} : memref<128x128xf32, #tpu.memory_space<vmem>>, vector<1x16xf32>,
      %swap3A_384 = vector.shape_cast %swap3A_383 : vector<1x16xf32> to vector<16xf32>
      %swap3A_385 = vector.shape_cast %add3A_380 : vector<16xf32> to vector<1x16xf32>
      tpu.vector_store %arg16[%swap3A_381, %swap3A_382], %swap3A_385 {strides = array<i32>} : memref<128x128xf32, #tpu.memory_space<vmem>>, vector<1x16xf32>,
      %get3A_386 = arith.index_cast %add3A_292 : i32 to index
      %get3A_387 = arith.constant 80 : index
      %get3A_388 = tpu.vector_load %arg16[%get3A_386, %get3A_387] {strides = array<i32>} : memref<128x128xf32, #tpu.memory_space<vmem>>, vector<1x16xf32>,
      %get3A_389 = vector.shape_cast %get3A_388 : vector<1x16xf32> to vector<16xf32>
      %get3A_390 = arith.index_cast %add3A_292 : i32 to index
      %get3A_391 = arith.constant 80 : index
      %get3A_392 = tpu.vector_load %arg17[%get3A_390, %get3A_391] {strides = array<i32>} : memref<128x128xf32, #tpu.memory_space<vmem>>, vector<1x16xf32>,
      %get3A_393 = vector.shape_cast %get3A_392 : vector<1x16xf32> to vector<16xf32>
      %add3A_394 = arith.addf %get3A_389, %get3A_393 : vector<16xf32>
      %get3A_395 = arith.index_cast %add3A_292 : i32 to index
      %get3A_396 = arith.constant 80 : index
      %get3A_397 = tpu.vector_load %arg18[%get3A_395, %get3A_396] {strides = array<i32>} : memref<128x128xf32, #tpu.memory_space<vmem>>, vector<1x16xf32>,
      %get3A_398 = vector.shape_cast %get3A_397 : vector<1x16xf32> to vector<16xf32>
      %add3A_399 = arith.addf %add3A_394, %get3A_398 : vector<16xf32>
      %swap3A_400 = arith.index_cast %add3A_292 : i32 to index
      %swap3A_401 = arith.constant 80 : index
      %swap3A_402 = tpu.vector_load %arg16[%swap3A_400, %swap3A_401] {strides = array<i32>} : memref<128x128xf32, #tpu.memory_space<vmem>>, vector<1x16xf32>,
      %swap3A_403 = vector.shape_cast %swap3A_402 : vector<1x16xf32> to vector<16xf32>
      %swap3A_404 = vector.shape_cast %add3A_399 : vector<16xf32> to vector<1x16xf32>
      tpu.vector_store %arg16[%swap3A_400, %swap3A_401], %swap3A_404 {strides = array<i32>} : memref<128x128xf32, #tpu.memory_space<vmem>>, vector<1x16xf32>,
      %get3A_405 = arith.index_cast %add3A_292 : i32 to index
      %get3A_406 = arith.constant 96 : index
      %get3A_407 = tpu.vector_load %arg16[%get3A_405, %get3A_406] {strides = array<i32>} : memref<128x128xf32, #tpu.memory_space<vmem>>, vector<1x16xf32>,
      %get3A_408 = vector.shape_cast %get3A_407 : vector<1x16xf32> to vector<16xf32>
      %get3A_409 = arith.index_cast %add3A_292 : i32 to index
      %get3A_410 = arith.constant 96 : index
      %get3A_411 = tpu.vector_load %arg17[%get3A_409, %get3A_410] {strides = array<i32>} : memref<128x128xf32, #tpu.memory_space<vmem>>, vector<1x16xf32>,
      %get3A_412 = vector.shape_cast %get3A_411 : vector<1x16xf32> to vector<16xf32>
      %add3A_413 = arith.addf %get3A_408, %get3A_412 : vector<16xf32>
      %get3A_414 = arith.index_cast %add3A_292 : i32 to index
      %get3A_415 = arith.constant 96 : index
      %get3A_416 = tpu.vector_load %arg18[%get3A_414, %get3A_415] {strides = array<i32>} : memref<128x128xf32, #tpu.memory_space<vmem>>, vector<1x16xf32>,
      %get3A_417 = vector.shape_cast %get3A_416 : vector<1x16xf32> to vector<16xf32>
      %add3A_418 = arith.addf %add3A_413, %get3A_417 : vector<16xf32>
      %swap3A_419 = arith.index_cast %add3A_292 : i32 to index
      %swap3A_420 = arith.constant 96 : index
      %swap3A_421 = tpu.vector_load %arg16[%swap3A_419, %swap3A_420] {strides = array<i32>} : memref<128x128xf32, #tpu.memory_space<vmem>>, vector<1x16xf32>,
      %swap3A_422 = vector.shape_cast %swap3A_421 : vector<1x16xf32> to vector<16xf32>
      %swap3A_423 = vector.shape_cast %add3A_418 : vector<16xf32> to vector<1x16xf32>
      tpu.vector_store %arg16[%swap3A_419, %swap3A_420], %swap3A_423 {strides = array<i32>} : memref<128x128xf32, #tpu.memory_space<vmem>>, vector<1x16xf32>,
      %get3A_424 = arith.index_cast %add3A_292 : i32 to index
      %get3A_425 = arith.constant 112 : index
      %get3A_426 = tpu.vector_load %arg16[%get3A_424, %get3A_425] {strides = array<i32>} : memref<128x128xf32, #tpu.memory_space<vmem>>, vector<1x16xf32>,
      %get3A_427 = vector.shape_cast %get3A_426 : vector<1x16xf32> to vector<16xf32>
      %get3A_428 = arith.index_cast %add3A_292 : i32 to index
      %get3A_429 = arith.constant 112 : index
      %get3A_430 = tpu.vector_load %arg17[%get3A_428, %get3A_429] {strides = array<i32>} : memref<128x128xf32, #tpu.memory_space<vmem>>, vector<1x16xf32>,
      %get3A_431 = vector.shape_cast %get3A_430 : vector<1x16xf32> to vector<16xf32>
      %add3A_432 = arith.addf %get3A_427, %get3A_431 : vector<16xf32>
      %get3A_433 = arith.index_cast %add3A_292 : i32 to index
      %get3A_434 = arith.constant 112 : index
      %get3A_435 = tpu.vector_load %arg18[%get3A_433, %get3A_434] {strides = array<i32>} : memref<128x128xf32, #tpu.memory_space<vmem>>, vector<1x16xf32>,
      %get3A_436 = vector.shape_cast %get3A_435 : vector<1x16xf32> to vector<16xf32>
      %add3A_437 = arith.addf %add3A_432, %get3A_436 : vector<16xf32>
      %swap3A_438 = arith.index_cast %add3A_292 : i32 to index
      %swap3A_439 = arith.constant 112 : index
      %swap3A_440 = tpu.vector_load %arg16[%swap3A_438, %swap3A_439] {strides = array<i32>} : memref<128x128xf32, #tpu.memory_space<vmem>>, vector<1x16xf32>,
      %swap3A_441 = vector.shape_cast %swap3A_440 : vector<1x16xf32> to vector<16xf32>
      %swap3A_442 = vector.shape_cast %add3A_437 : vector<16xf32> to vector<1x16xf32>
      tpu.vector_store %arg16[%swap3A_438, %swap3A_439], %swap3A_442 {strides = array<i32>} : memref<128x128xf32, #tpu.memory_space<vmem>>, vector<1x16xf32>,
      %mul3A_443 = arith.constant 2 : i32
      %mul3A_444 = arith.muli %scan3A_288, %mul3A_443 : i32
      %add3A_445 = arith.constant 1 : i32
      %add3A_446 = arith.addi %mul3A_444, %add3A_445 : i32
      %get3A_447 = arith.index_cast %add3A_446 : i32 to index
      %get3A_448 = arith.constant 0 : index
      %get3A_449 = tpu.vector_load %arg16[%get3A_447, %get3A_448] {strides = array<i32>} : memref<128x128xf32, #tpu.memory_space<vmem>>, vector<1x16xf32>,
      %get3A_450 = vector.shape_cast %get3A_449 : vector<1x16xf32> to vector<16xf32>
      %get3A_451 = arith.index_cast %add3A_446 : i32 to index
      %get3A_452 = arith.constant 0 : index
      %get3A_453 = tpu.vector_load %arg17[%get3A_451, %get3A_452] {strides = array<i32>} : memref<128x128xf32, #tpu.memory_space<vmem>>, vector<1x16xf32>,
      %get3A_454 = vector.shape_cast %get3A_453 : vector<1x16xf32> to vector<16xf32>
      %add3A_455 = arith.addf %get3A_450, %get3A_454 : vector<16xf32>
      %get3A_456 = arith.index_cast %add3A_446 : i32 to index
      %get3A_457 = arith.constant 0 : index
      %get3A_458 = tpu.vector_load %arg18[%get3A_456, %get3A_457] {strides = array<i32>} : memref<128x128xf32, #tpu.memory_space<vmem>>, vector<1x16xf32>,
      %get3A_459 = vector.shape_cast %get3A_458 : vector<1x16xf32> to vector<16xf32>
      %add3A_460 = arith.addf %add3A_455, %get3A_459 : vector<16xf32>
      %swap3A_461 = arith.index_cast %add3A_446 : i32 to index
      %swap3A_462 = arith.constant 0 : index
      %swap3A_463 = tpu.vector_load %arg16[%swap3A_461, %swap3A_462] {strides = array<i32>} : memref<128x128xf32, #tpu.memory_space<vmem>>, vector<1x16xf32>,
      %swap3A_464 = vector.shape_cast %swap3A_463 : vector<1x16xf32> to vector<16xf32>
      %swap3A_465 = vector.shape_cast %add3A_460 : vector<16xf32> to vector<1x16xf32>
      tpu.vector_store %arg16[%swap3A_461, %swap3A_462], %swap3A_465 {strides = array<i32>} : memref<128x128xf32, #tpu.memory_space<vmem>>, vector<1x16xf32>,
      %get3A_466 = arith.index_cast %add3A_446 : i32 to index
      %get3A_467 = arith.constant 16 : index
      %get3A_468 = tpu.vector_load %arg16[%get3A_466, %get3A_467] {strides = array<i32>} : memref<128x128xf32, #tpu.memory_space<vmem>>, vector<1x16xf32>,
      %get3A_469 = vector.shape_cast %get3A_468 : vector<1x16xf32> to vector<16xf32>
      %get3A_470 = arith.index_cast %add3A_446 : i32 to index
      %get3A_471 = arith.constant 16 : index
      %get3A_472 = tpu.vector_load %arg17[%get3A_470, %get3A_471] {strides = array<i32>} : memref<128x128xf32, #tpu.memory_space<vmem>>, vector<1x16xf32>,
      %get3A_473 = vector.shape_cast %get3A_472 : vector<1x16xf32> to vector<16xf32>
      %add3A_474 = arith.addf %get3A_469, %get3A_473 : vector<16xf32>
      %get3A_475 = arith.index_cast %add3A_446 : i32 to index
      %get3A_476 = arith.constant 16 : index
      %get3A_477 = tpu.vector_load %arg18[%get3A_475, %get3A_476] {strides = array<i32>} : memref<128x128xf32, #tpu.memory_space<vmem>>, vector<1x16xf32>,
      %get3A_478 = vector.shape_cast %get3A_477 : vector<1x16xf32> to vector<16xf32>
      %add3A_479 = arith.addf %add3A_474, %get3A_478 : vector<16xf32>
      %swap3A_480 = arith.index_cast %add3A_446 : i32 to index
      %swap3A_481 = arith.constant 16 : index
      %swap3A_482 = tpu.vector_load %arg16[%swap3A_480, %swap3A_481] {strides = array<i32>} : memref<128x128xf32, #tpu.memory_space<vmem>>, vector<1x16xf32>,
      %swap3A_483 = vector.shape_cast %swap3A_482 : vector<1x16xf32> to vector<16xf32>
      %swap3A_484 = vector.shape_cast %add3A_479 : vector<16xf32> to vector<1x16xf32>
      tpu.vector_store %arg16[%swap3A_480, %swap3A_481], %swap3A_484 {strides = array<i32>} : memref<128x128xf32, #tpu.memory_space<vmem>>, vector<1x16xf32>,
      %get3A_485 = arith.index_cast %add3A_446 : i32 to index
      %get3A_486 = arith.constant 32 : index
      %get3A_487 = tpu.vector_load %arg16[%get3A_485, %get3A_486] {strides = array<i32>} : memref<128x128xf32, #tpu.memory_space<vmem>>, vector<1x16xf32>,
      %get3A_488 = vector.shape_cast %get3A_487 : vector<1x16xf32> to vector<16xf32>
      %get3A_489 = arith.index_cast %add3A_446 : i32 to index
      %get3A_490 = arith.constant 32 : index
      %get3A_491 = tpu.vector_load %arg17[%get3A_489, %get3A_490] {strides = array<i32>} : memref<128x128xf32, #tpu.memory_space<vmem>>, vector<1x16xf32>,
      %get3A_492 = vector.shape_cast %get3A_491 : vector<1x16xf32> to vector<16xf32>
      %add3A_493 = arith.addf %get3A_488, %get3A_492 : vector<16xf32>
      %get3A_494 = arith.index_cast %add3A_446 : i32 to index
      %get3A_495 = arith.constant 32 : index
      %get3A_496 = tpu.vector_load %arg18[%get3A_494, %get3A_495] {strides = array<i32>} : memref<128x128xf32, #tpu.memory_space<vmem>>, vector<1x16xf32>,
      %get3A_497 = vector.shape_cast %get3A_496 : vector<1x16xf32> to vector<16xf32>
      %add3A_498 = arith.addf %add3A_493, %get3A_497 : vector<16xf32>
      %swap3A_499 = arith.index_cast %add3A_446 : i32 to index
      %swap3A_500 = arith.constant 32 : index
      %swap3A_501 = tpu.vector_load %arg16[%swap3A_499, %swap3A_500] {strides = array<i32>} : memref<128x128xf32, #tpu.memory_space<vmem>>, vector<1x16xf32>,
      %swap3A_502 = vector.shape_cast %swap3A_501 : vector<1x16xf32> to vector<16xf32>
      %swap3A_503 = vector.shape_cast %add3A_498 : vector<16xf32> to vector<1x16xf32>
      tpu.vector_store %arg16[%swap3A_499, %swap3A_500], %swap3A_503 {strides = array<i32>} : memref<128x128xf32, #tpu.memory_space<vmem>>, vector<1x16xf32>,
      %get3A_504 = arith.index_cast %add3A_446 : i32 to index
      %get3A_505 = arith.constant 48 : index
      %get3A_506 = tpu.vector_load %arg16[%get3A_504, %get3A_505] {strides = array<i32>} : memref<128x128xf32, #tpu.memory_space<vmem>>, vector<1x16xf32>,
      %get3A_507 = vector.shape_cast %get3A_506 : vector<1x16xf32> to vector<16xf32>
      %get3A_508 = arith.index_cast %add3A_446 : i32 to index
      %get3A_509 = arith.constant 48 : index
      %get3A_510 = tpu.vector_load %arg17[%get3A_508, %get3A_509] {strides = array<i32>} : memref<128x128xf32, #tpu.memory_space<vmem>>, vector<1x16xf32>,
      %get3A_511 = vector.shape_cast %get3A_510 : vector<1x16xf32> to vector<16xf32>
      %add3A_512 = arith.addf %get3A_507, %get3A_511 : vector<16xf32>
      %get3A_513 = arith.index_cast %add3A_446 : i32 to index
      %get3A_514 = arith.constant 48 : index
      %get3A_515 = tpu.vector_load %arg18[%get3A_513, %get3A_514] {strides = array<i32>} : memref<128x128xf32, #tpu.memory_space<vmem>>, vector<1x16xf32>,
      %get3A_516 = vector.shape_cast %get3A_515 : vector<1x16xf32> to vector<16xf32>
      %add3A_517 = arith.addf %add3A_512, %get3A_516 : vector<16xf32>
      %swap3A_518 = arith.index_cast %add3A_446 : i32 to index
      %swap3A_519 = arith.constant 48 : index
      %swap3A_520 = tpu.vector_load %arg16[%swap3A_518, %swap3A_519] {strides = array<i32>} : memref<128x128xf32, #tpu.memory_space<vmem>>, vector<1x16xf32>,
      %swap3A_521 = vector.shape_cast %swap3A_520 : vector<1x16xf32> to vector<16xf32>
      %swap3A_522 = vector.shape_cast %add3A_517 : vector<16xf32> to vector<1x16xf32>
      tpu.vector_store %arg16[%swap3A_518, %swap3A_519], %swap3A_522 {strides = array<i32>} : memref<128x128xf32, #tpu.memory_space<vmem>>, vector<1x16xf32>,
      %get3A_523 = arith.index_cast %add3A_446 : i32 to index
      %get3A_524 = arith.constant 64 : index
      %get3A_525 = tpu.vector_load %arg16[%get3A_523, %get3A_524] {strides = array<i32>} : memref<128x128xf32, #tpu.memory_space<vmem>>, vector<1x16xf32>,
      %get3A_526 = vector.shape_cast %get3A_525 : vector<1x16xf32> to vector<16xf32>
      %get3A_527 = arith.index_cast %add3A_446 : i32 to index
      %get3A_528 = arith.constant 64 : index
      %get3A_529 = tpu.vector_load %arg17[%get3A_527, %get3A_528] {strides = array<i32>} : memref<128x128xf32, #tpu.memory_space<vmem>>, vector<1x16xf32>,
      %get3A_530 = vector.shape_cast %get3A_529 : vector<1x16xf32> to vector<16xf32>
      %add3A_531 = arith.addf %get3A_526, %get3A_530 : vector<16xf32>
      %get3A_532 = arith.index_cast %add3A_446 : i32 to index
      %get3A_533 = arith.constant 64 : index
      %get3A_534 = tpu.vector_load %arg18[%get3A_532, %get3A_533] {strides = array<i32>} : memref<128x128xf32, #tpu.memory_space<vmem>>, vector<1x16xf32>,
      %get3A_535 = vector.shape_cast %get3A_534 : vector<1x16xf32> to vector<16xf32>
      %add3A_536 = arith.addf %add3A_531, %get3A_535 : vector<16xf32>
      %swap3A_537 = arith.index_cast %add3A_446 : i32 to index
      %swap3A_538 = arith.constant 64 : index
      %swap3A_539 = tpu.vector_load %arg16[%swap3A_537, %swap3A_538] {strides = array<i32>} : memref<128x128xf32, #tpu.memory_space<vmem>>, vector<1x16xf32>,
      %swap3A_540 = vector.shape_cast %swap3A_539 : vector<1x16xf32> to vector<16xf32>
      %swap3A_541 = vector.shape_cast %add3A_536 : vector<16xf32> to vector<1x16xf32>
      tpu.vector_store %arg16[%swap3A_537, %swap3A_538], %swap3A_541 {strides = array<i32>} : memref<128x128xf32, #tpu.memory_space<vmem>>, vector<1x16xf32>,
      %get3A_542 = arith.index_cast %add3A_446 : i32 to index
      %get3A_543 = arith.constant 80 : index
      %get3A_544 = tpu.vector_load %arg16[%get3A_542, %get3A_543] {strides = array<i32>} : memref<128x128xf32, #tpu.memory_space<vmem>>, vector<1x16xf32>,
      %get3A_545 = vector.shape_cast %get3A_544 : vector<1x16xf32> to vector<16xf32>
      %get3A_546 = arith.index_cast %add3A_446 : i32 to index
      %get3A_547 = arith.constant 80 : index
      %get3A_548 = tpu.vector_load %arg17[%get3A_546, %get3A_547] {strides = array<i32>} : memref<128x128xf32, #tpu.memory_space<vmem>>, vector<1x16xf32>,
      %get3A_549 = vector.shape_cast %get3A_548 : vector<1x16xf32> to vector<16xf32>
      %add3A_550 = arith.addf %get3A_545, %get3A_549 : vector<16xf32>
      %get3A_551 = arith.index_cast %add3A_446 : i32 to index
      %get3A_552 = arith.constant 80 : index
      %get3A_553 = tpu.vector_load %arg18[%get3A_551, %get3A_552] {strides = array<i32>} : memref<128x128xf32, #tpu.memory_space<vmem>>, vector<1x16xf32>,
      %get3A_554 = vector.shape_cast %get3A_553 : vector<1x16xf32> to vector<16xf32>
      %add3A_555 = arith.addf %add3A_550, %get3A_554 : vector<16xf32>
      %swap3A_556 = arith.index_cast %add3A_446 : i32 to index
      %swap3A_557 = arith.constant 80 : index
      %swap3A_558 = tpu.vector_load %arg16[%swap3A_556, %swap3A_557] {strides = array<i32>} : memref<128x128xf32, #tpu.memory_space<vmem>>, vector<1x16xf32>,
      %swap3A_559 = vector.shape_cast %swap3A_558 : vector<1x16xf32> to vector<16xf32>
      %swap3A_560 = vector.shape_cast %add3A_555 : vector<16xf32> to vector<1x16xf32>
      tpu.vector_store %arg16[%swap3A_556, %swap3A_557], %swap3A_560 {strides = array<i32>} : memref<128x128xf32, #tpu.memory_space<vmem>>, vector<1x16xf32>,
      %get3A_561 = arith.index_cast %add3A_446 : i32 to index
      %get3A_562 = arith.constant 96 : index
      %get3A_563 = tpu.vector_load %arg16[%get3A_561, %get3A_562] {strides = array<i32>} : memref<128x128xf32, #tpu.memory_space<vmem>>, vector<1x16xf32>,
      %get3A_564 = vector.shape_cast %get3A_563 : vector<1x16xf32> to vector<16xf32>
      %get3A_565 = arith.index_cast %add3A_446 : i32 to index
      %get3A_566 = arith.constant 96 : index
      %get3A_567 = tpu.vector_load %arg17[%get3A_565, %get3A_566] {strides = array<i32>} : memref<128x128xf32, #tpu.memory_space<vmem>>, vector<1x16xf32>,
      %get3A_568 = vector.shape_cast %get3A_567 : vector<1x16xf32> to vector<16xf32>
      %add3A_569 = arith.addf %get3A_564, %get3A_568 : vector<16xf32>
      %get3A_570 = arith.index_cast %add3A_446 : i32 to index
      %get3A_571 = arith.constant 96 : index
      %get3A_572 = tpu.vector_load %arg18[%get3A_570, %get3A_571] {strides = array<i32>} : memref<128x128xf32, #tpu.memory_space<vmem>>, vector<1x16xf32>,
      %get3A_573 = vector.shape_cast %get3A_572 : vector<1x16xf32> to vector<16xf32>
      %add3A_574 = arith.addf %add3A_569, %get3A_573 : vector<16xf32>
      %swap3A_575 = arith.index_cast %add3A_446 : i32 to index
      %swap3A_576 = arith.constant 96 : index
      %swap3A_577 = tpu.vector_load %arg16[%swap3A_575, %swap3A_576] {strides = array<i32>} : memref<128x128xf32, #tpu.memory_space<vmem>>, vector<1x16xf32>,
      %swap3A_578 = vector.shape_cast %swap3A_577 : vector<1x16xf32> to vector<16xf32>
      %swap3A_579 = vector.shape_cast %add3A_574 : vector<16xf32> to vector<1x16xf32>
      tpu.vector_store %arg16[%swap3A_575, %swap3A_576], %swap3A_579 {strides = array<i32>} : memref<128x128xf32, #tpu.memory_space<vmem>>, vector<1x16xf32>,
      %get3A_580 = arith.index_cast %add3A_446 : i32 to index
      %get3A_581 = arith.constant 112 : index
      %get3A_582 = tpu.vector_load %arg16[%get3A_580, %get3A_581] {strides = array<i32>} : memref<128x128xf32, #tpu.memory_space<vmem>>, vector<1x16xf32>,
      %get3A_583 = vector.shape_cast %get3A_582 : vector<1x16xf32> to vector<16xf32>
      %get3A_584 = arith.index_cast %add3A_446 : i32 to index
      %get3A_585 = arith.constant 112 : index
      %get3A_586 = tpu.vector_load %arg17[%get3A_584, %get3A_585] {strides = array<i32>} : memref<128x128xf32, #tpu.memory_space<vmem>>, vector<1x16xf32>,
      %get3A_587 = vector.shape_cast %get3A_586 : vector<1x16xf32> to vector<16xf32>
      %add3A_588 = arith.addf %get3A_583, %get3A_587 : vector<16xf32>
      %get3A_589 = arith.index_cast %add3A_446 : i32 to index
      %get3A_590 = arith.constant 112 : index
      %get3A_591 = tpu.vector_load %arg18[%get3A_589, %get3A_590] {strides = array<i32>} : memref<128x128xf32, #tpu.memory_space<vmem>>, vector<1x16xf32>,
      %get3A_592 = vector.shape_cast %get3A_591 : vector<1x16xf32> to vector<16xf32>
      %add3A_593 = arith.addf %add3A_588, %get3A_592 : vector<16xf32>
      %swap3A_594 = arith.index_cast %add3A_446 : i32 to index
      %swap3A_595 = arith.constant 112 : index
      %swap3A_596 = tpu.vector_load %arg16[%swap3A_594, %swap3A_595] {strides = array<i32>} : memref<128x128xf32, #tpu.memory_space<vmem>>, vector<1x16xf32>,
      %swap3A_597 = vector.shape_cast %swap3A_596 : vector<1x16xf32> to vector<16xf32>
      %swap3A_598 = vector.shape_cast %add3A_593 : vector<16xf32> to vector<1x16xf32>
      tpu.vector_store %arg16[%swap3A_594, %swap3A_595], %swap3A_598 {strides = array<i32>} : memref<128x128xf32, #tpu.memory_space<vmem>>, vector<1x16xf32>,
    }
    %scan3A_72 = arith.constant 64 : i32
    %add3A_73 = arith.constant 128 : i32
    %add3A_74 = arith.addi %mul3A_2, %add3A_73 : i32
    %dma_start3A_75 = arith.constant 0 : i32
    %dma_start3A_76 = tpu.memref_slice %arg6[%add3A_74, %dma_start3A_75] : memref<32768x128xf32, #tpu.memory_space<hbm>> -> memref<128x128xf32, #tpu.memory_space<hbm>>
    %dma_start3A_77 = arith.constant 0 : i32
    %dma_start3A_78 = tpu.memref_slice %arg6[%add3A_74, %dma_start3A_77] : memref<32768x128xf32, #tpu.memory_space<hbm>> -> memref<128x128xf32, #tpu.memory_space<hbm>>
    tpu.enqueue_dma source(%arg16 : memref<128x128xf32, #tpu.memory_space<vmem>>) target(%dma_start3A_78 : memref<128x128xf32, #tpu.memory_space<hbm>>) target_semaphore(%arg22 : memref<!tpu.dma_semaphore, #tpu.memory_space<semaphore_mem>>)
    %dma_wait3A_79 = arith.constant 0 : i32
    %dma_wait3A_80 = tpu.memref_slice %arg6[%add3A_74, %dma_wait3A_79] : memref<32768x128xf32, #tpu.memory_space<hbm>> -> memref<128x128xf32, #tpu.memory_space<hbm>>
    %dma_wait3A_81 = arith.constant 0 : i32
    %dma_wait3A_82 = tpu.memref_slice %arg6[%add3A_74, %dma_wait3A_81] : memref<32768x128xf32, #tpu.memory_space<hbm>> -> memref<128x128xf32, #tpu.memory_space<hbm>>
    tpu.wait_dma2 semaphore(%arg22 : memref<!tpu.dma_semaphore, #tpu.memory_space<semaphore_mem>>) src(%arg16 : memref<128x128xf32, #tpu.memory_space<vmem>>) dst(%dma_wait3A_82 : memref<128x128xf32, #tpu.memory_space<hbm>>)
    %add3A_83 = arith.constant 384 : i32
    %add3A_84 = arith.addi %mul3A_2, %add3A_83 : i32
    "tpu.region"() ({
      %run_scoped3A = tpu.sem_alloc : memref<!tpu.dma_semaphore, #tpu.memory_space<semaphore_mem>>
      %dma_start3A_288 = tpu.memref_slice %arg3[%add3A_84] : memref<32768xi32, #tpu.memory_space<hbm>> -> memref<128xi32, #tpu.memory_space<hbm>>
      %dma_start3A_289 = tpu.memref_slice %arg3[%add3A_84] : memref<32768xi32, #tpu.memory_space<hbm>> -> memref<128xi32, #tpu.memory_space<hbm>>
      tpu.enqueue_dma source(%dma_start3A_289 : memref<128xi32, #tpu.memory_space<hbm>>) target(%arg10 : memref<128xi32, #tpu.memory_space<vmem>>) target_semaphore(%run_scoped3A : memref<!tpu.dma_semaphore, #tpu.memory_space<semaphore_mem>>)
      %dma_wait3A_290 = tpu.memref_slice %arg3[%add3A_84] : memref<32768xi32, #tpu.memory_space<hbm>> -> memref<128xi32, #tpu.memory_space<hbm>>
      %dma_wait3A_291 = tpu.memref_slice %arg3[%add3A_84] : memref<32768xi32, #tpu.memory_space<hbm>> -> memref<128xi32, #tpu.memory_space<hbm>>
      tpu.wait_dma2 semaphore(%run_scoped3A : memref<!tpu.dma_semaphore, #tpu.memory_space<semaphore_mem>>) src(%dma_wait3A_291 : memref<128xi32, #tpu.memory_space<hbm>>) dst(%arg10 : memref<128xi32, #tpu.memory_space<vmem>>)
      tpu.yield
    }) : () -> ()
    "tpu.region"() ({
      %run_scoped3A = tpu.sem_alloc : memref<!tpu.dma_semaphore, #tpu.memory_space<semaphore_mem>>
      %dma_start3A_288 = tpu.memref_slice %arg4[%add3A_84] : memref<32768xi32, #tpu.memory_space<hbm>> -> memref<128xi32, #tpu.memory_space<hbm>>
      %dma_start3A_289 = tpu.memref_slice %arg4[%add3A_84] : memref<32768xi32, #tpu.memory_space<hbm>> -> memref<128xi32, #tpu.memory_space<hbm>>
      tpu.enqueue_dma source(%dma_start3A_289 : memref<128xi32, #tpu.memory_space<hbm>>) target(%arg11 : memref<128xi32, #tpu.memory_space<vmem>>) target_semaphore(%run_scoped3A : memref<!tpu.dma_semaphore, #tpu.memory_space<semaphore_mem>>)
      %dma_wait3A_290 = tpu.memref_slice %arg4[%add3A_84] : memref<32768xi32, #tpu.memory_space<hbm>> -> memref<128xi32, #tpu.memory_space<hbm>>
      %dma_wait3A_291 = tpu.memref_slice %arg4[%add3A_84] : memref<32768xi32, #tpu.memory_space<hbm>> -> memref<128xi32, #tpu.memory_space<hbm>>
      tpu.wait_dma2 semaphore(%run_scoped3A : memref<!tpu.dma_semaphore, #tpu.memory_space<semaphore_mem>>) src(%dma_wait3A_291 : memref<128xi32, #tpu.memory_space<hbm>>) dst(%arg11 : memref<128xi32, #tpu.memory_space<vmem>>)
      tpu.yield
    }) : () -> ()
    "tpu.region"() ({
      %run_scoped3A = tpu.sem_alloc : memref<!tpu.dma_semaphore, #tpu.memory_space<semaphore_mem>>
      %dma_start3A_288 = tpu.memref_slice %arg5[%add3A_84] : memref<32768xi32, #tpu.memory_space<hbm>> -> memref<128xi32, #tpu.memory_space<hbm>>
      %dma_start3A_289 = tpu.memref_slice %arg5[%add3A_84] : memref<32768xi32, #tpu.memory_space<hbm>> -> memref<128xi32, #tpu.memory_space<hbm>>
      tpu.enqueue_dma source(%dma_start3A_289 : memref<128xi32, #tpu.memory_space<hbm>>) target(%arg12 : memref<128xi32, #tpu.memory_space<vmem>>) target_semaphore(%run_scoped3A : memref<!tpu.dma_semaphore, #tpu.memory_space<semaphore_mem>>)
      %dma_wait3A_290 = tpu.memref_slice %arg5[%add3A_84] : memref<32768xi32, #tpu.memory_space<hbm>> -> memref<128xi32, #tpu.memory_space<hbm>>
      %dma_wait3A_291 = tpu.memref_slice %arg5[%add3A_84] : memref<32768xi32, #tpu.memory_space<hbm>> -> memref<128xi32, #tpu.memory_space<hbm>>
      tpu.wait_dma2 semaphore(%run_scoped3A : memref<!tpu.dma_semaphore, #tpu.memory_space<semaphore_mem>>) src(%dma_wait3A_291 : memref<128xi32, #tpu.memory_space<hbm>>) dst(%arg12 : memref<128xi32, #tpu.memory_space<vmem>>)
      tpu.yield
    }) : () -> ()
    %dma_start3A_85 = arith.constant 0 : i32
    %dma_start3A_86 = arith.constant 0 : i32
    %dma_start3A_87 = tpu.memref_slice %arg2[%dma_start3A_85, %dma_start3A_86] : memref<8192x128xf32, #tpu.memory_space<hbm>> -> memref<8192x128xf32, #tpu.memory_space<hbm>>
    tpu.enqueue_indirect_dma source(%dma_start3A_87 : memref<8192x128xf32, #tpu.memory_space<hbm>>) target(%arg16 : memref<128x128xf32, #tpu.memory_space<vmem>>) offsets(%arg10 : memref<128xi32, #tpu.memory_space<vmem>>) semaphore(%arg20 : memref<!tpu.dma_semaphore, #tpu.memory_space<semaphore_mem>>)
    %dma_start3A_88 = arith.constant 0 : i32
    %dma_start3A_89 = arith.constant 0 : i32
    %dma_start3A_90 = tpu.memref_slice %arg2[%dma_start3A_88, %dma_start3A_89] : memref<8192x128xf32, #tpu.memory_space<hbm>> -> memref<8192x128xf32, #tpu.memory_space<hbm>>
    tpu.enqueue_indirect_dma source(%dma_start3A_90 : memref<8192x128xf32, #tpu.memory_space<hbm>>) target(%arg17 : memref<128x128xf32, #tpu.memory_space<vmem>>) offsets(%arg11 : memref<128xi32, #tpu.memory_space<vmem>>) semaphore(%arg20 : memref<!tpu.dma_semaphore, #tpu.memory_space<semaphore_mem>>)
    %dma_start3A_91 = arith.constant 0 : i32
    %dma_start3A_92 = arith.constant 0 : i32
    %dma_start3A_93 = tpu.memref_slice %arg2[%dma_start3A_91, %dma_start3A_92] : memref<8192x128xf32, #tpu.memory_space<hbm>> -> memref<8192x128xf32, #tpu.memory_space<hbm>>
    tpu.enqueue_indirect_dma source(%dma_start3A_93 : memref<8192x128xf32, #tpu.memory_space<hbm>>) target(%arg18 : memref<128x128xf32, #tpu.memory_space<vmem>>) offsets(%arg12 : memref<128xi32, #tpu.memory_space<vmem>>) semaphore(%arg20 : memref<!tpu.dma_semaphore, #tpu.memory_space<semaphore_mem>>)
    %dma_wait3A_94 = arith.constant 0 : i32
    %dma_wait3A_95 = arith.constant 0 : i32
    %dma_wait3A_96 = tpu.memref_slice %arg2[%dma_wait3A_94, %dma_wait3A_95] : memref<8192x128xf32, #tpu.memory_space<hbm>> -> memref<8192x128xf32, #tpu.memory_space<hbm>>
    tpu.wait_indirect_dma semaphore(%arg19 : memref<!tpu.dma_semaphore, #tpu.memory_space<semaphore_mem>>) src(%dma_wait3A_96 : memref<8192x128xf32, #tpu.memory_space<hbm>>) dst(%arg13 : memref<128x128xf32, #tpu.memory_space<vmem>>)
    %dma_wait3A_97 = arith.constant 0 : i32
    %dma_wait3A_98 = arith.constant 0 : i32
    %dma_wait3A_99 = tpu.memref_slice %arg2[%dma_wait3A_97, %dma_wait3A_98] : memref<8192x128xf32, #tpu.memory_space<hbm>> -> memref<8192x128xf32, #tpu.memory_space<hbm>>
    tpu.wait_indirect_dma semaphore(%arg19 : memref<!tpu.dma_semaphore, #tpu.memory_space<semaphore_mem>>) src(%dma_wait3A_99 : memref<8192x128xf32, #tpu.memory_space<hbm>>) dst(%arg14 : memref<128x128xf32, #tpu.memory_space<vmem>>)
    %dma_wait3A_100 = arith.constant 0 : i32
    %dma_wait3A_101 = arith.constant 0 : i32
    %dma_wait3A_102 = tpu.memref_slice %arg2[%dma_wait3A_100, %dma_wait3A_101] : memref<8192x128xf32, #tpu.memory_space<hbm>> -> memref<8192x128xf32, #tpu.memory_space<hbm>>
    tpu.wait_indirect_dma semaphore(%arg19 : memref<!tpu.dma_semaphore, #tpu.memory_space<semaphore_mem>>) src(%dma_wait3A_102 : memref<8192x128xf32, #tpu.memory_space<hbm>>) dst(%arg15 : memref<128x128xf32, #tpu.memory_space<vmem>>)
    %scan3A_103 = arith.constant 0 : i32
    %scan3A_104 = arith.constant 0 : i32
    %scan3A_105 = arith.constant 64 : i32
    %scan3A_106 = arith.addi %scan3A_104, %scan3A_105 : i32
    %scan3A_107 = arith.constant 1 : i32
    scf.for %scan3A_288 = %scan3A_104 to %scan3A_106 step %scan3A_107  : i32 {
      %mul3A_289 = arith.constant 2 : i32
      %mul3A_290 = arith.muli %scan3A_288, %mul3A_289 : i32
      %add3A_291 = arith.constant 0 : i32
      %add3A_292 = arith.addi %mul3A_290, %add3A_291 : i32
      %get3A = arith.index_cast %add3A_292 : i32 to index
      %get3A_293 = arith.constant 0 : index
      %get3A_294 = tpu.vector_load %arg13[%get3A, %get3A_293] {strides = array<i32>} : memref<128x128xf32, #tpu.memory_space<vmem>>, vector<1x16xf32>,
      %get3A_295 = vector.shape_cast %get3A_294 : vector<1x16xf32> to vector<16xf32>
      %get3A_296 = arith.index_cast %add3A_292 : i32 to index
      %get3A_297 = arith.constant 0 : index
      %get3A_298 = tpu.vector_load %arg14[%get3A_296, %get3A_297] {strides = array<i32>} : memref<128x128xf32, #tpu.memory_space<vmem>>, vector<1x16xf32>,
      %get3A_299 = vector.shape_cast %get3A_298 : vector<1x16xf32> to vector<16xf32>
      %add3A_300 = arith.addf %get3A_295, %get3A_299 : vector<16xf32>
      %get3A_301 = arith.index_cast %add3A_292 : i32 to index
      %get3A_302 = arith.constant 0 : index
      %get3A_303 = tpu.vector_load %arg15[%get3A_301, %get3A_302] {strides = array<i32>} : memref<128x128xf32, #tpu.memory_space<vmem>>, vector<1x16xf32>,
      %get3A_304 = vector.shape_cast %get3A_303 : vector<1x16xf32> to vector<16xf32>
      %add3A_305 = arith.addf %add3A_300, %get3A_304 : vector<16xf32>
      %swap3A = arith.index_cast %add3A_292 : i32 to index
      %swap3A_306 = arith.constant 0 : index
      %swap3A_307 = tpu.vector_load %arg13[%swap3A, %swap3A_306] {strides = array<i32>} : memref<128x128xf32, #tpu.memory_space<vmem>>, vector<1x16xf32>,
      %swap3A_308 = vector.shape_cast %swap3A_307 : vector<1x16xf32> to vector<16xf32>
      %swap3A_309 = vector.shape_cast %add3A_305 : vector<16xf32> to vector<1x16xf32>
      tpu.vector_store %arg13[%swap3A, %swap3A_306], %swap3A_309 {strides = array<i32>} : memref<128x128xf32, #tpu.memory_space<vmem>>, vector<1x16xf32>,
      %get3A_310 = arith.index_cast %add3A_292 : i32 to index
      %get3A_311 = arith.constant 16 : index
      %get3A_312 = tpu.vector_load %arg13[%get3A_310, %get3A_311] {strides = array<i32>} : memref<128x128xf32, #tpu.memory_space<vmem>>, vector<1x16xf32>,
      %get3A_313 = vector.shape_cast %get3A_312 : vector<1x16xf32> to vector<16xf32>
      %get3A_314 = arith.index_cast %add3A_292 : i32 to index
      %get3A_315 = arith.constant 16 : index
      %get3A_316 = tpu.vector_load %arg14[%get3A_314, %get3A_315] {strides = array<i32>} : memref<128x128xf32, #tpu.memory_space<vmem>>, vector<1x16xf32>,
      %get3A_317 = vector.shape_cast %get3A_316 : vector<1x16xf32> to vector<16xf32>
      %add3A_318 = arith.addf %get3A_313, %get3A_317 : vector<16xf32>
      %get3A_319 = arith.index_cast %add3A_292 : i32 to index
      %get3A_320 = arith.constant 16 : index
      %get3A_321 = tpu.vector_load %arg15[%get3A_319, %get3A_320] {strides = array<i32>} : memref<128x128xf32, #tpu.memory_space<vmem>>, vector<1x16xf32>,
      %get3A_322 = vector.shape_cast %get3A_321 : vector<1x16xf32> to vector<16xf32>
      %add3A_323 = arith.addf %add3A_318, %get3A_322 : vector<16xf32>
      %swap3A_324 = arith.index_cast %add3A_292 : i32 to index
      %swap3A_325 = arith.constant 16 : index
      %swap3A_326 = tpu.vector_load %arg13[%swap3A_324, %swap3A_325] {strides = array<i32>} : memref<128x128xf32, #tpu.memory_space<vmem>>, vector<1x16xf32>,
      %swap3A_327 = vector.shape_cast %swap3A_326 : vector<1x16xf32> to vector<16xf32>
      %swap3A_328 = vector.shape_cast %add3A_323 : vector<16xf32> to vector<1x16xf32>
      tpu.vector_store %arg13[%swap3A_324, %swap3A_325], %swap3A_328 {strides = array<i32>} : memref<128x128xf32, #tpu.memory_space<vmem>>, vector<1x16xf32>,
      %get3A_329 = arith.index_cast %add3A_292 : i32 to index
      %get3A_330 = arith.constant 32 : index
      %get3A_331 = tpu.vector_load %arg13[%get3A_329, %get3A_330] {strides = array<i32>} : memref<128x128xf32, #tpu.memory_space<vmem>>, vector<1x16xf32>,
      %get3A_332 = vector.shape_cast %get3A_331 : vector<1x16xf32> to vector<16xf32>
      %get3A_333 = arith.index_cast %add3A_292 : i32 to index
      %get3A_334 = arith.constant 32 : index
      %get3A_335 = tpu.vector_load %arg14[%get3A_333, %get3A_334] {strides = array<i32>} : memref<128x128xf32, #tpu.memory_space<vmem>>, vector<1x16xf32>,
      %get3A_336 = vector.shape_cast %get3A_335 : vector<1x16xf32> to vector<16xf32>
      %add3A_337 = arith.addf %get3A_332, %get3A_336 : vector<16xf32>
      %get3A_338 = arith.index_cast %add3A_292 : i32 to index
      %get3A_339 = arith.constant 32 : index
      %get3A_340 = tpu.vector_load %arg15[%get3A_338, %get3A_339] {strides = array<i32>} : memref<128x128xf32, #tpu.memory_space<vmem>>, vector<1x16xf32>,
      %get3A_341 = vector.shape_cast %get3A_340 : vector<1x16xf32> to vector<16xf32>
      %add3A_342 = arith.addf %add3A_337, %get3A_341 : vector<16xf32>
      %swap3A_343 = arith.index_cast %add3A_292 : i32 to index
      %swap3A_344 = arith.constant 32 : index
      %swap3A_345 = tpu.vector_load %arg13[%swap3A_343, %swap3A_344] {strides = array<i32>} : memref<128x128xf32, #tpu.memory_space<vmem>>, vector<1x16xf32>,
      %swap3A_346 = vector.shape_cast %swap3A_345 : vector<1x16xf32> to vector<16xf32>
      %swap3A_347 = vector.shape_cast %add3A_342 : vector<16xf32> to vector<1x16xf32>
      tpu.vector_store %arg13[%swap3A_343, %swap3A_344], %swap3A_347 {strides = array<i32>} : memref<128x128xf32, #tpu.memory_space<vmem>>, vector<1x16xf32>,
      %get3A_348 = arith.index_cast %add3A_292 : i32 to index
      %get3A_349 = arith.constant 48 : index
      %get3A_350 = tpu.vector_load %arg13[%get3A_348, %get3A_349] {strides = array<i32>} : memref<128x128xf32, #tpu.memory_space<vmem>>, vector<1x16xf32>,
      %get3A_351 = vector.shape_cast %get3A_350 : vector<1x16xf32> to vector<16xf32>
      %get3A_352 = arith.index_cast %add3A_292 : i32 to index
      %get3A_353 = arith.constant 48 : index
      %get3A_354 = tpu.vector_load %arg14[%get3A_352, %get3A_353] {strides = array<i32>} : memref<128x128xf32, #tpu.memory_space<vmem>>, vector<1x16xf32>,
      %get3A_355 = vector.shape_cast %get3A_354 : vector<1x16xf32> to vector<16xf32>
      %add3A_356 = arith.addf %get3A_351, %get3A_355 : vector<16xf32>
      %get3A_357 = arith.index_cast %add3A_292 : i32 to index
      %get3A_358 = arith.constant 48 : index
      %get3A_359 = tpu.vector_load %arg15[%get3A_357, %get3A_358] {strides = array<i32>} : memref<128x128xf32, #tpu.memory_space<vmem>>, vector<1x16xf32>,
      %get3A_360 = vector.shape_cast %get3A_359 : vector<1x16xf32> to vector<16xf32>
      %add3A_361 = arith.addf %add3A_356, %get3A_360 : vector<16xf32>
      %swap3A_362 = arith.index_cast %add3A_292 : i32 to index
      %swap3A_363 = arith.constant 48 : index
      %swap3A_364 = tpu.vector_load %arg13[%swap3A_362, %swap3A_363] {strides = array<i32>} : memref<128x128xf32, #tpu.memory_space<vmem>>, vector<1x16xf32>,
      %swap3A_365 = vector.shape_cast %swap3A_364 : vector<1x16xf32> to vector<16xf32>
      %swap3A_366 = vector.shape_cast %add3A_361 : vector<16xf32> to vector<1x16xf32>
      tpu.vector_store %arg13[%swap3A_362, %swap3A_363], %swap3A_366 {strides = array<i32>} : memref<128x128xf32, #tpu.memory_space<vmem>>, vector<1x16xf32>,
      %get3A_367 = arith.index_cast %add3A_292 : i32 to index
      %get3A_368 = arith.constant 64 : index
      %get3A_369 = tpu.vector_load %arg13[%get3A_367, %get3A_368] {strides = array<i32>} : memref<128x128xf32, #tpu.memory_space<vmem>>, vector<1x16xf32>,
      %get3A_370 = vector.shape_cast %get3A_369 : vector<1x16xf32> to vector<16xf32>
      %get3A_371 = arith.index_cast %add3A_292 : i32 to index
      %get3A_372 = arith.constant 64 : index
      %get3A_373 = tpu.vector_load %arg14[%get3A_371, %get3A_372] {strides = array<i32>} : memref<128x128xf32, #tpu.memory_space<vmem>>, vector<1x16xf32>,
      %get3A_374 = vector.shape_cast %get3A_373 : vector<1x16xf32> to vector<16xf32>
      %add3A_375 = arith.addf %get3A_370, %get3A_374 : vector<16xf32>
      %get3A_376 = arith.index_cast %add3A_292 : i32 to index
      %get3A_377 = arith.constant 64 : index
      %get3A_378 = tpu.vector_load %arg15[%get3A_376, %get3A_377] {strides = array<i32>} : memref<128x128xf32, #tpu.memory_space<vmem>>, vector<1x16xf32>,
      %get3A_379 = vector.shape_cast %get3A_378 : vector<1x16xf32> to vector<16xf32>
      %add3A_380 = arith.addf %add3A_375, %get3A_379 : vector<16xf32>
      %swap3A_381 = arith.index_cast %add3A_292 : i32 to index
      %swap3A_382 = arith.constant 64 : index
      %swap3A_383 = tpu.vector_load %arg13[%swap3A_381, %swap3A_382] {strides = array<i32>} : memref<128x128xf32, #tpu.memory_space<vmem>>, vector<1x16xf32>,
      %swap3A_384 = vector.shape_cast %swap3A_383 : vector<1x16xf32> to vector<16xf32>
      %swap3A_385 = vector.shape_cast %add3A_380 : vector<16xf32> to vector<1x16xf32>
      tpu.vector_store %arg13[%swap3A_381, %swap3A_382], %swap3A_385 {strides = array<i32>} : memref<128x128xf32, #tpu.memory_space<vmem>>, vector<1x16xf32>,
      %get3A_386 = arith.index_cast %add3A_292 : i32 to index
      %get3A_387 = arith.constant 80 : index
      %get3A_388 = tpu.vector_load %arg13[%get3A_386, %get3A_387] {strides = array<i32>} : memref<128x128xf32, #tpu.memory_space<vmem>>, vector<1x16xf32>,
      %get3A_389 = vector.shape_cast %get3A_388 : vector<1x16xf32> to vector<16xf32>
      %get3A_390 = arith.index_cast %add3A_292 : i32 to index
      %get3A_391 = arith.constant 80 : index
      %get3A_392 = tpu.vector_load %arg14[%get3A_390, %get3A_391] {strides = array<i32>} : memref<128x128xf32, #tpu.memory_space<vmem>>, vector<1x16xf32>,
      %get3A_393 = vector.shape_cast %get3A_392 : vector<1x16xf32> to vector<16xf32>
      %add3A_394 = arith.addf %get3A_389, %get3A_393 : vector<16xf32>
      %get3A_395 = arith.index_cast %add3A_292 : i32 to index
      %get3A_396 = arith.constant 80 : index
      %get3A_397 = tpu.vector_load %arg15[%get3A_395, %get3A_396] {strides = array<i32>} : memref<128x128xf32, #tpu.memory_space<vmem>>, vector<1x16xf32>,
      %get3A_398 = vector.shape_cast %get3A_397 : vector<1x16xf32> to vector<16xf32>
      %add3A_399 = arith.addf %add3A_394, %get3A_398 : vector<16xf32>
      %swap3A_400 = arith.index_cast %add3A_292 : i32 to index
      %swap3A_401 = arith.constant 80 : index
      %swap3A_402 = tpu.vector_load %arg13[%swap3A_400, %swap3A_401] {strides = array<i32>} : memref<128x128xf32, #tpu.memory_space<vmem>>, vector<1x16xf32>,
      %swap3A_403 = vector.shape_cast %swap3A_402 : vector<1x16xf32> to vector<16xf32>
      %swap3A_404 = vector.shape_cast %add3A_399 : vector<16xf32> to vector<1x16xf32>
      tpu.vector_store %arg13[%swap3A_400, %swap3A_401], %swap3A_404 {strides = array<i32>} : memref<128x128xf32, #tpu.memory_space<vmem>>, vector<1x16xf32>,
      %get3A_405 = arith.index_cast %add3A_292 : i32 to index
      %get3A_406 = arith.constant 96 : index
      %get3A_407 = tpu.vector_load %arg13[%get3A_405, %get3A_406] {strides = array<i32>} : memref<128x128xf32, #tpu.memory_space<vmem>>, vector<1x16xf32>,
      %get3A_408 = vector.shape_cast %get3A_407 : vector<1x16xf32> to vector<16xf32>
      %get3A_409 = arith.index_cast %add3A_292 : i32 to index
      %get3A_410 = arith.constant 96 : index
      %get3A_411 = tpu.vector_load %arg14[%get3A_409, %get3A_410] {strides = array<i32>} : memref<128x128xf32, #tpu.memory_space<vmem>>, vector<1x16xf32>,
      %get3A_412 = vector.shape_cast %get3A_411 : vector<1x16xf32> to vector<16xf32>
      %add3A_413 = arith.addf %get3A_408, %get3A_412 : vector<16xf32>
      %get3A_414 = arith.index_cast %add3A_292 : i32 to index
      %get3A_415 = arith.constant 96 : index
      %get3A_416 = tpu.vector_load %arg15[%get3A_414, %get3A_415] {strides = array<i32>} : memref<128x128xf32, #tpu.memory_space<vmem>>, vector<1x16xf32>,
      %get3A_417 = vector.shape_cast %get3A_416 : vector<1x16xf32> to vector<16xf32>
      %add3A_418 = arith.addf %add3A_413, %get3A_417 : vector<16xf32>
      %swap3A_419 = arith.index_cast %add3A_292 : i32 to index
      %swap3A_420 = arith.constant 96 : index
      %swap3A_421 = tpu.vector_load %arg13[%swap3A_419, %swap3A_420] {strides = array<i32>} : memref<128x128xf32, #tpu.memory_space<vmem>>, vector<1x16xf32>,
      %swap3A_422 = vector.shape_cast %swap3A_421 : vector<1x16xf32> to vector<16xf32>
      %swap3A_423 = vector.shape_cast %add3A_418 : vector<16xf32> to vector<1x16xf32>
      tpu.vector_store %arg13[%swap3A_419, %swap3A_420], %swap3A_423 {strides = array<i32>} : memref<128x128xf32, #tpu.memory_space<vmem>>, vector<1x16xf32>,
      %get3A_424 = arith.index_cast %add3A_292 : i32 to index
      %get3A_425 = arith.constant 112 : index
      %get3A_426 = tpu.vector_load %arg13[%get3A_424, %get3A_425] {strides = array<i32>} : memref<128x128xf32, #tpu.memory_space<vmem>>, vector<1x16xf32>,
      %get3A_427 = vector.shape_cast %get3A_426 : vector<1x16xf32> to vector<16xf32>
      %get3A_428 = arith.index_cast %add3A_292 : i32 to index
      %get3A_429 = arith.constant 112 : index
      %get3A_430 = tpu.vector_load %arg14[%get3A_428, %get3A_429] {strides = array<i32>} : memref<128x128xf32, #tpu.memory_space<vmem>>, vector<1x16xf32>,
      %get3A_431 = vector.shape_cast %get3A_430 : vector<1x16xf32> to vector<16xf32>
      %add3A_432 = arith.addf %get3A_427, %get3A_431 : vector<16xf32>
      %get3A_433 = arith.index_cast %add3A_292 : i32 to index
      %get3A_434 = arith.constant 112 : index
      %get3A_435 = tpu.vector_load %arg15[%get3A_433, %get3A_434] {strides = array<i32>} : memref<128x128xf32, #tpu.memory_space<vmem>>, vector<1x16xf32>,
      %get3A_436 = vector.shape_cast %get3A_435 : vector<1x16xf32> to vector<16xf32>
      %add3A_437 = arith.addf %add3A_432, %get3A_436 : vector<16xf32>
      %swap3A_438 = arith.index_cast %add3A_292 : i32 to index
      %swap3A_439 = arith.constant 112 : index
      %swap3A_440 = tpu.vector_load %arg13[%swap3A_438, %swap3A_439] {strides = array<i32>} : memref<128x128xf32, #tpu.memory_space<vmem>>, vector<1x16xf32>,
      %swap3A_441 = vector.shape_cast %swap3A_440 : vector<1x16xf32> to vector<16xf32>
      %swap3A_442 = vector.shape_cast %add3A_437 : vector<16xf32> to vector<1x16xf32>
      tpu.vector_store %arg13[%swap3A_438, %swap3A_439], %swap3A_442 {strides = array<i32>} : memref<128x128xf32, #tpu.memory_space<vmem>>, vector<1x16xf32>,
      %mul3A_443 = arith.constant 2 : i32
      %mul3A_444 = arith.muli %scan3A_288, %mul3A_443 : i32
      %add3A_445 = arith.constant 1 : i32
      %add3A_446 = arith.addi %mul3A_444, %add3A_445 : i32
      %get3A_447 = arith.index_cast %add3A_446 : i32 to index
      %get3A_448 = arith.constant 0 : index
      %get3A_449 = tpu.vector_load %arg13[%get3A_447, %get3A_448] {strides = array<i32>} : memref<128x128xf32, #tpu.memory_space<vmem>>, vector<1x16xf32>,
      %get3A_450 = vector.shape_cast %get3A_449 : vector<1x16xf32> to vector<16xf32>
      %get3A_451 = arith.index_cast %add3A_446 : i32 to index
      %get3A_452 = arith.constant 0 : index
      %get3A_453 = tpu.vector_load %arg14[%get3A_451, %get3A_452] {strides = array<i32>} : memref<128x128xf32, #tpu.memory_space<vmem>>, vector<1x16xf32>,
      %get3A_454 = vector.shape_cast %get3A_453 : vector<1x16xf32> to vector<16xf32>
      %add3A_455 = arith.addf %get3A_450, %get3A_454 : vector<16xf32>
      %get3A_456 = arith.index_cast %add3A_446 : i32 to index
      %get3A_457 = arith.constant 0 : index
      %get3A_458 = tpu.vector_load %arg15[%get3A_456, %get3A_457] {strides = array<i32>} : memref<128x128xf32, #tpu.memory_space<vmem>>, vector<1x16xf32>,
      %get3A_459 = vector.shape_cast %get3A_458 : vector<1x16xf32> to vector<16xf32>
      %add3A_460 = arith.addf %add3A_455, %get3A_459 : vector<16xf32>
      %swap3A_461 = arith.index_cast %add3A_446 : i32 to index
      %swap3A_462 = arith.constant 0 : index
      %swap3A_463 = tpu.vector_load %arg13[%swap3A_461, %swap3A_462] {strides = array<i32>} : memref<128x128xf32, #tpu.memory_space<vmem>>, vector<1x16xf32>,
      %swap3A_464 = vector.shape_cast %swap3A_463 : vector<1x16xf32> to vector<16xf32>
      %swap3A_465 = vector.shape_cast %add3A_460 : vector<16xf32> to vector<1x16xf32>
      tpu.vector_store %arg13[%swap3A_461, %swap3A_462], %swap3A_465 {strides = array<i32>} : memref<128x128xf32, #tpu.memory_space<vmem>>, vector<1x16xf32>,
      %get3A_466 = arith.index_cast %add3A_446 : i32 to index
      %get3A_467 = arith.constant 16 : index
      %get3A_468 = tpu.vector_load %arg13[%get3A_466, %get3A_467] {strides = array<i32>} : memref<128x128xf32, #tpu.memory_space<vmem>>, vector<1x16xf32>,
      %get3A_469 = vector.shape_cast %get3A_468 : vector<1x16xf32> to vector<16xf32>
      %get3A_470 = arith.index_cast %add3A_446 : i32 to index
      %get3A_471 = arith.constant 16 : index
      %get3A_472 = tpu.vector_load %arg14[%get3A_470, %get3A_471] {strides = array<i32>} : memref<128x128xf32, #tpu.memory_space<vmem>>, vector<1x16xf32>,
      %get3A_473 = vector.shape_cast %get3A_472 : vector<1x16xf32> to vector<16xf32>
      %add3A_474 = arith.addf %get3A_469, %get3A_473 : vector<16xf32>
      %get3A_475 = arith.index_cast %add3A_446 : i32 to index
      %get3A_476 = arith.constant 16 : index
      %get3A_477 = tpu.vector_load %arg15[%get3A_475, %get3A_476] {strides = array<i32>} : memref<128x128xf32, #tpu.memory_space<vmem>>, vector<1x16xf32>,
      %get3A_478 = vector.shape_cast %get3A_477 : vector<1x16xf32> to vector<16xf32>
      %add3A_479 = arith.addf %add3A_474, %get3A_478 : vector<16xf32>
      %swap3A_480 = arith.index_cast %add3A_446 : i32 to index
      %swap3A_481 = arith.constant 16 : index
      %swap3A_482 = tpu.vector_load %arg13[%swap3A_480, %swap3A_481] {strides = array<i32>} : memref<128x128xf32, #tpu.memory_space<vmem>>, vector<1x16xf32>,
      %swap3A_483 = vector.shape_cast %swap3A_482 : vector<1x16xf32> to vector<16xf32>
      %swap3A_484 = vector.shape_cast %add3A_479 : vector<16xf32> to vector<1x16xf32>
      tpu.vector_store %arg13[%swap3A_480, %swap3A_481], %swap3A_484 {strides = array<i32>} : memref<128x128xf32, #tpu.memory_space<vmem>>, vector<1x16xf32>,
      %get3A_485 = arith.index_cast %add3A_446 : i32 to index
      %get3A_486 = arith.constant 32 : index
      %get3A_487 = tpu.vector_load %arg13[%get3A_485, %get3A_486] {strides = array<i32>} : memref<128x128xf32, #tpu.memory_space<vmem>>, vector<1x16xf32>,
      %get3A_488 = vector.shape_cast %get3A_487 : vector<1x16xf32> to vector<16xf32>
      %get3A_489 = arith.index_cast %add3A_446 : i32 to index
      %get3A_490 = arith.constant 32 : index
      %get3A_491 = tpu.vector_load %arg14[%get3A_489, %get3A_490] {strides = array<i32>} : memref<128x128xf32, #tpu.memory_space<vmem>>, vector<1x16xf32>,
      %get3A_492 = vector.shape_cast %get3A_491 : vector<1x16xf32> to vector<16xf32>
      %add3A_493 = arith.addf %get3A_488, %get3A_492 : vector<16xf32>
      %get3A_494 = arith.index_cast %add3A_446 : i32 to index
      %get3A_495 = arith.constant 32 : index
      %get3A_496 = tpu.vector_load %arg15[%get3A_494, %get3A_495] {strides = array<i32>} : memref<128x128xf32, #tpu.memory_space<vmem>>, vector<1x16xf32>,
      %get3A_497 = vector.shape_cast %get3A_496 : vector<1x16xf32> to vector<16xf32>
      %add3A_498 = arith.addf %add3A_493, %get3A_497 : vector<16xf32>
      %swap3A_499 = arith.index_cast %add3A_446 : i32 to index
      %swap3A_500 = arith.constant 32 : index
      %swap3A_501 = tpu.vector_load %arg13[%swap3A_499, %swap3A_500] {strides = array<i32>} : memref<128x128xf32, #tpu.memory_space<vmem>>, vector<1x16xf32>,
      %swap3A_502 = vector.shape_cast %swap3A_501 : vector<1x16xf32> to vector<16xf32>
      %swap3A_503 = vector.shape_cast %add3A_498 : vector<16xf32> to vector<1x16xf32>
      tpu.vector_store %arg13[%swap3A_499, %swap3A_500], %swap3A_503 {strides = array<i32>} : memref<128x128xf32, #tpu.memory_space<vmem>>, vector<1x16xf32>,
      %get3A_504 = arith.index_cast %add3A_446 : i32 to index
      %get3A_505 = arith.constant 48 : index
      %get3A_506 = tpu.vector_load %arg13[%get3A_504, %get3A_505] {strides = array<i32>} : memref<128x128xf32, #tpu.memory_space<vmem>>, vector<1x16xf32>,
      %get3A_507 = vector.shape_cast %get3A_506 : vector<1x16xf32> to vector<16xf32>
      %get3A_508 = arith.index_cast %add3A_446 : i32 to index
      %get3A_509 = arith.constant 48 : index
      %get3A_510 = tpu.vector_load %arg14[%get3A_508, %get3A_509] {strides = array<i32>} : memref<128x128xf32, #tpu.memory_space<vmem>>, vector<1x16xf32>,
      %get3A_511 = vector.shape_cast %get3A_510 : vector<1x16xf32> to vector<16xf32>
      %add3A_512 = arith.addf %get3A_507, %get3A_511 : vector<16xf32>
      %get3A_513 = arith.index_cast %add3A_446 : i32 to index
      %get3A_514 = arith.constant 48 : index
      %get3A_515 = tpu.vector_load %arg15[%get3A_513, %get3A_514] {strides = array<i32>} : memref<128x128xf32, #tpu.memory_space<vmem>>, vector<1x16xf32>,
      %get3A_516 = vector.shape_cast %get3A_515 : vector<1x16xf32> to vector<16xf32>
      %add3A_517 = arith.addf %add3A_512, %get3A_516 : vector<16xf32>
      %swap3A_518 = arith.index_cast %add3A_446 : i32 to index
      %swap3A_519 = arith.constant 48 : index
      %swap3A_520 = tpu.vector_load %arg13[%swap3A_518, %swap3A_519] {strides = array<i32>} : memref<128x128xf32, #tpu.memory_space<vmem>>, vector<1x16xf32>,
      %swap3A_521 = vector.shape_cast %swap3A_520 : vector<1x16xf32> to vector<16xf32>
      %swap3A_522 = vector.shape_cast %add3A_517 : vector<16xf32> to vector<1x16xf32>
      tpu.vector_store %arg13[%swap3A_518, %swap3A_519], %swap3A_522 {strides = array<i32>} : memref<128x128xf32, #tpu.memory_space<vmem>>, vector<1x16xf32>,
      %get3A_523 = arith.index_cast %add3A_446 : i32 to index
      %get3A_524 = arith.constant 64 : index
      %get3A_525 = tpu.vector_load %arg13[%get3A_523, %get3A_524] {strides = array<i32>} : memref<128x128xf32, #tpu.memory_space<vmem>>, vector<1x16xf32>,
      %get3A_526 = vector.shape_cast %get3A_525 : vector<1x16xf32> to vector<16xf32>
      %get3A_527 = arith.index_cast %add3A_446 : i32 to index
      %get3A_528 = arith.constant 64 : index
      %get3A_529 = tpu.vector_load %arg14[%get3A_527, %get3A_528] {strides = array<i32>} : memref<128x128xf32, #tpu.memory_space<vmem>>, vector<1x16xf32>,
      %get3A_530 = vector.shape_cast %get3A_529 : vector<1x16xf32> to vector<16xf32>
      %add3A_531 = arith.addf %get3A_526, %get3A_530 : vector<16xf32>
      %get3A_532 = arith.index_cast %add3A_446 : i32 to index
      %get3A_533 = arith.constant 64 : index
      %get3A_534 = tpu.vector_load %arg15[%get3A_532, %get3A_533] {strides = array<i32>} : memref<128x128xf32, #tpu.memory_space<vmem>>, vector<1x16xf32>,
      %get3A_535 = vector.shape_cast %get3A_534 : vector<1x16xf32> to vector<16xf32>
      %add3A_536 = arith.addf %add3A_531, %get3A_535 : vector<16xf32>
      %swap3A_537 = arith.index_cast %add3A_446 : i32 to index
      %swap3A_538 = arith.constant 64 : index
      %swap3A_539 = tpu.vector_load %arg13[%swap3A_537, %swap3A_538] {strides = array<i32>} : memref<128x128xf32, #tpu.memory_space<vmem>>, vector<1x16xf32>,
      %swap3A_540 = vector.shape_cast %swap3A_539 : vector<1x16xf32> to vector<16xf32>
      %swap3A_541 = vector.shape_cast %add3A_536 : vector<16xf32> to vector<1x16xf32>
      tpu.vector_store %arg13[%swap3A_537, %swap3A_538], %swap3A_541 {strides = array<i32>} : memref<128x128xf32, #tpu.memory_space<vmem>>, vector<1x16xf32>,
      %get3A_542 = arith.index_cast %add3A_446 : i32 to index
      %get3A_543 = arith.constant 80 : index
      %get3A_544 = tpu.vector_load %arg13[%get3A_542, %get3A_543] {strides = array<i32>} : memref<128x128xf32, #tpu.memory_space<vmem>>, vector<1x16xf32>,
      %get3A_545 = vector.shape_cast %get3A_544 : vector<1x16xf32> to vector<16xf32>
      %get3A_546 = arith.index_cast %add3A_446 : i32 to index
      %get3A_547 = arith.constant 80 : index
      %get3A_548 = tpu.vector_load %arg14[%get3A_546, %get3A_547] {strides = array<i32>} : memref<128x128xf32, #tpu.memory_space<vmem>>, vector<1x16xf32>,
      %get3A_549 = vector.shape_cast %get3A_548 : vector<1x16xf32> to vector<16xf32>
      %add3A_550 = arith.addf %get3A_545, %get3A_549 : vector<16xf32>
      %get3A_551 = arith.index_cast %add3A_446 : i32 to index
      %get3A_552 = arith.constant 80 : index
      %get3A_553 = tpu.vector_load %arg15[%get3A_551, %get3A_552] {strides = array<i32>} : memref<128x128xf32, #tpu.memory_space<vmem>>, vector<1x16xf32>,
      %get3A_554 = vector.shape_cast %get3A_553 : vector<1x16xf32> to vector<16xf32>
      %add3A_555 = arith.addf %add3A_550, %get3A_554 : vector<16xf32>
      %swap3A_556 = arith.index_cast %add3A_446 : i32 to index
      %swap3A_557 = arith.constant 80 : index
      %swap3A_558 = tpu.vector_load %arg13[%swap3A_556, %swap3A_557] {strides = array<i32>} : memref<128x128xf32, #tpu.memory_space<vmem>>, vector<1x16xf32>,
      %swap3A_559 = vector.shape_cast %swap3A_558 : vector<1x16xf32> to vector<16xf32>
      %swap3A_560 = vector.shape_cast %add3A_555 : vector<16xf32> to vector<1x16xf32>
      tpu.vector_store %arg13[%swap3A_556, %swap3A_557], %swap3A_560 {strides = array<i32>} : memref<128x128xf32, #tpu.memory_space<vmem>>, vector<1x16xf32>,
      %get3A_561 = arith.index_cast %add3A_446 : i32 to index
      %get3A_562 = arith.constant 96 : index
      %get3A_563 = tpu.vector_load %arg13[%get3A_561, %get3A_562] {strides = array<i32>} : memref<128x128xf32, #tpu.memory_space<vmem>>, vector<1x16xf32>,
      %get3A_564 = vector.shape_cast %get3A_563 : vector<1x16xf32> to vector<16xf32>
      %get3A_565 = arith.index_cast %add3A_446 : i32 to index
      %get3A_566 = arith.constant 96 : index
      %get3A_567 = tpu.vector_load %arg14[%get3A_565, %get3A_566] {strides = array<i32>} : memref<128x128xf32, #tpu.memory_space<vmem>>, vector<1x16xf32>,
      %get3A_568 = vector.shape_cast %get3A_567 : vector<1x16xf32> to vector<16xf32>
      %add3A_569 = arith.addf %get3A_564, %get3A_568 : vector<16xf32>
      %get3A_570 = arith.index_cast %add3A_446 : i32 to index
      %get3A_571 = arith.constant 96 : index
      %get3A_572 = tpu.vector_load %arg15[%get3A_570, %get3A_571] {strides = array<i32>} : memref<128x128xf32, #tpu.memory_space<vmem>>, vector<1x16xf32>,
      %get3A_573 = vector.shape_cast %get3A_572 : vector<1x16xf32> to vector<16xf32>
      %add3A_574 = arith.addf %add3A_569, %get3A_573 : vector<16xf32>
      %swap3A_575 = arith.index_cast %add3A_446 : i32 to index
      %swap3A_576 = arith.constant 96 : index
      %swap3A_577 = tpu.vector_load %arg13[%swap3A_575, %swap3A_576] {strides = array<i32>} : memref<128x128xf32, #tpu.memory_space<vmem>>, vector<1x16xf32>,
      %swap3A_578 = vector.shape_cast %swap3A_577 : vector<1x16xf32> to vector<16xf32>
      %swap3A_579 = vector.shape_cast %add3A_574 : vector<16xf32> to vector<1x16xf32>
      tpu.vector_store %arg13[%swap3A_575, %swap3A_576], %swap3A_579 {strides = array<i32>} : memref<128x128xf32, #tpu.memory_space<vmem>>, vector<1x16xf32>,
      %get3A_580 = arith.index_cast %add3A_446 : i32 to index
      %get3A_581 = arith.constant 112 : index
      %get3A_582 = tpu.vector_load %arg13[%get3A_580, %get3A_581] {strides = array<i32>} : memref<128x128xf32, #tpu.memory_space<vmem>>, vector<1x16xf32>,
      %get3A_583 = vector.shape_cast %get3A_582 : vector<1x16xf32> to vector<16xf32>
      %get3A_584 = arith.index_cast %add3A_446 : i32 to index
      %get3A_585 = arith.constant 112 : index
      %get3A_586 = tpu.vector_load %arg14[%get3A_584, %get3A_585] {strides = array<i32>} : memref<128x128xf32, #tpu.memory_space<vmem>>, vector<1x16xf32>,
      %get3A_587 = vector.shape_cast %get3A_586 : vector<1x16xf32> to vector<16xf32>
      %add3A_588 = arith.addf %get3A_583, %get3A_587 : vector<16xf32>
      %get3A_589 = arith.index_cast %add3A_446 : i32 to index
      %get3A_590 = arith.constant 112 : index
      %get3A_591 = tpu.vector_load %arg15[%get3A_589, %get3A_590] {strides = array<i32>} : memref<128x128xf32, #tpu.memory_space<vmem>>, vector<1x16xf32>,
      %get3A_592 = vector.shape_cast %get3A_591 : vector<1x16xf32> to vector<16xf32>
      %add3A_593 = arith.addf %add3A_588, %get3A_592 : vector<16xf32>
      %swap3A_594 = arith.index_cast %add3A_446 : i32 to index
      %swap3A_595 = arith.constant 112 : index
      %swap3A_596 = tpu.vector_load %arg13[%swap3A_594, %swap3A_595] {strides = array<i32>} : memref<128x128xf32, #tpu.memory_space<vmem>>, vector<1x16xf32>,
      %swap3A_597 = vector.shape_cast %swap3A_596 : vector<1x16xf32> to vector<16xf32>
      %swap3A_598 = vector.shape_cast %add3A_593 : vector<16xf32> to vector<1x16xf32>
      tpu.vector_store %arg13[%swap3A_594, %swap3A_595], %swap3A_598 {strides = array<i32>} : memref<128x128xf32, #tpu.memory_space<vmem>>, vector<1x16xf32>,
    }
    %scan3A_108 = arith.constant 64 : i32
    %add3A_109 = arith.constant 256 : i32
    %add3A_110 = arith.addi %mul3A_2, %add3A_109 : i32
    %dma_start3A_111 = arith.constant 0 : i32
    %dma_start3A_112 = tpu.memref_slice %arg6[%add3A_110, %dma_start3A_111] : memref<32768x128xf32, #tpu.memory_space<hbm>> -> memref<128x128xf32, #tpu.memory_space<hbm>>
    %dma_start3A_113 = arith.constant 0 : i32
    %dma_start3A_114 = tpu.memref_slice %arg6[%add3A_110, %dma_start3A_113] : memref<32768x128xf32, #tpu.memory_space<hbm>> -> memref<128x128xf32, #tpu.memory_space<hbm>>
    tpu.enqueue_dma source(%arg13 : memref<128x128xf32, #tpu.memory_space<vmem>>) target(%dma_start3A_114 : memref<128x128xf32, #tpu.memory_space<hbm>>) target_semaphore(%arg21 : memref<!tpu.dma_semaphore, #tpu.memory_space<semaphore_mem>>)
    %dma_wait3A_115 = arith.constant 0 : i32
    %dma_wait3A_116 = tpu.memref_slice %arg6[%add3A_110, %dma_wait3A_115] : memref<32768x128xf32, #tpu.memory_space<hbm>> -> memref<128x128xf32, #tpu.memory_space<hbm>>
    %dma_wait3A_117 = arith.constant 0 : i32
    %dma_wait3A_118 = tpu.memref_slice %arg6[%add3A_110, %dma_wait3A_117] : memref<32768x128xf32, #tpu.memory_space<hbm>> -> memref<128x128xf32, #tpu.memory_space<hbm>>
    tpu.wait_dma2 semaphore(%arg21 : memref<!tpu.dma_semaphore, #tpu.memory_space<semaphore_mem>>) src(%arg13 : memref<128x128xf32, #tpu.memory_space<vmem>>) dst(%dma_wait3A_118 : memref<128x128xf32, #tpu.memory_space<hbm>>)
    %add3A_119 = arith.constant 512 : i32
    %add3A_120 = arith.addi %mul3A_2, %add3A_119 : i32
    "tpu.region"() ({
      %run_scoped3A = tpu.sem_alloc : memref<!tpu.dma_semaphore, #tpu.memory_space<semaphore_mem>>
      %dma_start3A_288 = tpu.memref_slice %arg3[%add3A_120] : memref<32768xi32, #tpu.memory_space<hbm>> -> memref<128xi32, #tpu.memory_space<hbm>>
      %dma_start3A_289 = tpu.memref_slice %arg3[%add3A_120] : memref<32768xi32, #tpu.memory_space<hbm>> -> memref<128xi32, #tpu.memory_space<hbm>>
      tpu.enqueue_dma source(%dma_start3A_289 : memref<128xi32, #tpu.memory_space<hbm>>) target(%arg7 : memref<128xi32, #tpu.memory_space<vmem>>) target_semaphore(%run_scoped3A : memref<!tpu.dma_semaphore, #tpu.memory_space<semaphore_mem>>)
      %dma_wait3A_290 = tpu.memref_slice %arg3[%add3A_120] : memref<32768xi32, #tpu.memory_space<hbm>> -> memref<128xi32, #tpu.memory_space<hbm>>
      %dma_wait3A_291 = tpu.memref_slice %arg3[%add3A_120] : memref<32768xi32, #tpu.memory_space<hbm>> -> memref<128xi32, #tpu.memory_space<hbm>>
      tpu.wait_dma2 semaphore(%run_scoped3A : memref<!tpu.dma_semaphore, #tpu.memory_space<semaphore_mem>>) src(%dma_wait3A_291 : memref<128xi32, #tpu.memory_space<hbm>>) dst(%arg7 : memref<128xi32, #tpu.memory_space<vmem>>)
      tpu.yield
    }) : () -> ()
    "tpu.region"() ({
      %run_scoped3A = tpu.sem_alloc : memref<!tpu.dma_semaphore, #tpu.memory_space<semaphore_mem>>
      %dma_start3A_288 = tpu.memref_slice %arg4[%add3A_120] : memref<32768xi32, #tpu.memory_space<hbm>> -> memref<128xi32, #tpu.memory_space<hbm>>
      %dma_start3A_289 = tpu.memref_slice %arg4[%add3A_120] : memref<32768xi32, #tpu.memory_space<hbm>> -> memref<128xi32, #tpu.memory_space<hbm>>
      tpu.enqueue_dma source(%dma_start3A_289 : memref<128xi32, #tpu.memory_space<hbm>>) target(%arg8 : memref<128xi32, #tpu.memory_space<vmem>>) target_semaphore(%run_scoped3A : memref<!tpu.dma_semaphore, #tpu.memory_space<semaphore_mem>>)
      %dma_wait3A_290 = tpu.memref_slice %arg4[%add3A_120] : memref<32768xi32, #tpu.memory_space<hbm>> -> memref<128xi32, #tpu.memory_space<hbm>>
      %dma_wait3A_291 = tpu.memref_slice %arg4[%add3A_120] : memref<32768xi32, #tpu.memory_space<hbm>> -> memref<128xi32, #tpu.memory_space<hbm>>
      tpu.wait_dma2 semaphore(%run_scoped3A : memref<!tpu.dma_semaphore, #tpu.memory_space<semaphore_mem>>) src(%dma_wait3A_291 : memref<128xi32, #tpu.memory_space<hbm>>) dst(%arg8 : memref<128xi32, #tpu.memory_space<vmem>>)
      tpu.yield
    }) : () -> ()
    "tpu.region"() ({
      %run_scoped3A = tpu.sem_alloc : memref<!tpu.dma_semaphore, #tpu.memory_space<semaphore_mem>>
      %dma_start3A_288 = tpu.memref_slice %arg5[%add3A_120] : memref<32768xi32, #tpu.memory_space<hbm>> -> memref<128xi32, #tpu.memory_space<hbm>>
      %dma_start3A_289 = tpu.memref_slice %arg5[%add3A_120] : memref<32768xi32, #tpu.memory_space<hbm>> -> memref<128xi32, #tpu.memory_space<hbm>>
      tpu.enqueue_dma source(%dma_start3A_289 : memref<128xi32, #tpu.memory_space<hbm>>) target(%arg9 : memref<128xi32, #tpu.memory_space<vmem>>) target_semaphore(%run_scoped3A : memref<!tpu.dma_semaphore, #tpu.memory_space<semaphore_mem>>)
      %dma_wait3A_290 = tpu.memref_slice %arg5[%add3A_120] : memref<32768xi32, #tpu.memory_space<hbm>> -> memref<128xi32, #tpu.memory_space<hbm>>
      %dma_wait3A_291 = tpu.memref_slice %arg5[%add3A_120] : memref<32768xi32, #tpu.memory_space<hbm>> -> memref<128xi32, #tpu.memory_space<hbm>>
      tpu.wait_dma2 semaphore(%run_scoped3A : memref<!tpu.dma_semaphore, #tpu.memory_space<semaphore_mem>>) src(%dma_wait3A_291 : memref<128xi32, #tpu.memory_space<hbm>>) dst(%arg9 : memref<128xi32, #tpu.memory_space<vmem>>)
      tpu.yield
    }) : () -> ()
    %dma_start3A_121 = arith.constant 0 : i32
    %dma_start3A_122 = arith.constant 0 : i32
    %dma_start3A_123 = tpu.memref_slice %arg2[%dma_start3A_121, %dma_start3A_122] : memref<8192x128xf32, #tpu.memory_space<hbm>> -> memref<8192x128xf32, #tpu.memory_space<hbm>>
    tpu.enqueue_indirect_dma source(%dma_start3A_123 : memref<8192x128xf32, #tpu.memory_space<hbm>>) target(%arg13 : memref<128x128xf32, #tpu.memory_space<vmem>>) offsets(%arg7 : memref<128xi32, #tpu.memory_space<vmem>>) semaphore(%arg19 : memref<!tpu.dma_semaphore, #tpu.memory_space<semaphore_mem>>)
    %dma_start3A_124 = arith.constant 0 : i32
    %dma_start3A_125 = arith.constant 0 : i32
    %dma_start3A_126 = tpu.memref_slice %arg2[%dma_start3A_124, %dma_start3A_125] : memref<8192x128xf32, #tpu.memory_space<hbm>> -> memref<8192x128xf32, #tpu.memory_space<hbm>>
    tpu.enqueue_indirect_dma source(%dma_start3A_126 : memref<8192x128xf32, #tpu.memory_space<hbm>>) target(%arg14 : memref<128x128xf32, #tpu.memory_space<vmem>>) offsets(%arg8 : memref<128xi32, #tpu.memory_space<vmem>>) semaphore(%arg19 : memref<!tpu.dma_semaphore, #tpu.memory_space<semaphore_mem>>)
    %dma_start3A_127 = arith.constant 0 : i32
    %dma_start3A_128 = arith.constant 0 : i32
    %dma_start3A_129 = tpu.memref_slice %arg2[%dma_start3A_127, %dma_start3A_128] : memref<8192x128xf32, #tpu.memory_space<hbm>> -> memref<8192x128xf32, #tpu.memory_space<hbm>>
    tpu.enqueue_indirect_dma source(%dma_start3A_129 : memref<8192x128xf32, #tpu.memory_space<hbm>>) target(%arg15 : memref<128x128xf32, #tpu.memory_space<vmem>>) offsets(%arg9 : memref<128xi32, #tpu.memory_space<vmem>>) semaphore(%arg19 : memref<!tpu.dma_semaphore, #tpu.memory_space<semaphore_mem>>)
    %dma_wait3A_130 = arith.constant 0 : i32
    %dma_wait3A_131 = arith.constant 0 : i32
    %dma_wait3A_132 = tpu.memref_slice %arg2[%dma_wait3A_130, %dma_wait3A_131] : memref<8192x128xf32, #tpu.memory_space<hbm>> -> memref<8192x128xf32, #tpu.memory_space<hbm>>
    tpu.wait_indirect_dma semaphore(%arg20 : memref<!tpu.dma_semaphore, #tpu.memory_space<semaphore_mem>>) src(%dma_wait3A_132 : memref<8192x128xf32, #tpu.memory_space<hbm>>) dst(%arg16 : memref<128x128xf32, #tpu.memory_space<vmem>>)
    %dma_wait3A_133 = arith.constant 0 : i32
    %dma_wait3A_134 = arith.constant 0 : i32
    %dma_wait3A_135 = tpu.memref_slice %arg2[%dma_wait3A_133, %dma_wait3A_134] : memref<8192x128xf32, #tpu.memory_space<hbm>> -> memref<8192x128xf32, #tpu.memory_space<hbm>>
    tpu.wait_indirect_dma semaphore(%arg20 : memref<!tpu.dma_semaphore, #tpu.memory_space<semaphore_mem>>) src(%dma_wait3A_135 : memref<8192x128xf32, #tpu.memory_space<hbm>>) dst(%arg17 : memref<128x128xf32, #tpu.memory_space<vmem>>)
    %dma_wait3A_136 = arith.constant 0 : i32
    %dma_wait3A_137 = arith.constant 0 : i32
    %dma_wait3A_138 = tpu.memref_slice %arg2[%dma_wait3A_136, %dma_wait3A_137] : memref<8192x128xf32, #tpu.memory_space<hbm>> -> memref<8192x128xf32, #tpu.memory_space<hbm>>
    tpu.wait_indirect_dma semaphore(%arg20 : memref<!tpu.dma_semaphore, #tpu.memory_space<semaphore_mem>>) src(%dma_wait3A_138 : memref<8192x128xf32, #tpu.memory_space<hbm>>) dst(%arg18 : memref<128x128xf32, #tpu.memory_space<vmem>>)
    %scan3A_139 = arith.constant 0 : i32
    %scan3A_140 = arith.constant 0 : i32
    %scan3A_141 = arith.constant 64 : i32
    %scan3A_142 = arith.addi %scan3A_140, %scan3A_141 : i32
    %scan3A_143 = arith.constant 1 : i32
    scf.for %scan3A_288 = %scan3A_140 to %scan3A_142 step %scan3A_143  : i32 {
      %mul3A_289 = arith.constant 2 : i32
      %mul3A_290 = arith.muli %scan3A_288, %mul3A_289 : i32
      %add3A_291 = arith.constant 0 : i32
      %add3A_292 = arith.addi %mul3A_290, %add3A_291 : i32
      %get3A = arith.index_cast %add3A_292 : i32 to index
      %get3A_293 = arith.constant 0 : index
      %get3A_294 = tpu.vector_load %arg16[%get3A, %get3A_293] {strides = array<i32>} : memref<128x128xf32, #tpu.memory_space<vmem>>, vector<1x16xf32>,
      %get3A_295 = vector.shape_cast %get3A_294 : vector<1x16xf32> to vector<16xf32>
      %get3A_296 = arith.index_cast %add3A_292 : i32 to index
      %get3A_297 = arith.constant 0 : index
      %get3A_298 = tpu.vector_load %arg17[%get3A_296, %get3A_297] {strides = array<i32>} : memref<128x128xf32, #tpu.memory_space<vmem>>, vector<1x16xf32>,
      %get3A_299 = vector.shape_cast %get3A_298 : vector<1x16xf32> to vector<16xf32>
      %add3A_300 = arith.addf %get3A_295, %get3A_299 : vector<16xf32>
      %get3A_301 = arith.index_cast %add3A_292 : i32 to index
      %get3A_302 = arith.constant 0 : index
      %get3A_303 = tpu.vector_load %arg18[%get3A_301, %get3A_302] {strides = array<i32>} : memref<128x128xf32, #tpu.memory_space<vmem>>, vector<1x16xf32>,
      %get3A_304 = vector.shape_cast %get3A_303 : vector<1x16xf32> to vector<16xf32>
      %add3A_305 = arith.addf %add3A_300, %get3A_304 : vector<16xf32>
      %swap3A = arith.index_cast %add3A_292 : i32 to index
      %swap3A_306 = arith.constant 0 : index
      %swap3A_307 = tpu.vector_load %arg16[%swap3A, %swap3A_306] {strides = array<i32>} : memref<128x128xf32, #tpu.memory_space<vmem>>, vector<1x16xf32>,
      %swap3A_308 = vector.shape_cast %swap3A_307 : vector<1x16xf32> to vector<16xf32>
      %swap3A_309 = vector.shape_cast %add3A_305 : vector<16xf32> to vector<1x16xf32>
      tpu.vector_store %arg16[%swap3A, %swap3A_306], %swap3A_309 {strides = array<i32>} : memref<128x128xf32, #tpu.memory_space<vmem>>, vector<1x16xf32>,
      %get3A_310 = arith.index_cast %add3A_292 : i32 to index
      %get3A_311 = arith.constant 16 : index
      %get3A_312 = tpu.vector_load %arg16[%get3A_310, %get3A_311] {strides = array<i32>} : memref<128x128xf32, #tpu.memory_space<vmem>>, vector<1x16xf32>,
      %get3A_313 = vector.shape_cast %get3A_312 : vector<1x16xf32> to vector<16xf32>
      %get3A_314 = arith.index_cast %add3A_292 : i32 to index
      %get3A_315 = arith.constant 16 : index
      %get3A_316 = tpu.vector_load %arg17[%get3A_314, %get3A_315] {strides = array<i32>} : memref<128x128xf32, #tpu.memory_space<vmem>>, vector<1x16xf32>,
      %get3A_317 = vector.shape_cast %get3A_316 : vector<1x16xf32> to vector<16xf32>
      %add3A_318 = arith.addf %get3A_313, %get3A_317 : vector<16xf32>
      %get3A_319 = arith.index_cast %add3A_292 : i32 to index
      %get3A_320 = arith.constant 16 : index
      %get3A_321 = tpu.vector_load %arg18[%get3A_319, %get3A_320] {strides = array<i32>} : memref<128x128xf32, #tpu.memory_space<vmem>>, vector<1x16xf32>,
      %get3A_322 = vector.shape_cast %get3A_321 : vector<1x16xf32> to vector<16xf32>
      %add3A_323 = arith.addf %add3A_318, %get3A_322 : vector<16xf32>
      %swap3A_324 = arith.index_cast %add3A_292 : i32 to index
      %swap3A_325 = arith.constant 16 : index
      %swap3A_326 = tpu.vector_load %arg16[%swap3A_324, %swap3A_325] {strides = array<i32>} : memref<128x128xf32, #tpu.memory_space<vmem>>, vector<1x16xf32>,
      %swap3A_327 = vector.shape_cast %swap3A_326 : vector<1x16xf32> to vector<16xf32>
      %swap3A_328 = vector.shape_cast %add3A_323 : vector<16xf32> to vector<1x16xf32>
      tpu.vector_store %arg16[%swap3A_324, %swap3A_325], %swap3A_328 {strides = array<i32>} : memref<128x128xf32, #tpu.memory_space<vmem>>, vector<1x16xf32>,
      %get3A_329 = arith.index_cast %add3A_292 : i32 to index
      %get3A_330 = arith.constant 32 : index
      %get3A_331 = tpu.vector_load %arg16[%get3A_329, %get3A_330] {strides = array<i32>} : memref<128x128xf32, #tpu.memory_space<vmem>>, vector<1x16xf32>,
      %get3A_332 = vector.shape_cast %get3A_331 : vector<1x16xf32> to vector<16xf32>
      %get3A_333 = arith.index_cast %add3A_292 : i32 to index
      %get3A_334 = arith.constant 32 : index
      %get3A_335 = tpu.vector_load %arg17[%get3A_333, %get3A_334] {strides = array<i32>} : memref<128x128xf32, #tpu.memory_space<vmem>>, vector<1x16xf32>,
      %get3A_336 = vector.shape_cast %get3A_335 : vector<1x16xf32> to vector<16xf32>
      %add3A_337 = arith.addf %get3A_332, %get3A_336 : vector<16xf32>
      %get3A_338 = arith.index_cast %add3A_292 : i32 to index
      %get3A_339 = arith.constant 32 : index
      %get3A_340 = tpu.vector_load %arg18[%get3A_338, %get3A_339] {strides = array<i32>} : memref<128x128xf32, #tpu.memory_space<vmem>>, vector<1x16xf32>,
      %get3A_341 = vector.shape_cast %get3A_340 : vector<1x16xf32> to vector<16xf32>
      %add3A_342 = arith.addf %add3A_337, %get3A_341 : vector<16xf32>
      %swap3A_343 = arith.index_cast %add3A_292 : i32 to index
      %swap3A_344 = arith.constant 32 : index
      %swap3A_345 = tpu.vector_load %arg16[%swap3A_343, %swap3A_344] {strides = array<i32>} : memref<128x128xf32, #tpu.memory_space<vmem>>, vector<1x16xf32>,
      %swap3A_346 = vector.shape_cast %swap3A_345 : vector<1x16xf32> to vector<16xf32>
      %swap3A_347 = vector.shape_cast %add3A_342 : vector<16xf32> to vector<1x16xf32>
      tpu.vector_store %arg16[%swap3A_343, %swap3A_344], %swap3A_347 {strides = array<i32>} : memref<128x128xf32, #tpu.memory_space<vmem>>, vector<1x16xf32>,
      %get3A_348 = arith.index_cast %add3A_292 : i32 to index
      %get3A_349 = arith.constant 48 : index
      %get3A_350 = tpu.vector_load %arg16[%get3A_348, %get3A_349] {strides = array<i32>} : memref<128x128xf32, #tpu.memory_space<vmem>>, vector<1x16xf32>,
      %get3A_351 = vector.shape_cast %get3A_350 : vector<1x16xf32> to vector<16xf32>
      %get3A_352 = arith.index_cast %add3A_292 : i32 to index
      %get3A_353 = arith.constant 48 : index
      %get3A_354 = tpu.vector_load %arg17[%get3A_352, %get3A_353] {strides = array<i32>} : memref<128x128xf32, #tpu.memory_space<vmem>>, vector<1x16xf32>,
      %get3A_355 = vector.shape_cast %get3A_354 : vector<1x16xf32> to vector<16xf32>
      %add3A_356 = arith.addf %get3A_351, %get3A_355 : vector<16xf32>
      %get3A_357 = arith.index_cast %add3A_292 : i32 to index
      %get3A_358 = arith.constant 48 : index
      %get3A_359 = tpu.vector_load %arg18[%get3A_357, %get3A_358] {strides = array<i32>} : memref<128x128xf32, #tpu.memory_space<vmem>>, vector<1x16xf32>,
      %get3A_360 = vector.shape_cast %get3A_359 : vector<1x16xf32> to vector<16xf32>
      %add3A_361 = arith.addf %add3A_356, %get3A_360 : vector<16xf32>
      %swap3A_362 = arith.index_cast %add3A_292 : i32 to index
      %swap3A_363 = arith.constant 48 : index
      %swap3A_364 = tpu.vector_load %arg16[%swap3A_362, %swap3A_363] {strides = array<i32>} : memref<128x128xf32, #tpu.memory_space<vmem>>, vector<1x16xf32>,
      %swap3A_365 = vector.shape_cast %swap3A_364 : vector<1x16xf32> to vector<16xf32>
      %swap3A_366 = vector.shape_cast %add3A_361 : vector<16xf32> to vector<1x16xf32>
      tpu.vector_store %arg16[%swap3A_362, %swap3A_363], %swap3A_366 {strides = array<i32>} : memref<128x128xf32, #tpu.memory_space<vmem>>, vector<1x16xf32>,
      %get3A_367 = arith.index_cast %add3A_292 : i32 to index
      %get3A_368 = arith.constant 64 : index
      %get3A_369 = tpu.vector_load %arg16[%get3A_367, %get3A_368] {strides = array<i32>} : memref<128x128xf32, #tpu.memory_space<vmem>>, vector<1x16xf32>,
      %get3A_370 = vector.shape_cast %get3A_369 : vector<1x16xf32> to vector<16xf32>
      %get3A_371 = arith.index_cast %add3A_292 : i32 to index
      %get3A_372 = arith.constant 64 : index
      %get3A_373 = tpu.vector_load %arg17[%get3A_371, %get3A_372] {strides = array<i32>} : memref<128x128xf32, #tpu.memory_space<vmem>>, vector<1x16xf32>,
      %get3A_374 = vector.shape_cast %get3A_373 : vector<1x16xf32> to vector<16xf32>
      %add3A_375 = arith.addf %get3A_370, %get3A_374 : vector<16xf32>
      %get3A_376 = arith.index_cast %add3A_292 : i32 to index
      %get3A_377 = arith.constant 64 : index
      %get3A_378 = tpu.vector_load %arg18[%get3A_376, %get3A_377] {strides = array<i32>} : memref<128x128xf32, #tpu.memory_space<vmem>>, vector<1x16xf32>,
      %get3A_379 = vector.shape_cast %get3A_378 : vector<1x16xf32> to vector<16xf32>
      %add3A_380 = arith.addf %add3A_375, %get3A_379 : vector<16xf32>
      %swap3A_381 = arith.index_cast %add3A_292 : i32 to index
      %swap3A_382 = arith.constant 64 : index
      %swap3A_383 = tpu.vector_load %arg16[%swap3A_381, %swap3A_382] {strides = array<i32>} : memref<128x128xf32, #tpu.memory_space<vmem>>, vector<1x16xf32>,
      %swap3A_384 = vector.shape_cast %swap3A_383 : vector<1x16xf32> to vector<16xf32>
      %swap3A_385 = vector.shape_cast %add3A_380 : vector<16xf32> to vector<1x16xf32>
      tpu.vector_store %arg16[%swap3A_381, %swap3A_382], %swap3A_385 {strides = array<i32>} : memref<128x128xf32, #tpu.memory_space<vmem>>, vector<1x16xf32>,
      %get3A_386 = arith.index_cast %add3A_292 : i32 to index
      %get3A_387 = arith.constant 80 : index
      %get3A_388 = tpu.vector_load %arg16[%get3A_386, %get3A_387] {strides = array<i32>} : memref<128x128xf32, #tpu.memory_space<vmem>>, vector<1x16xf32>,
      %get3A_389 = vector.shape_cast %get3A_388 : vector<1x16xf32> to vector<16xf32>
      %get3A_390 = arith.index_cast %add3A_292 : i32 to index
      %get3A_391 = arith.constant 80 : index
      %get3A_392 = tpu.vector_load %arg17[%get3A_390, %get3A_391] {strides = array<i32>} : memref<128x128xf32, #tpu.memory_space<vmem>>, vector<1x16xf32>,
      %get3A_393 = vector.shape_cast %get3A_392 : vector<1x16xf32> to vector<16xf32>
      %add3A_394 = arith.addf %get3A_389, %get3A_393 : vector<16xf32>
      %get3A_395 = arith.index_cast %add3A_292 : i32 to index
      %get3A_396 = arith.constant 80 : index
      %get3A_397 = tpu.vector_load %arg18[%get3A_395, %get3A_396] {strides = array<i32>} : memref<128x128xf32, #tpu.memory_space<vmem>>, vector<1x16xf32>,
      %get3A_398 = vector.shape_cast %get3A_397 : vector<1x16xf32> to vector<16xf32>
      %add3A_399 = arith.addf %add3A_394, %get3A_398 : vector<16xf32>
      %swap3A_400 = arith.index_cast %add3A_292 : i32 to index
      %swap3A_401 = arith.constant 80 : index
      %swap3A_402 = tpu.vector_load %arg16[%swap3A_400, %swap3A_401] {strides = array<i32>} : memref<128x128xf32, #tpu.memory_space<vmem>>, vector<1x16xf32>,
      %swap3A_403 = vector.shape_cast %swap3A_402 : vector<1x16xf32> to vector<16xf32>
      %swap3A_404 = vector.shape_cast %add3A_399 : vector<16xf32> to vector<1x16xf32>
      tpu.vector_store %arg16[%swap3A_400, %swap3A_401], %swap3A_404 {strides = array<i32>} : memref<128x128xf32, #tpu.memory_space<vmem>>, vector<1x16xf32>,
      %get3A_405 = arith.index_cast %add3A_292 : i32 to index
      %get3A_406 = arith.constant 96 : index
      %get3A_407 = tpu.vector_load %arg16[%get3A_405, %get3A_406] {strides = array<i32>} : memref<128x128xf32, #tpu.memory_space<vmem>>, vector<1x16xf32>,
      %get3A_408 = vector.shape_cast %get3A_407 : vector<1x16xf32> to vector<16xf32>
      %get3A_409 = arith.index_cast %add3A_292 : i32 to index
      %get3A_410 = arith.constant 96 : index
      %get3A_411 = tpu.vector_load %arg17[%get3A_409, %get3A_410] {strides = array<i32>} : memref<128x128xf32, #tpu.memory_space<vmem>>, vector<1x16xf32>,
      %get3A_412 = vector.shape_cast %get3A_411 : vector<1x16xf32> to vector<16xf32>
      %add3A_413 = arith.addf %get3A_408, %get3A_412 : vector<16xf32>
      %get3A_414 = arith.index_cast %add3A_292 : i32 to index
      %get3A_415 = arith.constant 96 : index
      %get3A_416 = tpu.vector_load %arg18[%get3A_414, %get3A_415] {strides = array<i32>} : memref<128x128xf32, #tpu.memory_space<vmem>>, vector<1x16xf32>,
      %get3A_417 = vector.shape_cast %get3A_416 : vector<1x16xf32> to vector<16xf32>
      %add3A_418 = arith.addf %add3A_413, %get3A_417 : vector<16xf32>
      %swap3A_419 = arith.index_cast %add3A_292 : i32 to index
      %swap3A_420 = arith.constant 96 : index
      %swap3A_421 = tpu.vector_load %arg16[%swap3A_419, %swap3A_420] {strides = array<i32>} : memref<128x128xf32, #tpu.memory_space<vmem>>, vector<1x16xf32>,
      %swap3A_422 = vector.shape_cast %swap3A_421 : vector<1x16xf32> to vector<16xf32>
      %swap3A_423 = vector.shape_cast %add3A_418 : vector<16xf32> to vector<1x16xf32>
      tpu.vector_store %arg16[%swap3A_419, %swap3A_420], %swap3A_423 {strides = array<i32>} : memref<128x128xf32, #tpu.memory_space<vmem>>, vector<1x16xf32>,
      %get3A_424 = arith.index_cast %add3A_292 : i32 to index
      %get3A_425 = arith.constant 112 : index
      %get3A_426 = tpu.vector_load %arg16[%get3A_424, %get3A_425] {strides = array<i32>} : memref<128x128xf32, #tpu.memory_space<vmem>>, vector<1x16xf32>,
      %get3A_427 = vector.shape_cast %get3A_426 : vector<1x16xf32> to vector<16xf32>
      %get3A_428 = arith.index_cast %add3A_292 : i32 to index
      %get3A_429 = arith.constant 112 : index
      %get3A_430 = tpu.vector_load %arg17[%get3A_428, %get3A_429] {strides = array<i32>} : memref<128x128xf32, #tpu.memory_space<vmem>>, vector<1x16xf32>,
      %get3A_431 = vector.shape_cast %get3A_430 : vector<1x16xf32> to vector<16xf32>
      %add3A_432 = arith.addf %get3A_427, %get3A_431 : vector<16xf32>
      %get3A_433 = arith.index_cast %add3A_292 : i32 to index
      %get3A_434 = arith.constant 112 : index
      %get3A_435 = tpu.vector_load %arg18[%get3A_433, %get3A_434] {strides = array<i32>} : memref<128x128xf32, #tpu.memory_space<vmem>>, vector<1x16xf32>,
      %get3A_436 = vector.shape_cast %get3A_435 : vector<1x16xf32> to vector<16xf32>
      %add3A_437 = arith.addf %add3A_432, %get3A_436 : vector<16xf32>
      %swap3A_438 = arith.index_cast %add3A_292 : i32 to index
      %swap3A_439 = arith.constant 112 : index
      %swap3A_440 = tpu.vector_load %arg16[%swap3A_438, %swap3A_439] {strides = array<i32>} : memref<128x128xf32, #tpu.memory_space<vmem>>, vector<1x16xf32>,
      %swap3A_441 = vector.shape_cast %swap3A_440 : vector<1x16xf32> to vector<16xf32>
      %swap3A_442 = vector.shape_cast %add3A_437 : vector<16xf32> to vector<1x16xf32>
      tpu.vector_store %arg16[%swap3A_438, %swap3A_439], %swap3A_442 {strides = array<i32>} : memref<128x128xf32, #tpu.memory_space<vmem>>, vector<1x16xf32>,
      %mul3A_443 = arith.constant 2 : i32
      %mul3A_444 = arith.muli %scan3A_288, %mul3A_443 : i32
      %add3A_445 = arith.constant 1 : i32
      %add3A_446 = arith.addi %mul3A_444, %add3A_445 : i32
      %get3A_447 = arith.index_cast %add3A_446 : i32 to index
      %get3A_448 = arith.constant 0 : index
      %get3A_449 = tpu.vector_load %arg16[%get3A_447, %get3A_448] {strides = array<i32>} : memref<128x128xf32, #tpu.memory_space<vmem>>, vector<1x16xf32>,
      %get3A_450 = vector.shape_cast %get3A_449 : vector<1x16xf32> to vector<16xf32>
      %get3A_451 = arith.index_cast %add3A_446 : i32 to index
      %get3A_452 = arith.constant 0 : index
      %get3A_453 = tpu.vector_load %arg17[%get3A_451, %get3A_452] {strides = array<i32>} : memref<128x128xf32, #tpu.memory_space<vmem>>, vector<1x16xf32>,
      %get3A_454 = vector.shape_cast %get3A_453 : vector<1x16xf32> to vector<16xf32>
      %add3A_455 = arith.addf %get3A_450, %get3A_454 : vector<16xf32>
      %get3A_456 = arith.index_cast %add3A_446 : i32 to index
      %get3A_457 = arith.constant 0 : index
      %get3A_458 = tpu.vector_load %arg18[%get3A_456, %get3A_457] {strides = array<i32>} : memref<128x128xf32, #tpu.memory_space<vmem>>, vector<1x16xf32>,
      %get3A_459 = vector.shape_cast %get3A_458 : vector<1x16xf32> to vector<16xf32>
      %add3A_460 = arith.addf %add3A_455, %get3A_459 : vector<16xf32>
      %swap3A_461 = arith.index_cast %add3A_446 : i32 to index
      %swap3A_462 = arith.constant 0 : index
      %swap3A_463 = tpu.vector_load %arg16[%swap3A_461, %swap3A_462] {strides = array<i32>} : memref<128x128xf32, #tpu.memory_space<vmem>>, vector<1x16xf32>,
      %swap3A_464 = vector.shape_cast %swap3A_463 : vector<1x16xf32> to vector<16xf32>
      %swap3A_465 = vector.shape_cast %add3A_460 : vector<16xf32> to vector<1x16xf32>
      tpu.vector_store %arg16[%swap3A_461, %swap3A_462], %swap3A_465 {strides = array<i32>} : memref<128x128xf32, #tpu.memory_space<vmem>>, vector<1x16xf32>,
      %get3A_466 = arith.index_cast %add3A_446 : i32 to index
      %get3A_467 = arith.constant 16 : index
      %get3A_468 = tpu.vector_load %arg16[%get3A_466, %get3A_467] {strides = array<i32>} : memref<128x128xf32, #tpu.memory_space<vmem>>, vector<1x16xf32>,
      %get3A_469 = vector.shape_cast %get3A_468 : vector<1x16xf32> to vector<16xf32>
      %get3A_470 = arith.index_cast %add3A_446 : i32 to index
      %get3A_471 = arith.constant 16 : index
      %get3A_472 = tpu.vector_load %arg17[%get3A_470, %get3A_471] {strides = array<i32>} : memref<128x128xf32, #tpu.memory_space<vmem>>, vector<1x16xf32>,
      %get3A_473 = vector.shape_cast %get3A_472 : vector<1x16xf32> to vector<16xf32>
      %add3A_474 = arith.addf %get3A_469, %get3A_473 : vector<16xf32>
      %get3A_475 = arith.index_cast %add3A_446 : i32 to index
      %get3A_476 = arith.constant 16 : index
      %get3A_477 = tpu.vector_load %arg18[%get3A_475, %get3A_476] {strides = array<i32>} : memref<128x128xf32, #tpu.memory_space<vmem>>, vector<1x16xf32>,
      %get3A_478 = vector.shape_cast %get3A_477 : vector<1x16xf32> to vector<16xf32>
      %add3A_479 = arith.addf %add3A_474, %get3A_478 : vector<16xf32>
      %swap3A_480 = arith.index_cast %add3A_446 : i32 to index
      %swap3A_481 = arith.constant 16 : index
      %swap3A_482 = tpu.vector_load %arg16[%swap3A_480, %swap3A_481] {strides = array<i32>} : memref<128x128xf32, #tpu.memory_space<vmem>>, vector<1x16xf32>,
      %swap3A_483 = vector.shape_cast %swap3A_482 : vector<1x16xf32> to vector<16xf32>
      %swap3A_484 = vector.shape_cast %add3A_479 : vector<16xf32> to vector<1x16xf32>
      tpu.vector_store %arg16[%swap3A_480, %swap3A_481], %swap3A_484 {strides = array<i32>} : memref<128x128xf32, #tpu.memory_space<vmem>>, vector<1x16xf32>,
      %get3A_485 = arith.index_cast %add3A_446 : i32 to index
      %get3A_486 = arith.constant 32 : index
      %get3A_487 = tpu.vector_load %arg16[%get3A_485, %get3A_486] {strides = array<i32>} : memref<128x128xf32, #tpu.memory_space<vmem>>, vector<1x16xf32>,
      %get3A_488 = vector.shape_cast %get3A_487 : vector<1x16xf32> to vector<16xf32>
      %get3A_489 = arith.index_cast %add3A_446 : i32 to index
      %get3A_490 = arith.constant 32 : index
      %get3A_491 = tpu.vector_load %arg17[%get3A_489, %get3A_490] {strides = array<i32>} : memref<128x128xf32, #tpu.memory_space<vmem>>, vector<1x16xf32>,
      %get3A_492 = vector.shape_cast %get3A_491 : vector<1x16xf32> to vector<16xf32>
      %add3A_493 = arith.addf %get3A_488, %get3A_492 : vector<16xf32>
      %get3A_494 = arith.index_cast %add3A_446 : i32 to index
      %get3A_495 = arith.constant 32 : index
      %get3A_496 = tpu.vector_load %arg18[%get3A_494, %get3A_495] {strides = array<i32>} : memref<128x128xf32, #tpu.memory_space<vmem>>, vector<1x16xf32>,
      %get3A_497 = vector.shape_cast %get3A_496 : vector<1x16xf32> to vector<16xf32>
      %add3A_498 = arith.addf %add3A_493, %get3A_497 : vector<16xf32>
      %swap3A_499 = arith.index_cast %add3A_446 : i32 to index
      %swap3A_500 = arith.constant 32 : index
      %swap3A_501 = tpu.vector_load %arg16[%swap3A_499, %swap3A_500] {strides = array<i32>} : memref<128x128xf32, #tpu.memory_space<vmem>>, vector<1x16xf32>,
      %swap3A_502 = vector.shape_cast %swap3A_501 : vector<1x16xf32> to vector<16xf32>
      %swap3A_503 = vector.shape_cast %add3A_498 : vector<16xf32> to vector<1x16xf32>
      tpu.vector_store %arg16[%swap3A_499, %swap3A_500], %swap3A_503 {strides = array<i32>} : memref<128x128xf32, #tpu.memory_space<vmem>>, vector<1x16xf32>,
      %get3A_504 = arith.index_cast %add3A_446 : i32 to index
      %get3A_505 = arith.constant 48 : index
      %get3A_506 = tpu.vector_load %arg16[%get3A_504, %get3A_505] {strides = array<i32>} : memref<128x128xf32, #tpu.memory_space<vmem>>, vector<1x16xf32>,
      %get3A_507 = vector.shape_cast %get3A_506 : vector<1x16xf32> to vector<16xf32>
      %get3A_508 = arith.index_cast %add3A_446 : i32 to index
      %get3A_509 = arith.constant 48 : index
      %get3A_510 = tpu.vector_load %arg17[%get3A_508, %get3A_509] {strides = array<i32>} : memref<128x128xf32, #tpu.memory_space<vmem>>, vector<1x16xf32>,
      %get3A_511 = vector.shape_cast %get3A_510 : vector<1x16xf32> to vector<16xf32>
      %add3A_512 = arith.addf %get3A_507, %get3A_511 : vector<16xf32>
      %get3A_513 = arith.index_cast %add3A_446 : i32 to index
      %get3A_514 = arith.constant 48 : index
      %get3A_515 = tpu.vector_load %arg18[%get3A_513, %get3A_514] {strides = array<i32>} : memref<128x128xf32, #tpu.memory_space<vmem>>, vector<1x16xf32>,
      %get3A_516 = vector.shape_cast %get3A_515 : vector<1x16xf32> to vector<16xf32>
      %add3A_517 = arith.addf %add3A_512, %get3A_516 : vector<16xf32>
      %swap3A_518 = arith.index_cast %add3A_446 : i32 to index
      %swap3A_519 = arith.constant 48 : index
      %swap3A_520 = tpu.vector_load %arg16[%swap3A_518, %swap3A_519] {strides = array<i32>} : memref<128x128xf32, #tpu.memory_space<vmem>>, vector<1x16xf32>,
      %swap3A_521 = vector.shape_cast %swap3A_520 : vector<1x16xf32> to vector<16xf32>
      %swap3A_522 = vector.shape_cast %add3A_517 : vector<16xf32> to vector<1x16xf32>
      tpu.vector_store %arg16[%swap3A_518, %swap3A_519], %swap3A_522 {strides = array<i32>} : memref<128x128xf32, #tpu.memory_space<vmem>>, vector<1x16xf32>,
      %get3A_523 = arith.index_cast %add3A_446 : i32 to index
      %get3A_524 = arith.constant 64 : index
      %get3A_525 = tpu.vector_load %arg16[%get3A_523, %get3A_524] {strides = array<i32>} : memref<128x128xf32, #tpu.memory_space<vmem>>, vector<1x16xf32>,
      %get3A_526 = vector.shape_cast %get3A_525 : vector<1x16xf32> to vector<16xf32>
      %get3A_527 = arith.index_cast %add3A_446 : i32 to index
      %get3A_528 = arith.constant 64 : index
      %get3A_529 = tpu.vector_load %arg17[%get3A_527, %get3A_528] {strides = array<i32>} : memref<128x128xf32, #tpu.memory_space<vmem>>, vector<1x16xf32>,
      %get3A_530 = vector.shape_cast %get3A_529 : vector<1x16xf32> to vector<16xf32>
      %add3A_531 = arith.addf %get3A_526, %get3A_530 : vector<16xf32>
      %get3A_532 = arith.index_cast %add3A_446 : i32 to index
      %get3A_533 = arith.constant 64 : index
      %get3A_534 = tpu.vector_load %arg18[%get3A_532, %get3A_533] {strides = array<i32>} : memref<128x128xf32, #tpu.memory_space<vmem>>, vector<1x16xf32>,
      %get3A_535 = vector.shape_cast %get3A_534 : vector<1x16xf32> to vector<16xf32>
      %add3A_536 = arith.addf %add3A_531, %get3A_535 : vector<16xf32>
      %swap3A_537 = arith.index_cast %add3A_446 : i32 to index
      %swap3A_538 = arith.constant 64 : index
      %swap3A_539 = tpu.vector_load %arg16[%swap3A_537, %swap3A_538] {strides = array<i32>} : memref<128x128xf32, #tpu.memory_space<vmem>>, vector<1x16xf32>,
      %swap3A_540 = vector.shape_cast %swap3A_539 : vector<1x16xf32> to vector<16xf32>
      %swap3A_541 = vector.shape_cast %add3A_536 : vector<16xf32> to vector<1x16xf32>
      tpu.vector_store %arg16[%swap3A_537, %swap3A_538], %swap3A_541 {strides = array<i32>} : memref<128x128xf32, #tpu.memory_space<vmem>>, vector<1x16xf32>,
      %get3A_542 = arith.index_cast %add3A_446 : i32 to index
      %get3A_543 = arith.constant 80 : index
      %get3A_544 = tpu.vector_load %arg16[%get3A_542, %get3A_543] {strides = array<i32>} : memref<128x128xf32, #tpu.memory_space<vmem>>, vector<1x16xf32>,
      %get3A_545 = vector.shape_cast %get3A_544 : vector<1x16xf32> to vector<16xf32>
      %get3A_546 = arith.index_cast %add3A_446 : i32 to index
      %get3A_547 = arith.constant 80 : index
      %get3A_548 = tpu.vector_load %arg17[%get3A_546, %get3A_547] {strides = array<i32>} : memref<128x128xf32, #tpu.memory_space<vmem>>, vector<1x16xf32>,
      %get3A_549 = vector.shape_cast %get3A_548 : vector<1x16xf32> to vector<16xf32>
      %add3A_550 = arith.addf %get3A_545, %get3A_549 : vector<16xf32>
      %get3A_551 = arith.index_cast %add3A_446 : i32 to index
      %get3A_552 = arith.constant 80 : index
      %get3A_553 = tpu.vector_load %arg18[%get3A_551, %get3A_552] {strides = array<i32>} : memref<128x128xf32, #tpu.memory_space<vmem>>, vector<1x16xf32>,
      %get3A_554 = vector.shape_cast %get3A_553 : vector<1x16xf32> to vector<16xf32>
      %add3A_555 = arith.addf %add3A_550, %get3A_554 : vector<16xf32>
      %swap3A_556 = arith.index_cast %add3A_446 : i32 to index
      %swap3A_557 = arith.constant 80 : index
      %swap3A_558 = tpu.vector_load %arg16[%swap3A_556, %swap3A_557] {strides = array<i32>} : memref<128x128xf32, #tpu.memory_space<vmem>>, vector<1x16xf32>,
      %swap3A_559 = vector.shape_cast %swap3A_558 : vector<1x16xf32> to vector<16xf32>
      %swap3A_560 = vector.shape_cast %add3A_555 : vector<16xf32> to vector<1x16xf32>
      tpu.vector_store %arg16[%swap3A_556, %swap3A_557], %swap3A_560 {strides = array<i32>} : memref<128x128xf32, #tpu.memory_space<vmem>>, vector<1x16xf32>,
      %get3A_561 = arith.index_cast %add3A_446 : i32 to index
      %get3A_562 = arith.constant 96 : index
      %get3A_563 = tpu.vector_load %arg16[%get3A_561, %get3A_562] {strides = array<i32>} : memref<128x128xf32, #tpu.memory_space<vmem>>, vector<1x16xf32>,
      %get3A_564 = vector.shape_cast %get3A_563 : vector<1x16xf32> to vector<16xf32>
      %get3A_565 = arith.index_cast %add3A_446 : i32 to index
      %get3A_566 = arith.constant 96 : index
      %get3A_567 = tpu.vector_load %arg17[%get3A_565, %get3A_566] {strides = array<i32>} : memref<128x128xf32, #tpu.memory_space<vmem>>, vector<1x16xf32>,
      %get3A_568 = vector.shape_cast %get3A_567 : vector<1x16xf32> to vector<16xf32>
      %add3A_569 = arith.addf %get3A_564, %get3A_568 : vector<16xf32>
      %get3A_570 = arith.index_cast %add3A_446 : i32 to index
      %get3A_571 = arith.constant 96 : index
      %get3A_572 = tpu.vector_load %arg18[%get3A_570, %get3A_571] {strides = array<i32>} : memref<128x128xf32, #tpu.memory_space<vmem>>, vector<1x16xf32>,
      %get3A_573 = vector.shape_cast %get3A_572 : vector<1x16xf32> to vector<16xf32>
      %add3A_574 = arith.addf %add3A_569, %get3A_573 : vector<16xf32>
      %swap3A_575 = arith.index_cast %add3A_446 : i32 to index
      %swap3A_576 = arith.constant 96 : index
      %swap3A_577 = tpu.vector_load %arg16[%swap3A_575, %swap3A_576] {strides = array<i32>} : memref<128x128xf32, #tpu.memory_space<vmem>>, vector<1x16xf32>,
      %swap3A_578 = vector.shape_cast %swap3A_577 : vector<1x16xf32> to vector<16xf32>
      %swap3A_579 = vector.shape_cast %add3A_574 : vector<16xf32> to vector<1x16xf32>
      tpu.vector_store %arg16[%swap3A_575, %swap3A_576], %swap3A_579 {strides = array<i32>} : memref<128x128xf32, #tpu.memory_space<vmem>>, vector<1x16xf32>,
      %get3A_580 = arith.index_cast %add3A_446 : i32 to index
      %get3A_581 = arith.constant 112 : index
      %get3A_582 = tpu.vector_load %arg16[%get3A_580, %get3A_581] {strides = array<i32>} : memref<128x128xf32, #tpu.memory_space<vmem>>, vector<1x16xf32>,
      %get3A_583 = vector.shape_cast %get3A_582 : vector<1x16xf32> to vector<16xf32>
      %get3A_584 = arith.index_cast %add3A_446 : i32 to index
      %get3A_585 = arith.constant 112 : index
      %get3A_586 = tpu.vector_load %arg17[%get3A_584, %get3A_585] {strides = array<i32>} : memref<128x128xf32, #tpu.memory_space<vmem>>, vector<1x16xf32>,
      %get3A_587 = vector.shape_cast %get3A_586 : vector<1x16xf32> to vector<16xf32>
      %add3A_588 = arith.addf %get3A_583, %get3A_587 : vector<16xf32>
      %get3A_589 = arith.index_cast %add3A_446 : i32 to index
      %get3A_590 = arith.constant 112 : index
      %get3A_591 = tpu.vector_load %arg18[%get3A_589, %get3A_590] {strides = array<i32>} : memref<128x128xf32, #tpu.memory_space<vmem>>, vector<1x16xf32>,
      %get3A_592 = vector.shape_cast %get3A_591 : vector<1x16xf32> to vector<16xf32>
      %add3A_593 = arith.addf %add3A_588, %get3A_592 : vector<16xf32>
      %swap3A_594 = arith.index_cast %add3A_446 : i32 to index
      %swap3A_595 = arith.constant 112 : index
      %swap3A_596 = tpu.vector_load %arg16[%swap3A_594, %swap3A_595] {strides = array<i32>} : memref<128x128xf32, #tpu.memory_space<vmem>>, vector<1x16xf32>,
      %swap3A_597 = vector.shape_cast %swap3A_596 : vector<1x16xf32> to vector<16xf32>
      %swap3A_598 = vector.shape_cast %add3A_593 : vector<16xf32> to vector<1x16xf32>
      tpu.vector_store %arg16[%swap3A_594, %swap3A_595], %swap3A_598 {strides = array<i32>} : memref<128x128xf32, #tpu.memory_space<vmem>>, vector<1x16xf32>,
    }
    %scan3A_144 = arith.constant 64 : i32
    %add3A_145 = arith.constant 384 : i32
    %add3A_146 = arith.addi %mul3A_2, %add3A_145 : i32
    %dma_start3A_147 = arith.constant 0 : i32
    %dma_start3A_148 = tpu.memref_slice %arg6[%add3A_146, %dma_start3A_147] : memref<32768x128xf32, #tpu.memory_space<hbm>> -> memref<128x128xf32, #tpu.memory_space<hbm>>
    %dma_start3A_149 = arith.constant 0 : i32
    %dma_start3A_150 = tpu.memref_slice %arg6[%add3A_146, %dma_start3A_149] : memref<32768x128xf32, #tpu.memory_space<hbm>> -> memref<128x128xf32, #tpu.memory_space<hbm>>
    tpu.enqueue_dma source(%arg16 : memref<128x128xf32, #tpu.memory_space<vmem>>) target(%dma_start3A_150 : memref<128x128xf32, #tpu.memory_space<hbm>>) target_semaphore(%arg22 : memref<!tpu.dma_semaphore, #tpu.memory_space<semaphore_mem>>)
    %dma_wait3A_151 = arith.constant 0 : i32
    %dma_wait3A_152 = tpu.memref_slice %arg6[%add3A_146, %dma_wait3A_151] : memref<32768x128xf32, #tpu.memory_space<hbm>> -> memref<128x128xf32, #tpu.memory_space<hbm>>
    %dma_wait3A_153 = arith.constant 0 : i32
    %dma_wait3A_154 = tpu.memref_slice %arg6[%add3A_146, %dma_wait3A_153] : memref<32768x128xf32, #tpu.memory_space<hbm>> -> memref<128x128xf32, #tpu.memory_space<hbm>>
    tpu.wait_dma2 semaphore(%arg22 : memref<!tpu.dma_semaphore, #tpu.memory_space<semaphore_mem>>) src(%arg16 : memref<128x128xf32, #tpu.memory_space<vmem>>) dst(%dma_wait3A_154 : memref<128x128xf32, #tpu.memory_space<hbm>>)
    %add3A_155 = arith.constant 640 : i32
    %add3A_156 = arith.addi %mul3A_2, %add3A_155 : i32
    "tpu.region"() ({
      %run_scoped3A = tpu.sem_alloc : memref<!tpu.dma_semaphore, #tpu.memory_space<semaphore_mem>>
      %dma_start3A_288 = tpu.memref_slice %arg3[%add3A_156] : memref<32768xi32, #tpu.memory_space<hbm>> -> memref<128xi32, #tpu.memory_space<hbm>>
      %dma_start3A_289 = tpu.memref_slice %arg3[%add3A_156] : memref<32768xi32, #tpu.memory_space<hbm>> -> memref<128xi32, #tpu.memory_space<hbm>>
      tpu.enqueue_dma source(%dma_start3A_289 : memref<128xi32, #tpu.memory_space<hbm>>) target(%arg10 : memref<128xi32, #tpu.memory_space<vmem>>) target_semaphore(%run_scoped3A : memref<!tpu.dma_semaphore, #tpu.memory_space<semaphore_mem>>)
      %dma_wait3A_290 = tpu.memref_slice %arg3[%add3A_156] : memref<32768xi32, #tpu.memory_space<hbm>> -> memref<128xi32, #tpu.memory_space<hbm>>
      %dma_wait3A_291 = tpu.memref_slice %arg3[%add3A_156] : memref<32768xi32, #tpu.memory_space<hbm>> -> memref<128xi32, #tpu.memory_space<hbm>>
      tpu.wait_dma2 semaphore(%run_scoped3A : memref<!tpu.dma_semaphore, #tpu.memory_space<semaphore_mem>>) src(%dma_wait3A_291 : memref<128xi32, #tpu.memory_space<hbm>>) dst(%arg10 : memref<128xi32, #tpu.memory_space<vmem>>)
      tpu.yield
    }) : () -> ()
    "tpu.region"() ({
      %run_scoped3A = tpu.sem_alloc : memref<!tpu.dma_semaphore, #tpu.memory_space<semaphore_mem>>
      %dma_start3A_288 = tpu.memref_slice %arg4[%add3A_156] : memref<32768xi32, #tpu.memory_space<hbm>> -> memref<128xi32, #tpu.memory_space<hbm>>
      %dma_start3A_289 = tpu.memref_slice %arg4[%add3A_156] : memref<32768xi32, #tpu.memory_space<hbm>> -> memref<128xi32, #tpu.memory_space<hbm>>
      tpu.enqueue_dma source(%dma_start3A_289 : memref<128xi32, #tpu.memory_space<hbm>>) target(%arg11 : memref<128xi32, #tpu.memory_space<vmem>>) target_semaphore(%run_scoped3A : memref<!tpu.dma_semaphore, #tpu.memory_space<semaphore_mem>>)
      %dma_wait3A_290 = tpu.memref_slice %arg4[%add3A_156] : memref<32768xi32, #tpu.memory_space<hbm>> -> memref<128xi32, #tpu.memory_space<hbm>>
      %dma_wait3A_291 = tpu.memref_slice %arg4[%add3A_156] : memref<32768xi32, #tpu.memory_space<hbm>> -> memref<128xi32, #tpu.memory_space<hbm>>
      tpu.wait_dma2 semaphore(%run_scoped3A : memref<!tpu.dma_semaphore, #tpu.memory_space<semaphore_mem>>) src(%dma_wait3A_291 : memref<128xi32, #tpu.memory_space<hbm>>) dst(%arg11 : memref<128xi32, #tpu.memory_space<vmem>>)
      tpu.yield
    }) : () -> ()
    "tpu.region"() ({
      %run_scoped3A = tpu.sem_alloc : memref<!tpu.dma_semaphore, #tpu.memory_space<semaphore_mem>>
      %dma_start3A_288 = tpu.memref_slice %arg5[%add3A_156] : memref<32768xi32, #tpu.memory_space<hbm>> -> memref<128xi32, #tpu.memory_space<hbm>>
      %dma_start3A_289 = tpu.memref_slice %arg5[%add3A_156] : memref<32768xi32, #tpu.memory_space<hbm>> -> memref<128xi32, #tpu.memory_space<hbm>>
      tpu.enqueue_dma source(%dma_start3A_289 : memref<128xi32, #tpu.memory_space<hbm>>) target(%arg12 : memref<128xi32, #tpu.memory_space<vmem>>) target_semaphore(%run_scoped3A : memref<!tpu.dma_semaphore, #tpu.memory_space<semaphore_mem>>)
      %dma_wait3A_290 = tpu.memref_slice %arg5[%add3A_156] : memref<32768xi32, #tpu.memory_space<hbm>> -> memref<128xi32, #tpu.memory_space<hbm>>
      %dma_wait3A_291 = tpu.memref_slice %arg5[%add3A_156] : memref<32768xi32, #tpu.memory_space<hbm>> -> memref<128xi32, #tpu.memory_space<hbm>>
      tpu.wait_dma2 semaphore(%run_scoped3A : memref<!tpu.dma_semaphore, #tpu.memory_space<semaphore_mem>>) src(%dma_wait3A_291 : memref<128xi32, #tpu.memory_space<hbm>>) dst(%arg12 : memref<128xi32, #tpu.memory_space<vmem>>)
      tpu.yield
    }) : () -> ()
    %dma_start3A_157 = arith.constant 0 : i32
    %dma_start3A_158 = arith.constant 0 : i32
    %dma_start3A_159 = tpu.memref_slice %arg2[%dma_start3A_157, %dma_start3A_158] : memref<8192x128xf32, #tpu.memory_space<hbm>> -> memref<8192x128xf32, #tpu.memory_space<hbm>>
    tpu.enqueue_indirect_dma source(%dma_start3A_159 : memref<8192x128xf32, #tpu.memory_space<hbm>>) target(%arg16 : memref<128x128xf32, #tpu.memory_space<vmem>>) offsets(%arg10 : memref<128xi32, #tpu.memory_space<vmem>>) semaphore(%arg20 : memref<!tpu.dma_semaphore, #tpu.memory_space<semaphore_mem>>)
    %dma_start3A_160 = arith.constant 0 : i32
    %dma_start3A_161 = arith.constant 0 : i32
    %dma_start3A_162 = tpu.memref_slice %arg2[%dma_start3A_160, %dma_start3A_161] : memref<8192x128xf32, #tpu.memory_space<hbm>> -> memref<8192x128xf32, #tpu.memory_space<hbm>>
    tpu.enqueue_indirect_dma source(%dma_start3A_162 : memref<8192x128xf32, #tpu.memory_space<hbm>>) target(%arg17 : memref<128x128xf32, #tpu.memory_space<vmem>>) offsets(%arg11 : memref<128xi32, #tpu.memory_space<vmem>>) semaphore(%arg20 : memref<!tpu.dma_semaphore, #tpu.memory_space<semaphore_mem>>)
    %dma_start3A_163 = arith.constant 0 : i32
    %dma_start3A_164 = arith.constant 0 : i32
    %dma_start3A_165 = tpu.memref_slice %arg2[%dma_start3A_163, %dma_start3A_164] : memref<8192x128xf32, #tpu.memory_space<hbm>> -> memref<8192x128xf32, #tpu.memory_space<hbm>>
    tpu.enqueue_indirect_dma source(%dma_start3A_165 : memref<8192x128xf32, #tpu.memory_space<hbm>>) target(%arg18 : memref<128x128xf32, #tpu.memory_space<vmem>>) offsets(%arg12 : memref<128xi32, #tpu.memory_space<vmem>>) semaphore(%arg20 : memref<!tpu.dma_semaphore, #tpu.memory_space<semaphore_mem>>)
    %dma_wait3A_166 = arith.constant 0 : i32
    %dma_wait3A_167 = arith.constant 0 : i32
    %dma_wait3A_168 = tpu.memref_slice %arg2[%dma_wait3A_166, %dma_wait3A_167] : memref<8192x128xf32, #tpu.memory_space<hbm>> -> memref<8192x128xf32, #tpu.memory_space<hbm>>
    tpu.wait_indirect_dma semaphore(%arg19 : memref<!tpu.dma_semaphore, #tpu.memory_space<semaphore_mem>>) src(%dma_wait3A_168 : memref<8192x128xf32, #tpu.memory_space<hbm>>) dst(%arg13 : memref<128x128xf32, #tpu.memory_space<vmem>>)
    %dma_wait3A_169 = arith.constant 0 : i32
    %dma_wait3A_170 = arith.constant 0 : i32
    %dma_wait3A_171 = tpu.memref_slice %arg2[%dma_wait3A_169, %dma_wait3A_170] : memref<8192x128xf32, #tpu.memory_space<hbm>> -> memref<8192x128xf32, #tpu.memory_space<hbm>>
    tpu.wait_indirect_dma semaphore(%arg19 : memref<!tpu.dma_semaphore, #tpu.memory_space<semaphore_mem>>) src(%dma_wait3A_171 : memref<8192x128xf32, #tpu.memory_space<hbm>>) dst(%arg14 : memref<128x128xf32, #tpu.memory_space<vmem>>)
    %dma_wait3A_172 = arith.constant 0 : i32
    %dma_wait3A_173 = arith.constant 0 : i32
    %dma_wait3A_174 = tpu.memref_slice %arg2[%dma_wait3A_172, %dma_wait3A_173] : memref<8192x128xf32, #tpu.memory_space<hbm>> -> memref<8192x128xf32, #tpu.memory_space<hbm>>
    tpu.wait_indirect_dma semaphore(%arg19 : memref<!tpu.dma_semaphore, #tpu.memory_space<semaphore_mem>>) src(%dma_wait3A_174 : memref<8192x128xf32, #tpu.memory_space<hbm>>) dst(%arg15 : memref<128x128xf32, #tpu.memory_space<vmem>>)
    %scan3A_175 = arith.constant 0 : i32
    %scan3A_176 = arith.constant 0 : i32
    %scan3A_177 = arith.constant 64 : i32
    %scan3A_178 = arith.addi %scan3A_176, %scan3A_177 : i32
    %scan3A_179 = arith.constant 1 : i32
    scf.for %scan3A_288 = %scan3A_176 to %scan3A_178 step %scan3A_179  : i32 {
      %mul3A_289 = arith.constant 2 : i32
      %mul3A_290 = arith.muli %scan3A_288, %mul3A_289 : i32
      %add3A_291 = arith.constant 0 : i32
      %add3A_292 = arith.addi %mul3A_290, %add3A_291 : i32
      %get3A = arith.index_cast %add3A_292 : i32 to index
      %get3A_293 = arith.constant 0 : index
      %get3A_294 = tpu.vector_load %arg13[%get3A, %get3A_293] {strides = array<i32>} : memref<128x128xf32, #tpu.memory_space<vmem>>, vector<1x16xf32>,
      %get3A_295 = vector.shape_cast %get3A_294 : vector<1x16xf32> to vector<16xf32>
      %get3A_296 = arith.index_cast %add3A_292 : i32 to index
      %get3A_297 = arith.constant 0 : index
      %get3A_298 = tpu.vector_load %arg14[%get3A_296, %get3A_297] {strides = array<i32>} : memref<128x128xf32, #tpu.memory_space<vmem>>, vector<1x16xf32>,
      %get3A_299 = vector.shape_cast %get3A_298 : vector<1x16xf32> to vector<16xf32>
      %add3A_300 = arith.addf %get3A_295, %get3A_299 : vector<16xf32>
      %get3A_301 = arith.index_cast %add3A_292 : i32 to index
      %get3A_302 = arith.constant 0 : index
      %get3A_303 = tpu.vector_load %arg15[%get3A_301, %get3A_302] {strides = array<i32>} : memref<128x128xf32, #tpu.memory_space<vmem>>, vector<1x16xf32>,
      %get3A_304 = vector.shape_cast %get3A_303 : vector<1x16xf32> to vector<16xf32>
      %add3A_305 = arith.addf %add3A_300, %get3A_304 : vector<16xf32>
      %swap3A = arith.index_cast %add3A_292 : i32 to index
      %swap3A_306 = arith.constant 0 : index
      %swap3A_307 = tpu.vector_load %arg13[%swap3A, %swap3A_306] {strides = array<i32>} : memref<128x128xf32, #tpu.memory_space<vmem>>, vector<1x16xf32>,
      %swap3A_308 = vector.shape_cast %swap3A_307 : vector<1x16xf32> to vector<16xf32>
      %swap3A_309 = vector.shape_cast %add3A_305 : vector<16xf32> to vector<1x16xf32>
      tpu.vector_store %arg13[%swap3A, %swap3A_306], %swap3A_309 {strides = array<i32>} : memref<128x128xf32, #tpu.memory_space<vmem>>, vector<1x16xf32>,
      %get3A_310 = arith.index_cast %add3A_292 : i32 to index
      %get3A_311 = arith.constant 16 : index
      %get3A_312 = tpu.vector_load %arg13[%get3A_310, %get3A_311] {strides = array<i32>} : memref<128x128xf32, #tpu.memory_space<vmem>>, vector<1x16xf32>,
      %get3A_313 = vector.shape_cast %get3A_312 : vector<1x16xf32> to vector<16xf32>
      %get3A_314 = arith.index_cast %add3A_292 : i32 to index
      %get3A_315 = arith.constant 16 : index
      %get3A_316 = tpu.vector_load %arg14[%get3A_314, %get3A_315] {strides = array<i32>} : memref<128x128xf32, #tpu.memory_space<vmem>>, vector<1x16xf32>,
      %get3A_317 = vector.shape_cast %get3A_316 : vector<1x16xf32> to vector<16xf32>
      %add3A_318 = arith.addf %get3A_313, %get3A_317 : vector<16xf32>
      %get3A_319 = arith.index_cast %add3A_292 : i32 to index
      %get3A_320 = arith.constant 16 : index
      %get3A_321 = tpu.vector_load %arg15[%get3A_319, %get3A_320] {strides = array<i32>} : memref<128x128xf32, #tpu.memory_space<vmem>>, vector<1x16xf32>,
      %get3A_322 = vector.shape_cast %get3A_321 : vector<1x16xf32> to vector<16xf32>
      %add3A_323 = arith.addf %add3A_318, %get3A_322 : vector<16xf32>
      %swap3A_324 = arith.index_cast %add3A_292 : i32 to index
      %swap3A_325 = arith.constant 16 : index
      %swap3A_326 = tpu.vector_load %arg13[%swap3A_324, %swap3A_325] {strides = array<i32>} : memref<128x128xf32, #tpu.memory_space<vmem>>, vector<1x16xf32>,
      %swap3A_327 = vector.shape_cast %swap3A_326 : vector<1x16xf32> to vector<16xf32>
      %swap3A_328 = vector.shape_cast %add3A_323 : vector<16xf32> to vector<1x16xf32>
      tpu.vector_store %arg13[%swap3A_324, %swap3A_325], %swap3A_328 {strides = array<i32>} : memref<128x128xf32, #tpu.memory_space<vmem>>, vector<1x16xf32>,
      %get3A_329 = arith.index_cast %add3A_292 : i32 to index
      %get3A_330 = arith.constant 32 : index
      %get3A_331 = tpu.vector_load %arg13[%get3A_329, %get3A_330] {strides = array<i32>} : memref<128x128xf32, #tpu.memory_space<vmem>>, vector<1x16xf32>,
      %get3A_332 = vector.shape_cast %get3A_331 : vector<1x16xf32> to vector<16xf32>
      %get3A_333 = arith.index_cast %add3A_292 : i32 to index
      %get3A_334 = arith.constant 32 : index
      %get3A_335 = tpu.vector_load %arg14[%get3A_333, %get3A_334] {strides = array<i32>} : memref<128x128xf32, #tpu.memory_space<vmem>>, vector<1x16xf32>,
      %get3A_336 = vector.shape_cast %get3A_335 : vector<1x16xf32> to vector<16xf32>
      %add3A_337 = arith.addf %get3A_332, %get3A_336 : vector<16xf32>
      %get3A_338 = arith.index_cast %add3A_292 : i32 to index
      %get3A_339 = arith.constant 32 : index
      %get3A_340 = tpu.vector_load %arg15[%get3A_338, %get3A_339] {strides = array<i32>} : memref<128x128xf32, #tpu.memory_space<vmem>>, vector<1x16xf32>,
      %get3A_341 = vector.shape_cast %get3A_340 : vector<1x16xf32> to vector<16xf32>
      %add3A_342 = arith.addf %add3A_337, %get3A_341 : vector<16xf32>
      %swap3A_343 = arith.index_cast %add3A_292 : i32 to index
      %swap3A_344 = arith.constant 32 : index
      %swap3A_345 = tpu.vector_load %arg13[%swap3A_343, %swap3A_344] {strides = array<i32>} : memref<128x128xf32, #tpu.memory_space<vmem>>, vector<1x16xf32>,
      %swap3A_346 = vector.shape_cast %swap3A_345 : vector<1x16xf32> to vector<16xf32>
      %swap3A_347 = vector.shape_cast %add3A_342 : vector<16xf32> to vector<1x16xf32>
      tpu.vector_store %arg13[%swap3A_343, %swap3A_344], %swap3A_347 {strides = array<i32>} : memref<128x128xf32, #tpu.memory_space<vmem>>, vector<1x16xf32>,
      %get3A_348 = arith.index_cast %add3A_292 : i32 to index
      %get3A_349 = arith.constant 48 : index
      %get3A_350 = tpu.vector_load %arg13[%get3A_348, %get3A_349] {strides = array<i32>} : memref<128x128xf32, #tpu.memory_space<vmem>>, vector<1x16xf32>,
      %get3A_351 = vector.shape_cast %get3A_350 : vector<1x16xf32> to vector<16xf32>
      %get3A_352 = arith.index_cast %add3A_292 : i32 to index
      %get3A_353 = arith.constant 48 : index
      %get3A_354 = tpu.vector_load %arg14[%get3A_352, %get3A_353] {strides = array<i32>} : memref<128x128xf32, #tpu.memory_space<vmem>>, vector<1x16xf32>,
      %get3A_355 = vector.shape_cast %get3A_354 : vector<1x16xf32> to vector<16xf32>
      %add3A_356 = arith.addf %get3A_351, %get3A_355 : vector<16xf32>
      %get3A_357 = arith.index_cast %add3A_292 : i32 to index
      %get3A_358 = arith.constant 48 : index
      %get3A_359 = tpu.vector_load %arg15[%get3A_357, %get3A_358] {strides = array<i32>} : memref<128x128xf32, #tpu.memory_space<vmem>>, vector<1x16xf32>,
      %get3A_360 = vector.shape_cast %get3A_359 : vector<1x16xf32> to vector<16xf32>
      %add3A_361 = arith.addf %add3A_356, %get3A_360 : vector<16xf32>
      %swap3A_362 = arith.index_cast %add3A_292 : i32 to index
      %swap3A_363 = arith.constant 48 : index
      %swap3A_364 = tpu.vector_load %arg13[%swap3A_362, %swap3A_363] {strides = array<i32>} : memref<128x128xf32, #tpu.memory_space<vmem>>, vector<1x16xf32>,
      %swap3A_365 = vector.shape_cast %swap3A_364 : vector<1x16xf32> to vector<16xf32>
      %swap3A_366 = vector.shape_cast %add3A_361 : vector<16xf32> to vector<1x16xf32>
      tpu.vector_store %arg13[%swap3A_362, %swap3A_363], %swap3A_366 {strides = array<i32>} : memref<128x128xf32, #tpu.memory_space<vmem>>, vector<1x16xf32>,
      %get3A_367 = arith.index_cast %add3A_292 : i32 to index
      %get3A_368 = arith.constant 64 : index
      %get3A_369 = tpu.vector_load %arg13[%get3A_367, %get3A_368] {strides = array<i32>} : memref<128x128xf32, #tpu.memory_space<vmem>>, vector<1x16xf32>,
      %get3A_370 = vector.shape_cast %get3A_369 : vector<1x16xf32> to vector<16xf32>
      %get3A_371 = arith.index_cast %add3A_292 : i32 to index
      %get3A_372 = arith.constant 64 : index
      %get3A_373 = tpu.vector_load %arg14[%get3A_371, %get3A_372] {strides = array<i32>} : memref<128x128xf32, #tpu.memory_space<vmem>>, vector<1x16xf32>,
      %get3A_374 = vector.shape_cast %get3A_373 : vector<1x16xf32> to vector<16xf32>
      %add3A_375 = arith.addf %get3A_370, %get3A_374 : vector<16xf32>
      %get3A_376 = arith.index_cast %add3A_292 : i32 to index
      %get3A_377 = arith.constant 64 : index
      %get3A_378 = tpu.vector_load %arg15[%get3A_376, %get3A_377] {strides = array<i32>} : memref<128x128xf32, #tpu.memory_space<vmem>>, vector<1x16xf32>,
      %get3A_379 = vector.shape_cast %get3A_378 : vector<1x16xf32> to vector<16xf32>
      %add3A_380 = arith.addf %add3A_375, %get3A_379 : vector<16xf32>
      %swap3A_381 = arith.index_cast %add3A_292 : i32 to index
      %swap3A_382 = arith.constant 64 : index
      %swap3A_383 = tpu.vector_load %arg13[%swap3A_381, %swap3A_382] {strides = array<i32>} : memref<128x128xf32, #tpu.memory_space<vmem>>, vector<1x16xf32>,
      %swap3A_384 = vector.shape_cast %swap3A_383 : vector<1x16xf32> to vector<16xf32>
      %swap3A_385 = vector.shape_cast %add3A_380 : vector<16xf32> to vector<1x16xf32>
      tpu.vector_store %arg13[%swap3A_381, %swap3A_382], %swap3A_385 {strides = array<i32>} : memref<128x128xf32, #tpu.memory_space<vmem>>, vector<1x16xf32>,
      %get3A_386 = arith.index_cast %add3A_292 : i32 to index
      %get3A_387 = arith.constant 80 : index
      %get3A_388 = tpu.vector_load %arg13[%get3A_386, %get3A_387] {strides = array<i32>} : memref<128x128xf32, #tpu.memory_space<vmem>>, vector<1x16xf32>,
      %get3A_389 = vector.shape_cast %get3A_388 : vector<1x16xf32> to vector<16xf32>
      %get3A_390 = arith.index_cast %add3A_292 : i32 to index
      %get3A_391 = arith.constant 80 : index
      %get3A_392 = tpu.vector_load %arg14[%get3A_390, %get3A_391] {strides = array<i32>} : memref<128x128xf32, #tpu.memory_space<vmem>>, vector<1x16xf32>,
      %get3A_393 = vector.shape_cast %get3A_392 : vector<1x16xf32> to vector<16xf32>
      %add3A_394 = arith.addf %get3A_389, %get3A_393 : vector<16xf32>
      %get3A_395 = arith.index_cast %add3A_292 : i32 to index
      %get3A_396 = arith.constant 80 : index
      %get3A_397 = tpu.vector_load %arg15[%get3A_395, %get3A_396] {strides = array<i32>} : memref<128x128xf32, #tpu.memory_space<vmem>>, vector<1x16xf32>,
      %get3A_398 = vector.shape_cast %get3A_397 : vector<1x16xf32> to vector<16xf32>
      %add3A_399 = arith.addf %add3A_394, %get3A_398 : vector<16xf32>
      %swap3A_400 = arith.index_cast %add3A_292 : i32 to index
      %swap3A_401 = arith.constant 80 : index
      %swap3A_402 = tpu.vector_load %arg13[%swap3A_400, %swap3A_401] {strides = array<i32>} : memref<128x128xf32, #tpu.memory_space<vmem>>, vector<1x16xf32>,
      %swap3A_403 = vector.shape_cast %swap3A_402 : vector<1x16xf32> to vector<16xf32>
      %swap3A_404 = vector.shape_cast %add3A_399 : vector<16xf32> to vector<1x16xf32>
      tpu.vector_store %arg13[%swap3A_400, %swap3A_401], %swap3A_404 {strides = array<i32>} : memref<128x128xf32, #tpu.memory_space<vmem>>, vector<1x16xf32>,
      %get3A_405 = arith.index_cast %add3A_292 : i32 to index
      %get3A_406 = arith.constant 96 : index
      %get3A_407 = tpu.vector_load %arg13[%get3A_405, %get3A_406] {strides = array<i32>} : memref<128x128xf32, #tpu.memory_space<vmem>>, vector<1x16xf32>,
      %get3A_408 = vector.shape_cast %get3A_407 : vector<1x16xf32> to vector<16xf32>
      %get3A_409 = arith.index_cast %add3A_292 : i32 to index
      %get3A_410 = arith.constant 96 : index
      %get3A_411 = tpu.vector_load %arg14[%get3A_409, %get3A_410] {strides = array<i32>} : memref<128x128xf32, #tpu.memory_space<vmem>>, vector<1x16xf32>,
      %get3A_412 = vector.shape_cast %get3A_411 : vector<1x16xf32> to vector<16xf32>
      %add3A_413 = arith.addf %get3A_408, %get3A_412 : vector<16xf32>
      %get3A_414 = arith.index_cast %add3A_292 : i32 to index
      %get3A_415 = arith.constant 96 : index
      %get3A_416 = tpu.vector_load %arg15[%get3A_414, %get3A_415] {strides = array<i32>} : memref<128x128xf32, #tpu.memory_space<vmem>>, vector<1x16xf32>,
      %get3A_417 = vector.shape_cast %get3A_416 : vector<1x16xf32> to vector<16xf32>
      %add3A_418 = arith.addf %add3A_413, %get3A_417 : vector<16xf32>
      %swap3A_419 = arith.index_cast %add3A_292 : i32 to index
      %swap3A_420 = arith.constant 96 : index
      %swap3A_421 = tpu.vector_load %arg13[%swap3A_419, %swap3A_420] {strides = array<i32>} : memref<128x128xf32, #tpu.memory_space<vmem>>, vector<1x16xf32>,
      %swap3A_422 = vector.shape_cast %swap3A_421 : vector<1x16xf32> to vector<16xf32>
      %swap3A_423 = vector.shape_cast %add3A_418 : vector<16xf32> to vector<1x16xf32>
      tpu.vector_store %arg13[%swap3A_419, %swap3A_420], %swap3A_423 {strides = array<i32>} : memref<128x128xf32, #tpu.memory_space<vmem>>, vector<1x16xf32>,
      %get3A_424 = arith.index_cast %add3A_292 : i32 to index
      %get3A_425 = arith.constant 112 : index
      %get3A_426 = tpu.vector_load %arg13[%get3A_424, %get3A_425] {strides = array<i32>} : memref<128x128xf32, #tpu.memory_space<vmem>>, vector<1x16xf32>,
      %get3A_427 = vector.shape_cast %get3A_426 : vector<1x16xf32> to vector<16xf32>
      %get3A_428 = arith.index_cast %add3A_292 : i32 to index
      %get3A_429 = arith.constant 112 : index
      %get3A_430 = tpu.vector_load %arg14[%get3A_428, %get3A_429] {strides = array<i32>} : memref<128x128xf32, #tpu.memory_space<vmem>>, vector<1x16xf32>,
      %get3A_431 = vector.shape_cast %get3A_430 : vector<1x16xf32> to vector<16xf32>
      %add3A_432 = arith.addf %get3A_427, %get3A_431 : vector<16xf32>
      %get3A_433 = arith.index_cast %add3A_292 : i32 to index
      %get3A_434 = arith.constant 112 : index
      %get3A_435 = tpu.vector_load %arg15[%get3A_433, %get3A_434] {strides = array<i32>} : memref<128x128xf32, #tpu.memory_space<vmem>>, vector<1x16xf32>,
      %get3A_436 = vector.shape_cast %get3A_435 : vector<1x16xf32> to vector<16xf32>
      %add3A_437 = arith.addf %add3A_432, %get3A_436 : vector<16xf32>
      %swap3A_438 = arith.index_cast %add3A_292 : i32 to index
      %swap3A_439 = arith.constant 112 : index
      %swap3A_440 = tpu.vector_load %arg13[%swap3A_438, %swap3A_439] {strides = array<i32>} : memref<128x128xf32, #tpu.memory_space<vmem>>, vector<1x16xf32>,
      %swap3A_441 = vector.shape_cast %swap3A_440 : vector<1x16xf32> to vector<16xf32>
      %swap3A_442 = vector.shape_cast %add3A_437 : vector<16xf32> to vector<1x16xf32>
      tpu.vector_store %arg13[%swap3A_438, %swap3A_439], %swap3A_442 {strides = array<i32>} : memref<128x128xf32, #tpu.memory_space<vmem>>, vector<1x16xf32>,
      %mul3A_443 = arith.constant 2 : i32
      %mul3A_444 = arith.muli %scan3A_288, %mul3A_443 : i32
      %add3A_445 = arith.constant 1 : i32
      %add3A_446 = arith.addi %mul3A_444, %add3A_445 : i32
      %get3A_447 = arith.index_cast %add3A_446 : i32 to index
      %get3A_448 = arith.constant 0 : index
      %get3A_449 = tpu.vector_load %arg13[%get3A_447, %get3A_448] {strides = array<i32>} : memref<128x128xf32, #tpu.memory_space<vmem>>, vector<1x16xf32>,
      %get3A_450 = vector.shape_cast %get3A_449 : vector<1x16xf32> to vector<16xf32>
      %get3A_451 = arith.index_cast %add3A_446 : i32 to index
      %get3A_452 = arith.constant 0 : index
      %get3A_453 = tpu.vector_load %arg14[%get3A_451, %get3A_452] {strides = array<i32>} : memref<128x128xf32, #tpu.memory_space<vmem>>, vector<1x16xf32>,
      %get3A_454 = vector.shape_cast %get3A_453 : vector<1x16xf32> to vector<16xf32>
      %add3A_455 = arith.addf %get3A_450, %get3A_454 : vector<16xf32>
      %get3A_456 = arith.index_cast %add3A_446 : i32 to index
      %get3A_457 = arith.constant 0 : index
      %get3A_458 = tpu.vector_load %arg15[%get3A_456, %get3A_457] {strides = array<i32>} : memref<128x128xf32, #tpu.memory_space<vmem>>, vector<1x16xf32>,
      %get3A_459 = vector.shape_cast %get3A_458 : vector<1x16xf32> to vector<16xf32>
      %add3A_460 = arith.addf %add3A_455, %get3A_459 : vector<16xf32>
      %swap3A_461 = arith.index_cast %add3A_446 : i32 to index
      %swap3A_462 = arith.constant 0 : index
      %swap3A_463 = tpu.vector_load %arg13[%swap3A_461, %swap3A_462] {strides = array<i32>} : memref<128x128xf32, #tpu.memory_space<vmem>>, vector<1x16xf32>,
      %swap3A_464 = vector.shape_cast %swap3A_463 : vector<1x16xf32> to vector<16xf32>
      %swap3A_465 = vector.shape_cast %add3A_460 : vector<16xf32> to vector<1x16xf32>
      tpu.vector_store %arg13[%swap3A_461, %swap3A_462], %swap3A_465 {strides = array<i32>} : memref<128x128xf32, #tpu.memory_space<vmem>>, vector<1x16xf32>,
      %get3A_466 = arith.index_cast %add3A_446 : i32 to index
      %get3A_467 = arith.constant 16 : index
      %get3A_468 = tpu.vector_load %arg13[%get3A_466, %get3A_467] {strides = array<i32>} : memref<128x128xf32, #tpu.memory_space<vmem>>, vector<1x16xf32>,
      %get3A_469 = vector.shape_cast %get3A_468 : vector<1x16xf32> to vector<16xf32>
      %get3A_470 = arith.index_cast %add3A_446 : i32 to index
      %get3A_471 = arith.constant 16 : index
      %get3A_472 = tpu.vector_load %arg14[%get3A_470, %get3A_471] {strides = array<i32>} : memref<128x128xf32, #tpu.memory_space<vmem>>, vector<1x16xf32>,
      %get3A_473 = vector.shape_cast %get3A_472 : vector<1x16xf32> to vector<16xf32>
      %add3A_474 = arith.addf %get3A_469, %get3A_473 : vector<16xf32>
      %get3A_475 = arith.index_cast %add3A_446 : i32 to index
      %get3A_476 = arith.constant 16 : index
      %get3A_477 = tpu.vector_load %arg15[%get3A_475, %get3A_476] {strides = array<i32>} : memref<128x128xf32, #tpu.memory_space<vmem>>, vector<1x16xf32>,
      %get3A_478 = vector.shape_cast %get3A_477 : vector<1x16xf32> to vector<16xf32>
      %add3A_479 = arith.addf %add3A_474, %get3A_478 : vector<16xf32>
      %swap3A_480 = arith.index_cast %add3A_446 : i32 to index
      %swap3A_481 = arith.constant 16 : index
      %swap3A_482 = tpu.vector_load %arg13[%swap3A_480, %swap3A_481] {strides = array<i32>} : memref<128x128xf32, #tpu.memory_space<vmem>>, vector<1x16xf32>,
      %swap3A_483 = vector.shape_cast %swap3A_482 : vector<1x16xf32> to vector<16xf32>
      %swap3A_484 = vector.shape_cast %add3A_479 : vector<16xf32> to vector<1x16xf32>
      tpu.vector_store %arg13[%swap3A_480, %swap3A_481], %swap3A_484 {strides = array<i32>} : memref<128x128xf32, #tpu.memory_space<vmem>>, vector<1x16xf32>,
      %get3A_485 = arith.index_cast %add3A_446 : i32 to index
      %get3A_486 = arith.constant 32 : index
      %get3A_487 = tpu.vector_load %arg13[%get3A_485, %get3A_486] {strides = array<i32>} : memref<128x128xf32, #tpu.memory_space<vmem>>, vector<1x16xf32>,
      %get3A_488 = vector.shape_cast %get3A_487 : vector<1x16xf32> to vector<16xf32>
      %get3A_489 = arith.index_cast %add3A_446 : i32 to index
      %get3A_490 = arith.constant 32 : index
      %get3A_491 = tpu.vector_load %arg14[%get3A_489, %get3A_490] {strides = array<i32>} : memref<128x128xf32, #tpu.memory_space<vmem>>, vector<1x16xf32>,
      %get3A_492 = vector.shape_cast %get3A_491 : vector<1x16xf32> to vector<16xf32>
      %add3A_493 = arith.addf %get3A_488, %get3A_492 : vector<16xf32>
      %get3A_494 = arith.index_cast %add3A_446 : i32 to index
      %get3A_495 = arith.constant 32 : index
      %get3A_496 = tpu.vector_load %arg15[%get3A_494, %get3A_495] {strides = array<i32>} : memref<128x128xf32, #tpu.memory_space<vmem>>, vector<1x16xf32>,
      %get3A_497 = vector.shape_cast %get3A_496 : vector<1x16xf32> to vector<16xf32>
      %add3A_498 = arith.addf %add3A_493, %get3A_497 : vector<16xf32>
      %swap3A_499 = arith.index_cast %add3A_446 : i32 to index
      %swap3A_500 = arith.constant 32 : index
      %swap3A_501 = tpu.vector_load %arg13[%swap3A_499, %swap3A_500] {strides = array<i32>} : memref<128x128xf32, #tpu.memory_space<vmem>>, vector<1x16xf32>,
      %swap3A_502 = vector.shape_cast %swap3A_501 : vector<1x16xf32> to vector<16xf32>
      %swap3A_503 = vector.shape_cast %add3A_498 : vector<16xf32> to vector<1x16xf32>
      tpu.vector_store %arg13[%swap3A_499, %swap3A_500], %swap3A_503 {strides = array<i32>} : memref<128x128xf32, #tpu.memory_space<vmem>>, vector<1x16xf32>,
      %get3A_504 = arith.index_cast %add3A_446 : i32 to index
      %get3A_505 = arith.constant 48 : index
      %get3A_506 = tpu.vector_load %arg13[%get3A_504, %get3A_505] {strides = array<i32>} : memref<128x128xf32, #tpu.memory_space<vmem>>, vector<1x16xf32>,
      %get3A_507 = vector.shape_cast %get3A_506 : vector<1x16xf32> to vector<16xf32>
      %get3A_508 = arith.index_cast %add3A_446 : i32 to index
      %get3A_509 = arith.constant 48 : index
      %get3A_510 = tpu.vector_load %arg14[%get3A_508, %get3A_509] {strides = array<i32>} : memref<128x128xf32, #tpu.memory_space<vmem>>, vector<1x16xf32>,
      %get3A_511 = vector.shape_cast %get3A_510 : vector<1x16xf32> to vector<16xf32>
      %add3A_512 = arith.addf %get3A_507, %get3A_511 : vector<16xf32>
      %get3A_513 = arith.index_cast %add3A_446 : i32 to index
      %get3A_514 = arith.constant 48 : index
      %get3A_515 = tpu.vector_load %arg15[%get3A_513, %get3A_514] {strides = array<i32>} : memref<128x128xf32, #tpu.memory_space<vmem>>, vector<1x16xf32>,
      %get3A_516 = vector.shape_cast %get3A_515 : vector<1x16xf32> to vector<16xf32>
      %add3A_517 = arith.addf %add3A_512, %get3A_516 : vector<16xf32>
      %swap3A_518 = arith.index_cast %add3A_446 : i32 to index
      %swap3A_519 = arith.constant 48 : index
      %swap3A_520 = tpu.vector_load %arg13[%swap3A_518, %swap3A_519] {strides = array<i32>} : memref<128x128xf32, #tpu.memory_space<vmem>>, vector<1x16xf32>,
      %swap3A_521 = vector.shape_cast %swap3A_520 : vector<1x16xf32> to vector<16xf32>
      %swap3A_522 = vector.shape_cast %add3A_517 : vector<16xf32> to vector<1x16xf32>
      tpu.vector_store %arg13[%swap3A_518, %swap3A_519], %swap3A_522 {strides = array<i32>} : memref<128x128xf32, #tpu.memory_space<vmem>>, vector<1x16xf32>,
      %get3A_523 = arith.index_cast %add3A_446 : i32 to index
      %get3A_524 = arith.constant 64 : index
      %get3A_525 = tpu.vector_load %arg13[%get3A_523, %get3A_524] {strides = array<i32>} : memref<128x128xf32, #tpu.memory_space<vmem>>, vector<1x16xf32>,
      %get3A_526 = vector.shape_cast %get3A_525 : vector<1x16xf32> to vector<16xf32>
      %get3A_527 = arith.index_cast %add3A_446 : i32 to index
      %get3A_528 = arith.constant 64 : index
      %get3A_529 = tpu.vector_load %arg14[%get3A_527, %get3A_528] {strides = array<i32>} : memref<128x128xf32, #tpu.memory_space<vmem>>, vector<1x16xf32>,
      %get3A_530 = vector.shape_cast %get3A_529 : vector<1x16xf32> to vector<16xf32>
      %add3A_531 = arith.addf %get3A_526, %get3A_530 : vector<16xf32>
      %get3A_532 = arith.index_cast %add3A_446 : i32 to index
      %get3A_533 = arith.constant 64 : index
      %get3A_534 = tpu.vector_load %arg15[%get3A_532, %get3A_533] {strides = array<i32>} : memref<128x128xf32, #tpu.memory_space<vmem>>, vector<1x16xf32>,
      %get3A_535 = vector.shape_cast %get3A_534 : vector<1x16xf32> to vector<16xf32>
      %add3A_536 = arith.addf %add3A_531, %get3A_535 : vector<16xf32>
      %swap3A_537 = arith.index_cast %add3A_446 : i32 to index
      %swap3A_538 = arith.constant 64 : index
      %swap3A_539 = tpu.vector_load %arg13[%swap3A_537, %swap3A_538] {strides = array<i32>} : memref<128x128xf32, #tpu.memory_space<vmem>>, vector<1x16xf32>,
      %swap3A_540 = vector.shape_cast %swap3A_539 : vector<1x16xf32> to vector<16xf32>
      %swap3A_541 = vector.shape_cast %add3A_536 : vector<16xf32> to vector<1x16xf32>
      tpu.vector_store %arg13[%swap3A_537, %swap3A_538], %swap3A_541 {strides = array<i32>} : memref<128x128xf32, #tpu.memory_space<vmem>>, vector<1x16xf32>,
      %get3A_542 = arith.index_cast %add3A_446 : i32 to index
      %get3A_543 = arith.constant 80 : index
      %get3A_544 = tpu.vector_load %arg13[%get3A_542, %get3A_543] {strides = array<i32>} : memref<128x128xf32, #tpu.memory_space<vmem>>, vector<1x16xf32>,
      %get3A_545 = vector.shape_cast %get3A_544 : vector<1x16xf32> to vector<16xf32>
      %get3A_546 = arith.index_cast %add3A_446 : i32 to index
      %get3A_547 = arith.constant 80 : index
      %get3A_548 = tpu.vector_load %arg14[%get3A_546, %get3A_547] {strides = array<i32>} : memref<128x128xf32, #tpu.memory_space<vmem>>, vector<1x16xf32>,
      %get3A_549 = vector.shape_cast %get3A_548 : vector<1x16xf32> to vector<16xf32>
      %add3A_550 = arith.addf %get3A_545, %get3A_549 : vector<16xf32>
      %get3A_551 = arith.index_cast %add3A_446 : i32 to index
      %get3A_552 = arith.constant 80 : index
      %get3A_553 = tpu.vector_load %arg15[%get3A_551, %get3A_552] {strides = array<i32>} : memref<128x128xf32, #tpu.memory_space<vmem>>, vector<1x16xf32>,
      %get3A_554 = vector.shape_cast %get3A_553 : vector<1x16xf32> to vector<16xf32>
      %add3A_555 = arith.addf %add3A_550, %get3A_554 : vector<16xf32>
      %swap3A_556 = arith.index_cast %add3A_446 : i32 to index
      %swap3A_557 = arith.constant 80 : index
      %swap3A_558 = tpu.vector_load %arg13[%swap3A_556, %swap3A_557] {strides = array<i32>} : memref<128x128xf32, #tpu.memory_space<vmem>>, vector<1x16xf32>,
      %swap3A_559 = vector.shape_cast %swap3A_558 : vector<1x16xf32> to vector<16xf32>
      %swap3A_560 = vector.shape_cast %add3A_555 : vector<16xf32> to vector<1x16xf32>
      tpu.vector_store %arg13[%swap3A_556, %swap3A_557], %swap3A_560 {strides = array<i32>} : memref<128x128xf32, #tpu.memory_space<vmem>>, vector<1x16xf32>,
      %get3A_561 = arith.index_cast %add3A_446 : i32 to index
      %get3A_562 = arith.constant 96 : index
      %get3A_563 = tpu.vector_load %arg13[%get3A_561, %get3A_562] {strides = array<i32>} : memref<128x128xf32, #tpu.memory_space<vmem>>, vector<1x16xf32>,
      %get3A_564 = vector.shape_cast %get3A_563 : vector<1x16xf32> to vector<16xf32>
      %get3A_565 = arith.index_cast %add3A_446 : i32 to index
      %get3A_566 = arith.constant 96 : index
      %get3A_567 = tpu.vector_load %arg14[%get3A_565, %get3A_566] {strides = array<i32>} : memref<128x128xf32, #tpu.memory_space<vmem>>, vector<1x16xf32>,
      %get3A_568 = vector.shape_cast %get3A_567 : vector<1x16xf32> to vector<16xf32>
      %add3A_569 = arith.addf %get3A_564, %get3A_568 : vector<16xf32>
      %get3A_570 = arith.index_cast %add3A_446 : i32 to index
      %get3A_571 = arith.constant 96 : index
      %get3A_572 = tpu.vector_load %arg15[%get3A_570, %get3A_571] {strides = array<i32>} : memref<128x128xf32, #tpu.memory_space<vmem>>, vector<1x16xf32>,
      %get3A_573 = vector.shape_cast %get3A_572 : vector<1x16xf32> to vector<16xf32>
      %add3A_574 = arith.addf %add3A_569, %get3A_573 : vector<16xf32>
      %swap3A_575 = arith.index_cast %add3A_446 : i32 to index
      %swap3A_576 = arith.constant 96 : index
      %swap3A_577 = tpu.vector_load %arg13[%swap3A_575, %swap3A_576] {strides = array<i32>} : memref<128x128xf32, #tpu.memory_space<vmem>>, vector<1x16xf32>,
      %swap3A_578 = vector.shape_cast %swap3A_577 : vector<1x16xf32> to vector<16xf32>
      %swap3A_579 = vector.shape_cast %add3A_574 : vector<16xf32> to vector<1x16xf32>
      tpu.vector_store %arg13[%swap3A_575, %swap3A_576], %swap3A_579 {strides = array<i32>} : memref<128x128xf32, #tpu.memory_space<vmem>>, vector<1x16xf32>,
      %get3A_580 = arith.index_cast %add3A_446 : i32 to index
      %get3A_581 = arith.constant 112 : index
      %get3A_582 = tpu.vector_load %arg13[%get3A_580, %get3A_581] {strides = array<i32>} : memref<128x128xf32, #tpu.memory_space<vmem>>, vector<1x16xf32>,
      %get3A_583 = vector.shape_cast %get3A_582 : vector<1x16xf32> to vector<16xf32>
      %get3A_584 = arith.index_cast %add3A_446 : i32 to index
      %get3A_585 = arith.constant 112 : index
      %get3A_586 = tpu.vector_load %arg14[%get3A_584, %get3A_585] {strides = array<i32>} : memref<128x128xf32, #tpu.memory_space<vmem>>, vector<1x16xf32>,
      %get3A_587 = vector.shape_cast %get3A_586 : vector<1x16xf32> to vector<16xf32>
      %add3A_588 = arith.addf %get3A_583, %get3A_587 : vector<16xf32>
      %get3A_589 = arith.index_cast %add3A_446 : i32 to index
      %get3A_590 = arith.constant 112 : index
      %get3A_591 = tpu.vector_load %arg15[%get3A_589, %get3A_590] {strides = array<i32>} : memref<128x128xf32, #tpu.memory_space<vmem>>, vector<1x16xf32>,
      %get3A_592 = vector.shape_cast %get3A_591 : vector<1x16xf32> to vector<16xf32>
      %add3A_593 = arith.addf %add3A_588, %get3A_592 : vector<16xf32>
      %swap3A_594 = arith.index_cast %add3A_446 : i32 to index
      %swap3A_595 = arith.constant 112 : index
      %swap3A_596 = tpu.vector_load %arg13[%swap3A_594, %swap3A_595] {strides = array<i32>} : memref<128x128xf32, #tpu.memory_space<vmem>>, vector<1x16xf32>,
      %swap3A_597 = vector.shape_cast %swap3A_596 : vector<1x16xf32> to vector<16xf32>
      %swap3A_598 = vector.shape_cast %add3A_593 : vector<16xf32> to vector<1x16xf32>
      tpu.vector_store %arg13[%swap3A_594, %swap3A_595], %swap3A_598 {strides = array<i32>} : memref<128x128xf32, #tpu.memory_space<vmem>>, vector<1x16xf32>,
    }
    %scan3A_180 = arith.constant 64 : i32
    %add3A_181 = arith.constant 512 : i32
    %add3A_182 = arith.addi %mul3A_2, %add3A_181 : i32
    %dma_start3A_183 = arith.constant 0 : i32
    %dma_start3A_184 = tpu.memref_slice %arg6[%add3A_182, %dma_start3A_183] : memref<32768x128xf32, #tpu.memory_space<hbm>> -> memref<128x128xf32, #tpu.memory_space<hbm>>
    %dma_start3A_185 = arith.constant 0 : i32
    %dma_start3A_186 = tpu.memref_slice %arg6[%add3A_182, %dma_start3A_185] : memref<32768x128xf32, #tpu.memory_space<hbm>> -> memref<128x128xf32, #tpu.memory_space<hbm>>
    tpu.enqueue_dma source(%arg13 : memref<128x128xf32, #tpu.memory_space<vmem>>) target(%dma_start3A_186 : memref<128x128xf32, #tpu.memory_space<hbm>>) target_semaphore(%arg21 : memref<!tpu.dma_semaphore, #tpu.memory_space<semaphore_mem>>)
    %dma_wait3A_187 = arith.constant 0 : i32
    %dma_wait3A_188 = tpu.memref_slice %arg6[%add3A_182, %dma_wait3A_187] : memref<32768x128xf32, #tpu.memory_space<hbm>> -> memref<128x128xf32, #tpu.memory_space<hbm>>
    %dma_wait3A_189 = arith.constant 0 : i32
    %dma_wait3A_190 = tpu.memref_slice %arg6[%add3A_182, %dma_wait3A_189] : memref<32768x128xf32, #tpu.memory_space<hbm>> -> memref<128x128xf32, #tpu.memory_space<hbm>>
    tpu.wait_dma2 semaphore(%arg21 : memref<!tpu.dma_semaphore, #tpu.memory_space<semaphore_mem>>) src(%arg13 : memref<128x128xf32, #tpu.memory_space<vmem>>) dst(%dma_wait3A_190 : memref<128x128xf32, #tpu.memory_space<hbm>>)
    %add3A_191 = arith.constant 768 : i32
    %add3A_192 = arith.addi %mul3A_2, %add3A_191 : i32
    "tpu.region"() ({
      %run_scoped3A = tpu.sem_alloc : memref<!tpu.dma_semaphore, #tpu.memory_space<semaphore_mem>>
      %dma_start3A_288 = tpu.memref_slice %arg3[%add3A_192] : memref<32768xi32, #tpu.memory_space<hbm>> -> memref<128xi32, #tpu.memory_space<hbm>>
      %dma_start3A_289 = tpu.memref_slice %arg3[%add3A_192] : memref<32768xi32, #tpu.memory_space<hbm>> -> memref<128xi32, #tpu.memory_space<hbm>>
      tpu.enqueue_dma source(%dma_start3A_289 : memref<128xi32, #tpu.memory_space<hbm>>) target(%arg7 : memref<128xi32, #tpu.memory_space<vmem>>) target_semaphore(%run_scoped3A : memref<!tpu.dma_semaphore, #tpu.memory_space<semaphore_mem>>)
      %dma_wait3A_290 = tpu.memref_slice %arg3[%add3A_192] : memref<32768xi32, #tpu.memory_space<hbm>> -> memref<128xi32, #tpu.memory_space<hbm>>
      %dma_wait3A_291 = tpu.memref_slice %arg3[%add3A_192] : memref<32768xi32, #tpu.memory_space<hbm>> -> memref<128xi32, #tpu.memory_space<hbm>>
      tpu.wait_dma2 semaphore(%run_scoped3A : memref<!tpu.dma_semaphore, #tpu.memory_space<semaphore_mem>>) src(%dma_wait3A_291 : memref<128xi32, #tpu.memory_space<hbm>>) dst(%arg7 : memref<128xi32, #tpu.memory_space<vmem>>)
      tpu.yield
    }) : () -> ()
    "tpu.region"() ({
      %run_scoped3A = tpu.sem_alloc : memref<!tpu.dma_semaphore, #tpu.memory_space<semaphore_mem>>
      %dma_start3A_288 = tpu.memref_slice %arg4[%add3A_192] : memref<32768xi32, #tpu.memory_space<hbm>> -> memref<128xi32, #tpu.memory_space<hbm>>
      %dma_start3A_289 = tpu.memref_slice %arg4[%add3A_192] : memref<32768xi32, #tpu.memory_space<hbm>> -> memref<128xi32, #tpu.memory_space<hbm>>
      tpu.enqueue_dma source(%dma_start3A_289 : memref<128xi32, #tpu.memory_space<hbm>>) target(%arg8 : memref<128xi32, #tpu.memory_space<vmem>>) target_semaphore(%run_scoped3A : memref<!tpu.dma_semaphore, #tpu.memory_space<semaphore_mem>>)
      %dma_wait3A_290 = tpu.memref_slice %arg4[%add3A_192] : memref<32768xi32, #tpu.memory_space<hbm>> -> memref<128xi32, #tpu.memory_space<hbm>>
      %dma_wait3A_291 = tpu.memref_slice %arg4[%add3A_192] : memref<32768xi32, #tpu.memory_space<hbm>> -> memref<128xi32, #tpu.memory_space<hbm>>
      tpu.wait_dma2 semaphore(%run_scoped3A : memref<!tpu.dma_semaphore, #tpu.memory_space<semaphore_mem>>) src(%dma_wait3A_291 : memref<128xi32, #tpu.memory_space<hbm>>) dst(%arg8 : memref<128xi32, #tpu.memory_space<vmem>>)
      tpu.yield
    }) : () -> ()
    "tpu.region"() ({
      %run_scoped3A = tpu.sem_alloc : memref<!tpu.dma_semaphore, #tpu.memory_space<semaphore_mem>>
      %dma_start3A_288 = tpu.memref_slice %arg5[%add3A_192] : memref<32768xi32, #tpu.memory_space<hbm>> -> memref<128xi32, #tpu.memory_space<hbm>>
      %dma_start3A_289 = tpu.memref_slice %arg5[%add3A_192] : memref<32768xi32, #tpu.memory_space<hbm>> -> memref<128xi32, #tpu.memory_space<hbm>>
      tpu.enqueue_dma source(%dma_start3A_289 : memref<128xi32, #tpu.memory_space<hbm>>) target(%arg9 : memref<128xi32, #tpu.memory_space<vmem>>) target_semaphore(%run_scoped3A : memref<!tpu.dma_semaphore, #tpu.memory_space<semaphore_mem>>)
      %dma_wait3A_290 = tpu.memref_slice %arg5[%add3A_192] : memref<32768xi32, #tpu.memory_space<hbm>> -> memref<128xi32, #tpu.memory_space<hbm>>
      %dma_wait3A_291 = tpu.memref_slice %arg5[%add3A_192] : memref<32768xi32, #tpu.memory_space<hbm>> -> memref<128xi32, #tpu.memory_space<hbm>>
      tpu.wait_dma2 semaphore(%run_scoped3A : memref<!tpu.dma_semaphore, #tpu.memory_space<semaphore_mem>>) src(%dma_wait3A_291 : memref<128xi32, #tpu.memory_space<hbm>>) dst(%arg9 : memref<128xi32, #tpu.memory_space<vmem>>)
      tpu.yield
    }) : () -> ()
    %dma_start3A_193 = arith.constant 0 : i32
    %dma_start3A_194 = arith.constant 0 : i32
    %dma_start3A_195 = tpu.memref_slice %arg2[%dma_start3A_193, %dma_start3A_194] : memref<8192x128xf32, #tpu.memory_space<hbm>> -> memref<8192x128xf32, #tpu.memory_space<hbm>>
    tpu.enqueue_indirect_dma source(%dma_start3A_195 : memref<8192x128xf32, #tpu.memory_space<hbm>>) target(%arg13 : memref<128x128xf32, #tpu.memory_space<vmem>>) offsets(%arg7 : memref<128xi32, #tpu.memory_space<vmem>>) semaphore(%arg19 : memref<!tpu.dma_semaphore, #tpu.memory_space<semaphore_mem>>)
    %dma_start3A_196 = arith.constant 0 : i32
    %dma_start3A_197 = arith.constant 0 : i32
    %dma_start3A_198 = tpu.memref_slice %arg2[%dma_start3A_196, %dma_start3A_197] : memref<8192x128xf32, #tpu.memory_space<hbm>> -> memref<8192x128xf32, #tpu.memory_space<hbm>>
    tpu.enqueue_indirect_dma source(%dma_start3A_198 : memref<8192x128xf32, #tpu.memory_space<hbm>>) target(%arg14 : memref<128x128xf32, #tpu.memory_space<vmem>>) offsets(%arg8 : memref<128xi32, #tpu.memory_space<vmem>>) semaphore(%arg19 : memref<!tpu.dma_semaphore, #tpu.memory_space<semaphore_mem>>)
    %dma_start3A_199 = arith.constant 0 : i32
    %dma_start3A_200 = arith.constant 0 : i32
    %dma_start3A_201 = tpu.memref_slice %arg2[%dma_start3A_199, %dma_start3A_200] : memref<8192x128xf32, #tpu.memory_space<hbm>> -> memref<8192x128xf32, #tpu.memory_space<hbm>>
    tpu.enqueue_indirect_dma source(%dma_start3A_201 : memref<8192x128xf32, #tpu.memory_space<hbm>>) target(%arg15 : memref<128x128xf32, #tpu.memory_space<vmem>>) offsets(%arg9 : memref<128xi32, #tpu.memory_space<vmem>>) semaphore(%arg19 : memref<!tpu.dma_semaphore, #tpu.memory_space<semaphore_mem>>)
    %dma_wait3A_202 = arith.constant 0 : i32
    %dma_wait3A_203 = arith.constant 0 : i32
    %dma_wait3A_204 = tpu.memref_slice %arg2[%dma_wait3A_202, %dma_wait3A_203] : memref<8192x128xf32, #tpu.memory_space<hbm>> -> memref<8192x128xf32, #tpu.memory_space<hbm>>
    tpu.wait_indirect_dma semaphore(%arg20 : memref<!tpu.dma_semaphore, #tpu.memory_space<semaphore_mem>>) src(%dma_wait3A_204 : memref<8192x128xf32, #tpu.memory_space<hbm>>) dst(%arg16 : memref<128x128xf32, #tpu.memory_space<vmem>>)
    %dma_wait3A_205 = arith.constant 0 : i32
    %dma_wait3A_206 = arith.constant 0 : i32
    %dma_wait3A_207 = tpu.memref_slice %arg2[%dma_wait3A_205, %dma_wait3A_206] : memref<8192x128xf32, #tpu.memory_space<hbm>> -> memref<8192x128xf32, #tpu.memory_space<hbm>>
    tpu.wait_indirect_dma semaphore(%arg20 : memref<!tpu.dma_semaphore, #tpu.memory_space<semaphore_mem>>) src(%dma_wait3A_207 : memref<8192x128xf32, #tpu.memory_space<hbm>>) dst(%arg17 : memref<128x128xf32, #tpu.memory_space<vmem>>)
    %dma_wait3A_208 = arith.constant 0 : i32
    %dma_wait3A_209 = arith.constant 0 : i32
    %dma_wait3A_210 = tpu.memref_slice %arg2[%dma_wait3A_208, %dma_wait3A_209] : memref<8192x128xf32, #tpu.memory_space<hbm>> -> memref<8192x128xf32, #tpu.memory_space<hbm>>
    tpu.wait_indirect_dma semaphore(%arg20 : memref<!tpu.dma_semaphore, #tpu.memory_space<semaphore_mem>>) src(%dma_wait3A_210 : memref<8192x128xf32, #tpu.memory_space<hbm>>) dst(%arg18 : memref<128x128xf32, #tpu.memory_space<vmem>>)
    %scan3A_211 = arith.constant 0 : i32
    %scan3A_212 = arith.constant 0 : i32
    %scan3A_213 = arith.constant 64 : i32
    %scan3A_214 = arith.addi %scan3A_212, %scan3A_213 : i32
    %scan3A_215 = arith.constant 1 : i32
    scf.for %scan3A_288 = %scan3A_212 to %scan3A_214 step %scan3A_215  : i32 {
      %mul3A_289 = arith.constant 2 : i32
      %mul3A_290 = arith.muli %scan3A_288, %mul3A_289 : i32
      %add3A_291 = arith.constant 0 : i32
      %add3A_292 = arith.addi %mul3A_290, %add3A_291 : i32
      %get3A = arith.index_cast %add3A_292 : i32 to index
      %get3A_293 = arith.constant 0 : index
      %get3A_294 = tpu.vector_load %arg16[%get3A, %get3A_293] {strides = array<i32>} : memref<128x128xf32, #tpu.memory_space<vmem>>, vector<1x16xf32>,
      %get3A_295 = vector.shape_cast %get3A_294 : vector<1x16xf32> to vector<16xf32>
      %get3A_296 = arith.index_cast %add3A_292 : i32 to index
      %get3A_297 = arith.constant 0 : index
      %get3A_298 = tpu.vector_load %arg17[%get3A_296, %get3A_297] {strides = array<i32>} : memref<128x128xf32, #tpu.memory_space<vmem>>, vector<1x16xf32>,
      %get3A_299 = vector.shape_cast %get3A_298 : vector<1x16xf32> to vector<16xf32>
      %add3A_300 = arith.addf %get3A_295, %get3A_299 : vector<16xf32>
      %get3A_301 = arith.index_cast %add3A_292 : i32 to index
      %get3A_302 = arith.constant 0 : index
      %get3A_303 = tpu.vector_load %arg18[%get3A_301, %get3A_302] {strides = array<i32>} : memref<128x128xf32, #tpu.memory_space<vmem>>, vector<1x16xf32>,
      %get3A_304 = vector.shape_cast %get3A_303 : vector<1x16xf32> to vector<16xf32>
      %add3A_305 = arith.addf %add3A_300, %get3A_304 : vector<16xf32>
      %swap3A = arith.index_cast %add3A_292 : i32 to index
      %swap3A_306 = arith.constant 0 : index
      %swap3A_307 = tpu.vector_load %arg16[%swap3A, %swap3A_306] {strides = array<i32>} : memref<128x128xf32, #tpu.memory_space<vmem>>, vector<1x16xf32>,
      %swap3A_308 = vector.shape_cast %swap3A_307 : vector<1x16xf32> to vector<16xf32>
      %swap3A_309 = vector.shape_cast %add3A_305 : vector<16xf32> to vector<1x16xf32>
      tpu.vector_store %arg16[%swap3A, %swap3A_306], %swap3A_309 {strides = array<i32>} : memref<128x128xf32, #tpu.memory_space<vmem>>, vector<1x16xf32>,
      %get3A_310 = arith.index_cast %add3A_292 : i32 to index
      %get3A_311 = arith.constant 16 : index
      %get3A_312 = tpu.vector_load %arg16[%get3A_310, %get3A_311] {strides = array<i32>} : memref<128x128xf32, #tpu.memory_space<vmem>>, vector<1x16xf32>,
      %get3A_313 = vector.shape_cast %get3A_312 : vector<1x16xf32> to vector<16xf32>
      %get3A_314 = arith.index_cast %add3A_292 : i32 to index
      %get3A_315 = arith.constant 16 : index
      %get3A_316 = tpu.vector_load %arg17[%get3A_314, %get3A_315] {strides = array<i32>} : memref<128x128xf32, #tpu.memory_space<vmem>>, vector<1x16xf32>,
      %get3A_317 = vector.shape_cast %get3A_316 : vector<1x16xf32> to vector<16xf32>
      %add3A_318 = arith.addf %get3A_313, %get3A_317 : vector<16xf32>
      %get3A_319 = arith.index_cast %add3A_292 : i32 to index
      %get3A_320 = arith.constant 16 : index
      %get3A_321 = tpu.vector_load %arg18[%get3A_319, %get3A_320] {strides = array<i32>} : memref<128x128xf32, #tpu.memory_space<vmem>>, vector<1x16xf32>,
      %get3A_322 = vector.shape_cast %get3A_321 : vector<1x16xf32> to vector<16xf32>
      %add3A_323 = arith.addf %add3A_318, %get3A_322 : vector<16xf32>
      %swap3A_324 = arith.index_cast %add3A_292 : i32 to index
      %swap3A_325 = arith.constant 16 : index
      %swap3A_326 = tpu.vector_load %arg16[%swap3A_324, %swap3A_325] {strides = array<i32>} : memref<128x128xf32, #tpu.memory_space<vmem>>, vector<1x16xf32>,
      %swap3A_327 = vector.shape_cast %swap3A_326 : vector<1x16xf32> to vector<16xf32>
      %swap3A_328 = vector.shape_cast %add3A_323 : vector<16xf32> to vector<1x16xf32>
      tpu.vector_store %arg16[%swap3A_324, %swap3A_325], %swap3A_328 {strides = array<i32>} : memref<128x128xf32, #tpu.memory_space<vmem>>, vector<1x16xf32>,
      %get3A_329 = arith.index_cast %add3A_292 : i32 to index
      %get3A_330 = arith.constant 32 : index
      %get3A_331 = tpu.vector_load %arg16[%get3A_329, %get3A_330] {strides = array<i32>} : memref<128x128xf32, #tpu.memory_space<vmem>>, vector<1x16xf32>,
      %get3A_332 = vector.shape_cast %get3A_331 : vector<1x16xf32> to vector<16xf32>
      %get3A_333 = arith.index_cast %add3A_292 : i32 to index
      %get3A_334 = arith.constant 32 : index
      %get3A_335 = tpu.vector_load %arg17[%get3A_333, %get3A_334] {strides = array<i32>} : memref<128x128xf32, #tpu.memory_space<vmem>>, vector<1x16xf32>,
      %get3A_336 = vector.shape_cast %get3A_335 : vector<1x16xf32> to vector<16xf32>
      %add3A_337 = arith.addf %get3A_332, %get3A_336 : vector<16xf32>
      %get3A_338 = arith.index_cast %add3A_292 : i32 to index
      %get3A_339 = arith.constant 32 : index
      %get3A_340 = tpu.vector_load %arg18[%get3A_338, %get3A_339] {strides = array<i32>} : memref<128x128xf32, #tpu.memory_space<vmem>>, vector<1x16xf32>,
      %get3A_341 = vector.shape_cast %get3A_340 : vector<1x16xf32> to vector<16xf32>
      %add3A_342 = arith.addf %add3A_337, %get3A_341 : vector<16xf32>
      %swap3A_343 = arith.index_cast %add3A_292 : i32 to index
      %swap3A_344 = arith.constant 32 : index
      %swap3A_345 = tpu.vector_load %arg16[%swap3A_343, %swap3A_344] {strides = array<i32>} : memref<128x128xf32, #tpu.memory_space<vmem>>, vector<1x16xf32>,
      %swap3A_346 = vector.shape_cast %swap3A_345 : vector<1x16xf32> to vector<16xf32>
      %swap3A_347 = vector.shape_cast %add3A_342 : vector<16xf32> to vector<1x16xf32>
      tpu.vector_store %arg16[%swap3A_343, %swap3A_344], %swap3A_347 {strides = array<i32>} : memref<128x128xf32, #tpu.memory_space<vmem>>, vector<1x16xf32>,
      %get3A_348 = arith.index_cast %add3A_292 : i32 to index
      %get3A_349 = arith.constant 48 : index
      %get3A_350 = tpu.vector_load %arg16[%get3A_348, %get3A_349] {strides = array<i32>} : memref<128x128xf32, #tpu.memory_space<vmem>>, vector<1x16xf32>,
      %get3A_351 = vector.shape_cast %get3A_350 : vector<1x16xf32> to vector<16xf32>
      %get3A_352 = arith.index_cast %add3A_292 : i32 to index
      %get3A_353 = arith.constant 48 : index
      %get3A_354 = tpu.vector_load %arg17[%get3A_352, %get3A_353] {strides = array<i32>} : memref<128x128xf32, #tpu.memory_space<vmem>>, vector<1x16xf32>,
      %get3A_355 = vector.shape_cast %get3A_354 : vector<1x16xf32> to vector<16xf32>
      %add3A_356 = arith.addf %get3A_351, %get3A_355 : vector<16xf32>
      %get3A_357 = arith.index_cast %add3A_292 : i32 to index
      %get3A_358 = arith.constant 48 : index
      %get3A_359 = tpu.vector_load %arg18[%get3A_357, %get3A_358] {strides = array<i32>} : memref<128x128xf32, #tpu.memory_space<vmem>>, vector<1x16xf32>,
      %get3A_360 = vector.shape_cast %get3A_359 : vector<1x16xf32> to vector<16xf32>
      %add3A_361 = arith.addf %add3A_356, %get3A_360 : vector<16xf32>
      %swap3A_362 = arith.index_cast %add3A_292 : i32 to index
      %swap3A_363 = arith.constant 48 : index
      %swap3A_364 = tpu.vector_load %arg16[%swap3A_362, %swap3A_363] {strides = array<i32>} : memref<128x128xf32, #tpu.memory_space<vmem>>, vector<1x16xf32>,
      %swap3A_365 = vector.shape_cast %swap3A_364 : vector<1x16xf32> to vector<16xf32>
      %swap3A_366 = vector.shape_cast %add3A_361 : vector<16xf32> to vector<1x16xf32>
      tpu.vector_store %arg16[%swap3A_362, %swap3A_363], %swap3A_366 {strides = array<i32>} : memref<128x128xf32, #tpu.memory_space<vmem>>, vector<1x16xf32>,
      %get3A_367 = arith.index_cast %add3A_292 : i32 to index
      %get3A_368 = arith.constant 64 : index
      %get3A_369 = tpu.vector_load %arg16[%get3A_367, %get3A_368] {strides = array<i32>} : memref<128x128xf32, #tpu.memory_space<vmem>>, vector<1x16xf32>,
      %get3A_370 = vector.shape_cast %get3A_369 : vector<1x16xf32> to vector<16xf32>
      %get3A_371 = arith.index_cast %add3A_292 : i32 to index
      %get3A_372 = arith.constant 64 : index
      %get3A_373 = tpu.vector_load %arg17[%get3A_371, %get3A_372] {strides = array<i32>} : memref<128x128xf32, #tpu.memory_space<vmem>>, vector<1x16xf32>,
      %get3A_374 = vector.shape_cast %get3A_373 : vector<1x16xf32> to vector<16xf32>
      %add3A_375 = arith.addf %get3A_370, %get3A_374 : vector<16xf32>
      %get3A_376 = arith.index_cast %add3A_292 : i32 to index
      %get3A_377 = arith.constant 64 : index
      %get3A_378 = tpu.vector_load %arg18[%get3A_376, %get3A_377] {strides = array<i32>} : memref<128x128xf32, #tpu.memory_space<vmem>>, vector<1x16xf32>,
      %get3A_379 = vector.shape_cast %get3A_378 : vector<1x16xf32> to vector<16xf32>
      %add3A_380 = arith.addf %add3A_375, %get3A_379 : vector<16xf32>
      %swap3A_381 = arith.index_cast %add3A_292 : i32 to index
      %swap3A_382 = arith.constant 64 : index
      %swap3A_383 = tpu.vector_load %arg16[%swap3A_381, %swap3A_382] {strides = array<i32>} : memref<128x128xf32, #tpu.memory_space<vmem>>, vector<1x16xf32>,
      %swap3A_384 = vector.shape_cast %swap3A_383 : vector<1x16xf32> to vector<16xf32>
      %swap3A_385 = vector.shape_cast %add3A_380 : vector<16xf32> to vector<1x16xf32>
      tpu.vector_store %arg16[%swap3A_381, %swap3A_382], %swap3A_385 {strides = array<i32>} : memref<128x128xf32, #tpu.memory_space<vmem>>, vector<1x16xf32>,
      %get3A_386 = arith.index_cast %add3A_292 : i32 to index
      %get3A_387 = arith.constant 80 : index
      %get3A_388 = tpu.vector_load %arg16[%get3A_386, %get3A_387] {strides = array<i32>} : memref<128x128xf32, #tpu.memory_space<vmem>>, vector<1x16xf32>,
      %get3A_389 = vector.shape_cast %get3A_388 : vector<1x16xf32> to vector<16xf32>
      %get3A_390 = arith.index_cast %add3A_292 : i32 to index
      %get3A_391 = arith.constant 80 : index
      %get3A_392 = tpu.vector_load %arg17[%get3A_390, %get3A_391] {strides = array<i32>} : memref<128x128xf32, #tpu.memory_space<vmem>>, vector<1x16xf32>,
      %get3A_393 = vector.shape_cast %get3A_392 : vector<1x16xf32> to vector<16xf32>
      %add3A_394 = arith.addf %get3A_389, %get3A_393 : vector<16xf32>
      %get3A_395 = arith.index_cast %add3A_292 : i32 to index
      %get3A_396 = arith.constant 80 : index
      %get3A_397 = tpu.vector_load %arg18[%get3A_395, %get3A_396] {strides = array<i32>} : memref<128x128xf32, #tpu.memory_space<vmem>>, vector<1x16xf32>,
      %get3A_398 = vector.shape_cast %get3A_397 : vector<1x16xf32> to vector<16xf32>
      %add3A_399 = arith.addf %add3A_394, %get3A_398 : vector<16xf32>
      %swap3A_400 = arith.index_cast %add3A_292 : i32 to index
      %swap3A_401 = arith.constant 80 : index
      %swap3A_402 = tpu.vector_load %arg16[%swap3A_400, %swap3A_401] {strides = array<i32>} : memref<128x128xf32, #tpu.memory_space<vmem>>, vector<1x16xf32>,
      %swap3A_403 = vector.shape_cast %swap3A_402 : vector<1x16xf32> to vector<16xf32>
      %swap3A_404 = vector.shape_cast %add3A_399 : vector<16xf32> to vector<1x16xf32>
      tpu.vector_store %arg16[%swap3A_400, %swap3A_401], %swap3A_404 {strides = array<i32>} : memref<128x128xf32, #tpu.memory_space<vmem>>, vector<1x16xf32>,
      %get3A_405 = arith.index_cast %add3A_292 : i32 to index
      %get3A_406 = arith.constant 96 : index
      %get3A_407 = tpu.vector_load %arg16[%get3A_405, %get3A_406] {strides = array<i32>} : memref<128x128xf32, #tpu.memory_space<vmem>>, vector<1x16xf32>,
      %get3A_408 = vector.shape_cast %get3A_407 : vector<1x16xf32> to vector<16xf32>
      %get3A_409 = arith.index_cast %add3A_292 : i32 to index
      %get3A_410 = arith.constant 96 : index
      %get3A_411 = tpu.vector_load %arg17[%get3A_409, %get3A_410] {strides = array<i32>} : memref<128x128xf32, #tpu.memory_space<vmem>>, vector<1x16xf32>,
      %get3A_412 = vector.shape_cast %get3A_411 : vector<1x16xf32> to vector<16xf32>
      %add3A_413 = arith.addf %get3A_408, %get3A_412 : vector<16xf32>
      %get3A_414 = arith.index_cast %add3A_292 : i32 to index
      %get3A_415 = arith.constant 96 : index
      %get3A_416 = tpu.vector_load %arg18[%get3A_414, %get3A_415] {strides = array<i32>} : memref<128x128xf32, #tpu.memory_space<vmem>>, vector<1x16xf32>,
      %get3A_417 = vector.shape_cast %get3A_416 : vector<1x16xf32> to vector<16xf32>
      %add3A_418 = arith.addf %add3A_413, %get3A_417 : vector<16xf32>
      %swap3A_419 = arith.index_cast %add3A_292 : i32 to index
      %swap3A_420 = arith.constant 96 : index
      %swap3A_421 = tpu.vector_load %arg16[%swap3A_419, %swap3A_420] {strides = array<i32>} : memref<128x128xf32, #tpu.memory_space<vmem>>, vector<1x16xf32>,
      %swap3A_422 = vector.shape_cast %swap3A_421 : vector<1x16xf32> to vector<16xf32>
      %swap3A_423 = vector.shape_cast %add3A_418 : vector<16xf32> to vector<1x16xf32>
      tpu.vector_store %arg16[%swap3A_419, %swap3A_420], %swap3A_423 {strides = array<i32>} : memref<128x128xf32, #tpu.memory_space<vmem>>, vector<1x16xf32>,
      %get3A_424 = arith.index_cast %add3A_292 : i32 to index
      %get3A_425 = arith.constant 112 : index
      %get3A_426 = tpu.vector_load %arg16[%get3A_424, %get3A_425] {strides = array<i32>} : memref<128x128xf32, #tpu.memory_space<vmem>>, vector<1x16xf32>,
      %get3A_427 = vector.shape_cast %get3A_426 : vector<1x16xf32> to vector<16xf32>
      %get3A_428 = arith.index_cast %add3A_292 : i32 to index
      %get3A_429 = arith.constant 112 : index
      %get3A_430 = tpu.vector_load %arg17[%get3A_428, %get3A_429] {strides = array<i32>} : memref<128x128xf32, #tpu.memory_space<vmem>>, vector<1x16xf32>,
      %get3A_431 = vector.shape_cast %get3A_430 : vector<1x16xf32> to vector<16xf32>
      %add3A_432 = arith.addf %get3A_427, %get3A_431 : vector<16xf32>
      %get3A_433 = arith.index_cast %add3A_292 : i32 to index
      %get3A_434 = arith.constant 112 : index
      %get3A_435 = tpu.vector_load %arg18[%get3A_433, %get3A_434] {strides = array<i32>} : memref<128x128xf32, #tpu.memory_space<vmem>>, vector<1x16xf32>,
      %get3A_436 = vector.shape_cast %get3A_435 : vector<1x16xf32> to vector<16xf32>
      %add3A_437 = arith.addf %add3A_432, %get3A_436 : vector<16xf32>
      %swap3A_438 = arith.index_cast %add3A_292 : i32 to index
      %swap3A_439 = arith.constant 112 : index
      %swap3A_440 = tpu.vector_load %arg16[%swap3A_438, %swap3A_439] {strides = array<i32>} : memref<128x128xf32, #tpu.memory_space<vmem>>, vector<1x16xf32>,
      %swap3A_441 = vector.shape_cast %swap3A_440 : vector<1x16xf32> to vector<16xf32>
      %swap3A_442 = vector.shape_cast %add3A_437 : vector<16xf32> to vector<1x16xf32>
      tpu.vector_store %arg16[%swap3A_438, %swap3A_439], %swap3A_442 {strides = array<i32>} : memref<128x128xf32, #tpu.memory_space<vmem>>, vector<1x16xf32>,
      %mul3A_443 = arith.constant 2 : i32
      %mul3A_444 = arith.muli %scan3A_288, %mul3A_443 : i32
      %add3A_445 = arith.constant 1 : i32
      %add3A_446 = arith.addi %mul3A_444, %add3A_445 : i32
      %get3A_447 = arith.index_cast %add3A_446 : i32 to index
      %get3A_448 = arith.constant 0 : index
      %get3A_449 = tpu.vector_load %arg16[%get3A_447, %get3A_448] {strides = array<i32>} : memref<128x128xf32, #tpu.memory_space<vmem>>, vector<1x16xf32>,
      %get3A_450 = vector.shape_cast %get3A_449 : vector<1x16xf32> to vector<16xf32>
      %get3A_451 = arith.index_cast %add3A_446 : i32 to index
      %get3A_452 = arith.constant 0 : index
      %get3A_453 = tpu.vector_load %arg17[%get3A_451, %get3A_452] {strides = array<i32>} : memref<128x128xf32, #tpu.memory_space<vmem>>, vector<1x16xf32>,
      %get3A_454 = vector.shape_cast %get3A_453 : vector<1x16xf32> to vector<16xf32>
      %add3A_455 = arith.addf %get3A_450, %get3A_454 : vector<16xf32>
      %get3A_456 = arith.index_cast %add3A_446 : i32 to index
      %get3A_457 = arith.constant 0 : index
      %get3A_458 = tpu.vector_load %arg18[%get3A_456, %get3A_457] {strides = array<i32>} : memref<128x128xf32, #tpu.memory_space<vmem>>, vector<1x16xf32>,
      %get3A_459 = vector.shape_cast %get3A_458 : vector<1x16xf32> to vector<16xf32>
      %add3A_460 = arith.addf %add3A_455, %get3A_459 : vector<16xf32>
      %swap3A_461 = arith.index_cast %add3A_446 : i32 to index
      %swap3A_462 = arith.constant 0 : index
      %swap3A_463 = tpu.vector_load %arg16[%swap3A_461, %swap3A_462] {strides = array<i32>} : memref<128x128xf32, #tpu.memory_space<vmem>>, vector<1x16xf32>,
      %swap3A_464 = vector.shape_cast %swap3A_463 : vector<1x16xf32> to vector<16xf32>
      %swap3A_465 = vector.shape_cast %add3A_460 : vector<16xf32> to vector<1x16xf32>
      tpu.vector_store %arg16[%swap3A_461, %swap3A_462], %swap3A_465 {strides = array<i32>} : memref<128x128xf32, #tpu.memory_space<vmem>>, vector<1x16xf32>,
      %get3A_466 = arith.index_cast %add3A_446 : i32 to index
      %get3A_467 = arith.constant 16 : index
      %get3A_468 = tpu.vector_load %arg16[%get3A_466, %get3A_467] {strides = array<i32>} : memref<128x128xf32, #tpu.memory_space<vmem>>, vector<1x16xf32>,
      %get3A_469 = vector.shape_cast %get3A_468 : vector<1x16xf32> to vector<16xf32>
      %get3A_470 = arith.index_cast %add3A_446 : i32 to index
      %get3A_471 = arith.constant 16 : index
      %get3A_472 = tpu.vector_load %arg17[%get3A_470, %get3A_471] {strides = array<i32>} : memref<128x128xf32, #tpu.memory_space<vmem>>, vector<1x16xf32>,
      %get3A_473 = vector.shape_cast %get3A_472 : vector<1x16xf32> to vector<16xf32>
      %add3A_474 = arith.addf %get3A_469, %get3A_473 : vector<16xf32>
      %get3A_475 = arith.index_cast %add3A_446 : i32 to index
      %get3A_476 = arith.constant 16 : index
      %get3A_477 = tpu.vector_load %arg18[%get3A_475, %get3A_476] {strides = array<i32>} : memref<128x128xf32, #tpu.memory_space<vmem>>, vector<1x16xf32>,
      %get3A_478 = vector.shape_cast %get3A_477 : vector<1x16xf32> to vector<16xf32>
      %add3A_479 = arith.addf %add3A_474, %get3A_478 : vector<16xf32>
      %swap3A_480 = arith.index_cast %add3A_446 : i32 to index
      %swap3A_481 = arith.constant 16 : index
      %swap3A_482 = tpu.vector_load %arg16[%swap3A_480, %swap3A_481] {strides = array<i32>} : memref<128x128xf32, #tpu.memory_space<vmem>>, vector<1x16xf32>,
      %swap3A_483 = vector.shape_cast %swap3A_482 : vector<1x16xf32> to vector<16xf32>
      %swap3A_484 = vector.shape_cast %add3A_479 : vector<16xf32> to vector<1x16xf32>
      tpu.vector_store %arg16[%swap3A_480, %swap3A_481], %swap3A_484 {strides = array<i32>} : memref<128x128xf32, #tpu.memory_space<vmem>>, vector<1x16xf32>,
      %get3A_485 = arith.index_cast %add3A_446 : i32 to index
      %get3A_486 = arith.constant 32 : index
      %get3A_487 = tpu.vector_load %arg16[%get3A_485, %get3A_486] {strides = array<i32>} : memref<128x128xf32, #tpu.memory_space<vmem>>, vector<1x16xf32>,
      %get3A_488 = vector.shape_cast %get3A_487 : vector<1x16xf32> to vector<16xf32>
      %get3A_489 = arith.index_cast %add3A_446 : i32 to index
      %get3A_490 = arith.constant 32 : index
      %get3A_491 = tpu.vector_load %arg17[%get3A_489, %get3A_490] {strides = array<i32>} : memref<128x128xf32, #tpu.memory_space<vmem>>, vector<1x16xf32>,
      %get3A_492 = vector.shape_cast %get3A_491 : vector<1x16xf32> to vector<16xf32>
      %add3A_493 = arith.addf %get3A_488, %get3A_492 : vector<16xf32>
      %get3A_494 = arith.index_cast %add3A_446 : i32 to index
      %get3A_495 = arith.constant 32 : index
      %get3A_496 = tpu.vector_load %arg18[%get3A_494, %get3A_495] {strides = array<i32>} : memref<128x128xf32, #tpu.memory_space<vmem>>, vector<1x16xf32>,
      %get3A_497 = vector.shape_cast %get3A_496 : vector<1x16xf32> to vector<16xf32>
      %add3A_498 = arith.addf %add3A_493, %get3A_497 : vector<16xf32>
      %swap3A_499 = arith.index_cast %add3A_446 : i32 to index
      %swap3A_500 = arith.constant 32 : index
      %swap3A_501 = tpu.vector_load %arg16[%swap3A_499, %swap3A_500] {strides = array<i32>} : memref<128x128xf32, #tpu.memory_space<vmem>>, vector<1x16xf32>,
      %swap3A_502 = vector.shape_cast %swap3A_501 : vector<1x16xf32> to vector<16xf32>
      %swap3A_503 = vector.shape_cast %add3A_498 : vector<16xf32> to vector<1x16xf32>
      tpu.vector_store %arg16[%swap3A_499, %swap3A_500], %swap3A_503 {strides = array<i32>} : memref<128x128xf32, #tpu.memory_space<vmem>>, vector<1x16xf32>,
      %get3A_504 = arith.index_cast %add3A_446 : i32 to index
      %get3A_505 = arith.constant 48 : index
      %get3A_506 = tpu.vector_load %arg16[%get3A_504, %get3A_505] {strides = array<i32>} : memref<128x128xf32, #tpu.memory_space<vmem>>, vector<1x16xf32>,
      %get3A_507 = vector.shape_cast %get3A_506 : vector<1x16xf32> to vector<16xf32>
      %get3A_508 = arith.index_cast %add3A_446 : i32 to index
      %get3A_509 = arith.constant 48 : index
      %get3A_510 = tpu.vector_load %arg17[%get3A_508, %get3A_509] {strides = array<i32>} : memref<128x128xf32, #tpu.memory_space<vmem>>, vector<1x16xf32>,
      %get3A_511 = vector.shape_cast %get3A_510 : vector<1x16xf32> to vector<16xf32>
      %add3A_512 = arith.addf %get3A_507, %get3A_511 : vector<16xf32>
      %get3A_513 = arith.index_cast %add3A_446 : i32 to index
      %get3A_514 = arith.constant 48 : index
      %get3A_515 = tpu.vector_load %arg18[%get3A_513, %get3A_514] {strides = array<i32>} : memref<128x128xf32, #tpu.memory_space<vmem>>, vector<1x16xf32>,
      %get3A_516 = vector.shape_cast %get3A_515 : vector<1x16xf32> to vector<16xf32>
      %add3A_517 = arith.addf %add3A_512, %get3A_516 : vector<16xf32>
      %swap3A_518 = arith.index_cast %add3A_446 : i32 to index
      %swap3A_519 = arith.constant 48 : index
      %swap3A_520 = tpu.vector_load %arg16[%swap3A_518, %swap3A_519] {strides = array<i32>} : memref<128x128xf32, #tpu.memory_space<vmem>>, vector<1x16xf32>,
      %swap3A_521 = vector.shape_cast %swap3A_520 : vector<1x16xf32> to vector<16xf32>
      %swap3A_522 = vector.shape_cast %add3A_517 : vector<16xf32> to vector<1x16xf32>
      tpu.vector_store %arg16[%swap3A_518, %swap3A_519], %swap3A_522 {strides = array<i32>} : memref<128x128xf32, #tpu.memory_space<vmem>>, vector<1x16xf32>,
      %get3A_523 = arith.index_cast %add3A_446 : i32 to index
      %get3A_524 = arith.constant 64 : index
      %get3A_525 = tpu.vector_load %arg16[%get3A_523, %get3A_524] {strides = array<i32>} : memref<128x128xf32, #tpu.memory_space<vmem>>, vector<1x16xf32>,
      %get3A_526 = vector.shape_cast %get3A_525 : vector<1x16xf32> to vector<16xf32>
      %get3A_527 = arith.index_cast %add3A_446 : i32 to index
      %get3A_528 = arith.constant 64 : index
      %get3A_529 = tpu.vector_load %arg17[%get3A_527, %get3A_528] {strides = array<i32>} : memref<128x128xf32, #tpu.memory_space<vmem>>, vector<1x16xf32>,
      %get3A_530 = vector.shape_cast %get3A_529 : vector<1x16xf32> to vector<16xf32>
      %add3A_531 = arith.addf %get3A_526, %get3A_530 : vector<16xf32>
      %get3A_532 = arith.index_cast %add3A_446 : i32 to index
      %get3A_533 = arith.constant 64 : index
      %get3A_534 = tpu.vector_load %arg18[%get3A_532, %get3A_533] {strides = array<i32>} : memref<128x128xf32, #tpu.memory_space<vmem>>, vector<1x16xf32>,
      %get3A_535 = vector.shape_cast %get3A_534 : vector<1x16xf32> to vector<16xf32>
      %add3A_536 = arith.addf %add3A_531, %get3A_535 : vector<16xf32>
      %swap3A_537 = arith.index_cast %add3A_446 : i32 to index
      %swap3A_538 = arith.constant 64 : index
      %swap3A_539 = tpu.vector_load %arg16[%swap3A_537, %swap3A_538] {strides = array<i32>} : memref<128x128xf32, #tpu.memory_space<vmem>>, vector<1x16xf32>,
      %swap3A_540 = vector.shape_cast %swap3A_539 : vector<1x16xf32> to vector<16xf32>
      %swap3A_541 = vector.shape_cast %add3A_536 : vector<16xf32> to vector<1x16xf32>
      tpu.vector_store %arg16[%swap3A_537, %swap3A_538], %swap3A_541 {strides = array<i32>} : memref<128x128xf32, #tpu.memory_space<vmem>>, vector<1x16xf32>,
      %get3A_542 = arith.index_cast %add3A_446 : i32 to index
      %get3A_543 = arith.constant 80 : index
      %get3A_544 = tpu.vector_load %arg16[%get3A_542, %get3A_543] {strides = array<i32>} : memref<128x128xf32, #tpu.memory_space<vmem>>, vector<1x16xf32>,
      %get3A_545 = vector.shape_cast %get3A_544 : vector<1x16xf32> to vector<16xf32>
      %get3A_546 = arith.index_cast %add3A_446 : i32 to index
      %get3A_547 = arith.constant 80 : index
      %get3A_548 = tpu.vector_load %arg17[%get3A_546, %get3A_547] {strides = array<i32>} : memref<128x128xf32, #tpu.memory_space<vmem>>, vector<1x16xf32>,
      %get3A_549 = vector.shape_cast %get3A_548 : vector<1x16xf32> to vector<16xf32>
      %add3A_550 = arith.addf %get3A_545, %get3A_549 : vector<16xf32>
      %get3A_551 = arith.index_cast %add3A_446 : i32 to index
      %get3A_552 = arith.constant 80 : index
      %get3A_553 = tpu.vector_load %arg18[%get3A_551, %get3A_552] {strides = array<i32>} : memref<128x128xf32, #tpu.memory_space<vmem>>, vector<1x16xf32>,
      %get3A_554 = vector.shape_cast %get3A_553 : vector<1x16xf32> to vector<16xf32>
      %add3A_555 = arith.addf %add3A_550, %get3A_554 : vector<16xf32>
      %swap3A_556 = arith.index_cast %add3A_446 : i32 to index
      %swap3A_557 = arith.constant 80 : index
      %swap3A_558 = tpu.vector_load %arg16[%swap3A_556, %swap3A_557] {strides = array<i32>} : memref<128x128xf32, #tpu.memory_space<vmem>>, vector<1x16xf32>,
      %swap3A_559 = vector.shape_cast %swap3A_558 : vector<1x16xf32> to vector<16xf32>
      %swap3A_560 = vector.shape_cast %add3A_555 : vector<16xf32> to vector<1x16xf32>
      tpu.vector_store %arg16[%swap3A_556, %swap3A_557], %swap3A_560 {strides = array<i32>} : memref<128x128xf32, #tpu.memory_space<vmem>>, vector<1x16xf32>,
      %get3A_561 = arith.index_cast %add3A_446 : i32 to index
      %get3A_562 = arith.constant 96 : index
      %get3A_563 = tpu.vector_load %arg16[%get3A_561, %get3A_562] {strides = array<i32>} : memref<128x128xf32, #tpu.memory_space<vmem>>, vector<1x16xf32>,
      %get3A_564 = vector.shape_cast %get3A_563 : vector<1x16xf32> to vector<16xf32>
      %get3A_565 = arith.index_cast %add3A_446 : i32 to index
      %get3A_566 = arith.constant 96 : index
      %get3A_567 = tpu.vector_load %arg17[%get3A_565, %get3A_566] {strides = array<i32>} : memref<128x128xf32, #tpu.memory_space<vmem>>, vector<1x16xf32>,
      %get3A_568 = vector.shape_cast %get3A_567 : vector<1x16xf32> to vector<16xf32>
      %add3A_569 = arith.addf %get3A_564, %get3A_568 : vector<16xf32>
      %get3A_570 = arith.index_cast %add3A_446 : i32 to index
      %get3A_571 = arith.constant 96 : index
      %get3A_572 = tpu.vector_load %arg18[%get3A_570, %get3A_571] {strides = array<i32>} : memref<128x128xf32, #tpu.memory_space<vmem>>, vector<1x16xf32>,
      %get3A_573 = vector.shape_cast %get3A_572 : vector<1x16xf32> to vector<16xf32>
      %add3A_574 = arith.addf %add3A_569, %get3A_573 : vector<16xf32>
      %swap3A_575 = arith.index_cast %add3A_446 : i32 to index
      %swap3A_576 = arith.constant 96 : index
      %swap3A_577 = tpu.vector_load %arg16[%swap3A_575, %swap3A_576] {strides = array<i32>} : memref<128x128xf32, #tpu.memory_space<vmem>>, vector<1x16xf32>,
      %swap3A_578 = vector.shape_cast %swap3A_577 : vector<1x16xf32> to vector<16xf32>
      %swap3A_579 = vector.shape_cast %add3A_574 : vector<16xf32> to vector<1x16xf32>
      tpu.vector_store %arg16[%swap3A_575, %swap3A_576], %swap3A_579 {strides = array<i32>} : memref<128x128xf32, #tpu.memory_space<vmem>>, vector<1x16xf32>,
      %get3A_580 = arith.index_cast %add3A_446 : i32 to index
      %get3A_581 = arith.constant 112 : index
      %get3A_582 = tpu.vector_load %arg16[%get3A_580, %get3A_581] {strides = array<i32>} : memref<128x128xf32, #tpu.memory_space<vmem>>, vector<1x16xf32>,
      %get3A_583 = vector.shape_cast %get3A_582 : vector<1x16xf32> to vector<16xf32>
      %get3A_584 = arith.index_cast %add3A_446 : i32 to index
      %get3A_585 = arith.constant 112 : index
      %get3A_586 = tpu.vector_load %arg17[%get3A_584, %get3A_585] {strides = array<i32>} : memref<128x128xf32, #tpu.memory_space<vmem>>, vector<1x16xf32>,
      %get3A_587 = vector.shape_cast %get3A_586 : vector<1x16xf32> to vector<16xf32>
      %add3A_588 = arith.addf %get3A_583, %get3A_587 : vector<16xf32>
      %get3A_589 = arith.index_cast %add3A_446 : i32 to index
      %get3A_590 = arith.constant 112 : index
      %get3A_591 = tpu.vector_load %arg18[%get3A_589, %get3A_590] {strides = array<i32>} : memref<128x128xf32, #tpu.memory_space<vmem>>, vector<1x16xf32>,
      %get3A_592 = vector.shape_cast %get3A_591 : vector<1x16xf32> to vector<16xf32>
      %add3A_593 = arith.addf %add3A_588, %get3A_592 : vector<16xf32>
      %swap3A_594 = arith.index_cast %add3A_446 : i32 to index
      %swap3A_595 = arith.constant 112 : index
      %swap3A_596 = tpu.vector_load %arg16[%swap3A_594, %swap3A_595] {strides = array<i32>} : memref<128x128xf32, #tpu.memory_space<vmem>>, vector<1x16xf32>,
      %swap3A_597 = vector.shape_cast %swap3A_596 : vector<1x16xf32> to vector<16xf32>
      %swap3A_598 = vector.shape_cast %add3A_593 : vector<16xf32> to vector<1x16xf32>
      tpu.vector_store %arg16[%swap3A_594, %swap3A_595], %swap3A_598 {strides = array<i32>} : memref<128x128xf32, #tpu.memory_space<vmem>>, vector<1x16xf32>,
    }
    %scan3A_216 = arith.constant 64 : i32
    %add3A_217 = arith.constant 640 : i32
    %add3A_218 = arith.addi %mul3A_2, %add3A_217 : i32
    %dma_start3A_219 = arith.constant 0 : i32
    %dma_start3A_220 = tpu.memref_slice %arg6[%add3A_218, %dma_start3A_219] : memref<32768x128xf32, #tpu.memory_space<hbm>> -> memref<128x128xf32, #tpu.memory_space<hbm>>
    %dma_start3A_221 = arith.constant 0 : i32
    %dma_start3A_222 = tpu.memref_slice %arg6[%add3A_218, %dma_start3A_221] : memref<32768x128xf32, #tpu.memory_space<hbm>> -> memref<128x128xf32, #tpu.memory_space<hbm>>
    tpu.enqueue_dma source(%arg16 : memref<128x128xf32, #tpu.memory_space<vmem>>) target(%dma_start3A_222 : memref<128x128xf32, #tpu.memory_space<hbm>>) target_semaphore(%arg22 : memref<!tpu.dma_semaphore, #tpu.memory_space<semaphore_mem>>)
    %dma_wait3A_223 = arith.constant 0 : i32
    %dma_wait3A_224 = tpu.memref_slice %arg6[%add3A_218, %dma_wait3A_223] : memref<32768x128xf32, #tpu.memory_space<hbm>> -> memref<128x128xf32, #tpu.memory_space<hbm>>
    %dma_wait3A_225 = arith.constant 0 : i32
    %dma_wait3A_226 = tpu.memref_slice %arg6[%add3A_218, %dma_wait3A_225] : memref<32768x128xf32, #tpu.memory_space<hbm>> -> memref<128x128xf32, #tpu.memory_space<hbm>>
    tpu.wait_dma2 semaphore(%arg22 : memref<!tpu.dma_semaphore, #tpu.memory_space<semaphore_mem>>) src(%arg16 : memref<128x128xf32, #tpu.memory_space<vmem>>) dst(%dma_wait3A_226 : memref<128x128xf32, #tpu.memory_space<hbm>>)
    %add3A_227 = arith.constant 896 : i32
    %add3A_228 = arith.addi %mul3A_2, %add3A_227 : i32
    "tpu.region"() ({
      %run_scoped3A = tpu.sem_alloc : memref<!tpu.dma_semaphore, #tpu.memory_space<semaphore_mem>>
      %dma_start3A_288 = tpu.memref_slice %arg3[%add3A_228] : memref<32768xi32, #tpu.memory_space<hbm>> -> memref<128xi32, #tpu.memory_space<hbm>>
      %dma_start3A_289 = tpu.memref_slice %arg3[%add3A_228] : memref<32768xi32, #tpu.memory_space<hbm>> -> memref<128xi32, #tpu.memory_space<hbm>>
      tpu.enqueue_dma source(%dma_start3A_289 : memref<128xi32, #tpu.memory_space<hbm>>) target(%arg10 : memref<128xi32, #tpu.memory_space<vmem>>) target_semaphore(%run_scoped3A : memref<!tpu.dma_semaphore, #tpu.memory_space<semaphore_mem>>)
      %dma_wait3A_290 = tpu.memref_slice %arg3[%add3A_228] : memref<32768xi32, #tpu.memory_space<hbm>> -> memref<128xi32, #tpu.memory_space<hbm>>
      %dma_wait3A_291 = tpu.memref_slice %arg3[%add3A_228] : memref<32768xi32, #tpu.memory_space<hbm>> -> memref<128xi32, #tpu.memory_space<hbm>>
      tpu.wait_dma2 semaphore(%run_scoped3A : memref<!tpu.dma_semaphore, #tpu.memory_space<semaphore_mem>>) src(%dma_wait3A_291 : memref<128xi32, #tpu.memory_space<hbm>>) dst(%arg10 : memref<128xi32, #tpu.memory_space<vmem>>)
      tpu.yield
    }) : () -> ()
    "tpu.region"() ({
      %run_scoped3A = tpu.sem_alloc : memref<!tpu.dma_semaphore, #tpu.memory_space<semaphore_mem>>
      %dma_start3A_288 = tpu.memref_slice %arg4[%add3A_228] : memref<32768xi32, #tpu.memory_space<hbm>> -> memref<128xi32, #tpu.memory_space<hbm>>
      %dma_start3A_289 = tpu.memref_slice %arg4[%add3A_228] : memref<32768xi32, #tpu.memory_space<hbm>> -> memref<128xi32, #tpu.memory_space<hbm>>
      tpu.enqueue_dma source(%dma_start3A_289 : memref<128xi32, #tpu.memory_space<hbm>>) target(%arg11 : memref<128xi32, #tpu.memory_space<vmem>>) target_semaphore(%run_scoped3A : memref<!tpu.dma_semaphore, #tpu.memory_space<semaphore_mem>>)
      %dma_wait3A_290 = tpu.memref_slice %arg4[%add3A_228] : memref<32768xi32, #tpu.memory_space<hbm>> -> memref<128xi32, #tpu.memory_space<hbm>>
      %dma_wait3A_291 = tpu.memref_slice %arg4[%add3A_228] : memref<32768xi32, #tpu.memory_space<hbm>> -> memref<128xi32, #tpu.memory_space<hbm>>
      tpu.wait_dma2 semaphore(%run_scoped3A : memref<!tpu.dma_semaphore, #tpu.memory_space<semaphore_mem>>) src(%dma_wait3A_291 : memref<128xi32, #tpu.memory_space<hbm>>) dst(%arg11 : memref<128xi32, #tpu.memory_space<vmem>>)
      tpu.yield
    }) : () -> ()
    "tpu.region"() ({
      %run_scoped3A = tpu.sem_alloc : memref<!tpu.dma_semaphore, #tpu.memory_space<semaphore_mem>>
      %dma_start3A_288 = tpu.memref_slice %arg5[%add3A_228] : memref<32768xi32, #tpu.memory_space<hbm>> -> memref<128xi32, #tpu.memory_space<hbm>>
      %dma_start3A_289 = tpu.memref_slice %arg5[%add3A_228] : memref<32768xi32, #tpu.memory_space<hbm>> -> memref<128xi32, #tpu.memory_space<hbm>>
      tpu.enqueue_dma source(%dma_start3A_289 : memref<128xi32, #tpu.memory_space<hbm>>) target(%arg12 : memref<128xi32, #tpu.memory_space<vmem>>) target_semaphore(%run_scoped3A : memref<!tpu.dma_semaphore, #tpu.memory_space<semaphore_mem>>)
      %dma_wait3A_290 = tpu.memref_slice %arg5[%add3A_228] : memref<32768xi32, #tpu.memory_space<hbm>> -> memref<128xi32, #tpu.memory_space<hbm>>
      %dma_wait3A_291 = tpu.memref_slice %arg5[%add3A_228] : memref<32768xi32, #tpu.memory_space<hbm>> -> memref<128xi32, #tpu.memory_space<hbm>>
      tpu.wait_dma2 semaphore(%run_scoped3A : memref<!tpu.dma_semaphore, #tpu.memory_space<semaphore_mem>>) src(%dma_wait3A_291 : memref<128xi32, #tpu.memory_space<hbm>>) dst(%arg12 : memref<128xi32, #tpu.memory_space<vmem>>)
      tpu.yield
    }) : () -> ()
    %dma_start3A_229 = arith.constant 0 : i32
    %dma_start3A_230 = arith.constant 0 : i32
    %dma_start3A_231 = tpu.memref_slice %arg2[%dma_start3A_229, %dma_start3A_230] : memref<8192x128xf32, #tpu.memory_space<hbm>> -> memref<8192x128xf32, #tpu.memory_space<hbm>>
    tpu.enqueue_indirect_dma source(%dma_start3A_231 : memref<8192x128xf32, #tpu.memory_space<hbm>>) target(%arg16 : memref<128x128xf32, #tpu.memory_space<vmem>>) offsets(%arg10 : memref<128xi32, #tpu.memory_space<vmem>>) semaphore(%arg20 : memref<!tpu.dma_semaphore, #tpu.memory_space<semaphore_mem>>)
    %dma_start3A_232 = arith.constant 0 : i32
    %dma_start3A_233 = arith.constant 0 : i32
    %dma_start3A_234 = tpu.memref_slice %arg2[%dma_start3A_232, %dma_start3A_233] : memref<8192x128xf32, #tpu.memory_space<hbm>> -> memref<8192x128xf32, #tpu.memory_space<hbm>>
    tpu.enqueue_indirect_dma source(%dma_start3A_234 : memref<8192x128xf32, #tpu.memory_space<hbm>>) target(%arg17 : memref<128x128xf32, #tpu.memory_space<vmem>>) offsets(%arg11 : memref<128xi32, #tpu.memory_space<vmem>>) semaphore(%arg20 : memref<!tpu.dma_semaphore, #tpu.memory_space<semaphore_mem>>)
    %dma_start3A_235 = arith.constant 0 : i32
    %dma_start3A_236 = arith.constant 0 : i32
    %dma_start3A_237 = tpu.memref_slice %arg2[%dma_start3A_235, %dma_start3A_236] : memref<8192x128xf32, #tpu.memory_space<hbm>> -> memref<8192x128xf32, #tpu.memory_space<hbm>>
    tpu.enqueue_indirect_dma source(%dma_start3A_237 : memref<8192x128xf32, #tpu.memory_space<hbm>>) target(%arg18 : memref<128x128xf32, #tpu.memory_space<vmem>>) offsets(%arg12 : memref<128xi32, #tpu.memory_space<vmem>>) semaphore(%arg20 : memref<!tpu.dma_semaphore, #tpu.memory_space<semaphore_mem>>)
    %dma_wait3A_238 = arith.constant 0 : i32
    %dma_wait3A_239 = arith.constant 0 : i32
    %dma_wait3A_240 = tpu.memref_slice %arg2[%dma_wait3A_238, %dma_wait3A_239] : memref<8192x128xf32, #tpu.memory_space<hbm>> -> memref<8192x128xf32, #tpu.memory_space<hbm>>
    tpu.wait_indirect_dma semaphore(%arg19 : memref<!tpu.dma_semaphore, #tpu.memory_space<semaphore_mem>>) src(%dma_wait3A_240 : memref<8192x128xf32, #tpu.memory_space<hbm>>) dst(%arg13 : memref<128x128xf32, #tpu.memory_space<vmem>>)
    %dma_wait3A_241 = arith.constant 0 : i32
    %dma_wait3A_242 = arith.constant 0 : i32
    %dma_wait3A_243 = tpu.memref_slice %arg2[%dma_wait3A_241, %dma_wait3A_242] : memref<8192x128xf32, #tpu.memory_space<hbm>> -> memref<8192x128xf32, #tpu.memory_space<hbm>>
    tpu.wait_indirect_dma semaphore(%arg19 : memref<!tpu.dma_semaphore, #tpu.memory_space<semaphore_mem>>) src(%dma_wait3A_243 : memref<8192x128xf32, #tpu.memory_space<hbm>>) dst(%arg14 : memref<128x128xf32, #tpu.memory_space<vmem>>)
    %dma_wait3A_244 = arith.constant 0 : i32
    %dma_wait3A_245 = arith.constant 0 : i32
    %dma_wait3A_246 = tpu.memref_slice %arg2[%dma_wait3A_244, %dma_wait3A_245] : memref<8192x128xf32, #tpu.memory_space<hbm>> -> memref<8192x128xf32, #tpu.memory_space<hbm>>
    tpu.wait_indirect_dma semaphore(%arg19 : memref<!tpu.dma_semaphore, #tpu.memory_space<semaphore_mem>>) src(%dma_wait3A_246 : memref<8192x128xf32, #tpu.memory_space<hbm>>) dst(%arg15 : memref<128x128xf32, #tpu.memory_space<vmem>>)
    %scan3A_247 = arith.constant 0 : i32
    %scan3A_248 = arith.constant 0 : i32
    %scan3A_249 = arith.constant 64 : i32
    %scan3A_250 = arith.addi %scan3A_248, %scan3A_249 : i32
    %scan3A_251 = arith.constant 1 : i32
    scf.for %scan3A_288 = %scan3A_248 to %scan3A_250 step %scan3A_251  : i32 {
      %mul3A_289 = arith.constant 2 : i32
      %mul3A_290 = arith.muli %scan3A_288, %mul3A_289 : i32
      %add3A_291 = arith.constant 0 : i32
      %add3A_292 = arith.addi %mul3A_290, %add3A_291 : i32
      %get3A = arith.index_cast %add3A_292 : i32 to index
      %get3A_293 = arith.constant 0 : index
      %get3A_294 = tpu.vector_load %arg13[%get3A, %get3A_293] {strides = array<i32>} : memref<128x128xf32, #tpu.memory_space<vmem>>, vector<1x16xf32>,
      %get3A_295 = vector.shape_cast %get3A_294 : vector<1x16xf32> to vector<16xf32>
      %get3A_296 = arith.index_cast %add3A_292 : i32 to index
      %get3A_297 = arith.constant 0 : index
      %get3A_298 = tpu.vector_load %arg14[%get3A_296, %get3A_297] {strides = array<i32>} : memref<128x128xf32, #tpu.memory_space<vmem>>, vector<1x16xf32>,
      %get3A_299 = vector.shape_cast %get3A_298 : vector<1x16xf32> to vector<16xf32>
      %add3A_300 = arith.addf %get3A_295, %get3A_299 : vector<16xf32>
      %get3A_301 = arith.index_cast %add3A_292 : i32 to index
      %get3A_302 = arith.constant 0 : index
      %get3A_303 = tpu.vector_load %arg15[%get3A_301, %get3A_302] {strides = array<i32>} : memref<128x128xf32, #tpu.memory_space<vmem>>, vector<1x16xf32>,
      %get3A_304 = vector.shape_cast %get3A_303 : vector<1x16xf32> to vector<16xf32>
      %add3A_305 = arith.addf %add3A_300, %get3A_304 : vector<16xf32>
      %swap3A = arith.index_cast %add3A_292 : i32 to index
      %swap3A_306 = arith.constant 0 : index
      %swap3A_307 = tpu.vector_load %arg13[%swap3A, %swap3A_306] {strides = array<i32>} : memref<128x128xf32, #tpu.memory_space<vmem>>, vector<1x16xf32>,
      %swap3A_308 = vector.shape_cast %swap3A_307 : vector<1x16xf32> to vector<16xf32>
      %swap3A_309 = vector.shape_cast %add3A_305 : vector<16xf32> to vector<1x16xf32>
      tpu.vector_store %arg13[%swap3A, %swap3A_306], %swap3A_309 {strides = array<i32>} : memref<128x128xf32, #tpu.memory_space<vmem>>, vector<1x16xf32>,
      %get3A_310 = arith.index_cast %add3A_292 : i32 to index
      %get3A_311 = arith.constant 16 : index
      %get3A_312 = tpu.vector_load %arg13[%get3A_310, %get3A_311] {strides = array<i32>} : memref<128x128xf32, #tpu.memory_space<vmem>>, vector<1x16xf32>,
      %get3A_313 = vector.shape_cast %get3A_312 : vector<1x16xf32> to vector<16xf32>
      %get3A_314 = arith.index_cast %add3A_292 : i32 to index
      %get3A_315 = arith.constant 16 : index
      %get3A_316 = tpu.vector_load %arg14[%get3A_314, %get3A_315] {strides = array<i32>} : memref<128x128xf32, #tpu.memory_space<vmem>>, vector<1x16xf32>,
      %get3A_317 = vector.shape_cast %get3A_316 : vector<1x16xf32> to vector<16xf32>
      %add3A_318 = arith.addf %get3A_313, %get3A_317 : vector<16xf32>
      %get3A_319 = arith.index_cast %add3A_292 : i32 to index
      %get3A_320 = arith.constant 16 : index
      %get3A_321 = tpu.vector_load %arg15[%get3A_319, %get3A_320] {strides = array<i32>} : memref<128x128xf32, #tpu.memory_space<vmem>>, vector<1x16xf32>,
      %get3A_322 = vector.shape_cast %get3A_321 : vector<1x16xf32> to vector<16xf32>
      %add3A_323 = arith.addf %add3A_318, %get3A_322 : vector<16xf32>
      %swap3A_324 = arith.index_cast %add3A_292 : i32 to index
      %swap3A_325 = arith.constant 16 : index
      %swap3A_326 = tpu.vector_load %arg13[%swap3A_324, %swap3A_325] {strides = array<i32>} : memref<128x128xf32, #tpu.memory_space<vmem>>, vector<1x16xf32>,
      %swap3A_327 = vector.shape_cast %swap3A_326 : vector<1x16xf32> to vector<16xf32>
      %swap3A_328 = vector.shape_cast %add3A_323 : vector<16xf32> to vector<1x16xf32>
      tpu.vector_store %arg13[%swap3A_324, %swap3A_325], %swap3A_328 {strides = array<i32>} : memref<128x128xf32, #tpu.memory_space<vmem>>, vector<1x16xf32>,
      %get3A_329 = arith.index_cast %add3A_292 : i32 to index
      %get3A_330 = arith.constant 32 : index
      %get3A_331 = tpu.vector_load %arg13[%get3A_329, %get3A_330] {strides = array<i32>} : memref<128x128xf32, #tpu.memory_space<vmem>>, vector<1x16xf32>,
      %get3A_332 = vector.shape_cast %get3A_331 : vector<1x16xf32> to vector<16xf32>
      %get3A_333 = arith.index_cast %add3A_292 : i32 to index
      %get3A_334 = arith.constant 32 : index
      %get3A_335 = tpu.vector_load %arg14[%get3A_333, %get3A_334] {strides = array<i32>} : memref<128x128xf32, #tpu.memory_space<vmem>>, vector<1x16xf32>,
      %get3A_336 = vector.shape_cast %get3A_335 : vector<1x16xf32> to vector<16xf32>
      %add3A_337 = arith.addf %get3A_332, %get3A_336 : vector<16xf32>
      %get3A_338 = arith.index_cast %add3A_292 : i32 to index
      %get3A_339 = arith.constant 32 : index
      %get3A_340 = tpu.vector_load %arg15[%get3A_338, %get3A_339] {strides = array<i32>} : memref<128x128xf32, #tpu.memory_space<vmem>>, vector<1x16xf32>,
      %get3A_341 = vector.shape_cast %get3A_340 : vector<1x16xf32> to vector<16xf32>
      %add3A_342 = arith.addf %add3A_337, %get3A_341 : vector<16xf32>
      %swap3A_343 = arith.index_cast %add3A_292 : i32 to index
      %swap3A_344 = arith.constant 32 : index
      %swap3A_345 = tpu.vector_load %arg13[%swap3A_343, %swap3A_344] {strides = array<i32>} : memref<128x128xf32, #tpu.memory_space<vmem>>, vector<1x16xf32>,
      %swap3A_346 = vector.shape_cast %swap3A_345 : vector<1x16xf32> to vector<16xf32>
      %swap3A_347 = vector.shape_cast %add3A_342 : vector<16xf32> to vector<1x16xf32>
      tpu.vector_store %arg13[%swap3A_343, %swap3A_344], %swap3A_347 {strides = array<i32>} : memref<128x128xf32, #tpu.memory_space<vmem>>, vector<1x16xf32>,
      %get3A_348 = arith.index_cast %add3A_292 : i32 to index
      %get3A_349 = arith.constant 48 : index
      %get3A_350 = tpu.vector_load %arg13[%get3A_348, %get3A_349] {strides = array<i32>} : memref<128x128xf32, #tpu.memory_space<vmem>>, vector<1x16xf32>,
      %get3A_351 = vector.shape_cast %get3A_350 : vector<1x16xf32> to vector<16xf32>
      %get3A_352 = arith.index_cast %add3A_292 : i32 to index
      %get3A_353 = arith.constant 48 : index
      %get3A_354 = tpu.vector_load %arg14[%get3A_352, %get3A_353] {strides = array<i32>} : memref<128x128xf32, #tpu.memory_space<vmem>>, vector<1x16xf32>,
      %get3A_355 = vector.shape_cast %get3A_354 : vector<1x16xf32> to vector<16xf32>
      %add3A_356 = arith.addf %get3A_351, %get3A_355 : vector<16xf32>
      %get3A_357 = arith.index_cast %add3A_292 : i32 to index
      %get3A_358 = arith.constant 48 : index
      %get3A_359 = tpu.vector_load %arg15[%get3A_357, %get3A_358] {strides = array<i32>} : memref<128x128xf32, #tpu.memory_space<vmem>>, vector<1x16xf32>,
      %get3A_360 = vector.shape_cast %get3A_359 : vector<1x16xf32> to vector<16xf32>
      %add3A_361 = arith.addf %add3A_356, %get3A_360 : vector<16xf32>
      %swap3A_362 = arith.index_cast %add3A_292 : i32 to index
      %swap3A_363 = arith.constant 48 : index
      %swap3A_364 = tpu.vector_load %arg13[%swap3A_362, %swap3A_363] {strides = array<i32>} : memref<128x128xf32, #tpu.memory_space<vmem>>, vector<1x16xf32>,
      %swap3A_365 = vector.shape_cast %swap3A_364 : vector<1x16xf32> to vector<16xf32>
      %swap3A_366 = vector.shape_cast %add3A_361 : vector<16xf32> to vector<1x16xf32>
      tpu.vector_store %arg13[%swap3A_362, %swap3A_363], %swap3A_366 {strides = array<i32>} : memref<128x128xf32, #tpu.memory_space<vmem>>, vector<1x16xf32>,
      %get3A_367 = arith.index_cast %add3A_292 : i32 to index
      %get3A_368 = arith.constant 64 : index
      %get3A_369 = tpu.vector_load %arg13[%get3A_367, %get3A_368] {strides = array<i32>} : memref<128x128xf32, #tpu.memory_space<vmem>>, vector<1x16xf32>,
      %get3A_370 = vector.shape_cast %get3A_369 : vector<1x16xf32> to vector<16xf32>
      %get3A_371 = arith.index_cast %add3A_292 : i32 to index
      %get3A_372 = arith.constant 64 : index
      %get3A_373 = tpu.vector_load %arg14[%get3A_371, %get3A_372] {strides = array<i32>} : memref<128x128xf32, #tpu.memory_space<vmem>>, vector<1x16xf32>,
      %get3A_374 = vector.shape_cast %get3A_373 : vector<1x16xf32> to vector<16xf32>
      %add3A_375 = arith.addf %get3A_370, %get3A_374 : vector<16xf32>
      %get3A_376 = arith.index_cast %add3A_292 : i32 to index
      %get3A_377 = arith.constant 64 : index
      %get3A_378 = tpu.vector_load %arg15[%get3A_376, %get3A_377] {strides = array<i32>} : memref<128x128xf32, #tpu.memory_space<vmem>>, vector<1x16xf32>,
      %get3A_379 = vector.shape_cast %get3A_378 : vector<1x16xf32> to vector<16xf32>
      %add3A_380 = arith.addf %add3A_375, %get3A_379 : vector<16xf32>
      %swap3A_381 = arith.index_cast %add3A_292 : i32 to index
      %swap3A_382 = arith.constant 64 : index
      %swap3A_383 = tpu.vector_load %arg13[%swap3A_381, %swap3A_382] {strides = array<i32>} : memref<128x128xf32, #tpu.memory_space<vmem>>, vector<1x16xf32>,
      %swap3A_384 = vector.shape_cast %swap3A_383 : vector<1x16xf32> to vector<16xf32>
      %swap3A_385 = vector.shape_cast %add3A_380 : vector<16xf32> to vector<1x16xf32>
      tpu.vector_store %arg13[%swap3A_381, %swap3A_382], %swap3A_385 {strides = array<i32>} : memref<128x128xf32, #tpu.memory_space<vmem>>, vector<1x16xf32>,
      %get3A_386 = arith.index_cast %add3A_292 : i32 to index
      %get3A_387 = arith.constant 80 : index
      %get3A_388 = tpu.vector_load %arg13[%get3A_386, %get3A_387] {strides = array<i32>} : memref<128x128xf32, #tpu.memory_space<vmem>>, vector<1x16xf32>,
      %get3A_389 = vector.shape_cast %get3A_388 : vector<1x16xf32> to vector<16xf32>
      %get3A_390 = arith.index_cast %add3A_292 : i32 to index
      %get3A_391 = arith.constant 80 : index
      %get3A_392 = tpu.vector_load %arg14[%get3A_390, %get3A_391] {strides = array<i32>} : memref<128x128xf32, #tpu.memory_space<vmem>>, vector<1x16xf32>,
      %get3A_393 = vector.shape_cast %get3A_392 : vector<1x16xf32> to vector<16xf32>
      %add3A_394 = arith.addf %get3A_389, %get3A_393 : vector<16xf32>
      %get3A_395 = arith.index_cast %add3A_292 : i32 to index
      %get3A_396 = arith.constant 80 : index
      %get3A_397 = tpu.vector_load %arg15[%get3A_395, %get3A_396] {strides = array<i32>} : memref<128x128xf32, #tpu.memory_space<vmem>>, vector<1x16xf32>,
      %get3A_398 = vector.shape_cast %get3A_397 : vector<1x16xf32> to vector<16xf32>
      %add3A_399 = arith.addf %add3A_394, %get3A_398 : vector<16xf32>
      %swap3A_400 = arith.index_cast %add3A_292 : i32 to index
      %swap3A_401 = arith.constant 80 : index
      %swap3A_402 = tpu.vector_load %arg13[%swap3A_400, %swap3A_401] {strides = array<i32>} : memref<128x128xf32, #tpu.memory_space<vmem>>, vector<1x16xf32>,
      %swap3A_403 = vector.shape_cast %swap3A_402 : vector<1x16xf32> to vector<16xf32>
      %swap3A_404 = vector.shape_cast %add3A_399 : vector<16xf32> to vector<1x16xf32>
      tpu.vector_store %arg13[%swap3A_400, %swap3A_401], %swap3A_404 {strides = array<i32>} : memref<128x128xf32, #tpu.memory_space<vmem>>, vector<1x16xf32>,
      %get3A_405 = arith.index_cast %add3A_292 : i32 to index
      %get3A_406 = arith.constant 96 : index
      %get3A_407 = tpu.vector_load %arg13[%get3A_405, %get3A_406] {strides = array<i32>} : memref<128x128xf32, #tpu.memory_space<vmem>>, vector<1x16xf32>,
      %get3A_408 = vector.shape_cast %get3A_407 : vector<1x16xf32> to vector<16xf32>
      %get3A_409 = arith.index_cast %add3A_292 : i32 to index
      %get3A_410 = arith.constant 96 : index
      %get3A_411 = tpu.vector_load %arg14[%get3A_409, %get3A_410] {strides = array<i32>} : memref<128x128xf32, #tpu.memory_space<vmem>>, vector<1x16xf32>,
      %get3A_412 = vector.shape_cast %get3A_411 : vector<1x16xf32> to vector<16xf32>
      %add3A_413 = arith.addf %get3A_408, %get3A_412 : vector<16xf32>
      %get3A_414 = arith.index_cast %add3A_292 : i32 to index
      %get3A_415 = arith.constant 96 : index
      %get3A_416 = tpu.vector_load %arg15[%get3A_414, %get3A_415] {strides = array<i32>} : memref<128x128xf32, #tpu.memory_space<vmem>>, vector<1x16xf32>,
      %get3A_417 = vector.shape_cast %get3A_416 : vector<1x16xf32> to vector<16xf32>
      %add3A_418 = arith.addf %add3A_413, %get3A_417 : vector<16xf32>
      %swap3A_419 = arith.index_cast %add3A_292 : i32 to index
      %swap3A_420 = arith.constant 96 : index
      %swap3A_421 = tpu.vector_load %arg13[%swap3A_419, %swap3A_420] {strides = array<i32>} : memref<128x128xf32, #tpu.memory_space<vmem>>, vector<1x16xf32>,
      %swap3A_422 = vector.shape_cast %swap3A_421 : vector<1x16xf32> to vector<16xf32>
      %swap3A_423 = vector.shape_cast %add3A_418 : vector<16xf32> to vector<1x16xf32>
      tpu.vector_store %arg13[%swap3A_419, %swap3A_420], %swap3A_423 {strides = array<i32>} : memref<128x128xf32, #tpu.memory_space<vmem>>, vector<1x16xf32>,
      %get3A_424 = arith.index_cast %add3A_292 : i32 to index
      %get3A_425 = arith.constant 112 : index
      %get3A_426 = tpu.vector_load %arg13[%get3A_424, %get3A_425] {strides = array<i32>} : memref<128x128xf32, #tpu.memory_space<vmem>>, vector<1x16xf32>,
      %get3A_427 = vector.shape_cast %get3A_426 : vector<1x16xf32> to vector<16xf32>
      %get3A_428 = arith.index_cast %add3A_292 : i32 to index
      %get3A_429 = arith.constant 112 : index
      %get3A_430 = tpu.vector_load %arg14[%get3A_428, %get3A_429] {strides = array<i32>} : memref<128x128xf32, #tpu.memory_space<vmem>>, vector<1x16xf32>,
      %get3A_431 = vector.shape_cast %get3A_430 : vector<1x16xf32> to vector<16xf32>
      %add3A_432 = arith.addf %get3A_427, %get3A_431 : vector<16xf32>
      %get3A_433 = arith.index_cast %add3A_292 : i32 to index
      %get3A_434 = arith.constant 112 : index
      %get3A_435 = tpu.vector_load %arg15[%get3A_433, %get3A_434] {strides = array<i32>} : memref<128x128xf32, #tpu.memory_space<vmem>>, vector<1x16xf32>,
      %get3A_436 = vector.shape_cast %get3A_435 : vector<1x16xf32> to vector<16xf32>
      %add3A_437 = arith.addf %add3A_432, %get3A_436 : vector<16xf32>
      %swap3A_438 = arith.index_cast %add3A_292 : i32 to index
      %swap3A_439 = arith.constant 112 : index
      %swap3A_440 = tpu.vector_load %arg13[%swap3A_438, %swap3A_439] {strides = array<i32>} : memref<128x128xf32, #tpu.memory_space<vmem>>, vector<1x16xf32>,
      %swap3A_441 = vector.shape_cast %swap3A_440 : vector<1x16xf32> to vector<16xf32>
      %swap3A_442 = vector.shape_cast %add3A_437 : vector<16xf32> to vector<1x16xf32>
      tpu.vector_store %arg13[%swap3A_438, %swap3A_439], %swap3A_442 {strides = array<i32>} : memref<128x128xf32, #tpu.memory_space<vmem>>, vector<1x16xf32>,
      %mul3A_443 = arith.constant 2 : i32
      %mul3A_444 = arith.muli %scan3A_288, %mul3A_443 : i32
      %add3A_445 = arith.constant 1 : i32
      %add3A_446 = arith.addi %mul3A_444, %add3A_445 : i32
      %get3A_447 = arith.index_cast %add3A_446 : i32 to index
      %get3A_448 = arith.constant 0 : index
      %get3A_449 = tpu.vector_load %arg13[%get3A_447, %get3A_448] {strides = array<i32>} : memref<128x128xf32, #tpu.memory_space<vmem>>, vector<1x16xf32>,
      %get3A_450 = vector.shape_cast %get3A_449 : vector<1x16xf32> to vector<16xf32>
      %get3A_451 = arith.index_cast %add3A_446 : i32 to index
      %get3A_452 = arith.constant 0 : index
      %get3A_453 = tpu.vector_load %arg14[%get3A_451, %get3A_452] {strides = array<i32>} : memref<128x128xf32, #tpu.memory_space<vmem>>, vector<1x16xf32>,
      %get3A_454 = vector.shape_cast %get3A_453 : vector<1x16xf32> to vector<16xf32>
      %add3A_455 = arith.addf %get3A_450, %get3A_454 : vector<16xf32>
      %get3A_456 = arith.index_cast %add3A_446 : i32 to index
      %get3A_457 = arith.constant 0 : index
      %get3A_458 = tpu.vector_load %arg15[%get3A_456, %get3A_457] {strides = array<i32>} : memref<128x128xf32, #tpu.memory_space<vmem>>, vector<1x16xf32>,
      %get3A_459 = vector.shape_cast %get3A_458 : vector<1x16xf32> to vector<16xf32>
      %add3A_460 = arith.addf %add3A_455, %get3A_459 : vector<16xf32>
      %swap3A_461 = arith.index_cast %add3A_446 : i32 to index
      %swap3A_462 = arith.constant 0 : index
      %swap3A_463 = tpu.vector_load %arg13[%swap3A_461, %swap3A_462] {strides = array<i32>} : memref<128x128xf32, #tpu.memory_space<vmem>>, vector<1x16xf32>,
      %swap3A_464 = vector.shape_cast %swap3A_463 : vector<1x16xf32> to vector<16xf32>
      %swap3A_465 = vector.shape_cast %add3A_460 : vector<16xf32> to vector<1x16xf32>
      tpu.vector_store %arg13[%swap3A_461, %swap3A_462], %swap3A_465 {strides = array<i32>} : memref<128x128xf32, #tpu.memory_space<vmem>>, vector<1x16xf32>,
      %get3A_466 = arith.index_cast %add3A_446 : i32 to index
      %get3A_467 = arith.constant 16 : index
      %get3A_468 = tpu.vector_load %arg13[%get3A_466, %get3A_467] {strides = array<i32>} : memref<128x128xf32, #tpu.memory_space<vmem>>, vector<1x16xf32>,
      %get3A_469 = vector.shape_cast %get3A_468 : vector<1x16xf32> to vector<16xf32>
      %get3A_470 = arith.index_cast %add3A_446 : i32 to index
      %get3A_471 = arith.constant 16 : index
      %get3A_472 = tpu.vector_load %arg14[%get3A_470, %get3A_471] {strides = array<i32>} : memref<128x128xf32, #tpu.memory_space<vmem>>, vector<1x16xf32>,
      %get3A_473 = vector.shape_cast %get3A_472 : vector<1x16xf32> to vector<16xf32>
      %add3A_474 = arith.addf %get3A_469, %get3A_473 : vector<16xf32>
      %get3A_475 = arith.index_cast %add3A_446 : i32 to index
      %get3A_476 = arith.constant 16 : index
      %get3A_477 = tpu.vector_load %arg15[%get3A_475, %get3A_476] {strides = array<i32>} : memref<128x128xf32, #tpu.memory_space<vmem>>, vector<1x16xf32>,
      %get3A_478 = vector.shape_cast %get3A_477 : vector<1x16xf32> to vector<16xf32>
      %add3A_479 = arith.addf %add3A_474, %get3A_478 : vector<16xf32>
      %swap3A_480 = arith.index_cast %add3A_446 : i32 to index
      %swap3A_481 = arith.constant 16 : index
      %swap3A_482 = tpu.vector_load %arg13[%swap3A_480, %swap3A_481] {strides = array<i32>} : memref<128x128xf32, #tpu.memory_space<vmem>>, vector<1x16xf32>,
      %swap3A_483 = vector.shape_cast %swap3A_482 : vector<1x16xf32> to vector<16xf32>
      %swap3A_484 = vector.shape_cast %add3A_479 : vector<16xf32> to vector<1x16xf32>
      tpu.vector_store %arg13[%swap3A_480, %swap3A_481], %swap3A_484 {strides = array<i32>} : memref<128x128xf32, #tpu.memory_space<vmem>>, vector<1x16xf32>,
      %get3A_485 = arith.index_cast %add3A_446 : i32 to index
      %get3A_486 = arith.constant 32 : index
      %get3A_487 = tpu.vector_load %arg13[%get3A_485, %get3A_486] {strides = array<i32>} : memref<128x128xf32, #tpu.memory_space<vmem>>, vector<1x16xf32>,
      %get3A_488 = vector.shape_cast %get3A_487 : vector<1x16xf32> to vector<16xf32>
      %get3A_489 = arith.index_cast %add3A_446 : i32 to index
      %get3A_490 = arith.constant 32 : index
      %get3A_491 = tpu.vector_load %arg14[%get3A_489, %get3A_490] {strides = array<i32>} : memref<128x128xf32, #tpu.memory_space<vmem>>, vector<1x16xf32>,
      %get3A_492 = vector.shape_cast %get3A_491 : vector<1x16xf32> to vector<16xf32>
      %add3A_493 = arith.addf %get3A_488, %get3A_492 : vector<16xf32>
      %get3A_494 = arith.index_cast %add3A_446 : i32 to index
      %get3A_495 = arith.constant 32 : index
      %get3A_496 = tpu.vector_load %arg15[%get3A_494, %get3A_495] {strides = array<i32>} : memref<128x128xf32, #tpu.memory_space<vmem>>, vector<1x16xf32>,
      %get3A_497 = vector.shape_cast %get3A_496 : vector<1x16xf32> to vector<16xf32>
      %add3A_498 = arith.addf %add3A_493, %get3A_497 : vector<16xf32>
      %swap3A_499 = arith.index_cast %add3A_446 : i32 to index
      %swap3A_500 = arith.constant 32 : index
      %swap3A_501 = tpu.vector_load %arg13[%swap3A_499, %swap3A_500] {strides = array<i32>} : memref<128x128xf32, #tpu.memory_space<vmem>>, vector<1x16xf32>,
      %swap3A_502 = vector.shape_cast %swap3A_501 : vector<1x16xf32> to vector<16xf32>
      %swap3A_503 = vector.shape_cast %add3A_498 : vector<16xf32> to vector<1x16xf32>
      tpu.vector_store %arg13[%swap3A_499, %swap3A_500], %swap3A_503 {strides = array<i32>} : memref<128x128xf32, #tpu.memory_space<vmem>>, vector<1x16xf32>,
      %get3A_504 = arith.index_cast %add3A_446 : i32 to index
      %get3A_505 = arith.constant 48 : index
      %get3A_506 = tpu.vector_load %arg13[%get3A_504, %get3A_505] {strides = array<i32>} : memref<128x128xf32, #tpu.memory_space<vmem>>, vector<1x16xf32>,
      %get3A_507 = vector.shape_cast %get3A_506 : vector<1x16xf32> to vector<16xf32>
      %get3A_508 = arith.index_cast %add3A_446 : i32 to index
      %get3A_509 = arith.constant 48 : index
      %get3A_510 = tpu.vector_load %arg14[%get3A_508, %get3A_509] {strides = array<i32>} : memref<128x128xf32, #tpu.memory_space<vmem>>, vector<1x16xf32>,
      %get3A_511 = vector.shape_cast %get3A_510 : vector<1x16xf32> to vector<16xf32>
      %add3A_512 = arith.addf %get3A_507, %get3A_511 : vector<16xf32>
      %get3A_513 = arith.index_cast %add3A_446 : i32 to index
      %get3A_514 = arith.constant 48 : index
      %get3A_515 = tpu.vector_load %arg15[%get3A_513, %get3A_514] {strides = array<i32>} : memref<128x128xf32, #tpu.memory_space<vmem>>, vector<1x16xf32>,
      %get3A_516 = vector.shape_cast %get3A_515 : vector<1x16xf32> to vector<16xf32>
      %add3A_517 = arith.addf %add3A_512, %get3A_516 : vector<16xf32>
      %swap3A_518 = arith.index_cast %add3A_446 : i32 to index
      %swap3A_519 = arith.constant 48 : index
      %swap3A_520 = tpu.vector_load %arg13[%swap3A_518, %swap3A_519] {strides = array<i32>} : memref<128x128xf32, #tpu.memory_space<vmem>>, vector<1x16xf32>,
      %swap3A_521 = vector.shape_cast %swap3A_520 : vector<1x16xf32> to vector<16xf32>
      %swap3A_522 = vector.shape_cast %add3A_517 : vector<16xf32> to vector<1x16xf32>
      tpu.vector_store %arg13[%swap3A_518, %swap3A_519], %swap3A_522 {strides = array<i32>} : memref<128x128xf32, #tpu.memory_space<vmem>>, vector<1x16xf32>,
      %get3A_523 = arith.index_cast %add3A_446 : i32 to index
      %get3A_524 = arith.constant 64 : index
      %get3A_525 = tpu.vector_load %arg13[%get3A_523, %get3A_524] {strides = array<i32>} : memref<128x128xf32, #tpu.memory_space<vmem>>, vector<1x16xf32>,
      %get3A_526 = vector.shape_cast %get3A_525 : vector<1x16xf32> to vector<16xf32>
      %get3A_527 = arith.index_cast %add3A_446 : i32 to index
      %get3A_528 = arith.constant 64 : index
      %get3A_529 = tpu.vector_load %arg14[%get3A_527, %get3A_528] {strides = array<i32>} : memref<128x128xf32, #tpu.memory_space<vmem>>, vector<1x16xf32>,
      %get3A_530 = vector.shape_cast %get3A_529 : vector<1x16xf32> to vector<16xf32>
      %add3A_531 = arith.addf %get3A_526, %get3A_530 : vector<16xf32>
      %get3A_532 = arith.index_cast %add3A_446 : i32 to index
      %get3A_533 = arith.constant 64 : index
      %get3A_534 = tpu.vector_load %arg15[%get3A_532, %get3A_533] {strides = array<i32>} : memref<128x128xf32, #tpu.memory_space<vmem>>, vector<1x16xf32>,
      %get3A_535 = vector.shape_cast %get3A_534 : vector<1x16xf32> to vector<16xf32>
      %add3A_536 = arith.addf %add3A_531, %get3A_535 : vector<16xf32>
      %swap3A_537 = arith.index_cast %add3A_446 : i32 to index
      %swap3A_538 = arith.constant 64 : index
      %swap3A_539 = tpu.vector_load %arg13[%swap3A_537, %swap3A_538] {strides = array<i32>} : memref<128x128xf32, #tpu.memory_space<vmem>>, vector<1x16xf32>,
      %swap3A_540 = vector.shape_cast %swap3A_539 : vector<1x16xf32> to vector<16xf32>
      %swap3A_541 = vector.shape_cast %add3A_536 : vector<16xf32> to vector<1x16xf32>
      tpu.vector_store %arg13[%swap3A_537, %swap3A_538], %swap3A_541 {strides = array<i32>} : memref<128x128xf32, #tpu.memory_space<vmem>>, vector<1x16xf32>,
      %get3A_542 = arith.index_cast %add3A_446 : i32 to index
      %get3A_543 = arith.constant 80 : index
      %get3A_544 = tpu.vector_load %arg13[%get3A_542, %get3A_543] {strides = array<i32>} : memref<128x128xf32, #tpu.memory_space<vmem>>, vector<1x16xf32>,
      %get3A_545 = vector.shape_cast %get3A_544 : vector<1x16xf32> to vector<16xf32>
      %get3A_546 = arith.index_cast %add3A_446 : i32 to index
      %get3A_547 = arith.constant 80 : index
      %get3A_548 = tpu.vector_load %arg14[%get3A_546, %get3A_547] {strides = array<i32>} : memref<128x128xf32, #tpu.memory_space<vmem>>, vector<1x16xf32>,
      %get3A_549 = vector.shape_cast %get3A_548 : vector<1x16xf32> to vector<16xf32>
      %add3A_550 = arith.addf %get3A_545, %get3A_549 : vector<16xf32>
      %get3A_551 = arith.index_cast %add3A_446 : i32 to index
      %get3A_552 = arith.constant 80 : index
      %get3A_553 = tpu.vector_load %arg15[%get3A_551, %get3A_552] {strides = array<i32>} : memref<128x128xf32, #tpu.memory_space<vmem>>, vector<1x16xf32>,
      %get3A_554 = vector.shape_cast %get3A_553 : vector<1x16xf32> to vector<16xf32>
      %add3A_555 = arith.addf %add3A_550, %get3A_554 : vector<16xf32>
      %swap3A_556 = arith.index_cast %add3A_446 : i32 to index
      %swap3A_557 = arith.constant 80 : index
      %swap3A_558 = tpu.vector_load %arg13[%swap3A_556, %swap3A_557] {strides = array<i32>} : memref<128x128xf32, #tpu.memory_space<vmem>>, vector<1x16xf32>,
      %swap3A_559 = vector.shape_cast %swap3A_558 : vector<1x16xf32> to vector<16xf32>
      %swap3A_560 = vector.shape_cast %add3A_555 : vector<16xf32> to vector<1x16xf32>
      tpu.vector_store %arg13[%swap3A_556, %swap3A_557], %swap3A_560 {strides = array<i32>} : memref<128x128xf32, #tpu.memory_space<vmem>>, vector<1x16xf32>,
      %get3A_561 = arith.index_cast %add3A_446 : i32 to index
      %get3A_562 = arith.constant 96 : index
      %get3A_563 = tpu.vector_load %arg13[%get3A_561, %get3A_562] {strides = array<i32>} : memref<128x128xf32, #tpu.memory_space<vmem>>, vector<1x16xf32>,
      %get3A_564 = vector.shape_cast %get3A_563 : vector<1x16xf32> to vector<16xf32>
      %get3A_565 = arith.index_cast %add3A_446 : i32 to index
      %get3A_566 = arith.constant 96 : index
      %get3A_567 = tpu.vector_load %arg14[%get3A_565, %get3A_566] {strides = array<i32>} : memref<128x128xf32, #tpu.memory_space<vmem>>, vector<1x16xf32>,
      %get3A_568 = vector.shape_cast %get3A_567 : vector<1x16xf32> to vector<16xf32>
      %add3A_569 = arith.addf %get3A_564, %get3A_568 : vector<16xf32>
      %get3A_570 = arith.index_cast %add3A_446 : i32 to index
      %get3A_571 = arith.constant 96 : index
      %get3A_572 = tpu.vector_load %arg15[%get3A_570, %get3A_571] {strides = array<i32>} : memref<128x128xf32, #tpu.memory_space<vmem>>, vector<1x16xf32>,
      %get3A_573 = vector.shape_cast %get3A_572 : vector<1x16xf32> to vector<16xf32>
      %add3A_574 = arith.addf %add3A_569, %get3A_573 : vector<16xf32>
      %swap3A_575 = arith.index_cast %add3A_446 : i32 to index
      %swap3A_576 = arith.constant 96 : index
      %swap3A_577 = tpu.vector_load %arg13[%swap3A_575, %swap3A_576] {strides = array<i32>} : memref<128x128xf32, #tpu.memory_space<vmem>>, vector<1x16xf32>,
      %swap3A_578 = vector.shape_cast %swap3A_577 : vector<1x16xf32> to vector<16xf32>
      %swap3A_579 = vector.shape_cast %add3A_574 : vector<16xf32> to vector<1x16xf32>
      tpu.vector_store %arg13[%swap3A_575, %swap3A_576], %swap3A_579 {strides = array<i32>} : memref<128x128xf32, #tpu.memory_space<vmem>>, vector<1x16xf32>,
      %get3A_580 = arith.index_cast %add3A_446 : i32 to index
      %get3A_581 = arith.constant 112 : index
      %get3A_582 = tpu.vector_load %arg13[%get3A_580, %get3A_581] {strides = array<i32>} : memref<128x128xf32, #tpu.memory_space<vmem>>, vector<1x16xf32>,
      %get3A_583 = vector.shape_cast %get3A_582 : vector<1x16xf32> to vector<16xf32>
      %get3A_584 = arith.index_cast %add3A_446 : i32 to index
      %get3A_585 = arith.constant 112 : index
      %get3A_586 = tpu.vector_load %arg14[%get3A_584, %get3A_585] {strides = array<i32>} : memref<128x128xf32, #tpu.memory_space<vmem>>, vector<1x16xf32>,
      %get3A_587 = vector.shape_cast %get3A_586 : vector<1x16xf32> to vector<16xf32>
      %add3A_588 = arith.addf %get3A_583, %get3A_587 : vector<16xf32>
      %get3A_589 = arith.index_cast %add3A_446 : i32 to index
      %get3A_590 = arith.constant 112 : index
      %get3A_591 = tpu.vector_load %arg15[%get3A_589, %get3A_590] {strides = array<i32>} : memref<128x128xf32, #tpu.memory_space<vmem>>, vector<1x16xf32>,
      %get3A_592 = vector.shape_cast %get3A_591 : vector<1x16xf32> to vector<16xf32>
      %add3A_593 = arith.addf %add3A_588, %get3A_592 : vector<16xf32>
      %swap3A_594 = arith.index_cast %add3A_446 : i32 to index
      %swap3A_595 = arith.constant 112 : index
      %swap3A_596 = tpu.vector_load %arg13[%swap3A_594, %swap3A_595] {strides = array<i32>} : memref<128x128xf32, #tpu.memory_space<vmem>>, vector<1x16xf32>,
      %swap3A_597 = vector.shape_cast %swap3A_596 : vector<1x16xf32> to vector<16xf32>
      %swap3A_598 = vector.shape_cast %add3A_593 : vector<16xf32> to vector<1x16xf32>
      tpu.vector_store %arg13[%swap3A_594, %swap3A_595], %swap3A_598 {strides = array<i32>} : memref<128x128xf32, #tpu.memory_space<vmem>>, vector<1x16xf32>,
    }
    %scan3A_252 = arith.constant 64 : i32
    %add3A_253 = arith.constant 768 : i32
    %add3A_254 = arith.addi %mul3A_2, %add3A_253 : i32
    %dma_start3A_255 = arith.constant 0 : i32
    %dma_start3A_256 = tpu.memref_slice %arg6[%add3A_254, %dma_start3A_255] : memref<32768x128xf32, #tpu.memory_space<hbm>> -> memref<128x128xf32, #tpu.memory_space<hbm>>
    %dma_start3A_257 = arith.constant 0 : i32
    %dma_start3A_258 = tpu.memref_slice %arg6[%add3A_254, %dma_start3A_257] : memref<32768x128xf32, #tpu.memory_space<hbm>> -> memref<128x128xf32, #tpu.memory_space<hbm>>
    tpu.enqueue_dma source(%arg13 : memref<128x128xf32, #tpu.memory_space<vmem>>) target(%dma_start3A_258 : memref<128x128xf32, #tpu.memory_space<hbm>>) target_semaphore(%arg21 : memref<!tpu.dma_semaphore, #tpu.memory_space<semaphore_mem>>)
    %dma_wait3A_259 = arith.constant 0 : i32
    %dma_wait3A_260 = arith.constant 0 : i32
    %dma_wait3A_261 = tpu.memref_slice %arg2[%dma_wait3A_259, %dma_wait3A_260] : memref<8192x128xf32, #tpu.memory_space<hbm>> -> memref<8192x128xf32, #tpu.memory_space<hbm>>
    tpu.wait_indirect_dma semaphore(%arg20 : memref<!tpu.dma_semaphore, #tpu.memory_space<semaphore_mem>>) src(%dma_wait3A_261 : memref<8192x128xf32, #tpu.memory_space<hbm>>) dst(%arg16 : memref<128x128xf32, #tpu.memory_space<vmem>>)
    %dma_wait3A_262 = arith.constant 0 : i32
    %dma_wait3A_263 = arith.constant 0 : i32
    %dma_wait3A_264 = tpu.memref_slice %arg2[%dma_wait3A_262, %dma_wait3A_263] : memref<8192x128xf32, #tpu.memory_space<hbm>> -> memref<8192x128xf32, #tpu.memory_space<hbm>>
    tpu.wait_indirect_dma semaphore(%arg20 : memref<!tpu.dma_semaphore, #tpu.memory_space<semaphore_mem>>) src(%dma_wait3A_264 : memref<8192x128xf32, #tpu.memory_space<hbm>>) dst(%arg17 : memref<128x128xf32, #tpu.memory_space<vmem>>)
    %dma_wait3A_265 = arith.constant 0 : i32
    %dma_wait3A_266 = arith.constant 0 : i32
    %dma_wait3A_267 = tpu.memref_slice %arg2[%dma_wait3A_265, %dma_wait3A_266] : memref<8192x128xf32, #tpu.memory_space<hbm>> -> memref<8192x128xf32, #tpu.memory_space<hbm>>
    tpu.wait_indirect_dma semaphore(%arg20 : memref<!tpu.dma_semaphore, #tpu.memory_space<semaphore_mem>>) src(%dma_wait3A_267 : memref<8192x128xf32, #tpu.memory_space<hbm>>) dst(%arg18 : memref<128x128xf32, #tpu.memory_space<vmem>>)
    %scan3A_268 = arith.constant 0 : i32
    %scan3A_269 = arith.constant 0 : i32
    %scan3A_270 = arith.constant 64 : i32
    %scan3A_271 = arith.addi %scan3A_269, %scan3A_270 : i32
    %scan3A_272 = arith.constant 1 : i32
    scf.for %scan3A_288 = %scan3A_269 to %scan3A_271 step %scan3A_272  : i32 {
      %mul3A_289 = arith.constant 2 : i32
      %mul3A_290 = arith.muli %scan3A_288, %mul3A_289 : i32
      %add3A_291 = arith.constant 0 : i32
      %add3A_292 = arith.addi %mul3A_290, %add3A_291 : i32
      %get3A = arith.index_cast %add3A_292 : i32 to index
      %get3A_293 = arith.constant 0 : index
      %get3A_294 = tpu.vector_load %arg16[%get3A, %get3A_293] {strides = array<i32>} : memref<128x128xf32, #tpu.memory_space<vmem>>, vector<1x16xf32>,
      %get3A_295 = vector.shape_cast %get3A_294 : vector<1x16xf32> to vector<16xf32>
      %get3A_296 = arith.index_cast %add3A_292 : i32 to index
      %get3A_297 = arith.constant 0 : index
      %get3A_298 = tpu.vector_load %arg17[%get3A_296, %get3A_297] {strides = array<i32>} : memref<128x128xf32, #tpu.memory_space<vmem>>, vector<1x16xf32>,
      %get3A_299 = vector.shape_cast %get3A_298 : vector<1x16xf32> to vector<16xf32>
      %add3A_300 = arith.addf %get3A_295, %get3A_299 : vector<16xf32>
      %get3A_301 = arith.index_cast %add3A_292 : i32 to index
      %get3A_302 = arith.constant 0 : index
      %get3A_303 = tpu.vector_load %arg18[%get3A_301, %get3A_302] {strides = array<i32>} : memref<128x128xf32, #tpu.memory_space<vmem>>, vector<1x16xf32>,
      %get3A_304 = vector.shape_cast %get3A_303 : vector<1x16xf32> to vector<16xf32>
      %add3A_305 = arith.addf %add3A_300, %get3A_304 : vector<16xf32>
      %swap3A = arith.index_cast %add3A_292 : i32 to index
      %swap3A_306 = arith.constant 0 : index
      %swap3A_307 = tpu.vector_load %arg16[%swap3A, %swap3A_306] {strides = array<i32>} : memref<128x128xf32, #tpu.memory_space<vmem>>, vector<1x16xf32>,
      %swap3A_308 = vector.shape_cast %swap3A_307 : vector<1x16xf32> to vector<16xf32>
      %swap3A_309 = vector.shape_cast %add3A_305 : vector<16xf32> to vector<1x16xf32>
      tpu.vector_store %arg16[%swap3A, %swap3A_306], %swap3A_309 {strides = array<i32>} : memref<128x128xf32, #tpu.memory_space<vmem>>, vector<1x16xf32>,
      %get3A_310 = arith.index_cast %add3A_292 : i32 to index
      %get3A_311 = arith.constant 16 : index
      %get3A_312 = tpu.vector_load %arg16[%get3A_310, %get3A_311] {strides = array<i32>} : memref<128x128xf32, #tpu.memory_space<vmem>>, vector<1x16xf32>,
      %get3A_313 = vector.shape_cast %get3A_312 : vector<1x16xf32> to vector<16xf32>
      %get3A_314 = arith.index_cast %add3A_292 : i32 to index
      %get3A_315 = arith.constant 16 : index
      %get3A_316 = tpu.vector_load %arg17[%get3A_314, %get3A_315] {strides = array<i32>} : memref<128x128xf32, #tpu.memory_space<vmem>>, vector<1x16xf32>,
      %get3A_317 = vector.shape_cast %get3A_316 : vector<1x16xf32> to vector<16xf32>
      %add3A_318 = arith.addf %get3A_313, %get3A_317 : vector<16xf32>
      %get3A_319 = arith.index_cast %add3A_292 : i32 to index
      %get3A_320 = arith.constant 16 : index
      %get3A_321 = tpu.vector_load %arg18[%get3A_319, %get3A_320] {strides = array<i32>} : memref<128x128xf32, #tpu.memory_space<vmem>>, vector<1x16xf32>,
      %get3A_322 = vector.shape_cast %get3A_321 : vector<1x16xf32> to vector<16xf32>
      %add3A_323 = arith.addf %add3A_318, %get3A_322 : vector<16xf32>
      %swap3A_324 = arith.index_cast %add3A_292 : i32 to index
      %swap3A_325 = arith.constant 16 : index
      %swap3A_326 = tpu.vector_load %arg16[%swap3A_324, %swap3A_325] {strides = array<i32>} : memref<128x128xf32, #tpu.memory_space<vmem>>, vector<1x16xf32>,
      %swap3A_327 = vector.shape_cast %swap3A_326 : vector<1x16xf32> to vector<16xf32>
      %swap3A_328 = vector.shape_cast %add3A_323 : vector<16xf32> to vector<1x16xf32>
      tpu.vector_store %arg16[%swap3A_324, %swap3A_325], %swap3A_328 {strides = array<i32>} : memref<128x128xf32, #tpu.memory_space<vmem>>, vector<1x16xf32>,
      %get3A_329 = arith.index_cast %add3A_292 : i32 to index
      %get3A_330 = arith.constant 32 : index
      %get3A_331 = tpu.vector_load %arg16[%get3A_329, %get3A_330] {strides = array<i32>} : memref<128x128xf32, #tpu.memory_space<vmem>>, vector<1x16xf32>,
      %get3A_332 = vector.shape_cast %get3A_331 : vector<1x16xf32> to vector<16xf32>
      %get3A_333 = arith.index_cast %add3A_292 : i32 to index
      %get3A_334 = arith.constant 32 : index
      %get3A_335 = tpu.vector_load %arg17[%get3A_333, %get3A_334] {strides = array<i32>} : memref<128x128xf32, #tpu.memory_space<vmem>>, vector<1x16xf32>,
      %get3A_336 = vector.shape_cast %get3A_335 : vector<1x16xf32> to vector<16xf32>
      %add3A_337 = arith.addf %get3A_332, %get3A_336 : vector<16xf32>
      %get3A_338 = arith.index_cast %add3A_292 : i32 to index
      %get3A_339 = arith.constant 32 : index
      %get3A_340 = tpu.vector_load %arg18[%get3A_338, %get3A_339] {strides = array<i32>} : memref<128x128xf32, #tpu.memory_space<vmem>>, vector<1x16xf32>,
      %get3A_341 = vector.shape_cast %get3A_340 : vector<1x16xf32> to vector<16xf32>
      %add3A_342 = arith.addf %add3A_337, %get3A_341 : vector<16xf32>
      %swap3A_343 = arith.index_cast %add3A_292 : i32 to index
      %swap3A_344 = arith.constant 32 : index
      %swap3A_345 = tpu.vector_load %arg16[%swap3A_343, %swap3A_344] {strides = array<i32>} : memref<128x128xf32, #tpu.memory_space<vmem>>, vector<1x16xf32>,
      %swap3A_346 = vector.shape_cast %swap3A_345 : vector<1x16xf32> to vector<16xf32>
      %swap3A_347 = vector.shape_cast %add3A_342 : vector<16xf32> to vector<1x16xf32>
      tpu.vector_store %arg16[%swap3A_343, %swap3A_344], %swap3A_347 {strides = array<i32>} : memref<128x128xf32, #tpu.memory_space<vmem>>, vector<1x16xf32>,
      %get3A_348 = arith.index_cast %add3A_292 : i32 to index
      %get3A_349 = arith.constant 48 : index
      %get3A_350 = tpu.vector_load %arg16[%get3A_348, %get3A_349] {strides = array<i32>} : memref<128x128xf32, #tpu.memory_space<vmem>>, vector<1x16xf32>,
      %get3A_351 = vector.shape_cast %get3A_350 : vector<1x16xf32> to vector<16xf32>
      %get3A_352 = arith.index_cast %add3A_292 : i32 to index
      %get3A_353 = arith.constant 48 : index
      %get3A_354 = tpu.vector_load %arg17[%get3A_352, %get3A_353] {strides = array<i32>} : memref<128x128xf32, #tpu.memory_space<vmem>>, vector<1x16xf32>,
      %get3A_355 = vector.shape_cast %get3A_354 : vector<1x16xf32> to vector<16xf32>
      %add3A_356 = arith.addf %get3A_351, %get3A_355 : vector<16xf32>
      %get3A_357 = arith.index_cast %add3A_292 : i32 to index
      %get3A_358 = arith.constant 48 : index
      %get3A_359 = tpu.vector_load %arg18[%get3A_357, %get3A_358] {strides = array<i32>} : memref<128x128xf32, #tpu.memory_space<vmem>>, vector<1x16xf32>,
      %get3A_360 = vector.shape_cast %get3A_359 : vector<1x16xf32> to vector<16xf32>
      %add3A_361 = arith.addf %add3A_356, %get3A_360 : vector<16xf32>
      %swap3A_362 = arith.index_cast %add3A_292 : i32 to index
      %swap3A_363 = arith.constant 48 : index
      %swap3A_364 = tpu.vector_load %arg16[%swap3A_362, %swap3A_363] {strides = array<i32>} : memref<128x128xf32, #tpu.memory_space<vmem>>, vector<1x16xf32>,
      %swap3A_365 = vector.shape_cast %swap3A_364 : vector<1x16xf32> to vector<16xf32>
      %swap3A_366 = vector.shape_cast %add3A_361 : vector<16xf32> to vector<1x16xf32>
      tpu.vector_store %arg16[%swap3A_362, %swap3A_363], %swap3A_366 {strides = array<i32>} : memref<128x128xf32, #tpu.memory_space<vmem>>, vector<1x16xf32>,
      %get3A_367 = arith.index_cast %add3A_292 : i32 to index
      %get3A_368 = arith.constant 64 : index
      %get3A_369 = tpu.vector_load %arg16[%get3A_367, %get3A_368] {strides = array<i32>} : memref<128x128xf32, #tpu.memory_space<vmem>>, vector<1x16xf32>,
      %get3A_370 = vector.shape_cast %get3A_369 : vector<1x16xf32> to vector<16xf32>
      %get3A_371 = arith.index_cast %add3A_292 : i32 to index
      %get3A_372 = arith.constant 64 : index
      %get3A_373 = tpu.vector_load %arg17[%get3A_371, %get3A_372] {strides = array<i32>} : memref<128x128xf32, #tpu.memory_space<vmem>>, vector<1x16xf32>,
      %get3A_374 = vector.shape_cast %get3A_373 : vector<1x16xf32> to vector<16xf32>
      %add3A_375 = arith.addf %get3A_370, %get3A_374 : vector<16xf32>
      %get3A_376 = arith.index_cast %add3A_292 : i32 to index
      %get3A_377 = arith.constant 64 : index
      %get3A_378 = tpu.vector_load %arg18[%get3A_376, %get3A_377] {strides = array<i32>} : memref<128x128xf32, #tpu.memory_space<vmem>>, vector<1x16xf32>,
      %get3A_379 = vector.shape_cast %get3A_378 : vector<1x16xf32> to vector<16xf32>
      %add3A_380 = arith.addf %add3A_375, %get3A_379 : vector<16xf32>
      %swap3A_381 = arith.index_cast %add3A_292 : i32 to index
      %swap3A_382 = arith.constant 64 : index
      %swap3A_383 = tpu.vector_load %arg16[%swap3A_381, %swap3A_382] {strides = array<i32>} : memref<128x128xf32, #tpu.memory_space<vmem>>, vector<1x16xf32>,
      %swap3A_384 = vector.shape_cast %swap3A_383 : vector<1x16xf32> to vector<16xf32>
      %swap3A_385 = vector.shape_cast %add3A_380 : vector<16xf32> to vector<1x16xf32>
      tpu.vector_store %arg16[%swap3A_381, %swap3A_382], %swap3A_385 {strides = array<i32>} : memref<128x128xf32, #tpu.memory_space<vmem>>, vector<1x16xf32>,
      %get3A_386 = arith.index_cast %add3A_292 : i32 to index
      %get3A_387 = arith.constant 80 : index
      %get3A_388 = tpu.vector_load %arg16[%get3A_386, %get3A_387] {strides = array<i32>} : memref<128x128xf32, #tpu.memory_space<vmem>>, vector<1x16xf32>,
      %get3A_389 = vector.shape_cast %get3A_388 : vector<1x16xf32> to vector<16xf32>
      %get3A_390 = arith.index_cast %add3A_292 : i32 to index
      %get3A_391 = arith.constant 80 : index
      %get3A_392 = tpu.vector_load %arg17[%get3A_390, %get3A_391] {strides = array<i32>} : memref<128x128xf32, #tpu.memory_space<vmem>>, vector<1x16xf32>,
      %get3A_393 = vector.shape_cast %get3A_392 : vector<1x16xf32> to vector<16xf32>
      %add3A_394 = arith.addf %get3A_389, %get3A_393 : vector<16xf32>
      %get3A_395 = arith.index_cast %add3A_292 : i32 to index
      %get3A_396 = arith.constant 80 : index
      %get3A_397 = tpu.vector_load %arg18[%get3A_395, %get3A_396] {strides = array<i32>} : memref<128x128xf32, #tpu.memory_space<vmem>>, vector<1x16xf32>,
      %get3A_398 = vector.shape_cast %get3A_397 : vector<1x16xf32> to vector<16xf32>
      %add3A_399 = arith.addf %add3A_394, %get3A_398 : vector<16xf32>
      %swap3A_400 = arith.index_cast %add3A_292 : i32 to index
      %swap3A_401 = arith.constant 80 : index
      %swap3A_402 = tpu.vector_load %arg16[%swap3A_400, %swap3A_401] {strides = array<i32>} : memref<128x128xf32, #tpu.memory_space<vmem>>, vector<1x16xf32>,
      %swap3A_403 = vector.shape_cast %swap3A_402 : vector<1x16xf32> to vector<16xf32>
      %swap3A_404 = vector.shape_cast %add3A_399 : vector<16xf32> to vector<1x16xf32>
      tpu.vector_store %arg16[%swap3A_400, %swap3A_401], %swap3A_404 {strides = array<i32>} : memref<128x128xf32, #tpu.memory_space<vmem>>, vector<1x16xf32>,
      %get3A_405 = arith.index_cast %add3A_292 : i32 to index
      %get3A_406 = arith.constant 96 : index
      %get3A_407 = tpu.vector_load %arg16[%get3A_405, %get3A_406] {strides = array<i32>} : memref<128x128xf32, #tpu.memory_space<vmem>>, vector<1x16xf32>,
      %get3A_408 = vector.shape_cast %get3A_407 : vector<1x16xf32> to vector<16xf32>
      %get3A_409 = arith.index_cast %add3A_292 : i32 to index
      %get3A_410 = arith.constant 96 : index
      %get3A_411 = tpu.vector_load %arg17[%get3A_409, %get3A_410] {strides = array<i32>} : memref<128x128xf32, #tpu.memory_space<vmem>>, vector<1x16xf32>,
      %get3A_412 = vector.shape_cast %get3A_411 : vector<1x16xf32> to vector<16xf32>
      %add3A_413 = arith.addf %get3A_408, %get3A_412 : vector<16xf32>
      %get3A_414 = arith.index_cast %add3A_292 : i32 to index
      %get3A_415 = arith.constant 96 : index
      %get3A_416 = tpu.vector_load %arg18[%get3A_414, %get3A_415] {strides = array<i32>} : memref<128x128xf32, #tpu.memory_space<vmem>>, vector<1x16xf32>,
      %get3A_417 = vector.shape_cast %get3A_416 : vector<1x16xf32> to vector<16xf32>
      %add3A_418 = arith.addf %add3A_413, %get3A_417 : vector<16xf32>
      %swap3A_419 = arith.index_cast %add3A_292 : i32 to index
      %swap3A_420 = arith.constant 96 : index
      %swap3A_421 = tpu.vector_load %arg16[%swap3A_419, %swap3A_420] {strides = array<i32>} : memref<128x128xf32, #tpu.memory_space<vmem>>, vector<1x16xf32>,
      %swap3A_422 = vector.shape_cast %swap3A_421 : vector<1x16xf32> to vector<16xf32>
      %swap3A_423 = vector.shape_cast %add3A_418 : vector<16xf32> to vector<1x16xf32>
      tpu.vector_store %arg16[%swap3A_419, %swap3A_420], %swap3A_423 {strides = array<i32>} : memref<128x128xf32, #tpu.memory_space<vmem>>, vector<1x16xf32>,
      %get3A_424 = arith.index_cast %add3A_292 : i32 to index
      %get3A_425 = arith.constant 112 : index
      %get3A_426 = tpu.vector_load %arg16[%get3A_424, %get3A_425] {strides = array<i32>} : memref<128x128xf32, #tpu.memory_space<vmem>>, vector<1x16xf32>,
      %get3A_427 = vector.shape_cast %get3A_426 : vector<1x16xf32> to vector<16xf32>
      %get3A_428 = arith.index_cast %add3A_292 : i32 to index
      %get3A_429 = arith.constant 112 : index
      %get3A_430 = tpu.vector_load %arg17[%get3A_428, %get3A_429] {strides = array<i32>} : memref<128x128xf32, #tpu.memory_space<vmem>>, vector<1x16xf32>,
      %get3A_431 = vector.shape_cast %get3A_430 : vector<1x16xf32> to vector<16xf32>
      %add3A_432 = arith.addf %get3A_427, %get3A_431 : vector<16xf32>
      %get3A_433 = arith.index_cast %add3A_292 : i32 to index
      %get3A_434 = arith.constant 112 : index
      %get3A_435 = tpu.vector_load %arg18[%get3A_433, %get3A_434] {strides = array<i32>} : memref<128x128xf32, #tpu.memory_space<vmem>>, vector<1x16xf32>,
      %get3A_436 = vector.shape_cast %get3A_435 : vector<1x16xf32> to vector<16xf32>
      %add3A_437 = arith.addf %add3A_432, %get3A_436 : vector<16xf32>
      %swap3A_438 = arith.index_cast %add3A_292 : i32 to index
      %swap3A_439 = arith.constant 112 : index
      %swap3A_440 = tpu.vector_load %arg16[%swap3A_438, %swap3A_439] {strides = array<i32>} : memref<128x128xf32, #tpu.memory_space<vmem>>, vector<1x16xf32>,
      %swap3A_441 = vector.shape_cast %swap3A_440 : vector<1x16xf32> to vector<16xf32>
      %swap3A_442 = vector.shape_cast %add3A_437 : vector<16xf32> to vector<1x16xf32>
      tpu.vector_store %arg16[%swap3A_438, %swap3A_439], %swap3A_442 {strides = array<i32>} : memref<128x128xf32, #tpu.memory_space<vmem>>, vector<1x16xf32>,
      %mul3A_443 = arith.constant 2 : i32
      %mul3A_444 = arith.muli %scan3A_288, %mul3A_443 : i32
      %add3A_445 = arith.constant 1 : i32
      %add3A_446 = arith.addi %mul3A_444, %add3A_445 : i32
      %get3A_447 = arith.index_cast %add3A_446 : i32 to index
      %get3A_448 = arith.constant 0 : index
      %get3A_449 = tpu.vector_load %arg16[%get3A_447, %get3A_448] {strides = array<i32>} : memref<128x128xf32, #tpu.memory_space<vmem>>, vector<1x16xf32>,
      %get3A_450 = vector.shape_cast %get3A_449 : vector<1x16xf32> to vector<16xf32>
      %get3A_451 = arith.index_cast %add3A_446 : i32 to index
      %get3A_452 = arith.constant 0 : index
      %get3A_453 = tpu.vector_load %arg17[%get3A_451, %get3A_452] {strides = array<i32>} : memref<128x128xf32, #tpu.memory_space<vmem>>, vector<1x16xf32>,
      %get3A_454 = vector.shape_cast %get3A_453 : vector<1x16xf32> to vector<16xf32>
      %add3A_455 = arith.addf %get3A_450, %get3A_454 : vector<16xf32>
      %get3A_456 = arith.index_cast %add3A_446 : i32 to index
      %get3A_457 = arith.constant 0 : index
      %get3A_458 = tpu.vector_load %arg18[%get3A_456, %get3A_457] {strides = array<i32>} : memref<128x128xf32, #tpu.memory_space<vmem>>, vector<1x16xf32>,
      %get3A_459 = vector.shape_cast %get3A_458 : vector<1x16xf32> to vector<16xf32>
      %add3A_460 = arith.addf %add3A_455, %get3A_459 : vector<16xf32>
      %swap3A_461 = arith.index_cast %add3A_446 : i32 to index
      %swap3A_462 = arith.constant 0 : index
      %swap3A_463 = tpu.vector_load %arg16[%swap3A_461, %swap3A_462] {strides = array<i32>} : memref<128x128xf32, #tpu.memory_space<vmem>>, vector<1x16xf32>,
      %swap3A_464 = vector.shape_cast %swap3A_463 : vector<1x16xf32> to vector<16xf32>
      %swap3A_465 = vector.shape_cast %add3A_460 : vector<16xf32> to vector<1x16xf32>
      tpu.vector_store %arg16[%swap3A_461, %swap3A_462], %swap3A_465 {strides = array<i32>} : memref<128x128xf32, #tpu.memory_space<vmem>>, vector<1x16xf32>,
      %get3A_466 = arith.index_cast %add3A_446 : i32 to index
      %get3A_467 = arith.constant 16 : index
      %get3A_468 = tpu.vector_load %arg16[%get3A_466, %get3A_467] {strides = array<i32>} : memref<128x128xf32, #tpu.memory_space<vmem>>, vector<1x16xf32>,
      %get3A_469 = vector.shape_cast %get3A_468 : vector<1x16xf32> to vector<16xf32>
      %get3A_470 = arith.index_cast %add3A_446 : i32 to index
      %get3A_471 = arith.constant 16 : index
      %get3A_472 = tpu.vector_load %arg17[%get3A_470, %get3A_471] {strides = array<i32>} : memref<128x128xf32, #tpu.memory_space<vmem>>, vector<1x16xf32>,
      %get3A_473 = vector.shape_cast %get3A_472 : vector<1x16xf32> to vector<16xf32>
      %add3A_474 = arith.addf %get3A_469, %get3A_473 : vector<16xf32>
      %get3A_475 = arith.index_cast %add3A_446 : i32 to index
      %get3A_476 = arith.constant 16 : index
      %get3A_477 = tpu.vector_load %arg18[%get3A_475, %get3A_476] {strides = array<i32>} : memref<128x128xf32, #tpu.memory_space<vmem>>, vector<1x16xf32>,
      %get3A_478 = vector.shape_cast %get3A_477 : vector<1x16xf32> to vector<16xf32>
      %add3A_479 = arith.addf %add3A_474, %get3A_478 : vector<16xf32>
      %swap3A_480 = arith.index_cast %add3A_446 : i32 to index
      %swap3A_481 = arith.constant 16 : index
      %swap3A_482 = tpu.vector_load %arg16[%swap3A_480, %swap3A_481] {strides = array<i32>} : memref<128x128xf32, #tpu.memory_space<vmem>>, vector<1x16xf32>,
      %swap3A_483 = vector.shape_cast %swap3A_482 : vector<1x16xf32> to vector<16xf32>
      %swap3A_484 = vector.shape_cast %add3A_479 : vector<16xf32> to vector<1x16xf32>
      tpu.vector_store %arg16[%swap3A_480, %swap3A_481], %swap3A_484 {strides = array<i32>} : memref<128x128xf32, #tpu.memory_space<vmem>>, vector<1x16xf32>,
      %get3A_485 = arith.index_cast %add3A_446 : i32 to index
      %get3A_486 = arith.constant 32 : index
      %get3A_487 = tpu.vector_load %arg16[%get3A_485, %get3A_486] {strides = array<i32>} : memref<128x128xf32, #tpu.memory_space<vmem>>, vector<1x16xf32>,
      %get3A_488 = vector.shape_cast %get3A_487 : vector<1x16xf32> to vector<16xf32>
      %get3A_489 = arith.index_cast %add3A_446 : i32 to index
      %get3A_490 = arith.constant 32 : index
      %get3A_491 = tpu.vector_load %arg17[%get3A_489, %get3A_490] {strides = array<i32>} : memref<128x128xf32, #tpu.memory_space<vmem>>, vector<1x16xf32>,
      %get3A_492 = vector.shape_cast %get3A_491 : vector<1x16xf32> to vector<16xf32>
      %add3A_493 = arith.addf %get3A_488, %get3A_492 : vector<16xf32>
      %get3A_494 = arith.index_cast %add3A_446 : i32 to index
      %get3A_495 = arith.constant 32 : index
      %get3A_496 = tpu.vector_load %arg18[%get3A_494, %get3A_495] {strides = array<i32>} : memref<128x128xf32, #tpu.memory_space<vmem>>, vector<1x16xf32>,
      %get3A_497 = vector.shape_cast %get3A_496 : vector<1x16xf32> to vector<16xf32>
      %add3A_498 = arith.addf %add3A_493, %get3A_497 : vector<16xf32>
      %swap3A_499 = arith.index_cast %add3A_446 : i32 to index
      %swap3A_500 = arith.constant 32 : index
      %swap3A_501 = tpu.vector_load %arg16[%swap3A_499, %swap3A_500] {strides = array<i32>} : memref<128x128xf32, #tpu.memory_space<vmem>>, vector<1x16xf32>,
      %swap3A_502 = vector.shape_cast %swap3A_501 : vector<1x16xf32> to vector<16xf32>
      %swap3A_503 = vector.shape_cast %add3A_498 : vector<16xf32> to vector<1x16xf32>
      tpu.vector_store %arg16[%swap3A_499, %swap3A_500], %swap3A_503 {strides = array<i32>} : memref<128x128xf32, #tpu.memory_space<vmem>>, vector<1x16xf32>,
      %get3A_504 = arith.index_cast %add3A_446 : i32 to index
      %get3A_505 = arith.constant 48 : index
      %get3A_506 = tpu.vector_load %arg16[%get3A_504, %get3A_505] {strides = array<i32>} : memref<128x128xf32, #tpu.memory_space<vmem>>, vector<1x16xf32>,
      %get3A_507 = vector.shape_cast %get3A_506 : vector<1x16xf32> to vector<16xf32>
      %get3A_508 = arith.index_cast %add3A_446 : i32 to index
      %get3A_509 = arith.constant 48 : index
      %get3A_510 = tpu.vector_load %arg17[%get3A_508, %get3A_509] {strides = array<i32>} : memref<128x128xf32, #tpu.memory_space<vmem>>, vector<1x16xf32>,
      %get3A_511 = vector.shape_cast %get3A_510 : vector<1x16xf32> to vector<16xf32>
      %add3A_512 = arith.addf %get3A_507, %get3A_511 : vector<16xf32>
      %get3A_513 = arith.index_cast %add3A_446 : i32 to index
      %get3A_514 = arith.constant 48 : index
      %get3A_515 = tpu.vector_load %arg18[%get3A_513, %get3A_514] {strides = array<i32>} : memref<128x128xf32, #tpu.memory_space<vmem>>, vector<1x16xf32>,
      %get3A_516 = vector.shape_cast %get3A_515 : vector<1x16xf32> to vector<16xf32>
      %add3A_517 = arith.addf %add3A_512, %get3A_516 : vector<16xf32>
      %swap3A_518 = arith.index_cast %add3A_446 : i32 to index
      %swap3A_519 = arith.constant 48 : index
      %swap3A_520 = tpu.vector_load %arg16[%swap3A_518, %swap3A_519] {strides = array<i32>} : memref<128x128xf32, #tpu.memory_space<vmem>>, vector<1x16xf32>,
      %swap3A_521 = vector.shape_cast %swap3A_520 : vector<1x16xf32> to vector<16xf32>
      %swap3A_522 = vector.shape_cast %add3A_517 : vector<16xf32> to vector<1x16xf32>
      tpu.vector_store %arg16[%swap3A_518, %swap3A_519], %swap3A_522 {strides = array<i32>} : memref<128x128xf32, #tpu.memory_space<vmem>>, vector<1x16xf32>,
      %get3A_523 = arith.index_cast %add3A_446 : i32 to index
      %get3A_524 = arith.constant 64 : index
      %get3A_525 = tpu.vector_load %arg16[%get3A_523, %get3A_524] {strides = array<i32>} : memref<128x128xf32, #tpu.memory_space<vmem>>, vector<1x16xf32>,
      %get3A_526 = vector.shape_cast %get3A_525 : vector<1x16xf32> to vector<16xf32>
      %get3A_527 = arith.index_cast %add3A_446 : i32 to index
      %get3A_528 = arith.constant 64 : index
      %get3A_529 = tpu.vector_load %arg17[%get3A_527, %get3A_528] {strides = array<i32>} : memref<128x128xf32, #tpu.memory_space<vmem>>, vector<1x16xf32>,
      %get3A_530 = vector.shape_cast %get3A_529 : vector<1x16xf32> to vector<16xf32>
      %add3A_531 = arith.addf %get3A_526, %get3A_530 : vector<16xf32>
      %get3A_532 = arith.index_cast %add3A_446 : i32 to index
      %get3A_533 = arith.constant 64 : index
      %get3A_534 = tpu.vector_load %arg18[%get3A_532, %get3A_533] {strides = array<i32>} : memref<128x128xf32, #tpu.memory_space<vmem>>, vector<1x16xf32>,
      %get3A_535 = vector.shape_cast %get3A_534 : vector<1x16xf32> to vector<16xf32>
      %add3A_536 = arith.addf %add3A_531, %get3A_535 : vector<16xf32>
      %swap3A_537 = arith.index_cast %add3A_446 : i32 to index
      %swap3A_538 = arith.constant 64 : index
      %swap3A_539 = tpu.vector_load %arg16[%swap3A_537, %swap3A_538] {strides = array<i32>} : memref<128x128xf32, #tpu.memory_space<vmem>>, vector<1x16xf32>,
      %swap3A_540 = vector.shape_cast %swap3A_539 : vector<1x16xf32> to vector<16xf32>
      %swap3A_541 = vector.shape_cast %add3A_536 : vector<16xf32> to vector<1x16xf32>
      tpu.vector_store %arg16[%swap3A_537, %swap3A_538], %swap3A_541 {strides = array<i32>} : memref<128x128xf32, #tpu.memory_space<vmem>>, vector<1x16xf32>,
      %get3A_542 = arith.index_cast %add3A_446 : i32 to index
      %get3A_543 = arith.constant 80 : index
      %get3A_544 = tpu.vector_load %arg16[%get3A_542, %get3A_543] {strides = array<i32>} : memref<128x128xf32, #tpu.memory_space<vmem>>, vector<1x16xf32>,
      %get3A_545 = vector.shape_cast %get3A_544 : vector<1x16xf32> to vector<16xf32>
      %get3A_546 = arith.index_cast %add3A_446 : i32 to index
      %get3A_547 = arith.constant 80 : index
      %get3A_548 = tpu.vector_load %arg17[%get3A_546, %get3A_547] {strides = array<i32>} : memref<128x128xf32, #tpu.memory_space<vmem>>, vector<1x16xf32>,
      %get3A_549 = vector.shape_cast %get3A_548 : vector<1x16xf32> to vector<16xf32>
      %add3A_550 = arith.addf %get3A_545, %get3A_549 : vector<16xf32>
      %get3A_551 = arith.index_cast %add3A_446 : i32 to index
      %get3A_552 = arith.constant 80 : index
      %get3A_553 = tpu.vector_load %arg18[%get3A_551, %get3A_552] {strides = array<i32>} : memref<128x128xf32, #tpu.memory_space<vmem>>, vector<1x16xf32>,
      %get3A_554 = vector.shape_cast %get3A_553 : vector<1x16xf32> to vector<16xf32>
      %add3A_555 = arith.addf %add3A_550, %get3A_554 : vector<16xf32>
      %swap3A_556 = arith.index_cast %add3A_446 : i32 to index
      %swap3A_557 = arith.constant 80 : index
      %swap3A_558 = tpu.vector_load %arg16[%swap3A_556, %swap3A_557] {strides = array<i32>} : memref<128x128xf32, #tpu.memory_space<vmem>>, vector<1x16xf32>,
      %swap3A_559 = vector.shape_cast %swap3A_558 : vector<1x16xf32> to vector<16xf32>
      %swap3A_560 = vector.shape_cast %add3A_555 : vector<16xf32> to vector<1x16xf32>
      tpu.vector_store %arg16[%swap3A_556, %swap3A_557], %swap3A_560 {strides = array<i32>} : memref<128x128xf32, #tpu.memory_space<vmem>>, vector<1x16xf32>,
      %get3A_561 = arith.index_cast %add3A_446 : i32 to index
      %get3A_562 = arith.constant 96 : index
      %get3A_563 = tpu.vector_load %arg16[%get3A_561, %get3A_562] {strides = array<i32>} : memref<128x128xf32, #tpu.memory_space<vmem>>, vector<1x16xf32>,
      %get3A_564 = vector.shape_cast %get3A_563 : vector<1x16xf32> to vector<16xf32>
      %get3A_565 = arith.index_cast %add3A_446 : i32 to index
      %get3A_566 = arith.constant 96 : index
      %get3A_567 = tpu.vector_load %arg17[%get3A_565, %get3A_566] {strides = array<i32>} : memref<128x128xf32, #tpu.memory_space<vmem>>, vector<1x16xf32>,
      %get3A_568 = vector.shape_cast %get3A_567 : vector<1x16xf32> to vector<16xf32>
      %add3A_569 = arith.addf %get3A_564, %get3A_568 : vector<16xf32>
      %get3A_570 = arith.index_cast %add3A_446 : i32 to index
      %get3A_571 = arith.constant 96 : index
      %get3A_572 = tpu.vector_load %arg18[%get3A_570, %get3A_571] {strides = array<i32>} : memref<128x128xf32, #tpu.memory_space<vmem>>, vector<1x16xf32>,
      %get3A_573 = vector.shape_cast %get3A_572 : vector<1x16xf32> to vector<16xf32>
      %add3A_574 = arith.addf %add3A_569, %get3A_573 : vector<16xf32>
      %swap3A_575 = arith.index_cast %add3A_446 : i32 to index
      %swap3A_576 = arith.constant 96 : index
      %swap3A_577 = tpu.vector_load %arg16[%swap3A_575, %swap3A_576] {strides = array<i32>} : memref<128x128xf32, #tpu.memory_space<vmem>>, vector<1x16xf32>,
      %swap3A_578 = vector.shape_cast %swap3A_577 : vector<1x16xf32> to vector<16xf32>
      %swap3A_579 = vector.shape_cast %add3A_574 : vector<16xf32> to vector<1x16xf32>
      tpu.vector_store %arg16[%swap3A_575, %swap3A_576], %swap3A_579 {strides = array<i32>} : memref<128x128xf32, #tpu.memory_space<vmem>>, vector<1x16xf32>,
      %get3A_580 = arith.index_cast %add3A_446 : i32 to index
      %get3A_581 = arith.constant 112 : index
      %get3A_582 = tpu.vector_load %arg16[%get3A_580, %get3A_581] {strides = array<i32>} : memref<128x128xf32, #tpu.memory_space<vmem>>, vector<1x16xf32>,
      %get3A_583 = vector.shape_cast %get3A_582 : vector<1x16xf32> to vector<16xf32>
      %get3A_584 = arith.index_cast %add3A_446 : i32 to index
      %get3A_585 = arith.constant 112 : index
      %get3A_586 = tpu.vector_load %arg17[%get3A_584, %get3A_585] {strides = array<i32>} : memref<128x128xf32, #tpu.memory_space<vmem>>, vector<1x16xf32>,
      %get3A_587 = vector.shape_cast %get3A_586 : vector<1x16xf32> to vector<16xf32>
      %add3A_588 = arith.addf %get3A_583, %get3A_587 : vector<16xf32>
      %get3A_589 = arith.index_cast %add3A_446 : i32 to index
      %get3A_590 = arith.constant 112 : index
      %get3A_591 = tpu.vector_load %arg18[%get3A_589, %get3A_590] {strides = array<i32>} : memref<128x128xf32, #tpu.memory_space<vmem>>, vector<1x16xf32>,
      %get3A_592 = vector.shape_cast %get3A_591 : vector<1x16xf32> to vector<16xf32>
      %add3A_593 = arith.addf %add3A_588, %get3A_592 : vector<16xf32>
      %swap3A_594 = arith.index_cast %add3A_446 : i32 to index
      %swap3A_595 = arith.constant 112 : index
      %swap3A_596 = tpu.vector_load %arg16[%swap3A_594, %swap3A_595] {strides = array<i32>} : memref<128x128xf32, #tpu.memory_space<vmem>>, vector<1x16xf32>,
      %swap3A_597 = vector.shape_cast %swap3A_596 : vector<1x16xf32> to vector<16xf32>
      %swap3A_598 = vector.shape_cast %add3A_593 : vector<16xf32> to vector<1x16xf32>
      tpu.vector_store %arg16[%swap3A_594, %swap3A_595], %swap3A_598 {strides = array<i32>} : memref<128x128xf32, #tpu.memory_space<vmem>>, vector<1x16xf32>,
    }
    %scan3A_273 = arith.constant 64 : i32
    %add3A_274 = arith.constant 896 : i32
    %add3A_275 = arith.addi %mul3A_2, %add3A_274 : i32
    %dma_start3A_276 = arith.constant 0 : i32
    %dma_start3A_277 = tpu.memref_slice %arg6[%add3A_275, %dma_start3A_276] : memref<32768x128xf32, #tpu.memory_space<hbm>> -> memref<128x128xf32, #tpu.memory_space<hbm>>
    %dma_start3A_278 = arith.constant 0 : i32
    %dma_start3A_279 = tpu.memref_slice %arg6[%add3A_275, %dma_start3A_278] : memref<32768x128xf32, #tpu.memory_space<hbm>> -> memref<128x128xf32, #tpu.memory_space<hbm>>
    tpu.enqueue_dma source(%arg16 : memref<128x128xf32, #tpu.memory_space<vmem>>) target(%dma_start3A_279 : memref<128x128xf32, #tpu.memory_space<hbm>>) target_semaphore(%arg22 : memref<!tpu.dma_semaphore, #tpu.memory_space<semaphore_mem>>)
    %dma_wait3A_280 = arith.constant 0 : i32
    %dma_wait3A_281 = tpu.memref_slice %arg6[%add3A_254, %dma_wait3A_280] : memref<32768x128xf32, #tpu.memory_space<hbm>> -> memref<128x128xf32, #tpu.memory_space<hbm>>
    %dma_wait3A_282 = arith.constant 0 : i32
    %dma_wait3A_283 = tpu.memref_slice %arg6[%add3A_254, %dma_wait3A_282] : memref<32768x128xf32, #tpu.memory_space<hbm>> -> memref<128x128xf32, #tpu.memory_space<hbm>>
    tpu.wait_dma2 semaphore(%arg21 : memref<!tpu.dma_semaphore, #tpu.memory_space<semaphore_mem>>) src(%arg13 : memref<128x128xf32, #tpu.memory_space<vmem>>) dst(%dma_wait3A_283 : memref<128x128xf32, #tpu.memory_space<hbm>>)
    %dma_wait3A_284 = arith.constant 0 : i32
    %dma_wait3A_285 = tpu.memref_slice %arg6[%add3A_275, %dma_wait3A_284] : memref<32768x128xf32, #tpu.memory_space<hbm>> -> memref<128x128xf32, #tpu.memory_space<hbm>>
    %dma_wait3A_286 = arith.constant 0 : i32
    %dma_wait3A_287 = tpu.memref_slice %arg6[%add3A_275, %dma_wait3A_286] : memref<32768x128xf32, #tpu.memory_space<hbm>> -> memref<128x128xf32, #tpu.memory_space<hbm>>
    tpu.wait_dma2 semaphore(%arg22 : memref<!tpu.dma_semaphore, #tpu.memory_space<semaphore_mem>>) src(%arg16 : memref<128x128xf32, #tpu.memory_space<vmem>>) dst(%dma_wait3A_287 : memref<128x128xf32, #tpu.memory_space<hbm>>)
    return
  }
}

module attributes {stable_mosaic.version = 14 : i64} {
  func.func @_prep_body(%arg0: i32, %arg1: memref<1x1024x256xf32, #tpu.memory_space<vmem>>, %arg2: memref<1x8x1024xf32, #tpu.memory_space<vmem>>, %arg3: memref<256x384xf32, #tpu.memory_space<vmem>>, %arg4: memref<256x1xf32, #tpu.memory_space<vmem>>, %arg5: memref<128x256xf32, #tpu.memory_space<vmem>>, %arg6: memref<128x1xf32, #tpu.memory_space<vmem>>, %arg7: memref<1x1024x128xf32, #tpu.memory_space<vmem>>, %arg8: memref<128x384xf32, #tpu.memory_space<vmem>>, %arg9: memref<128x1xf32, #tpu.memory_space<vmem>>, %arg10: memref<1x8x1024xf32, #tpu.memory_space<vmem>>, %arg11: memref<1x1x1024xf32, #tpu.memory_space<vmem>>) attributes {dimension_semantics = [#tpu.dimension_semantics<arbitrary>], iteration_bounds = array<i64: 8>, scalar_prefetch = 0 : i64, scratch_operands = 0 : i64, tpu.core_type = #tpu.core_type<tc>, window_params = [{transform_indices = @transform_0, window_bounds = array<i64: 1, 1024, 256>}, {transform_indices = @transform_1, window_bounds = array<i64: 1, 8, 1024>}, {pipeline_mode = #tpu.pipeline_mode<synchronous>, transform_indices = @transform_2, window_bounds = array<i64: 256, 384>}, {pipeline_mode = #tpu.pipeline_mode<synchronous>, transform_indices = @transform_3, window_bounds = array<i64: 256, 1>}, {pipeline_mode = #tpu.pipeline_mode<synchronous>, transform_indices = @transform_4, window_bounds = array<i64: 128, 256>}, {pipeline_mode = #tpu.pipeline_mode<synchronous>, transform_indices = @transform_5, window_bounds = array<i64: 128, 1>}, {transform_indices = @transform_6, window_bounds = array<i64: 1, 1024, 128>}, {pipeline_mode = #tpu.pipeline_mode<synchronous>, transform_indices = @transform_7, window_bounds = array<i64: 128, 384>}, {pipeline_mode = #tpu.pipeline_mode<synchronous>, transform_indices = @transform_8, window_bounds = array<i64: 128, 1>}, {transform_indices = @transform_9, window_bounds = array<i64: 1, 8, 1024>}, {transform_indices = @transform_10, window_bounds = array<i64: 1, 1, 1024>}]} {
    %get3A = arith.constant 0 : index
    %get3A_0 = arith.constant 0 : index
    %get3A_1 = vector.load %arg5[%get3A, %get3A_0] : memref<128x256xf32, #tpu.memory_space<vmem>>, vector<128x256xf32>
    %get3A_2 = arith.constant 0 : index
    %get3A_3 = arith.constant 0 : index
    %get3A_4 = vector.load %arg3[%get3A_2, %get3A_3] : memref<256x384xf32, #tpu.memory_space<vmem>>, vector<256x384xf32>
    %dot_general3A = arith.constant dense<0.000000e+00> : vector<128x384xf32>
    %dot_general3A_5 = tpu.matmul %get3A_1, %get3A_4, %dot_general3A {dimension_numbers = #tpu.dot_dimension_numbers<[1], [0], [0], [1], [0, 0, 1, 1], [], []>, transpose_lhs_hint = false} : vector<128x256xf32>, vector<256x384xf32>, vector<128x384xf32> -> vector<128x384xf32>
    %swap3A = arith.constant 0 : index
    %swap3A_6 = arith.constant 0 : index
    %swap3A_7 = vector.load %arg8[%swap3A, %swap3A_6] : memref<128x384xf32, #tpu.memory_space<vmem>>, vector<128x384xf32>
    tpu.vector_store %arg8[%swap3A, %swap3A_6], %dot_general3A_5 {strides = array<i32>} : memref<128x384xf32, #tpu.memory_space<vmem>>, vector<128x384xf32>,
    %get3A_8 = arith.constant 0 : index
    %get3A_9 = arith.constant 0 : index
    %get3A_10 = vector.load %arg5[%get3A_8, %get3A_9] : memref<128x256xf32, #tpu.memory_space<vmem>>, vector<128x256xf32>
    %get3A_11 = arith.constant 0 : index
    %get3A_12 = arith.constant 0 : index
    %get3A_13 = vector.load %arg4[%get3A_11, %get3A_12] : memref<256x1xf32, #tpu.memory_space<vmem>>, vector<256x1xf32>
    %dot_general3A_14 = arith.constant dense<0.000000e+00> : vector<128x1xf32>
    %dot_general3A_15 = tpu.matmul %get3A_10, %get3A_13, %dot_general3A_14 {dimension_numbers = #tpu.dot_dimension_numbers<[1], [0], [0], [1], [0, 0, 1, 1], [], []>, transpose_lhs_hint = false} : vector<128x256xf32>, vector<256x1xf32>, vector<128x1xf32> -> vector<128x1xf32>
    %get3A_16 = arith.constant 0 : index
    %get3A_17 = arith.constant 0 : index
    %get3A_18 = vector.load %arg6[%get3A_16, %get3A_17] : memref<128x1xf32, #tpu.memory_space<vmem>>, vector<128x1xf32>
    %add3A = arith.addf %dot_general3A_15, %get3A_18 : vector<128x1xf32>
    %swap3A_19 = arith.constant 0 : index
    %swap3A_20 = arith.constant 0 : index
    %swap3A_21 = vector.load %arg9[%swap3A_19, %swap3A_20] : memref<128x1xf32, #tpu.memory_space<vmem>>, vector<128x1xf32>
    tpu.vector_store %arg9[%swap3A_19, %swap3A_20], %add3A {strides = array<i32>} : memref<128x1xf32, #tpu.memory_space<vmem>>, vector<128x1xf32>,
    %slice3A = vector.extract_strided_slice %dot_general3A_5 {offsets = [0, 128], sizes = [128, 256], strides = [1, 1]} : vector<128x384xf32> to vector<128x256xf32>
    %get3A_22 = arith.constant 0 : index
    %get3A_23 = arith.constant 0 : index
    %get3A_24 = arith.constant 0 : index
    %get3A_25 = vector.load %arg1[%get3A_22, %get3A_23, %get3A_24] : memref<1x1024x256xf32, #tpu.memory_space<vmem>>, vector<1x1024x256xf32>
    %get3A_26 = vector.shape_cast %get3A_25 : vector<1x1024x256xf32> to vector<1024x256xf32>
    %transpose3A = tpu.transpose %slice3A, [1, 0] : vector<128x256xf32> -> vector<256x128xf32>
    %dot_general3A_27 = arith.constant dense<0.000000e+00> : vector<1024x128xf32>
    %dot_general3A_28 = tpu.matmul %get3A_26, %transpose3A, %dot_general3A_27 {dimension_numbers = #tpu.dot_dimension_numbers<[1], [0], [0], [1], [0, 0, 1, 1], [], []>, transpose_lhs_hint = false} : vector<1024x256xf32>, vector<256x128xf32>, vector<1024x128xf32> -> vector<1024x128xf32>
    %swap3A_29 = arith.constant 0 : index
    %swap3A_30 = arith.constant 0 : index
    %swap3A_31 = arith.constant 0 : index
    %swap3A_32 = vector.load %arg7[%swap3A_29, %swap3A_30, %swap3A_31] : memref<1x1024x128xf32, #tpu.memory_space<vmem>>, vector<1x1024x128xf32>
    %swap3A_33 = vector.shape_cast %swap3A_32 : vector<1x1024x128xf32> to vector<1024x128xf32>
    %swap3A_34 = vector.shape_cast %dot_general3A_28 : vector<1024x128xf32> to vector<1x1024x128xf32>
    tpu.vector_store %arg7[%swap3A_29, %swap3A_30, %swap3A_31], %swap3A_34 {strides = array<i32>} : memref<1x1024x128xf32, #tpu.memory_space<vmem>>, vector<1x1024x128xf32>,
    %get3A_35 = arith.constant 0 : index
    %get3A_36 = arith.constant 0 : index
    %get3A_37 = arith.constant 0 : index
    %get3A_38 = vector.load %arg2[%get3A_35, %get3A_36, %get3A_37] : memref<1x8x1024xf32, #tpu.memory_space<vmem>>, vector<1x8x1024xf32>
    %get3A_39 = vector.shape_cast %get3A_38 : vector<1x8x1024xf32> to vector<8x1024xf32>
    %mul3A = arith.mulf %get3A_39, %get3A_39 : vector<8x1024xf32>
    %reduce_sum3A = arith.constant dense<0.000000e+00> : vector<1024xf32>
    %reduce_sum3A_40 = vector.multi_reduction <add>, %mul3A, %reduce_sum3A [0] : vector<8x1024xf32> to vector<1024xf32>
    %broadcast_in_dim3A = vector.shape_cast %reduce_sum3A_40 : vector<1024xf32> to vector<1x1024xf32>
    %swap3A_41 = arith.constant 0 : index
    %swap3A_42 = arith.constant 0 : index
    %swap3A_43 = arith.constant 0 : index
    %swap3A_44 = vector.load %arg11[%swap3A_41, %swap3A_42, %swap3A_43] : memref<1x1x1024xf32, #tpu.memory_space<vmem>>, vector<1x1x1024xf32>
    %swap3A_45 = vector.shape_cast %swap3A_44 : vector<1x1x1024xf32> to vector<1x1024xf32>
    %swap3A_46 = vector.shape_cast %broadcast_in_dim3A : vector<1x1024xf32> to vector<1x1x1024xf32>
    tpu.vector_store %arg11[%swap3A_41, %swap3A_42, %swap3A_43], %swap3A_46 {strides = array<i32>} : memref<1x1x1024xf32, #tpu.memory_space<vmem>>, vector<1x1x1024xf32>,
    %mul3A_47 = arith.constant -2.000000e+00 : f32
    %mul3A_48 = vector.broadcast %mul3A_47 : f32 to vector<8x1024xf32>
    %mul3A_49 = arith.mulf %mul3A_48, %get3A_39 : vector<8x1024xf32>
    %swap3A_50 = arith.constant 0 : index
    %swap3A_51 = arith.constant 0 : index
    %swap3A_52 = arith.constant 0 : index
    %swap3A_53 = vector.load %arg10[%swap3A_50, %swap3A_51, %swap3A_52] : memref<1x8x1024xf32, #tpu.memory_space<vmem>>, vector<1x8x1024xf32>
    %swap3A_54 = vector.shape_cast %swap3A_53 : vector<1x8x1024xf32> to vector<8x1024xf32>
    %swap3A_55 = vector.shape_cast %mul3A_49 : vector<8x1024xf32> to vector<1x8x1024xf32>
    tpu.vector_store %arg10[%swap3A_50, %swap3A_51, %swap3A_52], %swap3A_55 {strides = array<i32>} : memref<1x8x1024xf32, #tpu.memory_space<vmem>>, vector<1x8x1024xf32>,
    return
  }
  func.func @transform_0(%arg0: i32) -> (i32, i32, i32) {
    %c0_i32 = arith.constant 0 : i32
    %c0_i32_0 = arith.constant 0 : i32
    %c0_i32_1 = arith.constant 0 : i32
    return %arg0, %c0_i32, %c0_i32_0 : i32, i32, i32
  }
  func.func @transform_1(%arg0: i32) -> (i32, i32, i32) {
    %c0_i32 = arith.constant 0 : i32
    %c0_i32_0 = arith.constant 0 : i32
    %c0_i32_1 = arith.constant 0 : i32
    return %arg0, %c0_i32, %c0_i32_0 : i32, i32, i32
  }
  func.func @transform_2(%arg0: i32) -> (i32, i32) {
    %c0_i32 = arith.constant 0 : i32
    %c0_i32_0 = arith.constant 0 : i32
    %c0_i32_1 = arith.constant 0 : i32
    return %c0_i32, %c0_i32_0 : i32, i32
  }
  func.func @transform_3(%arg0: i32) -> (i32, i32) {
    %c0_i32 = arith.constant 0 : i32
    %c0_i32_0 = arith.constant 0 : i32
    %c0_i32_1 = arith.constant 0 : i32
    return %c0_i32, %c0_i32_0 : i32, i32
  }
  func.func @transform_4(%arg0: i32) -> (i32, i32) {
    %c0_i32 = arith.constant 0 : i32
    %c0_i32_0 = arith.constant 0 : i32
    %c0_i32_1 = arith.constant 0 : i32
    return %c0_i32, %c0_i32_0 : i32, i32
  }
  func.func @transform_5(%arg0: i32) -> (i32, i32) {
    %c0_i32 = arith.constant 0 : i32
    %c0_i32_0 = arith.constant 0 : i32
    %c0_i32_1 = arith.constant 0 : i32
    return %c0_i32, %c0_i32_0 : i32, i32
  }
  func.func @transform_6(%arg0: i32) -> (i32, i32, i32) {
    %c0_i32 = arith.constant 0 : i32
    %c0_i32_0 = arith.constant 0 : i32
    %c0_i32_1 = arith.constant 0 : i32
    return %arg0, %c0_i32, %c0_i32_0 : i32, i32, i32
  }
  func.func @transform_7(%arg0: i32) -> (i32, i32) {
    %c0_i32 = arith.constant 0 : i32
    %c0_i32_0 = arith.constant 0 : i32
    %c0_i32_1 = arith.constant 0 : i32
    return %c0_i32, %c0_i32_0 : i32, i32
  }
  func.func @transform_8(%arg0: i32) -> (i32, i32) {
    %c0_i32 = arith.constant 0 : i32
    %c0_i32_0 = arith.constant 0 : i32
    %c0_i32_1 = arith.constant 0 : i32
    return %c0_i32, %c0_i32_0 : i32, i32
  }
  func.func @transform_9(%arg0: i32) -> (i32, i32, i32) {
    %c0_i32 = arith.constant 0 : i32
    %c0_i32_0 = arith.constant 0 : i32
    %c0_i32_1 = arith.constant 0 : i32
    return %arg0, %c0_i32, %c0_i32_0 : i32, i32, i32
  }
  func.func @transform_10(%arg0: i32) -> (i32, i32, i32) {
    %c0_i32 = arith.constant 0 : i32
    %c0_i32_0 = arith.constant 0 : i32
    %c0_i32_1 = arith.constant 0 : i32
    return %arg0, %c0_i32, %c0_i32_0 : i32, i32, i32
  }
}

module attributes {stable_mosaic.version = 14 : i64} {
  func.func @_knn_body(%arg0: i32, %arg1: i32, %arg2: memref<1x1024x8xf32, #tpu.memory_space<vmem>>, %arg3: memref<1x8x1024xf32, #tpu.memory_space<vmem>>, %arg4: memref<1x1x1024xf32, #tpu.memory_space<vmem>>, %arg5: memref<1x1024x1xi32, #tpu.memory_space<vmem>>, %arg6: memref<1x1024x1xi32, #tpu.memory_space<vmem>>, %arg7: memref<1x1024x1xi32, #tpu.memory_space<vmem>>) attributes {dimension_semantics = [#tpu.dimension_semantics<arbitrary>, #tpu.dimension_semantics<arbitrary>], iteration_bounds = array<i64: 8, 4>, scalar_prefetch = 0 : i64, scratch_operands = 0 : i64, tpu.core_type = #tpu.core_type<tc>, window_params = [{transform_indices = @transform_0, window_bounds = array<i64: 1, 1024, 8>}, {transform_indices = @transform_1, window_bounds = array<i64: 1, 8, 1024>}, {transform_indices = @transform_2, window_bounds = array<i64: 1, 1, 1024>}, {transform_indices = @transform_3, window_bounds = array<i64: 1, 1024, 1>}, {transform_indices = @transform_4, window_bounds = array<i64: 1, 1024, 1>}, {transform_indices = @transform_5, window_bounds = array<i64: 1, 1024, 1>}]} {
    %get3A = arith.constant 0 : index
    %get3A_0 = arith.constant 0 : index
    %get3A_1 = arith.constant 0 : index
    %get3A_2 = vector.load %arg4[%get3A, %get3A_0, %get3A_1] : memref<1x1x1024xf32, #tpu.memory_space<vmem>>, vector<1x1x1024xf32>
    %get3A_3 = vector.shape_cast %get3A_2 : vector<1x1x1024xf32> to vector<1x1024xf32>
    %get3A_4 = arith.constant 0 : index
    %get3A_5 = arith.constant 0 : index
    %get3A_6 = arith.constant 0 : index
    %get3A_7 = vector.load %arg2[%get3A_4, %get3A_5, %get3A_6] : memref<1x1024x8xf32, #tpu.memory_space<vmem>>, vector<1x1024x8xf32>
    %get3A_8 = vector.shape_cast %get3A_7 : vector<1x1024x8xf32> to vector<1024x8xf32>
    %get3A_9 = arith.constant 0 : index
    %get3A_10 = arith.constant 0 : index
    %get3A_11 = arith.constant 0 : index
    %get3A_12 = vector.load %arg3[%get3A_9, %get3A_10, %get3A_11] : memref<1x8x1024xf32, #tpu.memory_space<vmem>>, vector<1x8x1024xf32>
    %get3A_13 = vector.shape_cast %get3A_12 : vector<1x8x1024xf32> to vector<8x1024xf32>
    %dot_general3A = arith.constant dense<0.000000e+00> : vector<1024x1024xf32>
    %dot_general3A_14 = tpu.matmul %get3A_8, %get3A_13, %dot_general3A {dimension_numbers = #tpu.dot_dimension_numbers<[1], [0], [0], [1], [0, 0, 1, 1], [], []>, transpose_lhs_hint = false} : vector<1024x8xf32>, vector<8x1024xf32>, vector<1024x1024xf32> -> vector<1024x1024xf32>
    %add3A = vector.broadcast %get3A_3 : vector<1x1024xf32> to vector<1024x1024xf32>
    %add3A_15 = arith.addf %add3A, %dot_general3A_14 : vector<1024x1024xf32>
    %iota3A = tpu.iota {dimensions = array<i32: 1>} : vector<1024x1024xi32>
    %mul3A = arith.constant 1024 : i32
    %mul3A_16 = arith.muli %arg0, %mul3A : i32
    %reduce_min3A = arith.constant dense<0x7F800000> : vector<1024xf32>
    %reduce_min3A_17 = vector.multi_reduction <minimumf>, %add3A_15, %reduce_min3A [1] : vector<1024x1024xf32> to vector<1024xf32>
    %broadcast_in_dim3A = vector.shape_cast %reduce_min3A_17 : vector<1024xf32> to vector<1024x1xf32>
    %eq3A = vector.broadcast %broadcast_in_dim3A : vector<1024x1xf32> to vector<1024x1024xf32>
    %eq3A_18 = arith.cmpf oeq, %add3A_15, %eq3A : vector<1024x1024xf32>
    %jit3A = arith.constant 1024 : i32
    %broadcast_in_dim3A_19 = vector.broadcast %jit3A : i32 to vector<1024x1024xi32>
    %select_n3A = arith.select %eq3A_18, %iota3A, %broadcast_in_dim3A_19 : vector<1024x1024xi1>, vector<1024x1024xi32>
    %reduce_min3A_20 = arith.constant dense<2147483647> : vector<1024xi32>
    %reduce_min3A_21 = vector.multi_reduction <minsi>, %select_n3A, %reduce_min3A_20 [1] : vector<1024x1024xi32> to vector<1024xi32>
    %broadcast_in_dim3A_22 = vector.shape_cast %reduce_min3A_21 : vector<1024xi32> to vector<1024x1xi32>
    %add3A_23 = vector.broadcast %mul3A_16 : i32 to vector<1024x1xi32>
    %add3A_24 = arith.addi %broadcast_in_dim3A_22, %add3A_23 : vector<1024x1xi32>
    %swap3A = arith.constant 0 : index
    %swap3A_25 = arith.constant 0 : index
    %swap3A_26 = arith.constant 0 : index
    %swap3A_27 = vector.load %arg5[%swap3A, %swap3A_25, %swap3A_26] : memref<1x1024x1xi32, #tpu.memory_space<vmem>>, vector<1x1024x1xi32>
    %swap3A_28 = vector.shape_cast %swap3A_27 : vector<1x1024x1xi32> to vector<1024x1xi32>
    %swap3A_29 = vector.shape_cast %add3A_24 : vector<1024x1xi32> to vector<1x1024x1xi32>
    tpu.vector_store %arg5[%swap3A, %swap3A_25, %swap3A_26], %swap3A_29 {strides = array<i32>} : memref<1x1024x1xi32, #tpu.memory_space<vmem>>, vector<1x1024x1xi32>,
    %jit3A_30 = arith.constant 0x7F800000 : f32
    %broadcast_in_dim3A_31 = vector.broadcast %jit3A_30 : f32 to vector<1024x1024xf32>
    %select_n3A_32 = arith.select %eq3A_18, %broadcast_in_dim3A_31, %add3A_15 : vector<1024x1024xi1>, vector<1024x1024xf32>
    %reduce_min3A_33 = arith.constant dense<0x7F800000> : vector<1024xf32>
    %reduce_min3A_34 = vector.multi_reduction <minimumf>, %select_n3A_32, %reduce_min3A_33 [1] : vector<1024x1024xf32> to vector<1024xf32>
    %broadcast_in_dim3A_35 = vector.shape_cast %reduce_min3A_34 : vector<1024xf32> to vector<1024x1xf32>
    %eq3A_36 = vector.broadcast %broadcast_in_dim3A_35 : vector<1024x1xf32> to vector<1024x1024xf32>
    %eq3A_37 = arith.cmpf oeq, %select_n3A_32, %eq3A_36 : vector<1024x1024xf32>
    %jit3A_38 = arith.constant 1024 : i32
    %broadcast_in_dim3A_39 = vector.broadcast %jit3A_38 : i32 to vector<1024x1024xi32>
    %select_n3A_40 = arith.select %eq3A_37, %iota3A, %broadcast_in_dim3A_39 : vector<1024x1024xi1>, vector<1024x1024xi32>
    %reduce_min3A_41 = arith.constant dense<2147483647> : vector<1024xi32>
    %reduce_min3A_42 = vector.multi_reduction <minsi>, %select_n3A_40, %reduce_min3A_41 [1] : vector<1024x1024xi32> to vector<1024xi32>
    %broadcast_in_dim3A_43 = vector.shape_cast %reduce_min3A_42 : vector<1024xi32> to vector<1024x1xi32>
    %add3A_44 = vector.broadcast %mul3A_16 : i32 to vector<1024x1xi32>
    %add3A_45 = arith.addi %broadcast_in_dim3A_43, %add3A_44 : vector<1024x1xi32>
    %swap3A_46 = arith.constant 0 : index
    %swap3A_47 = arith.constant 0 : index
    %swap3A_48 = arith.constant 0 : index
    %swap3A_49 = vector.load %arg6[%swap3A_46, %swap3A_47, %swap3A_48] : memref<1x1024x1xi32, #tpu.memory_space<vmem>>, vector<1x1024x1xi32>
    %swap3A_50 = vector.shape_cast %swap3A_49 : vector<1x1024x1xi32> to vector<1024x1xi32>
    %swap3A_51 = vector.shape_cast %add3A_45 : vector<1024x1xi32> to vector<1x1024x1xi32>
    tpu.vector_store %arg6[%swap3A_46, %swap3A_47, %swap3A_48], %swap3A_51 {strides = array<i32>} : memref<1x1024x1xi32, #tpu.memory_space<vmem>>, vector<1x1024x1xi32>,
    %jit3A_52 = arith.constant 0x7F800000 : f32
    %broadcast_in_dim3A_53 = vector.broadcast %jit3A_52 : f32 to vector<1024x1024xf32>
    %select_n3A_54 = arith.select %eq3A_37, %broadcast_in_dim3A_53, %select_n3A_32 : vector<1024x1024xi1>, vector<1024x1024xf32>
    %reduce_min3A_55 = arith.constant dense<0x7F800000> : vector<1024xf32>
    %reduce_min3A_56 = vector.multi_reduction <minimumf>, %select_n3A_54, %reduce_min3A_55 [1] : vector<1024x1024xf32> to vector<1024xf32>
    %broadcast_in_dim3A_57 = vector.shape_cast %reduce_min3A_56 : vector<1024xf32> to vector<1024x1xf32>
    %eq3A_58 = vector.broadcast %broadcast_in_dim3A_57 : vector<1024x1xf32> to vector<1024x1024xf32>
    %eq3A_59 = arith.cmpf oeq, %select_n3A_54, %eq3A_58 : vector<1024x1024xf32>
    %jit3A_60 = arith.constant 1024 : i32
    %broadcast_in_dim3A_61 = vector.broadcast %jit3A_60 : i32 to vector<1024x1024xi32>
    %select_n3A_62 = arith.select %eq3A_59, %iota3A, %broadcast_in_dim3A_61 : vector<1024x1024xi1>, vector<1024x1024xi32>
    %reduce_min3A_63 = arith.constant dense<2147483647> : vector<1024xi32>
    %reduce_min3A_64 = vector.multi_reduction <minsi>, %select_n3A_62, %reduce_min3A_63 [1] : vector<1024x1024xi32> to vector<1024xi32>
    %broadcast_in_dim3A_65 = vector.shape_cast %reduce_min3A_64 : vector<1024xi32> to vector<1024x1xi32>
    %add3A_66 = vector.broadcast %mul3A_16 : i32 to vector<1024x1xi32>
    %add3A_67 = arith.addi %broadcast_in_dim3A_65, %add3A_66 : vector<1024x1xi32>
    %swap3A_68 = arith.constant 0 : index
    %swap3A_69 = arith.constant 0 : index
    %swap3A_70 = arith.constant 0 : index
    %swap3A_71 = vector.load %arg7[%swap3A_68, %swap3A_69, %swap3A_70] : memref<1x1024x1xi32, #tpu.memory_space<vmem>>, vector<1x1024x1xi32>
    %swap3A_72 = vector.shape_cast %swap3A_71 : vector<1x1024x1xi32> to vector<1024x1xi32>
    %swap3A_73 = vector.shape_cast %add3A_67 : vector<1024x1xi32> to vector<1x1024x1xi32>
    tpu.vector_store %arg7[%swap3A_68, %swap3A_69, %swap3A_70], %swap3A_73 {strides = array<i32>} : memref<1x1024x1xi32, #tpu.memory_space<vmem>>, vector<1x1024x1xi32>,
    return
  }
  func.func @transform_0(%arg0: i32, %arg1: i32) -> (i32, i32, i32) {
    %c0_i32 = arith.constant 0 : i32
    %c0_i32_0 = arith.constant 0 : i32
    return %arg0, %arg1, %c0_i32 : i32, i32, i32
  }
  func.func @transform_1(%arg0: i32, %arg1: i32) -> (i32, i32, i32) {
    %c0_i32 = arith.constant 0 : i32
    %c0_i32_0 = arith.constant 0 : i32
    %c0_i32_1 = arith.constant 0 : i32
    return %arg0, %c0_i32, %c0_i32_0 : i32, i32, i32
  }
  func.func @transform_2(%arg0: i32, %arg1: i32) -> (i32, i32, i32) {
    %c0_i32 = arith.constant 0 : i32
    %c0_i32_0 = arith.constant 0 : i32
    %c0_i32_1 = arith.constant 0 : i32
    return %arg0, %c0_i32, %c0_i32_0 : i32, i32, i32
  }
  func.func @transform_3(%arg0: i32, %arg1: i32) -> (i32, i32, i32) {
    %mul3A = arith.constant 4 : i32
    %mul3A_0 = arith.muli %arg0, %mul3A : i32
    %add3A = arith.addi %mul3A_0, %arg1 : i32
    %c0_i32 = arith.constant 0 : i32
    %c0_i32_1 = arith.constant 0 : i32
    %c0_i32_2 = arith.constant 0 : i32
    return %add3A, %c0_i32, %c0_i32_1 : i32, i32, i32
  }
  func.func @transform_4(%arg0: i32, %arg1: i32) -> (i32, i32, i32) {
    %mul3A = arith.constant 4 : i32
    %mul3A_0 = arith.muli %arg0, %mul3A : i32
    %add3A = arith.addi %mul3A_0, %arg1 : i32
    %c0_i32 = arith.constant 0 : i32
    %c0_i32_1 = arith.constant 0 : i32
    %c0_i32_2 = arith.constant 0 : i32
    return %add3A, %c0_i32, %c0_i32_1 : i32, i32, i32
  }
  func.func @transform_5(%arg0: i32, %arg1: i32) -> (i32, i32, i32) {
    %mul3A = arith.constant 4 : i32
    %mul3A_0 = arith.muli %arg0, %mul3A : i32
    %add3A = arith.addi %mul3A_0, %arg1 : i32
    %c0_i32 = arith.constant 0 : i32
    %c0_i32_1 = arith.constant 0 : i32
    %c0_i32_2 = arith.constant 0 : i32
    return %add3A, %c0_i32, %c0_i32_1 : i32, i32, i32
  }
}

module attributes {stable_mosaic.version = 14 : i64} {
  func.func @_combine_body(%arg0: i32, %arg1: i32, %arg2: memref<1x1024x128xf32, #tpu.memory_space<vmem>>, %arg3: memref<1x1024x128xf32, #tpu.memory_space<vmem>>, %arg4: memref<128x384xf32, #tpu.memory_space<vmem>>, %arg5: memref<128x1xf32, #tpu.memory_space<vmem>>, %arg6: memref<1x128x1024xf32, #tpu.memory_space<vmem>>) attributes {dimension_semantics = [#tpu.dimension_semantics<arbitrary>, #tpu.dimension_semantics<arbitrary>], iteration_bounds = array<i64: 8, 4>, scalar_prefetch = 0 : i64, scratch_operands = 0 : i64, tpu.core_type = #tpu.core_type<tc>, window_params = [{transform_indices = @transform_0, window_bounds = array<i64: 1, 1024, 128>}, {transform_indices = @transform_1, window_bounds = array<i64: 1, 1024, 128>}, {pipeline_mode = #tpu.pipeline_mode<synchronous>, transform_indices = @transform_2, window_bounds = array<i64: 128, 384>}, {pipeline_mode = #tpu.pipeline_mode<synchronous>, transform_indices = @transform_3, window_bounds = array<i64: 128, 1>}, {transform_indices = @transform_4, window_bounds = array<i64: 1, 128, 1024>}]} {
    %get3A = arith.constant 0 : index
    %get3A_0 = arith.constant 0 : index
    %get3A_1 = vector.load %arg4[%get3A, %get3A_0] : memref<128x384xf32, #tpu.memory_space<vmem>>, vector<128x128xf32>
    %get3A_2 = arith.constant 0 : index
    %get3A_3 = arith.constant 0 : index
    %get3A_4 = arith.constant 0 : index
    %get3A_5 = vector.load %arg2[%get3A_2, %get3A_3, %get3A_4] : memref<1x1024x128xf32, #tpu.memory_space<vmem>>, vector<1x1024x128xf32>
    %get3A_6 = vector.shape_cast %get3A_5 : vector<1x1024x128xf32> to vector<1024x128xf32>
    %dot_general3A = arith.constant dense<0.000000e+00> : vector<128x1024xf32>
    %dot_general3A_7 = tpu.matmul %get3A_1, %get3A_6, %dot_general3A {dimension_numbers = #tpu.dot_dimension_numbers<[1], [1], [0], [0], [0, 0, 1, 0], [], []>, transpose_lhs_hint = false} : vector<128x128xf32>, vector<1024x128xf32>, vector<128x1024xf32> -> vector<128x1024xf32>
    %get3A_8 = arith.constant 0 : index
    %get3A_9 = arith.constant 0 : index
    %get3A_10 = arith.constant 0 : index
    %get3A_11 = vector.load %arg3[%get3A_8, %get3A_9, %get3A_10] : memref<1x1024x128xf32, #tpu.memory_space<vmem>>, vector<1x1024x128xf32>
    %get3A_12 = vector.shape_cast %get3A_11 : vector<1x1024x128xf32> to vector<1024x128xf32>
    %transpose3A = tpu.transpose %get3A_12, [1, 0] : vector<1024x128xf32> -> vector<128x1024xf32>
    %mul3A = arith.constant 0.333333343 : f32
    %mul3A_13 = vector.broadcast %mul3A : f32 to vector<128x1024xf32>
    %mul3A_14 = arith.mulf %transpose3A, %mul3A_13 : vector<128x1024xf32>
    %add3A = arith.addf %dot_general3A_7, %mul3A_14 : vector<128x1024xf32>
    %get3A_15 = arith.constant 0 : index
    %get3A_16 = arith.constant 0 : index
    %get3A_17 = vector.load %arg5[%get3A_15, %get3A_16] : memref<128x1xf32, #tpu.memory_space<vmem>>, vector<128x1xf32>
    %add3A_18 = vector.broadcast %get3A_17 : vector<128x1xf32> to vector<128x1024xf32>
    %add3A_19 = arith.addf %add3A, %add3A_18 : vector<128x1024xf32>
    %swap3A = arith.constant 0 : index
    %swap3A_20 = arith.constant 0 : index
    %swap3A_21 = arith.constant 0 : index
    %swap3A_22 = vector.load %arg6[%swap3A, %swap3A_20, %swap3A_21] : memref<1x128x1024xf32, #tpu.memory_space<vmem>>, vector<1x128x1024xf32>
    %swap3A_23 = vector.shape_cast %swap3A_22 : vector<1x128x1024xf32> to vector<128x1024xf32>
    %swap3A_24 = vector.shape_cast %add3A_19 : vector<128x1024xf32> to vector<1x128x1024xf32>
    tpu.vector_store %arg6[%swap3A, %swap3A_20, %swap3A_21], %swap3A_24 {strides = array<i32>} : memref<1x128x1024xf32, #tpu.memory_space<vmem>>, vector<1x128x1024xf32>,
    return
  }
  func.func @transform_0(%arg0: i32, %arg1: i32) -> (i32, i32, i32) {
    %c0_i32 = arith.constant 0 : i32
    %c0_i32_0 = arith.constant 0 : i32
    return %arg0, %arg1, %c0_i32 : i32, i32, i32
  }
  func.func @transform_1(%arg0: i32, %arg1: i32) -> (i32, i32, i32) {
    %c0_i32 = arith.constant 0 : i32
    %c0_i32_0 = arith.constant 0 : i32
    return %arg0, %arg1, %c0_i32 : i32, i32, i32
  }
  func.func @transform_2(%arg0: i32, %arg1: i32) -> (i32, i32) {
    %c0_i32 = arith.constant 0 : i32
    %c0_i32_0 = arith.constant 0 : i32
    %c0_i32_1 = arith.constant 0 : i32
    return %c0_i32, %c0_i32_0 : i32, i32
  }
  func.func @transform_3(%arg0: i32, %arg1: i32) -> (i32, i32) {
    %c0_i32 = arith.constant 0 : i32
    %c0_i32_0 = arith.constant 0 : i32
    %c0_i32_1 = arith.constant 0 : i32
    return %c0_i32, %c0_i32_0 : i32, i32
  }
  func.func @transform_4(%arg0: i32, %arg1: i32) -> (i32, i32, i32) {
    %c0_i32 = arith.constant 0 : i32
    %c0_i32_0 = arith.constant 0 : i32
    return %arg0, %c0_i32, %arg1 : i32, i32, i32
  }
}

</mosaic_0001>

<sc_bundles>
// kernel: kernel.6.cloned.1.call-start
scs
__scs_entry_jumppad:
0x0: {  	(pc) =	sbr.rel $0x88, $3  }
0x1: {  	(tag) =	ssettag $0x0;
	lr =	simm.s32 $0x1  }
0x2: {  	[smem:$0x3F99] =	sst lr;
	_ =	strace $0xD0000000  }
0x3: {  	_ = 	snop  }
0x4: {  	_ = 	snop  }
0x5: {  	_ = 	snop  }
0x6: {  	_ = 	snop  }
0x7: {  	_ = 	snop  }
__scs_overlays_trampoline_lowered:
0x8: {  	[smem:$0x3FA8] =	sst s0  }
0x9: {  	[smem:$0x3FA9] =	sst s1  }
0xa: {  	[smem:$0x3FAA] =	sst s2  }
0xb: {  	[smem:$0x3FAB] =	sst s3  }
0xc: {  	[smem:$0x3FAC] =	sst s4  }
0xd: {  	[smem:$0x3FAD] =	sst s5  }
0xe: {  	[smem:$0x3FAE] =	sst s6  }
0xf: {  	[smem:$0x3FAF] =	sst s7  }
0x10: {  	[smem:$0x3FB0] =	sst s8  }
0x11: {  	[smem:$0x3FB1] =	sst s9;
	s0 =	simm.s32 @!p0 $0x0  }
0x12: {  	s1 =	sld [smem:$0x3F97];
	s0 =	simm.s32 @p0 $0x1  }
0x13: {  	[smem:$0x3FB2] =	sst s0;
	s0 =	simm.s32 @!p1 $0x0  }
0x14: {  	s2 =	sld [smem:$0x3F96];
	s0 =	simm.s32 @p1 $0x1  }
0x15: {  	[smem:$0x3FB3] =	sst s0;
	s0 =	simm.s32 @!p2 $0x0  }
0x16: {  	s3 =	sld [smem:$0x3FDB];
	s0 =	simm.s32 @p2 $0x1  }
0x17: {  	s4 =	simm.s32 $0x1BF5;
	[smem:$0x3FB5] =	sst s0  }
0x18: {  	s0 =	sld [smem:$0x3F98];
	_ =	swait.ge [sflag:s4], $0x0  }
0x19: {  	s7 =	sld [smem:$0x3F99]  }
0x1a: {  	s8 =	sadd.s32 $0xFFFFE003, lr  }
0x1b: {  	s9 =	sadd.s32 $0xFFFFFEF7, lr;
	s5 =	simm.s32 $0xFFFFFFFF;
	p2 =	slt.u32 s8, $0xFFFFF086  }
0x1c: {  	p1 =	slt.u32 s9, $0xF7A;
	s5 =	simm.s32 @!p2 $0x0  }
0x1d: {  	s5 =	simm.s32 @p1 $0x1;
	p0 =	seq.s32 s7, s2  }
0x1e: {  	s7 =	smul.u32 @!p0 $0xF7A, s2;
	p2 =	seq.s32 @!p0 s5, $0x0  }
0x1f: {  	s9 =	smul.u32 $0xF7A, s1;
	s8 =	simm.s32 @!p0 $0x1BF5;
	p2 =	por !p2, p0  }
0x20: {  	[sflag:s8] =	ssyncset.s32 @!p0 $0xFFFFF086;
	s6 =	sadd.s32 @!p0 s3, s7;
	s7 =	simm.s32 @!p0 $0x108  }
0x21: {  	s3 =	sadd.s32 s3, s9;
	s6 =	sadd.s32 @!p0 $0x88, s6;
	s7 =	simm.s32 @p2 $0x1082  }
0x22: {  	[simem:s7], [sflag:s8] =	dma.local @!p0 [hbm:s6], $0xF7A  }
0x23: {  	s9 =	sor.u32 $0xD0000000, s2;
	s6 =	simm.s32 $0x108;
	_ =	swait.ge @!p0 [sflag:s8], $0x0  }
0x24: {  	s3 =	sadd.s32 $0x88, s3;
	s6 =	simm.s32 @!p1 $0x1082;
	[sflag:s4] =	ssyncset.s32 $0xFFFFF086  }
0x25: {  	[simem:s6], [sflag:s4] =	dma.local [hbm:s3], $0xF7A  }
0x26: {  	[smem:$0x3F99] =	sst s1;
	(tag) =	ssettag s2;
	_ =	strace s9  }
0x27: {  	s1 =	sld [smem:$0x3FA9]  }
0x28: {  	s2 =	sld [smem:$0x3FAA]  }
0x29: {  	s4 =	sld [smem:$0x3FAC]  }
0x2a: {  	p0 =	seq.s32 s5, $0x0;
	s5 =	sld [smem:$0x3FAD]  }
0x2b: {  	s6 =	sld [smem:$0x3FAE]  }
0x2c: {  	s7 =	sld [smem:$0x3FAF]  }
0x2d: {  	s3 =	simm.s32 $0x108;
	s8 =	sld [smem:$0x3FB0]  }
0x2e: {  	s3 =	simm.s32 @!p0 $0x1082;
	s9 =	sld [smem:$0x3FB1]  }
0x2f: {  	lr =	sadd.s32 s0, s3;
	s0 =	sld [smem:$0x3FA8]  }
0x30: {  	s3 =	sld [smem:$0x3FAB]  }
0x31: {  	[smem:$0x3FB4] =	sst s10  }
0x32: {  	s10 =	sld [smem:$0x3FB2];
	_ =	sdelay $0x3  }
0x33: {  	p0 =	seq.s32 s10, $0x1;
	s10 =	sld [smem:$0x3FB4];
	_ =	sdelay $0x3  }
0x34: {  	[smem:$0x3FB4] =	sst s10  }
0x35: {  	s10 =	sld [smem:$0x3FB3];
	_ =	sdelay $0x3  }
0x36: {  	p1 =	seq.s32 s10, $0x1;
	s10 =	sld [smem:$0x3FB4];
	_ =	sdelay $0x3  }
0x37: {  	[smem:$0x3FB4] =	sst s10  }
0x38: {  	s10 =	sld [smem:$0x3FB5]  }
0x39: {  	_ = 	snop;
	(pc) =	sbr.ind lr, $3  }
0x3a: {  	_ = 	snop  }
0x3b: {  	_ = 	snop  }
0x3c: {  	p2 =	seq.s32 s10, $0x1;
	s10 =	sld [smem:$0x3FB4]  }
0x3d: {  	_ =	shalt  }
0x3e: {  	_ =	shalt  }
0x3f: {  	_ =	shalt  }
0x40: {  	_ =	shalt  }
0x41: {  	_ =	shalt  }
0x42: {  	_ =	shalt  }
0x43: {  	_ =	shalt  }
0x44: {  	_ =	shalt  }
0x45: {  	_ =	shalt  }
0x46: {  	_ =	shalt  }
0x47: {  	_ =	shalt  }
0x48: {  	_ =	shalt  }
0x49: {  	_ =	shalt  }
0x4a: {  	_ =	shalt  }
0x4b: {  	_ =	shalt  }
0x4c: {  	_ =	shalt  }
0x4d: {  	_ =	shalt  }
0x4e: {  	_ =	shalt  }
0x4f: {  	_ =	shalt  }
0x50: {  	_ =	shalt  }
0x51: {  	_ =	shalt  }
0x52: {  	_ =	shalt  }
0x53: {  	_ =	shalt  }
0x54: {  	_ =	shalt  }
0x55: {  	_ =	shalt  }
0x56: {  	_ =	shalt  }
0x57: {  	_ =	shalt  }
0x58: {  	_ =	shalt  }
0x59: {  	_ =	shalt  }
0x5a: {  	_ =	shalt  }
0x5b: {  	_ =	shalt  }
0x5c: {  	_ =	shalt  }
0x5d: {  	_ =	shalt  }
0x5e: {  	_ =	shalt  }
0x5f: {  	_ =	shalt  }
0x60: {  	_ =	shalt  }
0x61: {  	_ =	shalt  }
0x62: {  	_ =	shalt  }
0x63: {  	_ =	shalt  }
0x64: {  	_ =	shalt  }
0x65: {  	_ =	shalt  }
0x66: {  	_ =	shalt  }
0x67: {  	_ =	shalt  }
0x68: {  	_ =	shalt  }
0x69: {  	_ =	shalt  }
0x6a: {  	_ =	shalt  }
0x6b: {  	_ =	shalt  }
0x6c: {  	_ =	shalt  }
0x6d: {  	_ =	shalt  }
0x6e: {  	_ =	shalt  }
0x6f: {  	_ =	shalt  }
0x70: {  	_ =	shalt  }
0x71: {  	_ =	shalt  }
0x72: {  	_ =	shalt  }
0x73: {  	_ =	shalt  }
0x74: {  	_ =	shalt  }
0x75: {  	_ =	shalt  }
0x76: {  	_ =	shalt  }
0x77: {  	_ =	shalt  }
0x78: {  	_ =	shalt  }
0x79: {  	_ =	shalt  }
0x7a: {  	_ =	shalt  }
0x7b: {  	_ =	shalt  }
0x7c: {  	_ =	shalt  }
0x7d: {  	_ =	shalt  }
0x7e: {  	_ =	shalt  }
0x7f: {  	_ =	shalt  }
0x80: {  	_ =	shalt  }
0x81: {  	_ =	shalt  }
0x82: {  	_ =	shalt  }
0x83: {  	_ =	shalt  }
0x84: {  	_ =	shalt  }
0x85: {  	_ =	shalt  }
0x86: {  	_ =	shalt  }
0x87: {  	_ =	shalt  }
.Lfunc_end0:
.L_simem_size_0:
called_computation_lowered:
.L_overlay_start_0:
0x88: {  	s2 =	sld [smem:$0x3FD9]  }
0x89: {  	s3 =	sld [smem:$0x3FFE];
	_ =	sdelay $0x1  }
0x8a: {  	s1 =	srdreg.scid  }
0x8b: {  	s0 =	sand.u32 $0x1, s1  }
0x8c: {  	s17 =	sshll.u32 s0, $0xA;
	s2 =	sadd.s32 s3, s2  }
0x8d: {  	s2 =	sadd.s32 s2, s17  }
0x8e: {  	[smem:$0x3FC0] =	sst s2  }
0x8f: {  	_ = 	snop  }
0x90: {  	s2 =	sld [smem:$0x3FD0];
	(tm) =	ssettm $0x1  }
0x91: {  	s18 =	sld [smem:$0x3FFB];
	_ =	sdelay $0x3  }
0x92: {  	_ =	strace s18  }
0x93: {  	s3 =	sld [smem:$0x3FFC];
	_ =	sdelay $0x3  }
0x94: {  	_ =	strace s3  }
0x95: {  	s3 =	sld [smem:$0x3FFD];
	_ =	sdelay $0x3  }
0x96: {  	_ =	strace s3  }
0x97: {  	_ =	strace $0x8FFFFFFF  }
0x98: {  	s19 =	sld [smem:$0x3FDB];
	_ =	sdelay $0x1  }
0x99: {  	s4 =	simm.s32 $_scs_section_size  }
0x9a: {  	s5 =	simm.s32 $_size__tile_overlayer_lowered;
	s6 =	simm.s32 $_tile_overlayer_lowered  }
0x9b: {  	s22 =	simm.s32 $0x1BFF;
	s21 =	sshll.u32 s6, $0x1;
	s3 =	sadd.s32 s4, s19  }
0x9c: {  	s7 =	simm.s32 $0x0;
	s20 =	sshll.u32 s5, $0x1;
	s5 =	sadd.s32 s21, s3  }
0x9d: {  	[timem:s7], [sflag:s22] =	dma.local [hbm:s5], s20  }
0x9e: {  	_ =	swait.ge [sflag:s22], s20  }
0x9f: {  	s4 =	ssub.s32 $0x0, s20;
	[sflag:s22] =	ssyncset.done $0x0  }
0xa0: {  	[sflag:s22] =	ssyncadd.s32 s4;
	_ =	sdelay $0x1  }
0xa1: {  	s23 =	simm.s32 $0x1B8B  }
0xa2: {  	_ =	swait.ge [sflag:s23], $0x1  }
0xa3: {  	[sflag:s23] =	ssyncset.done $0x0  }
0xa4: {  	s25 =	simm.s32 $0x1B8E;
	s24 =	sld [smem:$0x3FFE];
	[sflag:s23] =	ssyncadd.s32 $0xFFFFFFFF  }
0xa5: {  	s26 =	simm.s32 $execute0_lowered;
	[smem:$0x3FD2] =	sst s25  }
0xa6: {  	s5 =	sshll.u32 s26, $0x1;
	_ =	strace $0x80000046;
	[dreg:$0x1] =	wrdreg $0xFFFFFFFF  }
0xa7: {  	s28 =	simm.s32 $_size_execute0_lowered;
	s3 =	sadd.s32 s3, s5;
	[dreg:$0x0] =	wrdreg $0x0  }
0xa8: {  	s5 =	sshll.u32 s28, $0x1;
	[dreg:$0x2] =	wrdreg s3  }
0xa9: {  	[dreg:$0x3] =	wrdreg s5  }
0xaa: {  	[dreg:$0x4] =	wrdreg $0xC0  }
0xab: {  	_ =	task [dreg:s7], $0x5FFFF  }
0xac: {  	[dreg:$0x1] =	wrdreg $0xFFFFFFFF  }
0xad: {  	[dreg:$0x0] =	wrdreg $0x60  }
0xae: {  	[dreg:$0x2] =	wrdreg s24  }
0xaf: {  	[dreg:$0x3] =	wrdreg s2  }
0xb0: {  	[dreg:$0x4] =	wrdreg $0x9  }
0xb1: {  	_ =	task.clear_ibuf [dreg:s7], $0x5FFFF;
	_ =	strace $0x90000046  }
0xb2: {  	s29 =	simm.s32 $0x9;
	_ =	strace $0x80000048  }
0xb3: {  	_ =	swait.ge [sflag:s29], $0x1  }
0xb4: {  	[sflag:s29] =	ssyncadd.s32 $0xFFFFFFFF  }
0xb5: {  	_ =	strace $0x90000048  }
0xb6: {  	_ =	sfence  }
0xb7: {  	s30 =	sld [smem:$0x0];
	_ =	sdelay $0x2  }
0xb8: {  	s31 =	sshll.u32 s1, $0xD;
	s1 =	sshrl.u32 s1, $0x2  }
0xb9: {  	s3 =	sand.u32 $0x4000, s31;
	s1 =	sadd.s32 s1, s30  }
0xba: {  	s0 =	sor.u32 s3, s0;
	s1 =	sshll.u32 s1, $0x11  }
0xbb: {  	s0 =	sor.u32 s1, s0  }
0xbc: {  	s0 =	sadd.s32 $0x8F2B, s0  }
0xbd: {  	[sflag:s0] =	ssyncadd.remote.s32 $0x1  }
0xbe: {  	_ =	sfence.sel $0xFFFF  }
0xbf: {  	[dreg:$0x0] =	wrdreg $0xFFFFFFFF;
	(pc) =	sbr.abs _section_cstart, $3  }
0xc0: {  	[dreg:$0x1] =	wrdreg $0xFFFFFFFF  }
0xc1: {  	_ =	task.clear_ibuf [dreg:s7], $0x2FFFF;
	_ =	strace $0x9FFFFFFF  }
0xc2: {  	(tm) =	ssettm $0x7FFFFFFF  }
0xc3: {  	_ =	shalt  }
tec
execute0_lowered:
.L_overlay_start_1:
0x0: {  	(tag) =	ssettag $0x1  }
0x1: {  	s0 =	srdreg.scid  }
0x2: {  	s3 =	rddreg [dreg:$0x0];
	s4 =	stileid.u32;
	s0 =	sand.u32 $0x1, s0  }
0x3: {  	s4 =	sshll.u32 s4, $0xB;
	s2 =	ssub.s32 $0x2, s0;
	s0 =	sshll.u32 s0, $0xA  }
0x4: {  	s1 =	rddreg [dreg:$0x1];
	s5 =	sadd.s32 $0x23600, s3;
	s0 =	sor.u32 s0, s4  }
0x5: {  	s6 =	sshrl.u32 s2, $0x1;
	s4 =	sadd.s32 $0x22600, s3;
	s10 =	sshrl.u32 s0, $0x3  }
0x6: {  	s6 =	ssub.s32 s2, s6;
	s8 =	sor.u32 $0x100, s0;
	s7 =	sadd.s32 s1, s10  }
0x7: {  	s23 =	sor.u32 $0x300, s0;
	s11 =	sadd.s32 s5, s10;
	[dreg:$0x3] =	wrdreg s7  }
0x8: {  	s2 =	sadd.s32 s4, s10;
	s14 =	sshrl.u32 s8, $0x3;
	[dreg:$0x4] =	wrdreg s11  }
0x9: {  	s24 =	sshrl.u32 s23, $0x3;
	[dreg:$0x5] =	wrdreg s2;
	s15 =	sadd.s32 s1, s14  }
0xa: {  	s23 =	sshll.u32 s23, $0x4;
	s10 =	sadd.s32 s5, s14;
	[dreg:$0x9] =	wrdreg s15  }
0xb: {  	s7 =	sor.u32 $0x80, s0;
	s25 =	sadd.s32 s1, s24;
	[dreg:$0xa] =	wrdreg s10  }
0xc: {  	s11 =	sor.u32 $0x280, s0;
	[dreg:$0x15] =	wrdreg s25;
	s15 =	sadd.s32 s5, s24  }
0xd: {  	s12 =	sshrl.u32 s7, $0x3;
	s25 =	simm.s32 $0x0;
	[dreg:$0x16] =	wrdreg s15  }
0xe: {  	s10 =	sor.u32 $0x200, s0;
	s9 =	sadd.s32 s1, s12;
	[smem:$0x7FF] =	sst s25  }
0xf: {  	s21 =	sshrl.u32 s11, $0x3;
	s13 =	sadd.s32 s5, s12;
	[dreg:$0x6] =	wrdreg s9  }
0x10: {  	s2 =	sadd.s32 s4, s12;
	s19 =	sshrl.u32 s10, $0x3;
	[dreg:$0x7] =	wrdreg s13  }
0x11: {  	s22 =	sadd.s32 s1, s21;
	[dreg:$0x8] =	wrdreg s2;
	s2 =	sor.u32 $0x180, s0  }
0x12: {  	s9 =	sadd.s32 s4, s14;
	s12 =	sadd.s32 s1, s19;
	[dreg:$0x12] =	wrdreg s22  }
0x13: {  	s20 =	sadd.s32 s5, s19;
	s13 =	sadd.s32 s5, s21;
	[dreg:$0xb] =	wrdreg s9  }
0x14: {  	s14 =	sor.u32 $0x380, s0;
	s0 =	sshll.u32 s0, $0x4;
	[dreg:$0xf] =	wrdreg s12  }
0x15: {  	s22 =	sshll.u32 s11, $0x4;
	s11 =	simm.s32 $0x180;
	[dreg:$0x10] =	wrdreg s20  }
0x16: {  	s16 =	sshrl.u32 s2, $0x3;
	[dreg:$0x13] =	wrdreg s13;
	s12 =	sadd.s32 s4, s21  }
0x17: {  	s26 =	sshrl.u32 s14, $0x3;
	s13 =	sadd.s32 s4, s24;
	s20 =	sshll.u32 s2, $0x4  }
0x18: {  	s21 =	sshll.u32 s10, $0x4;
	s24 =	sshll.u32 s14, $0x4;
	[dreg:$0x14] =	wrdreg s12  }
0x19: {  	s10 =	simm.s32 $0x8300;
	s17 =	sadd.s32 s1, s16;
	[dreg:$0x17] =	wrdreg s13  }
0x1a: {  	s14 =	simm.s32 $0xC300;
	s18 =	sadd.s32 s5, s16;
	[dreg:$0xc] =	wrdreg s17  }
0x1b: {  	s9 =	sadd.s32 s4, s16;
	s1 =	sadd.s32 s1, s26;
	[dreg:$0xd] =	wrdreg s18  }
0x1c: {  	s15 =	sadd.s32 s5, s26;
	s16 =	sadd.s32 s4, s26;
	[dreg:$0xe] =	wrdreg s9  }
0x1d: {  	s5 =	simm.s32 $0x5;
	s12 =	simm.s32 $0x200;
	[dreg:$0x18] =	wrdreg s1  }
0x1e: {  	s13 =	simm.s32 $0x280;
	s9 =	sadd.s32 s4, s19;
	[dreg:$0x19] =	wrdreg s15  }
0x1f: {  	[dreg:$0x1a] =	wrdreg s16;
	s17 =	sadd.s32 $0x24600, s3;
	s18 =	sshll.u32 s7, $0x4  }
0x20: {  	s19 =	sshll.u32 s8, $0x4;
	s3 =	sadd.s32 $0x2600, s3;
	s4 =	smax.u32 s6, $0x1  }
0x21: {  	s6 =	simm.s32 $0x80;
	s7 =	simm.s32 $0x100;
	s8 =	simm.s32 $0x300  }
0x22: {  	s15 =	simm.s32 $0x10300;
	s16 =	simm.s32 $0x14300;
	[dreg:$0x11] =	wrdreg s9  }
0x23: {  	s26 =	sadd.s32 s17, s0;
	s28 =	sadd.s32 s17, s18;
	s29 =	sadd.s32 s17, s19  }
0x24: {  	s30 =	sadd.s32 s17, s20;
	s31 =	sadd.s32 s17, s21;
	s0 =	sadd.s32 s17, s22  }
0x25: {  	s1 =	sadd.s32 s17, s23;
	s2 =	sadd.s32 s17, s24;
	s9 =	simm.s32 $0x4300  }
0x26: {  	s17 =	simm.s32 $0x1;
	s18 =	simm.s32 $0x3;
	s19 =	simm.s32 $0x2  }
0x27: {  	s20 =	simm.s32 $0x4;
	s21 =	simm.s32 $0x0;
	_ =	strace $0x80000047  }
.LBB2_1:
0x28: {  	s22 =	rddreg [dreg:$0x3]  }
0x29: {  	[tilespmem:s25], [sflag:$0x5] =	stream.linear.gather [hbm4b:s22+s25], $0x80, $0x38;
	[tilespmem:$0x18300] =	vst v63  }
0x2a: {  	_ =	swait.ge [sflag:s5], $0x80  }
0x2b: {  	[sflag:s5] =	ssyncset.done $0x0  }
0x2c: {  	s24 =	rddreg [dreg:$0x4];
	[sflag:s5] =	ssyncadd.s32 $0xFFFFFF80  }
0x2d: {  	[tilespmem:s6], [sflag:$0x5] =	stream.linear.gather [hbm4b:s24+s25], $0x80, $0x38;
	[tilespmem:$0x18300] =	vst v63  }
0x2e: {  	_ =	swait.ge [sflag:s5], $0x80  }
0x2f: {  	[sflag:s5] =	ssyncset.done $0x0  }
0x30: {  	s23 =	rddreg [dreg:$0x5];
	[sflag:s5] =	ssyncadd.s32 $0xFFFFFF80  }
0x31: {  	[tilespmem:s7], [sflag:$0x5] =	stream.linear.gather [hbm4b:s23+s25], $0x80, $0x38;
	[tilespmem:$0x18300] =	vst v63  }
0x32: {  	_ =	swait.ge [sflag:s5], $0x80  }
0x33: {  	[sflag:s5] =	ssyncset.done $0x0  }
0x34: {  	[sflag:s5] =	ssyncadd.s32 $0xFFFFFF80  }
0x35: {  	[tilespmem:s8], [sflag:$0x1] =	stream.indirect.gather [hbm4b:s3+s6], $0x80, s25, s6, $0xb8;
	[tilespmem:$0x18300] =	vst v63  }
0x36: {  	_ = 	snop  }
0x37: {  	[tilespmem:s9], [sflag:$0x1] =	stream.indirect.gather [hbm4b:s3+s6], $0x80, s6, s6, $0xb8;
	[tilespmem:$0x18300] =	vst v63  }
0x38: {  	_ = 	snop  }
0x39: {  	[tilespmem:s10], [sflag:$0x1] =	stream.indirect.gather [hbm4b:s3+s6], $0x80, s7, s6, $0xb8;
	[tilespmem:$0x18300] =	vst v63  }
0x3a: {  	s24 =	rddreg [dreg:$0x6]  }
0x3b: {  	[tilespmem:s11], [sflag:$0x5] =	stream.linear.gather [hbm4b:s24+s25], $0x80, $0x38;
	[tilespmem:$0x18300] =	vst v63  }
0x3c: {  	_ =	swait.ge [sflag:s5], $0x80  }
0x3d: {  	[sflag:s5] =	ssyncset.done $0x0  }
0x3e: {  	s23 =	rddreg [dreg:$0x7];
	[sflag:s5] =	ssyncadd.s32 $0xFFFFFF80  }
0x3f: {  	[tilespmem:s12], [sflag:$0x5] =	stream.linear.gather [hbm4b:s23+s25], $0x80, $0x38;
	[tilespmem:$0x18300] =	vst v63  }
0x40: {  	_ =	swait.ge [sflag:s5], $0x80  }
0x41: {  	[sflag:s5] =	ssyncset.done $0x0  }
0x42: {  	s24 =	rddreg [dreg:$0x8];
	[sflag:s5] =	ssyncadd.s32 $0xFFFFFF80  }
0x43: {  	[tilespmem:s13], [sflag:$0x5] =	stream.linear.gather [hbm4b:s24+s25], $0x80, $0x38;
	[tilespmem:$0x18300] =	vst v63  }
0x44: {  	_ =	swait.ge [sflag:s5], $0x80  }
0x45: {  	[sflag:s5] =	ssyncset.done $0x0  }
0x46: {  	[sflag:s5] =	ssyncadd.s32 $0xFFFFFF80  }
0x47: {  	[tilespmem:s14], [sflag:$0x2] =	stream.indirect.gather [hbm4b:s3+s6], $0x80, s11, s6, $0xb8;
	[tilespmem:$0x18300] =	vst v63  }
0x48: {  	_ = 	snop  }
0x49: {  	[tilespmem:s15], [sflag:$0x2] =	stream.indirect.gather [hbm4b:s3+s6], $0x80, s12, s6, $0xb8;
	[tilespmem:$0x18300] =	vst v63  }
0x4a: {  	_ = 	snop  }
0x4b: {  	[tilespmem:s16], [sflag:$0x2] =	stream.indirect.gather [hbm4b:s3+s6], $0x80, s13, s6, $0xb8;
	[tilespmem:$0x18300] =	vst v63  }
0x4c: {  	_ =	swait.ge [sflag:s17], $0x4000  }
0x4d: {  	[sflag:s17] =	ssyncset.done $0x0  }
0x4e: {  	[sflag:s17] =	ssyncadd.s32 $0xFFFFC000  }
0x4f: {  	_ =	swait.ge [sflag:s17], $0x4000  }
0x50: {  	[sflag:s17] =	ssyncset.done $0x0  }
0x51: {  	[sflag:s17] =	ssyncadd.s32 $0xFFFFC000  }
0x52: {  	_ =	swait.ge [sflag:s17], $0x4000  }
0x53: {  	[sflag:s17] =	ssyncset.done $0x0  }
0x54: {  	s22 =	simm.s32 $0x0;
	[sflag:s17] =	ssyncadd.s32 $0xFFFFC000  }
0x55: {  	v12 =	vld [tilespmem:s22+$0x8300]  }
0x56: {  	v13 =	vld [tilespmem:s22+$0x8310]  }
0x57: {  	v14 =	vld [tilespmem:s22+$0x8320]  }
0x58: {  	v15 =	vld [tilespmem:s22+$0x8330]  }
0x59: {  	v16 =	vld [tilespmem:s22+$0x8340]  }
0x5a: {  	v17 =	vld [tilespmem:s22+$0x8350]  }
0x5b: {  	v18 =	vld [tilespmem:s22+$0x8360]  }
0x5c: {  	v20 =	vld [tilespmem:s22+$0x8370]  }
0x5d: {  	v5 =	vld [tilespmem:s22+$0x8380]  }
0x5e: {  	v4 =	vld [tilespmem:s22+$0x8390]  }
0x5f: {  	v3 =	vld [tilespmem:s22+$0x83A0]  }
0x60: {  	v2 =	vld [tilespmem:s22+$0x83B0]  }
0x61: {  	v1 =	vld [tilespmem:s22+$0x83C0]  }
0x62: {  	v0 =	vld [tilespmem:s22+$0x83D0]  }
0x63: {  	v19 =	vld [tilespmem:s22+$0x4300]  }
0x64: {  	v21 =	vld [tilespmem:s22+$0x4310]  }
0x65: {  	v22 =	vld [tilespmem:s22+$0x4320]  }
0x66: {  	v23 =	vld [tilespmem:s22+$0x4330]  }
0x67: {  	v24 =	vld [tilespmem:s22+$0x4340]  }
0x68: {  	v25 =	vld [tilespmem:s22+$0x4350]  }
0x69: {  	v26 =	vld [tilespmem:s22+$0x4360]  }
0x6a: {  	v27 =	vld [tilespmem:s22+$0x4370]  }
0x6b: {  	v28 =	vld [tilespmem:s22+$0x4380]  }
0x6c: {  	v29 =	vld [tilespmem:s22+$0x4390]  }
0x6d: {  	v11 =	vld [tilespmem:s22+$0x43A0]  }
0x6e: {  	v10 =	vld [tilespmem:s22+$0x43B0]  }
0x6f: {  	v9 =	vld [tilespmem:s22+$0x43C0]  }
0x70: {  	v8 =	vld [tilespmem:s22+$0x43D0]  }
0x71: {  	v30 =	vld [tilespmem:s22+$0x300]  }
0x72: {  	v31 =	vld [tilespmem:s22+$0x310]  }
0x73: {  	v32 =	vld [tilespmem:s22+$0x320]  }
0x74: {  	v33 =	vld [tilespmem:s22+$0x330]  }
0x75: {  	v7 =	vld [tilespmem:s22+$0x43E0]  }
0x76: {  	v34 =	vld [tilespmem:s22+$0x340]  }
0x77: {  	v6 =	vld [tilespmem:s22+$0x43F0]  }
0x78: {  	v62 =	vld [tilespmem:s22+$0x350];
	v19 =	vadd.f32 v19, v30;
	v21 =	vadd.f32 v21, v31  }
0x79: {  	v35 =	vld [tilespmem:s22+$0x360];
	v22 =	vadd.f32 v22, v32;
	v23 =	vadd.f32 v23, v33  }
0x7a: {  	v12 =	vadd.f32 v12, v19;
	v19 =	vld [tilespmem:s22+$0x370];
	v13 =	vadd.f32 v13, v21  }
0x7b: {  	v63 =	vld [tilespmem:s22+$0x380];
	v14 =	vadd.f32 v14, v22;
	v22 =	vadd.f32 v24, v34  }
0x7c: {  	v21 =	vld [tilespmem:s22+$0x390];
	v15 =	vadd.f32 v15, v23;
	[tilespmem:s22+$0x300] =	vst v12  }
0x7d: {  	v23 =	vadd.f32 v25, v62;
	[tilespmem:s22+$0x310] =	vst v13;
	v12 =	vld [tilespmem:s22+$0x3A0];
	v16 =	vadd.f32 v16, v22  }
0x7e: {  	[tilespmem:s22+$0x320] =	vst v14;
	v13 =	vld [tilespmem:s22+$0x3B0];
	v22 =	vadd.f32 v26, v35  }
0x7f: {  	v14 =	vld [tilespmem:s22+$0x3C0];
	v17 =	vadd.f32 v17, v23;
	[tilespmem:s22+$0x340] =	vst v16;
	v16 =	vadd.f32 v27, v19  }
0x80: {  	[tilespmem:s22+$0x330] =	vst v15;
	v15 =	vld [tilespmem:s22+$0x3D0];
	v19 =	vadd.f32 v18, v22;
	v18 =	vadd.f32 v28, v63  }
0x81: {  	s23 =	simm.s32 $0x400;
	[tilespmem:s22+$0x350] =	vst v17;
	v17 =	vadd.f32 v29, v21;
	v20 =	vadd.f32 v20, v16;
	v16 =	vld [tilespmem:s22+$0x3E0]  }
.LBB2_2:
0x82: {  	p0 =	sne.s32 s23, $0xFC00;
	[tilespmem:s22+$0x360] =	vst v19;
	v5 =	vadd.f32 v5, v18;
	v11 =	vadd.f32 v11, v12;
	v12 =	vld [tilespmem:s22+$0x3F0]  }
0x83: {  	[tilespmem:s22+$0x370] =	vst v20;
	v4 =	vadd.f32 v4, v17;
	v10 =	vadd.f32 v10, v13;
	v13 =	vld [tilespmem:s22+$0x83E0]  }
0x84: {  	s24 =	sshra.s32 s23, $0x2;
	[tilespmem:s22+$0x380] =	vst v5;
	v3 =	vadd.f32 v3, v11;
	v5 =	vadd.f32 v9, v14;
	v9 =	vld [tilespmem:s22+$0x83F0]  }
0x85: {  	v14 =	vld [tilespmem:s24+$0x8300];
	[tilespmem:s22+$0x390] =	vst v4;
	v2 =	vadd.f32 v2, v10;
	v4 =	vadd.f32 v8, v15  }
0x86: {  	v15 =	vld [tilespmem:s24+$0x8310];
	[tilespmem:s22+$0x3A0] =	vst v3;
	v1 =	vadd.f32 v1, v5;
	v3 =	vadd.f32 v7, v16  }
0x87: {  	v16 =	vld [tilespmem:s24+$0x8320];
	[tilespmem:s22+$0x3B0] =	vst v2;
	v0 =	vadd.f32 v0, v4;
	v2 =	vadd.f32 v6, v12  }
0x88: {  	v12 =	vld [tilespmem:s24+$0x8330];
	[tilespmem:s22+$0x3C0] =	vst v1;
	v1 =	vadd.f32 v13, v3  }
0x89: {  	v13 =	vld [tilespmem:s24+$0x8340];
	[tilespmem:s22+$0x3D0] =	vst v0;
	v0 =	vadd.f32 v9, v2  }
0x8a: {  	v17 =	vld [tilespmem:s24+$0x8350];
	[tilespmem:s22+$0x3E0] =	vst v1  }
0x8b: {  	v18 =	vld [tilespmem:s24+$0x8360];
	[tilespmem:s22+$0x3F0] =	vst v0;
	s22 =	smov.u32 s24  }
0x8c: {  	v20 =	vld [tilespmem:s22+$0x8370]  }
0x8d: {  	v5 =	vld [tilespmem:s22+$0x8380]  }
0x8e: {  	v4 =	vld [tilespmem:s22+$0x8390]  }
0x8f: {  	v3 =	vld [tilespmem:s22+$0x83A0]  }
0x90: {  	v2 =	vld [tilespmem:s22+$0x83B0]  }
0x91: {  	v1 =	vld [tilespmem:s22+$0x83C0]  }
0x92: {  	v0 =	vld [tilespmem:s22+$0x83D0]  }
0x93: {  	v19 =	vld [tilespmem:s22+$0x4300]  }
0x94: {  	v21 =	vld [tilespmem:s22+$0x4310]  }
0x95: {  	v22 =	vld [tilespmem:s22+$0x4320]  }
0x96: {  	v23 =	vld [tilespmem:s22+$0x4330]  }
0x97: {  	v24 =	vld [tilespmem:s22+$0x4340]  }
0x98: {  	v25 =	vld [tilespmem:s22+$0x4350]  }
0x99: {  	v26 =	vld [tilespmem:s22+$0x4360]  }
0x9a: {  	v27 =	vld [tilespmem:s22+$0x4370]  }
0x9b: {  	v28 =	vld [tilespmem:s22+$0x4380]  }
0x9c: {  	v29 =	vld [tilespmem:s22+$0x4390]  }
0x9d: {  	v11 =	vld [tilespmem:s22+$0x43A0]  }
0x9e: {  	v10 =	vld [tilespmem:s22+$0x43B0]  }
0x9f: {  	v9 =	vld [tilespmem:s22+$0x43C0]  }
0xa0: {  	v8 =	vld [tilespmem:s22+$0x43D0]  }
0xa1: {  	v7 =	vld [tilespmem:s22+$0x43E0]  }
0xa2: {  	v6 =	vld [tilespmem:s22+$0x43F0]  }
0xa3: {  	v30 =	vld [tilespmem:s22+$0x300]  }
0xa4: {  	v31 =	vld [tilespmem:s22+$0x310]  }
0xa5: {  	v32 =	vld [tilespmem:s22+$0x320]  }
0xa6: {  	v33 =	vld [tilespmem:s22+$0x330]  }
0xa7: {  	v34 =	vld [tilespmem:s22+$0x340]  }
0xa8: {  	v19 =	vadd.f32 v19, v30;
	v30 =	vld [tilespmem:s22+$0x350]  }
0xa9: {  	v21 =	vadd.f32 v21, v31;
	v31 =	vld [tilespmem:s22+$0x360]  }
0xaa: {  	v14 =	vadd.f32 v14, v19;
	v19 =	vadd.f32 v22, v32;
	v22 =	vld [tilespmem:s22+$0x370]  }
0xab: {  	v15 =	vadd.f32 v15, v21;
	v21 =	vadd.f32 v23, v33;
	v23 =	vld [tilespmem:s22+$0x380]  }
0xac: {  	[tilespmem:s22+$0x300] =	vst v14;
	v14 =	vadd.f32 v16, v19;
	v16 =	vadd.f32 v24, v34;
	v24 =	vld [tilespmem:s22+$0x390]  }
.Ltmp0:
0xad: {  	[tilespmem:s22+$0x310] =	vst v15;
	v15 =	vadd.f32 v12, v21;
	v19 =	vadd.f32 v25, v30;
	v12 =	vld [tilespmem:s22+$0x3A0];
	(pc) =	sbr.rel @p0 .LBB2_2-.Ltmp0, $4  }
0xae: {  	[tilespmem:s22+$0x320] =	vst v14;
	v16 =	vadd.f32 v13, v16;
	v21 =	vadd.f32 v26, v31;
	v13 =	vld [tilespmem:s22+$0x3B0]  }
0xaf: {  	[tilespmem:s22+$0x330] =	vst v15;
	v17 =	vadd.f32 v17, v19;
	v22 =	vadd.f32 v27, v22;
	v14 =	vld [tilespmem:s22+$0x3C0]  }
0xb0: {  	[tilespmem:s22+$0x340] =	vst v16;
	v19 =	vadd.f32 v18, v21;
	v18 =	vadd.f32 v28, v23;
	v15 =	vld [tilespmem:s22+$0x3D0]  }
0xb1: {  	s23 =	sadd.s32 $0x400, s23;
	[tilespmem:s22+$0x350] =	vst v17;
	v20 =	vadd.f32 v20, v22;
	v17 =	vadd.f32 v29, v24;
	v16 =	vld [tilespmem:s22+$0x3E0]  }
0xb2: {  	[tilespmem:s22+$0x360] =	vst v19;
	v19 =	vld [tilespmem:s22+$0x3F0];
	v5 =	vadd.f32 v5, v18;
	v11 =	vadd.f32 v11, v12  }
0xb3: {  	v12 =	vld [tilespmem:s22+$0x83E0];
	[tilespmem:s22+$0x370] =	vst v20;
	v4 =	vadd.f32 v4, v17;
	v10 =	vadd.f32 v10, v13  }
0xb4: {  	[tilespmem:s22+$0x380] =	vst v5;
	v3 =	vadd.f32 v3, v11;
	v5 =	vadd.f32 v9, v14;
	v9 =	vld [tilespmem:s22+$0x83F0]  }
0xb5: {  	[tilespmem:s22+$0x390] =	vst v4;
	v2 =	vadd.f32 v2, v10;
	v4 =	vadd.f32 v8, v15  }
0xb6: {  	[tilespmem:s22+$0x3A0] =	vst v3;
	v1 =	vadd.f32 v1, v5;
	v3 =	vadd.f32 v7, v16  }
0xb7: {  	[tilespmem:s22+$0x3B0] =	vst v2;
	v0 =	vadd.f32 v0, v4;
	v2 =	vadd.f32 v6, v19  }
0xb8: {  	[tilespmem:s22+$0x3C0] =	vst v1;
	v1 =	vadd.f32 v12, v3  }
0xb9: {  	[tilespmem:s22+$0x3D0] =	vst v0;
	v0 =	vadd.f32 v9, v2  }
0xba: {  	[tilespmem:s22+$0x3E0] =	vst v1  }
0xbb: {  	[tilespmem:s22+$0x3F0] =	vst v0;
	s22 =	simm.s32 $0x0  }
0xbc: {  	[hbm4b:s26+s22] =	stream.linear.scatter [tilespmem:s8], [sflag:$0x3], $0x4000, $0x38;
	[tilespmem:$0x18300] =	vst v63  }
0xbd: {  	_ =	swait.ge [sflag:s18], $0x4000  }
0xbe: {  	[sflag:s18] =	ssyncset.done $0x0  }
0xbf: {  	s23 =	rddreg [dreg:$0x9];
	[sflag:s18] =	ssyncadd.s32 $0xFFFFC000  }
0xc0: {  	[tilespmem:s22], [sflag:$0x5] =	stream.linear.gather [hbm4b:s23+s22], $0x80, $0x38;
	[tilespmem:$0x18300] =	vst v63  }
0xc1: {  	_ =	swait.ge [sflag:s5], $0x80  }
0xc2: {  	[sflag:s5] =	ssyncset.done $0x0  }
0xc3: {  	s24 =	rddreg [dreg:$0xa];
	[sflag:s5] =	ssyncadd.s32 $0xFFFFFF80  }
0xc4: {  	[tilespmem:s6], [sflag:$0x5] =	stream.linear.gather [hbm4b:s24+s22], $0x80, $0x38;
	[tilespmem:$0x18300] =	vst v63  }
0xc5: {  	_ =	swait.ge [sflag:s5], $0x80  }
0xc6: {  	[sflag:s5] =	ssyncset.done $0x0  }
0xc7: {  	s24 =	rddreg [dreg:$0xb];
	[sflag:s5] =	ssyncadd.s32 $0xFFFFFF80  }
0xc8: {  	[tilespmem:s7], [sflag:$0x5] =	stream.linear.gather [hbm4b:s24+s22], $0x80, $0x38;
	[tilespmem:$0x18300] =	vst v63  }
0xc9: {  	_ =	swait.ge [sflag:s5], $0x80  }
0xca: {  	[sflag:s5] =	ssyncset.done $0x0  }
0xcb: {  	[sflag:s5] =	ssyncadd.s32 $0xFFFFFF80  }
0xcc: {  	[tilespmem:s8], [sflag:$0x1] =	stream.indirect.gather [hbm4b:s3+s6], $0x80, s22, s6, $0xb8;
	[tilespmem:$0x18300] =	vst v63  }
0xcd: {  	_ = 	snop  }
0xce: {  	[tilespmem:s9], [sflag:$0x1] =	stream.indirect.gather [hbm4b:s3+s6], $0x80, s6, s6, $0xb8;
	[tilespmem:$0x18300] =	vst v63  }
0xcf: {  	_ = 	snop  }
0xd0: {  	[tilespmem:s10], [sflag:$0x1] =	stream.indirect.gather [hbm4b:s3+s6], $0x80, s7, s6, $0xb8;
	[tilespmem:$0x18300] =	vst v63  }
0xd1: {  	_ =	swait.ge [sflag:s19], $0x4000  }
0xd2: {  	[sflag:s19] =	ssyncset.done $0x0  }
0xd3: {  	[sflag:s19] =	ssyncadd.s32 $0xFFFFC000  }
0xd4: {  	_ =	swait.ge [sflag:s19], $0x4000  }
0xd5: {  	[sflag:s19] =	ssyncset.done $0x0  }
0xd6: {  	[sflag:s19] =	ssyncadd.s32 $0xFFFFC000  }
0xd7: {  	_ =	swait.ge [sflag:s19], $0x4000  }
0xd8: {  	[sflag:s19] =	ssyncset.done $0x0  }
0xd9: {  	s22 =	simm.s32 $0x0;
	[sflag:s19] =	ssyncadd.s32 $0xFFFFC000  }
0xda: {  	v12 =	vld [tilespmem:s22+$0x14300]  }
0xdb: {  	v13 =	vld [tilespmem:s22+$0x14310]  }
0xdc: {  	v14 =	vld [tilespmem:s22+$0x14320]  }
0xdd: {  	v15 =	vld [tilespmem:s22+$0x14330]  }
0xde: {  	v16 =	vld [tilespmem:s22+$0x14340]  }
0xdf: {  	v17 =	vld [tilespmem:s22+$0x14350]  }
0xe0: {  	v18 =	vld [tilespmem:s22+$0x14360]  }
0xe1: {  	v20 =	vld [tilespmem:s22+$0x14370]  }
0xe2: {  	v5 =	vld [tilespmem:s22+$0x14380]  }
0xe3: {  	v4 =	vld [tilespmem:s22+$0x14390]  }
0xe4: {  	v3 =	vld [tilespmem:s22+$0x143A0]  }
0xe5: {  	v2 =	vld [tilespmem:s22+$0x143B0]  }
0xe6: {  	v1 =	vld [tilespmem:s22+$0x143C0]  }
0xe7: {  	v0 =	vld [tilespmem:s22+$0x143D0]  }
0xe8: {  	v19 =	vld [tilespmem:s22+$0x10300]  }
0xe9: {  	v21 =	vld [tilespmem:s22+$0x10310]  }
0xea: {  	v22 =	vld [tilespmem:s22+$0x10320]  }
0xeb: {  	v23 =	vld [tilespmem:s22+$0x10330]  }
0xec: {  	v24 =	vld [tilespmem:s22+$0x10340]  }
0xed: {  	v25 =	vld [tilespmem:s22+$0x10350]  }
0xee: {  	v26 =	vld [tilespmem:s22+$0x10360]  }
0xef: {  	v27 =	vld [tilespmem:s22+$0x10370]  }
0xf0: {  	v28 =	vld [tilespmem:s22+$0x10380]  }
0xf1: {  	v29 =	vld [tilespmem:s22+$0x10390]  }
0xf2: {  	v11 =	vld [tilespmem:s22+$0x103A0]  }
0xf3: {  	v10 =	vld [tilespmem:s22+$0x103B0]  }
0xf4: {  	v9 =	vld [tilespmem:s22+$0x103C0]  }
0xf5: {  	v8 =	vld [tilespmem:s22+$0x103D0]  }
0xf6: {  	v30 =	vld [tilespmem:s22+$0xC300]  }
0xf7: {  	v31 =	vld [tilespmem:s22+$0xC310]  }
0xf8: {  	v32 =	vld [tilespmem:s22+$0xC320]  }
0xf9: {  	v33 =	vld [tilespmem:s22+$0xC330]  }
0xfa: {  	v7 =	vld [tilespmem:s22+$0x103E0]  }
0xfb: {  	v34 =	vld [tilespmem:s22+$0xC340]  }
0xfc: {  	v6 =	vld [tilespmem:s22+$0x103F0]  }
0xfd: {  	v62 =	vld [tilespmem:s22+$0xC350];
	v19 =	vadd.f32 v19, v30;
	v21 =	vadd.f32 v21, v31  }
0xfe: {  	v35 =	vld [tilespmem:s22+$0xC360];
	v22 =	vadd.f32 v22, v32;
	v23 =	vadd.f32 v23, v33  }
0xff: {  	v12 =	vadd.f32 v12, v19;
	v19 =	vld [tilespmem:s22+$0xC370];
	v13 =	vadd.f32 v13, v21  }
0x100: {  	v63 =	vld [tilespmem:s22+$0xC380];
	v14 =	vadd.f32 v14, v22;
	v22 =	vadd.f32 v24, v34  }
0x101: {  	v21 =	vld [tilespmem:s22+$0xC390];
	v15 =	vadd.f32 v15, v23;
	[tilespmem:s22+$0xC300] =	vst v12  }
0x102: {  	v23 =	vadd.f32 v25, v62;
	[tilespmem:s22+$0xC310] =	vst v13;
	v12 =	vld [tilespmem:s22+$0xC3A0];
	v16 =	vadd.f32 v16, v22  }
0x103: {  	[tilespmem:s22+$0xC320] =	vst v14;
	v13 =	vld [tilespmem:s22+$0xC3B0];
	v22 =	vadd.f32 v26, v35  }
0x104: {  	v14 =	vld [tilespmem:s22+$0xC3C0];
	v17 =	vadd.f32 v17, v23;
	[tilespmem:s22+$0xC340] =	vst v16;
	v16 =	vadd.f32 v27, v19  }
0x105: {  	[tilespmem:s22+$0xC330] =	vst v15;
	v15 =	vld [tilespmem:s22+$0xC3D0];
	v19 =	vadd.f32 v18, v22;
	v18 =	vadd.f32 v28, v63  }
0x106: {  	s23 =	simm.s32 $0x400;
	[tilespmem:s22+$0xC350] =	vst v17;
	v17 =	vadd.f32 v29, v21;
	v20 =	vadd.f32 v20, v16;
	v16 =	vld [tilespmem:s22+$0xC3E0]  }
.LBB2_4:
0x107: {  	p0 =	sne.s32 s23, $0xFC00;
	[tilespmem:s22+$0xC360] =	vst v19;
	v5 =	vadd.f32 v5, v18;
	v11 =	vadd.f32 v11, v12;
	v12 =	vld [tilespmem:s22+$0xC3F0]  }
0x108: {  	[tilespmem:s22+$0xC370] =	vst v20;
	v4 =	vadd.f32 v4, v17;
	v10 =	vadd.f32 v10, v13;
	v13 =	vld [tilespmem:s22+$0x143E0]  }
0x109: {  	s24 =	sshra.s32 s23, $0x2;
	[tilespmem:s22+$0xC380] =	vst v5;
	v3 =	vadd.f32 v3, v11;
	v5 =	vadd.f32 v9, v14;
	v9 =	vld [tilespmem:s22+$0x143F0]  }
0x10a: {  	v14 =	vld [tilespmem:s24+$0x14300];
	[tilespmem:s22+$0xC390] =	vst v4;
	v2 =	vadd.f32 v2, v10;
	v4 =	vadd.f32 v8, v15  }
0x10b: {  	v15 =	vld [tilespmem:s24+$0x14310];
	[tilespmem:s22+$0xC3A0] =	vst v3;
	v1 =	vadd.f32 v1, v5;
	v3 =	vadd.f32 v7, v16  }
0x10c: {  	v16 =	vld [tilespmem:s24+$0x14320];
	[tilespmem:s22+$0xC3B0] =	vst v2;
	v0 =	vadd.f32 v0, v4;
	v2 =	vadd.f32 v6, v12  }
0x10d: {  	v12 =	vld [tilespmem:s24+$0x14330];
	[tilespmem:s22+$0xC3C0] =	vst v1;
	v1 =	vadd.f32 v13, v3  }
0x10e: {  	v13 =	vld [tilespmem:s24+$0x14340];
	[tilespmem:s22+$0xC3D0] =	vst v0;
	v0 =	vadd.f32 v9, v2  }
0x10f: {  	v17 =	vld [tilespmem:s24+$0x14350];
	[tilespmem:s22+$0xC3E0] =	vst v1  }
0x110: {  	v18 =	vld [tilespmem:s24+$0x14360];
	[tilespmem:s22+$0xC3F0] =	vst v0;
	s22 =	smov.u32 s24  }
0x111: {  	v20 =	vld [tilespmem:s22+$0x14370]  }
0x112: {  	v5 =	vld [tilespmem:s22+$0x14380]  }
0x113: {  	v4 =	vld [tilespmem:s22+$0x14390]  }
0x114: {  	v3 =	vld [tilespmem:s22+$0x143A0]  }
0x115: {  	v2 =	vld [tilespmem:s22+$0x143B0]  }
0x116: {  	v1 =	vld [tilespmem:s22+$0x143C0]  }
0x117: {  	v0 =	vld [tilespmem:s22+$0x143D0]  }
0x118: {  	v19 =	vld [tilespmem:s22+$0x10300]  }
0x119: {  	v21 =	vld [tilespmem:s22+$0x10310]  }
0x11a: {  	v22 =	vld [tilespmem:s22+$0x10320]  }
0x11b: {  	v23 =	vld [tilespmem:s22+$0x10330]  }
0x11c: {  	v24 =	vld [tilespmem:s22+$0x10340]  }
0x11d: {  	v25 =	vld [tilespmem:s22+$0x10350]  }
0x11e: {  	v26 =	vld [tilespmem:s22+$0x10360]  }
0x11f: {  	v27 =	vld [tilespmem:s22+$0x10370]  }
0x120: {  	v28 =	vld [tilespmem:s22+$0x10380]  }
0x121: {  	v29 =	vld [tilespmem:s22+$0x10390]  }
0x122: {  	v11 =	vld [tilespmem:s22+$0x103A0]  }
0x123: {  	v10 =	vld [tilespmem:s22+$0x103B0]  }
0x124: {  	v9 =	vld [tilespmem:s22+$0x103C0]  }
0x125: {  	v8 =	vld [tilespmem:s22+$0x103D0]  }
0x126: {  	v7 =	vld [tilespmem:s22+$0x103E0]  }
0x127: {  	v6 =	vld [tilespmem:s22+$0x103F0]  }
0x128: {  	v30 =	vld [tilespmem:s22+$0xC300]  }
0x129: {  	v31 =	vld [tilespmem:s22+$0xC310]  }
0x12a: {  	v32 =	vld [tilespmem:s22+$0xC320]  }
0x12b: {  	v33 =	vld [tilespmem:s22+$0xC330]  }
0x12c: {  	v34 =	vld [tilespmem:s22+$0xC340]  }
0x12d: {  	v19 =	vadd.f32 v19, v30;
	v30 =	vld [tilespmem:s22+$0xC350]  }
0x12e: {  	v21 =	vadd.f32 v21, v31;
	v31 =	vld [tilespmem:s22+$0xC360]  }
0x12f: {  	v14 =	vadd.f32 v14, v19;
	v19 =	vadd.f32 v22, v32;
	v22 =	vld [tilespmem:s22+$0xC370]  }
0x130: {  	v15 =	vadd.f32 v15, v21;
	v21 =	vadd.f32 v23, v33;
	v23 =	vld [tilespmem:s22+$0xC380]  }
0x131: {  	[tilespmem:s22+$0xC300] =	vst v14;
	v14 =	vadd.f32 v16, v19;
	v16 =	vadd.f32 v24, v34;
	v24 =	vld [tilespmem:s22+$0xC390]  }
.Ltmp1:
0x132: {  	[tilespmem:s22+$0xC310] =	vst v15;
	v15 =	vadd.f32 v12, v21;
	v19 =	vadd.f32 v25, v30;
	v12 =	vld [tilespmem:s22+$0xC3A0];
	(pc) =	sbr.rel @p0 .LBB2_4-.Ltmp1, $4  }
0x133: {  	[tilespmem:s22+$0xC320] =	vst v14;
	v16 =	vadd.f32 v13, v16;
	v21 =	vadd.f32 v26, v31;
	v13 =	vld [tilespmem:s22+$0xC3B0]  }
0x134: {  	[tilespmem:s22+$0xC330] =	vst v15;
	v17 =	vadd.f32 v17, v19;
	v22 =	vadd.f32 v27, v22;
	v14 =	vld [tilespmem:s22+$0xC3C0]  }
0x135: {  	[tilespmem:s22+$0xC340] =	vst v16;
	v19 =	vadd.f32 v18, v21;
	v18 =	vadd.f32 v28, v23;
	v15 =	vld [tilespmem:s22+$0xC3D0]  }
0x136: {  	s23 =	sadd.s32 $0x400, s23;
	[tilespmem:s22+$0xC350] =	vst v17;
	v20 =	vadd.f32 v20, v22;
	v17 =	vadd.f32 v29, v24;
	v16 =	vld [tilespmem:s22+$0xC3E0]  }
0x137: {  	[tilespmem:s22+$0xC360] =	vst v19;
	v19 =	vld [tilespmem:s22+$0xC3F0];
	v5 =	vadd.f32 v5, v18;
	v11 =	vadd.f32 v11, v12  }
0x138: {  	v12 =	vld [tilespmem:s22+$0x143E0];
	[tilespmem:s22+$0xC370] =	vst v20;
	v4 =	vadd.f32 v4, v17;
	v10 =	vadd.f32 v10, v13  }
0x139: {  	[tilespmem:s22+$0xC380] =	vst v5;
	v3 =	vadd.f32 v3, v11;
	v5 =	vadd.f32 v9, v14;
	v9 =	vld [tilespmem:s22+$0x143F0]  }
0x13a: {  	[tilespmem:s22+$0xC390] =	vst v4;
	v2 =	vadd.f32 v2, v10;
	v4 =	vadd.f32 v8, v15  }
0x13b: {  	[tilespmem:s22+$0xC3A0] =	vst v3;
	v1 =	vadd.f32 v1, v5;
	v3 =	vadd.f32 v7, v16  }
0x13c: {  	[tilespmem:s22+$0xC3B0] =	vst v2;
	v0 =	vadd.f32 v0, v4;
	v2 =	vadd.f32 v6, v19  }
0x13d: {  	[tilespmem:s22+$0xC3C0] =	vst v1;
	v1 =	vadd.f32 v12, v3  }
0x13e: {  	[tilespmem:s22+$0xC3D0] =	vst v0;
	v0 =	vadd.f32 v9, v2  }
0x13f: {  	[tilespmem:s22+$0xC3E0] =	vst v1  }
0x140: {  	[tilespmem:s22+$0xC3F0] =	vst v0;
	s22 =	simm.s32 $0x0  }
0x141: {  	[hbm4b:s28+s22] =	stream.linear.scatter [tilespmem:s14], [sflag:$0x4], $0x4000, $0x38;
	[tilespmem:$0x18300] =	vst v63  }
0x142: {  	_ =	swait.ge [sflag:s20], $0x4000  }
0x143: {  	[sflag:s20] =	ssyncset.done $0x0  }
0x144: {  	s23 =	rddreg [dreg:$0xc];
	[sflag:s20] =	ssyncadd.s32 $0xFFFFC000  }
0x145: {  	[tilespmem:s11], [sflag:$0x5] =	stream.linear.gather [hbm4b:s23+s22], $0x80, $0x38;
	[tilespmem:$0x18300] =	vst v63  }
0x146: {  	_ =	swait.ge [sflag:s5], $0x80  }
0x147: {  	[sflag:s5] =	ssyncset.done $0x0  }
0x148: {  	s24 =	rddreg [dreg:$0xd];
	[sflag:s5] =	ssyncadd.s32 $0xFFFFFF80  }
0x149: {  	[tilespmem:s12], [sflag:$0x5] =	stream.linear.gather [hbm4b:s24+s22], $0x80, $0x38;
	[tilespmem:$0x18300] =	vst v63  }
0x14a: {  	_ =	swait.ge [sflag:s5], $0x80  }
0x14b: {  	[sflag:s5] =	ssyncset.done $0x0  }
0x14c: {  	s24 =	rddreg [dreg:$0xe];
	[sflag:s5] =	ssyncadd.s32 $0xFFFFFF80  }
0x14d: {  	[tilespmem:s13], [sflag:$0x5] =	stream.linear.gather [hbm4b:s24+s22], $0x80, $0x38;
	[tilespmem:$0x18300] =	vst v63  }
0x14e: {  	_ =	swait.ge [sflag:s5], $0x80  }
0x14f: {  	[sflag:s5] =	ssyncset.done $0x0  }
0x150: {  	[sflag:s5] =	ssyncadd.s32 $0xFFFFFF80  }
0x151: {  	[tilespmem:s14], [sflag:$0x2] =	stream.indirect.gather [hbm4b:s3+s6], $0x80, s11, s6, $0xb8;
	[tilespmem:$0x18300] =	vst v63  }
0x152: {  	_ = 	snop  }
0x153: {  	[tilespmem:s15], [sflag:$0x2] =	stream.indirect.gather [hbm4b:s3+s6], $0x80, s12, s6, $0xb8;
	[tilespmem:$0x18300] =	vst v63  }
0x154: {  	_ = 	snop  }
0x155: {  	[tilespmem:s16], [sflag:$0x2] =	stream.indirect.gather [hbm4b:s3+s6], $0x80, s13, s6, $0xb8;
	[tilespmem:$0x18300] =	vst v63  }
0x156: {  	_ =	swait.ge [sflag:s17], $0x4000  }
0x157: {  	[sflag:s17] =	ssyncset.done $0x0  }
0x158: {  	[sflag:s17] =	ssyncadd.s32 $0xFFFFC000  }
0x159: {  	_ =	swait.ge [sflag:s17], $0x4000  }
0x15a: {  	[sflag:s17] =	ssyncset.done $0x0  }
0x15b: {  	[sflag:s17] =	ssyncadd.s32 $0xFFFFC000  }
0x15c: {  	_ =	swait.ge [sflag:s17], $0x4000  }
0x15d: {  	[sflag:s17] =	ssyncset.done $0x0  }
0x15e: {  	s22 =	simm.s32 $0x0;
	[sflag:s17] =	ssyncadd.s32 $0xFFFFC000  }
0x15f: {  	v12 =	vld [tilespmem:s22+$0x8300]  }
0x160: {  	v13 =	vld [tilespmem:s22+$0x8310]  }
0x161: {  	v14 =	vld [tilespmem:s22+$0x8320]  }
0x162: {  	v15 =	vld [tilespmem:s22+$0x8330]  }
0x163: {  	v16 =	vld [tilespmem:s22+$0x8340]  }
0x164: {  	v17 =	vld [tilespmem:s22+$0x8350]  }
0x165: {  	v18 =	vld [tilespmem:s22+$0x8360]  }
0x166: {  	v20 =	vld [tilespmem:s22+$0x8370]  }
0x167: {  	v5 =	vld [tilespmem:s22+$0x8380]  }
0x168: {  	v4 =	vld [tilespmem:s22+$0x8390]  }
0x169: {  	v3 =	vld [tilespmem:s22+$0x83A0]  }
0x16a: {  	v2 =	vld [tilespmem:s22+$0x83B0]  }
0x16b: {  	v1 =	vld [tilespmem:s22+$0x83C0]  }
0x16c: {  	v0 =	vld [tilespmem:s22+$0x83D0]  }
0x16d: {  	v19 =	vld [tilespmem:s22+$0x4300]  }
0x16e: {  	v21 =	vld [tilespmem:s22+$0x4310]  }
0x16f: {  	v22 =	vld [tilespmem:s22+$0x4320]  }
0x170: {  	v23 =	vld [tilespmem:s22+$0x4330]  }
0x171: {  	v24 =	vld [tilespmem:s22+$0x4340]  }
0x172: {  	v25 =	vld [tilespmem:s22+$0x4350]  }
0x173: {  	v26 =	vld [tilespmem:s22+$0x4360]  }
0x174: {  	v27 =	vld [tilespmem:s22+$0x4370]  }
0x175: {  	v28 =	vld [tilespmem:s22+$0x4380]  }
0x176: {  	v29 =	vld [tilespmem:s22+$0x4390]  }
0x177: {  	v11 =	vld [tilespmem:s22+$0x43A0]  }
0x178: {  	v10 =	vld [tilespmem:s22+$0x43B0]  }
0x179: {  	v9 =	vld [tilespmem:s22+$0x43C0]  }
0x17a: {  	v8 =	vld [tilespmem:s22+$0x43D0]  }
0x17b: {  	v30 =	vld [tilespmem:s22+$0x300]  }
0x17c: {  	v31 =	vld [tilespmem:s22+$0x310]  }
0x17d: {  	v32 =	vld [tilespmem:s22+$0x320]  }
0x17e: {  	v33 =	vld [tilespmem:s22+$0x330]  }
0x17f: {  	v7 =	vld [tilespmem:s22+$0x43E0]  }
0x180: {  	v34 =	vld [tilespmem:s22+$0x340]  }
0x181: {  	v6 =	vld [tilespmem:s22+$0x43F0]  }
0x182: {  	v62 =	vld [tilespmem:s22+$0x350];
	v19 =	vadd.f32 v19, v30;
	v21 =	vadd.f32 v21, v31  }
0x183: {  	v35 =	vld [tilespmem:s22+$0x360];
	v22 =	vadd.f32 v22, v32;
	v23 =	vadd.f32 v23, v33  }
0x184: {  	v12 =	vadd.f32 v12, v19;
	v19 =	vld [tilespmem:s22+$0x370];
	v13 =	vadd.f32 v13, v21  }
0x185: {  	v63 =	vld [tilespmem:s22+$0x380];
	v14 =	vadd.f32 v14, v22;
	v22 =	vadd.f32 v24, v34  }
0x186: {  	v21 =	vld [tilespmem:s22+$0x390];
	v15 =	vadd.f32 v15, v23;
	[tilespmem:s22+$0x300] =	vst v12  }
0x187: {  	v23 =	vadd.f32 v25, v62;
	[tilespmem:s22+$0x310] =	vst v13;
	v12 =	vld [tilespmem:s22+$0x3A0];
	v16 =	vadd.f32 v16, v22  }
0x188: {  	[tilespmem:s22+$0x320] =	vst v14;
	v13 =	vld [tilespmem:s22+$0x3B0];
	v22 =	vadd.f32 v26, v35  }
0x189: {  	v14 =	vld [tilespmem:s22+$0x3C0];
	v17 =	vadd.f32 v17, v23;
	[tilespmem:s22+$0x340] =	vst v16;
	v16 =	vadd.f32 v27, v19  }
0x18a: {  	[tilespmem:s22+$0x330] =	vst v15;
	v15 =	vld [tilespmem:s22+$0x3D0];
	v19 =	vadd.f32 v18, v22;
	v18 =	vadd.f32 v28, v63  }
0x18b: {  	s23 =	simm.s32 $0x400;
	[tilespmem:s22+$0x350] =	vst v17;
	v17 =	vadd.f32 v29, v21;
	v20 =	vadd.f32 v20, v16;
	v16 =	vld [tilespmem:s22+$0x3E0]  }
.LBB2_6:
0x18c: {  	p0 =	sne.s32 s23, $0xFC00;
	[tilespmem:s22+$0x360] =	vst v19;
	v5 =	vadd.f32 v5, v18;
	v11 =	vadd.f32 v11, v12;
	v12 =	vld [tilespmem:s22+$0x3F0]  }
0x18d: {  	[tilespmem:s22+$0x370] =	vst v20;
	v4 =	vadd.f32 v4, v17;
	v10 =	vadd.f32 v10, v13;
	v13 =	vld [tilespmem:s22+$0x83E0]  }
0x18e: {  	s24 =	sshra.s32 s23, $0x2;
	[tilespmem:s22+$0x380] =	vst v5;
	v3 =	vadd.f32 v3, v11;
	v5 =	vadd.f32 v9, v14;
	v9 =	vld [tilespmem:s22+$0x83F0]  }
0x18f: {  	v14 =	vld [tilespmem:s24+$0x8300];
	[tilespmem:s22+$0x390] =	vst v4;
	v2 =	vadd.f32 v2, v10;
	v4 =	vadd.f32 v8, v15  }
0x190: {  	v15 =	vld [tilespmem:s24+$0x8310];
	[tilespmem:s22+$0x3A0] =	vst v3;
	v1 =	vadd.f32 v1, v5;
	v3 =	vadd.f32 v7, v16  }
0x191: {  	v16 =	vld [tilespmem:s24+$0x8320];
	[tilespmem:s22+$0x3B0] =	vst v2;
	v0 =	vadd.f32 v0, v4;
	v2 =	vadd.f32 v6, v12  }
0x192: {  	v12 =	vld [tilespmem:s24+$0x8330];
	[tilespmem:s22+$0x3C0] =	vst v1;
	v1 =	vadd.f32 v13, v3  }
0x193: {  	v13 =	vld [tilespmem:s24+$0x8340];
	[tilespmem:s22+$0x3D0] =	vst v0;
	v0 =	vadd.f32 v9, v2  }
0x194: {  	v17 =	vld [tilespmem:s24+$0x8350];
	[tilespmem:s22+$0x3E0] =	vst v1  }
0x195: {  	v18 =	vld [tilespmem:s24+$0x8360];
	[tilespmem:s22+$0x3F0] =	vst v0;
	s22 =	smov.u32 s24  }
0x196: {  	v20 =	vld [tilespmem:s22+$0x8370]  }
0x197: {  	v5 =	vld [tilespmem:s22+$0x8380]  }
0x198: {  	v4 =	vld [tilespmem:s22+$0x8390]  }
0x199: {  	v3 =	vld [tilespmem:s22+$0x83A0]  }
0x19a: {  	v2 =	vld [tilespmem:s22+$0x83B0]  }
0x19b: {  	v1 =	vld [tilespmem:s22+$0x83C0]  }
0x19c: {  	v0 =	vld [tilespmem:s22+$0x83D0]  }
0x19d: {  	v19 =	vld [tilespmem:s22+$0x4300]  }
0x19e: {  	v21 =	vld [tilespmem:s22+$0x4310]  }
0x19f: {  	v22 =	vld [tilespmem:s22+$0x4320]  }
0x1a0: {  	v23 =	vld [tilespmem:s22+$0x4330]  }
0x1a1: {  	v24 =	vld [tilespmem:s22+$0x4340]  }
0x1a2: {  	v25 =	vld [tilespmem:s22+$0x4350]  }
0x1a3: {  	v26 =	vld [tilespmem:s22+$0x4360]  }
0x1a4: {  	v27 =	vld [tilespmem:s22+$0x4370]  }
0x1a5: {  	v28 =	vld [tilespmem:s22+$0x4380]  }
0x1a6: {  	v29 =	vld [tilespmem:s22+$0x4390]  }
0x1a7: {  	v11 =	vld [tilespmem:s22+$0x43A0]  }
0x1a8: {  	v10 =	vld [tilespmem:s22+$0x43B0]  }
0x1a9: {  	v9 =	vld [tilespmem:s22+$0x43C0]  }
0x1aa: {  	v8 =	vld [tilespmem:s22+$0x43D0]  }
0x1ab: {  	v7 =	vld [tilespmem:s22+$0x43E0]  }
0x1ac: {  	v6 =	vld [tilespmem:s22+$0x43F0]  }
0x1ad: {  	v30 =	vld [tilespmem:s22+$0x300]  }
0x1ae: {  	v31 =	vld [tilespmem:s22+$0x310]  }
0x1af: {  	v32 =	vld [tilespmem:s22+$0x320]  }
0x1b0: {  	v33 =	vld [tilespmem:s22+$0x330]  }
0x1b1: {  	v34 =	vld [tilespmem:s22+$0x340]  }
0x1b2: {  	v19 =	vadd.f32 v19, v30;
	v30 =	vld [tilespmem:s22+$0x350]  }
0x1b3: {  	v21 =	vadd.f32 v21, v31;
	v31 =	vld [tilespmem:s22+$0x360]  }
0x1b4: {  	v14 =	vadd.f32 v14, v19;
	v19 =	vadd.f32 v22, v32;
	v22 =	vld [tilespmem:s22+$0x370]  }
0x1b5: {  	v15 =	vadd.f32 v15, v21;
	v21 =	vadd.f32 v23, v33;
	v23 =	vld [tilespmem:s22+$0x380]  }
0x1b6: {  	[tilespmem:s22+$0x300] =	vst v14;
	v14 =	vadd.f32 v16, v19;
	v16 =	vadd.f32 v24, v34;
	v24 =	vld [tilespmem:s22+$0x390]  }
.Ltmp2:
0x1b7: {  	[tilespmem:s22+$0x310] =	vst v15;
	v15 =	vadd.f32 v12, v21;
	v19 =	vadd.f32 v25, v30;
	v12 =	vld [tilespmem:s22+$0x3A0];
	(pc) =	sbr.rel @p0 .LBB2_6-.Ltmp2, $4  }
0x1b8: {  	[tilespmem:s22+$0x320] =	vst v14;
	v16 =	vadd.f32 v13, v16;
	v21 =	vadd.f32 v26, v31;
	v13 =	vld [tilespmem:s22+$0x3B0]  }
0x1b9: {  	[tilespmem:s22+$0x330] =	vst v15;
	v17 =	vadd.f32 v17, v19;
	v22 =	vadd.f32 v27, v22;
	v14 =	vld [tilespmem:s22+$0x3C0]  }
0x1ba: {  	[tilespmem:s22+$0x340] =	vst v16;
	v19 =	vadd.f32 v18, v21;
	v18 =	vadd.f32 v28, v23;
	v15 =	vld [tilespmem:s22+$0x3D0]  }
0x1bb: {  	s23 =	sadd.s32 $0x400, s23;
	[tilespmem:s22+$0x350] =	vst v17;
	v20 =	vadd.f32 v20, v22;
	v17 =	vadd.f32 v29, v24;
	v16 =	vld [tilespmem:s22+$0x3E0]  }
0x1bc: {  	[tilespmem:s22+$0x360] =	vst v19;
	v19 =	vld [tilespmem:s22+$0x3F0];
	v5 =	vadd.f32 v5, v18;
	v11 =	vadd.f32 v11, v12  }
0x1bd: {  	v12 =	vld [tilespmem:s22+$0x83E0];
	[tilespmem:s22+$0x370] =	vst v20;
	v4 =	vadd.f32 v4, v17;
	v10 =	vadd.f32 v10, v13  }
0x1be: {  	[tilespmem:s22+$0x380] =	vst v5;
	v3 =	vadd.f32 v3, v11;
	v5 =	vadd.f32 v9, v14;
	v9 =	vld [tilespmem:s22+$0x83F0]  }
0x1bf: {  	[tilespmem:s22+$0x390] =	vst v4;
	v2 =	vadd.f32 v2, v10;
	v4 =	vadd.f32 v8, v15  }
0x1c0: {  	[tilespmem:s22+$0x3A0] =	vst v3;
	v1 =	vadd.f32 v1, v5;
	v3 =	vadd.f32 v7, v16  }
0x1c1: {  	[tilespmem:s22+$0x3B0] =	vst v2;
	v0 =	vadd.f32 v0, v4;
	v2 =	vadd.f32 v6, v19  }
0x1c2: {  	[tilespmem:s22+$0x3C0] =	vst v1;
	v1 =	vadd.f32 v12, v3  }
0x1c3: {  	[tilespmem:s22+$0x3D0] =	vst v0;
	v0 =	vadd.f32 v9, v2  }
0x1c4: {  	[tilespmem:s22+$0x3E0] =	vst v1  }
0x1c5: {  	[tilespmem:s22+$0x3F0] =	vst v0;
	s22 =	simm.s32 $0x0  }
0x1c6: {  	[hbm4b:s29+s22] =	stream.linear.scatter [tilespmem:s8], [sflag:$0x3], $0x4000, $0x38;
	[tilespmem:$0x18300] =	vst v63  }
0x1c7: {  	_ =	swait.ge [sflag:s18], $0x4000  }
0x1c8: {  	[sflag:s18] =	ssyncset.done $0x0  }
0x1c9: {  	s23 =	rddreg [dreg:$0xf];
	[sflag:s18] =	ssyncadd.s32 $0xFFFFC000  }
0x1ca: {  	[tilespmem:s22], [sflag:$0x5] =	stream.linear.gather [hbm4b:s23+s22], $0x80, $0x38;
	[tilespmem:$0x18300] =	vst v63  }
0x1cb: {  	_ =	swait.ge [sflag:s5], $0x80  }
0x1cc: {  	[sflag:s5] =	ssyncset.done $0x0  }
0x1cd: {  	s24 =	rddreg [dreg:$0x10];
	[sflag:s5] =	ssyncadd.s32 $0xFFFFFF80  }
0x1ce: {  	[tilespmem:s6], [sflag:$0x5] =	stream.linear.gather [hbm4b:s24+s22], $0x80, $0x38;
	[tilespmem:$0x18300] =	vst v63  }
0x1cf: {  	_ =	swait.ge [sflag:s5], $0x80  }
0x1d0: {  	[sflag:s5] =	ssyncset.done $0x0  }
0x1d1: {  	s24 =	rddreg [dreg:$0x11];
	[sflag:s5] =	ssyncadd.s32 $0xFFFFFF80  }
0x1d2: {  	[tilespmem:s7], [sflag:$0x5] =	stream.linear.gather [hbm4b:s24+s22], $0x80, $0x38;
	[tilespmem:$0x18300] =	vst v63  }
0x1d3: {  	_ =	swait.ge [sflag:s5], $0x80  }
0x1d4: {  	[sflag:s5] =	ssyncset.done $0x0  }
0x1d5: {  	[sflag:s5] =	ssyncadd.s32 $0xFFFFFF80  }
0x1d6: {  	[tilespmem:s8], [sflag:$0x1] =	stream.indirect.gather [hbm4b:s3+s6], $0x80, s22, s6, $0xb8;
	[tilespmem:$0x18300] =	vst v63  }
0x1d7: {  	_ = 	snop  }
0x1d8: {  	[tilespmem:s9], [sflag:$0x1] =	stream.indirect.gather [hbm4b:s3+s6], $0x80, s6, s6, $0xb8;
	[tilespmem:$0x18300] =	vst v63  }
0x1d9: {  	_ = 	snop  }
0x1da: {  	[tilespmem:s10], [sflag:$0x1] =	stream.indirect.gather [hbm4b:s3+s6], $0x80, s7, s6, $0xb8;
	[tilespmem:$0x18300] =	vst v63  }
0x1db: {  	_ =	swait.ge [sflag:s19], $0x4000  }
0x1dc: {  	[sflag:s19] =	ssyncset.done $0x0  }
0x1dd: {  	[sflag:s19] =	ssyncadd.s32 $0xFFFFC000  }
0x1de: {  	_ =	swait.ge [sflag:s19], $0x4000  }
0x1df: {  	[sflag:s19] =	ssyncset.done $0x0  }
0x1e0: {  	[sflag:s19] =	ssyncadd.s32 $0xFFFFC000  }
0x1e1: {  	_ =	swait.ge [sflag:s19], $0x4000  }
0x1e2: {  	[sflag:s19] =	ssyncset.done $0x0  }
0x1e3: {  	s22 =	simm.s32 $0x0;
	[sflag:s19] =	ssyncadd.s32 $0xFFFFC000  }
0x1e4: {  	v12 =	vld [tilespmem:s22+$0x14300]  }
0x1e5: {  	v13 =	vld [tilespmem:s22+$0x14310]  }
0x1e6: {  	v14 =	vld [tilespmem:s22+$0x14320]  }
0x1e7: {  	v15 =	vld [tilespmem:s22+$0x14330]  }
0x1e8: {  	v16 =	vld [tilespmem:s22+$0x14340]  }
0x1e9: {  	v17 =	vld [tilespmem:s22+$0x14350]  }
0x1ea: {  	v18 =	vld [tilespmem:s22+$0x14360]  }
0x1eb: {  	v20 =	vld [tilespmem:s22+$0x14370]  }
0x1ec: {  	v5 =	vld [tilespmem:s22+$0x14380]  }
0x1ed: {  	v4 =	vld [tilespmem:s22+$0x14390]  }
0x1ee: {  	v3 =	vld [tilespmem:s22+$0x143A0]  }
0x1ef: {  	v2 =	vld [tilespmem:s22+$0x143B0]  }
0x1f0: {  	v1 =	vld [tilespmem:s22+$0x143C0]  }
0x1f1: {  	v0 =	vld [tilespmem:s22+$0x143D0]  }
0x1f2: {  	v19 =	vld [tilespmem:s22+$0x10300]  }
0x1f3: {  	v21 =	vld [tilespmem:s22+$0x10310]  }
0x1f4: {  	v22 =	vld [tilespmem:s22+$0x10320]  }
0x1f5: {  	v23 =	vld [tilespmem:s22+$0x10330]  }
0x1f6: {  	v24 =	vld [tilespmem:s22+$0x10340]  }
0x1f7: {  	v25 =	vld [tilespmem:s22+$0x10350]  }
0x1f8: {  	v26 =	vld [tilespmem:s22+$0x10360]  }
0x1f9: {  	v27 =	vld [tilespmem:s22+$0x10370]  }
0x1fa: {  	v28 =	vld [tilespmem:s22+$0x10380]  }
0x1fb: {  	v29 =	vld [tilespmem:s22+$0x10390]  }
0x1fc: {  	v11 =	vld [tilespmem:s22+$0x103A0]  }
0x1fd: {  	v10 =	vld [tilespmem:s22+$0x103B0]  }
0x1fe: {  	v9 =	vld [tilespmem:s22+$0x103C0]  }
0x1ff: {  	v8 =	vld [tilespmem:s22+$0x103D0]  }
0x200: {  	v30 =	vld [tilespmem:s22+$0xC300]  }
0x201: {  	v31 =	vld [tilespmem:s22+$0xC310]  }
0x202: {  	v32 =	vld [tilespmem:s22+$0xC320]  }
0x203: {  	v33 =	vld [tilespmem:s22+$0xC330]  }
0x204: {  	v7 =	vld [tilespmem:s22+$0x103E0]  }
0x205: {  	v34 =	vld [tilespmem:s22+$0xC340]  }
0x206: {  	v6 =	vld [tilespmem:s22+$0x103F0]  }
0x207: {  	v62 =	vld [tilespmem:s22+$0xC350];
	v19 =	vadd.f32 v19, v30;
	v21 =	vadd.f32 v21, v31  }
0x208: {  	v35 =	vld [tilespmem:s22+$0xC360];
	v22 =	vadd.f32 v22, v32;
	v23 =	vadd.f32 v23, v33  }
0x209: {  	v12 =	vadd.f32 v12, v19;
	v19 =	vld [tilespmem:s22+$0xC370];
	v13 =	vadd.f32 v13, v21  }
0x20a: {  	v63 =	vld [tilespmem:s22+$0xC380];
	v14 =	vadd.f32 v14, v22;
	v22 =	vadd.f32 v24, v34  }
0x20b: {  	v21 =	vld [tilespmem:s22+$0xC390];
	v15 =	vadd.f32 v15, v23;
	[tilespmem:s22+$0xC300] =	vst v12  }
0x20c: {  	v23 =	vadd.f32 v25, v62;
	[tilespmem:s22+$0xC310] =	vst v13;
	v12 =	vld [tilespmem:s22+$0xC3A0];
	v16 =	vadd.f32 v16, v22  }
0x20d: {  	[tilespmem:s22+$0xC320] =	vst v14;
	v13 =	vld [tilespmem:s22+$0xC3B0];
	v22 =	vadd.f32 v26, v35  }
0x20e: {  	v14 =	vld [tilespmem:s22+$0xC3C0];
	v17 =	vadd.f32 v17, v23;
	[tilespmem:s22+$0xC340] =	vst v16;
	v16 =	vadd.f32 v27, v19  }
0x20f: {  	[tilespmem:s22+$0xC330] =	vst v15;
	v15 =	vld [tilespmem:s22+$0xC3D0];
	v19 =	vadd.f32 v18, v22;
	v18 =	vadd.f32 v28, v63  }
0x210: {  	s23 =	simm.s32 $0x400;
	[tilespmem:s22+$0xC350] =	vst v17;
	v17 =	vadd.f32 v29, v21;
	v20 =	vadd.f32 v20, v16;
	v16 =	vld [tilespmem:s22+$0xC3E0]  }
.LBB2_8:
0x211: {  	p0 =	sne.s32 s23, $0xFC00;
	[tilespmem:s22+$0xC360] =	vst v19;
	v5 =	vadd.f32 v5, v18;
	v11 =	vadd.f32 v11, v12;
	v12 =	vld [tilespmem:s22+$0xC3F0]  }
0x212: {  	[tilespmem:s22+$0xC370] =	vst v20;
	v4 =	vadd.f32 v4, v17;
	v10 =	vadd.f32 v10, v13;
	v13 =	vld [tilespmem:s22+$0x143E0]  }
0x213: {  	s24 =	sshra.s32 s23, $0x2;
	[tilespmem:s22+$0xC380] =	vst v5;
	v3 =	vadd.f32 v3, v11;
	v5 =	vadd.f32 v9, v14;
	v9 =	vld [tilespmem:s22+$0x143F0]  }
0x214: {  	v14 =	vld [tilespmem:s24+$0x14300];
	[tilespmem:s22+$0xC390] =	vst v4;
	v2 =	vadd.f32 v2, v10;
	v4 =	vadd.f32 v8, v15  }
0x215: {  	v15 =	vld [tilespmem:s24+$0x14310];
	[tilespmem:s22+$0xC3A0] =	vst v3;
	v1 =	vadd.f32 v1, v5;
	v3 =	vadd.f32 v7, v16  }
0x216: {  	v16 =	vld [tilespmem:s24+$0x14320];
	[tilespmem:s22+$0xC3B0] =	vst v2;
	v0 =	vadd.f32 v0, v4;
	v2 =	vadd.f32 v6, v12  }
0x217: {  	v12 =	vld [tilespmem:s24+$0x14330];
	[tilespmem:s22+$0xC3C0] =	vst v1;
	v1 =	vadd.f32 v13, v3  }
0x218: {  	v13 =	vld [tilespmem:s24+$0x14340];
	[tilespmem:s22+$0xC3D0] =	vst v0;
	v0 =	vadd.f32 v9, v2  }
0x219: {  	v17 =	vld [tilespmem:s24+$0x14350];
	[tilespmem:s22+$0xC3E0] =	vst v1  }
0x21a: {  	v18 =	vld [tilespmem:s24+$0x14360];
	[tilespmem:s22+$0xC3F0] =	vst v0;
	s22 =	smov.u32 s24  }
0x21b: {  	v20 =	vld [tilespmem:s22+$0x14370]  }
0x21c: {  	v5 =	vld [tilespmem:s22+$0x14380]  }
0x21d: {  	v4 =	vld [tilespmem:s22+$0x14390]  }
0x21e: {  	v3 =	vld [tilespmem:s22+$0x143A0]  }
0x21f: {  	v2 =	vld [tilespmem:s22+$0x143B0]  }
0x220: {  	v1 =	vld [tilespmem:s22+$0x143C0]  }
0x221: {  	v0 =	vld [tilespmem:s22+$0x143D0]  }
0x222: {  	v19 =	vld [tilespmem:s22+$0x10300]  }
0x223: {  	v21 =	vld [tilespmem:s22+$0x10310]  }
0x224: {  	v22 =	vld [tilespmem:s22+$0x10320]  }
0x225: {  	v23 =	vld [tilespmem:s22+$0x10330]  }
0x226: {  	v24 =	vld [tilespmem:s22+$0x10340]  }
0x227: {  	v25 =	vld [tilespmem:s22+$0x10350]  }
0x228: {  	v26 =	vld [tilespmem:s22+$0x10360]  }
0x229: {  	v27 =	vld [tilespmem:s22+$0x10370]  }
0x22a: {  	v28 =	vld [tilespmem:s22+$0x10380]  }
0x22b: {  	v29 =	vld [tilespmem:s22+$0x10390]  }
0x22c: {  	v11 =	vld [tilespmem:s22+$0x103A0]  }
0x22d: {  	v10 =	vld [tilespmem:s22+$0x103B0]  }
0x22e: {  	v9 =	vld [tilespmem:s22+$0x103C0]  }
0x22f: {  	v8 =	vld [tilespmem:s22+$0x103D0]  }
0x230: {  	v7 =	vld [tilespmem:s22+$0x103E0]  }
0x231: {  	v6 =	vld [tilespmem:s22+$0x103F0]  }
0x232: {  	v30 =	vld [tilespmem:s22+$0xC300]  }
0x233: {  	v31 =	vld [tilespmem:s22+$0xC310]  }
0x234: {  	v32 =	vld [tilespmem:s22+$0xC320]  }
0x235: {  	v33 =	vld [tilespmem:s22+$0xC330]  }
0x236: {  	v34 =	vld [tilespmem:s22+$0xC340]  }
0x237: {  	v19 =	vadd.f32 v19, v30;
	v30 =	vld [tilespmem:s22+$0xC350]  }
0x238: {  	v21 =	vadd.f32 v21, v31;
	v31 =	vld [tilespmem:s22+$0xC360]  }
0x239: {  	v14 =	vadd.f32 v14, v19;
	v19 =	vadd.f32 v22, v32;
	v22 =	vld [tilespmem:s22+$0xC370]  }
0x23a: {  	v15 =	vadd.f32 v15, v21;
	v21 =	vadd.f32 v23, v33;
	v23 =	vld [tilespmem:s22+$0xC380]  }
0x23b: {  	[tilespmem:s22+$0xC300] =	vst v14;
	v14 =	vadd.f32 v16, v19;
	v16 =	vadd.f32 v24, v34;
	v24 =	vld [tilespmem:s22+$0xC390]  }
.Ltmp3:
0x23c: {  	[tilespmem:s22+$0xC310] =	vst v15;
	v15 =	vadd.f32 v12, v21;
	v19 =	vadd.f32 v25, v30;
	v12 =	vld [tilespmem:s22+$0xC3A0];
	(pc) =	sbr.rel @p0 .LBB2_8-.Ltmp3, $4  }
0x23d: {  	[tilespmem:s22+$0xC320] =	vst v14;
	v16 =	vadd.f32 v13, v16;
	v21 =	vadd.f32 v26, v31;
	v13 =	vld [tilespmem:s22+$0xC3B0]  }
0x23e: {  	[tilespmem:s22+$0xC330] =	vst v15;
	v17 =	vadd.f32 v17, v19;
	v22 =	vadd.f32 v27, v22;
	v14 =	vld [tilespmem:s22+$0xC3C0]  }
0x23f: {  	[tilespmem:s22+$0xC340] =	vst v16;
	v19 =	vadd.f32 v18, v21;
	v18 =	vadd.f32 v28, v23;
	v15 =	vld [tilespmem:s22+$0xC3D0]  }
0x240: {  	s23 =	sadd.s32 $0x400, s23;
	[tilespmem:s22+$0xC350] =	vst v17;
	v20 =	vadd.f32 v20, v22;
	v17 =	vadd.f32 v29, v24;
	v16 =	vld [tilespmem:s22+$0xC3E0]  }
0x241: {  	[tilespmem:s22+$0xC360] =	vst v19;
	v19 =	vld [tilespmem:s22+$0xC3F0];
	v5 =	vadd.f32 v5, v18;
	v11 =	vadd.f32 v11, v12  }
0x242: {  	v12 =	vld [tilespmem:s22+$0x143E0];
	[tilespmem:s22+$0xC370] =	vst v20;
	v4 =	vadd.f32 v4, v17;
	v10 =	vadd.f32 v10, v13  }
0x243: {  	[tilespmem:s22+$0xC380] =	vst v5;
	v3 =	vadd.f32 v3, v11;
	v5 =	vadd.f32 v9, v14;
	v9 =	vld [tilespmem:s22+$0x143F0]  }
0x244: {  	[tilespmem:s22+$0xC390] =	vst v4;
	v2 =	vadd.f32 v2, v10;
	v4 =	vadd.f32 v8, v15  }
0x245: {  	[tilespmem:s22+$0xC3A0] =	vst v3;
	v1 =	vadd.f32 v1, v5;
	v3 =	vadd.f32 v7, v16  }
0x246: {  	[tilespmem:s22+$0xC3B0] =	vst v2;
	v0 =	vadd.f32 v0, v4;
	v2 =	vadd.f32 v6, v19  }
0x247: {  	[tilespmem:s22+$0xC3C0] =	vst v1;
	v1 =	vadd.f32 v12, v3  }
0x248: {  	[tilespmem:s22+$0xC3D0] =	vst v0;
	v0 =	vadd.f32 v9, v2  }
0x249: {  	[tilespmem:s22+$0xC3E0] =	vst v1  }
0x24a: {  	[tilespmem:s22+$0xC3F0] =	vst v0;
	s22 =	simm.s32 $0x0  }
0x24b: {  	[hbm4b:s30+s22] =	stream.linear.scatter [tilespmem:s14], [sflag:$0x4], $0x4000, $0x38;
	[tilespmem:$0x18300] =	vst v63  }
0x24c: {  	_ =	swait.ge [sflag:s20], $0x4000  }
0x24d: {  	[sflag:s20] =	ssyncset.done $0x0  }
0x24e: {  	s23 =	rddreg [dreg:$0x12];
	[sflag:s20] =	ssyncadd.s32 $0xFFFFC000  }
0x24f: {  	[tilespmem:s11], [sflag:$0x5] =	stream.linear.gather [hbm4b:s23+s22], $0x80, $0x38;
	[tilespmem:$0x18300] =	vst v63  }
0x250: {  	_ =	swait.ge [sflag:s5], $0x80  }
0x251: {  	[sflag:s5] =	ssyncset.done $0x0  }
0x252: {  	s24 =	rddreg [dreg:$0x13];
	[sflag:s5] =	ssyncadd.s32 $0xFFFFFF80  }
0x253: {  	[tilespmem:s12], [sflag:$0x5] =	stream.linear.gather [hbm4b:s24+s22], $0x80, $0x38;
	[tilespmem:$0x18300] =	vst v63  }
0x254: {  	_ =	swait.ge [sflag:s5], $0x80  }
0x255: {  	[sflag:s5] =	ssyncset.done $0x0  }
0x256: {  	s24 =	rddreg [dreg:$0x14];
	[sflag:s5] =	ssyncadd.s32 $0xFFFFFF80  }
0x257: {  	[tilespmem:s13], [sflag:$0x5] =	stream.linear.gather [hbm4b:s24+s22], $0x80, $0x38;
	[tilespmem:$0x18300] =	vst v63  }
0x258: {  	_ =	swait.ge [sflag:s5], $0x80  }
0x259: {  	[sflag:s5] =	ssyncset.done $0x0  }
0x25a: {  	[sflag:s5] =	ssyncadd.s32 $0xFFFFFF80  }
0x25b: {  	[tilespmem:s14], [sflag:$0x2] =	stream.indirect.gather [hbm4b:s3+s6], $0x80, s11, s6, $0xb8;
	[tilespmem:$0x18300] =	vst v63  }
0x25c: {  	_ = 	snop  }
0x25d: {  	[tilespmem:s15], [sflag:$0x2] =	stream.indirect.gather [hbm4b:s3+s6], $0x80, s12, s6, $0xb8;
	[tilespmem:$0x18300] =	vst v63  }
0x25e: {  	_ = 	snop  }
0x25f: {  	[tilespmem:s16], [sflag:$0x2] =	stream.indirect.gather [hbm4b:s3+s6], $0x80, s13, s6, $0xb8;
	[tilespmem:$0x18300] =	vst v63  }
0x260: {  	_ =	swait.ge [sflag:s17], $0x4000  }
0x261: {  	[sflag:s17] =	ssyncset.done $0x0  }
0x262: {  	[sflag:s17] =	ssyncadd.s32 $0xFFFFC000  }
0x263: {  	_ =	swait.ge [sflag:s17], $0x4000  }
0x264: {  	[sflag:s17] =	ssyncset.done $0x0  }
0x265: {  	[sflag:s17] =	ssyncadd.s32 $0xFFFFC000  }
0x266: {  	_ =	swait.ge [sflag:s17], $0x4000  }
0x267: {  	[sflag:s17] =	ssyncset.done $0x0  }
0x268: {  	s22 =	simm.s32 $0x0;
	[sflag:s17] =	ssyncadd.s32 $0xFFFFC000  }
0x269: {  	v12 =	vld [tilespmem:s22+$0x8300]  }
0x26a: {  	v13 =	vld [tilespmem:s22+$0x8310]  }
0x26b: {  	v14 =	vld [tilespmem:s22+$0x8320]  }
0x26c: {  	v15 =	vld [tilespmem:s22+$0x8330]  }
0x26d: {  	v16 =	vld [tilespmem:s22+$0x8340]  }
0x26e: {  	v17 =	vld [tilespmem:s22+$0x8350]  }
0x26f: {  	v18 =	vld [tilespmem:s22+$0x8360]  }
0x270: {  	v20 =	vld [tilespmem:s22+$0x8370]  }
0x271: {  	v5 =	vld [tilespmem:s22+$0x8380]  }
0x272: {  	v4 =	vld [tilespmem:s22+$0x8390]  }
0x273: {  	v3 =	vld [tilespmem:s22+$0x83A0]  }
0x274: {  	v2 =	vld [tilespmem:s22+$0x83B0]  }
0x275: {  	v1 =	vld [tilespmem:s22+$0x83C0]  }
0x276: {  	v0 =	vld [tilespmem:s22+$0x83D0]  }
0x277: {  	v19 =	vld [tilespmem:s22+$0x4300]  }
0x278: {  	v21 =	vld [tilespmem:s22+$0x4310]  }
0x279: {  	v22 =	vld [tilespmem:s22+$0x4320]  }
0x27a: {  	v23 =	vld [tilespmem:s22+$0x4330]  }
0x27b: {  	v24 =	vld [tilespmem:s22+$0x4340]  }
0x27c: {  	v25 =	vld [tilespmem:s22+$0x4350]  }
0x27d: {  	v26 =	vld [tilespmem:s22+$0x4360]  }
0x27e: {  	v27 =	vld [tilespmem:s22+$0x4370]  }
0x27f: {  	v28 =	vld [tilespmem:s22+$0x4380]  }
0x280: {  	v29 =	vld [tilespmem:s22+$0x4390]  }
0x281: {  	v11 =	vld [tilespmem:s22+$0x43A0]  }
0x282: {  	v10 =	vld [tilespmem:s22+$0x43B0]  }
0x283: {  	v9 =	vld [tilespmem:s22+$0x43C0]  }
0x284: {  	v8 =	vld [tilespmem:s22+$0x43D0]  }
0x285: {  	v30 =	vld [tilespmem:s22+$0x300]  }
0x286: {  	v31 =	vld [tilespmem:s22+$0x310]  }
0x287: {  	v32 =	vld [tilespmem:s22+$0x320]  }
0x288: {  	v33 =	vld [tilespmem:s22+$0x330]  }
0x289: {  	v7 =	vld [tilespmem:s22+$0x43E0]  }
0x28a: {  	v34 =	vld [tilespmem:s22+$0x340]  }
0x28b: {  	v6 =	vld [tilespmem:s22+$0x43F0]  }
0x28c: {  	v62 =	vld [tilespmem:s22+$0x350];
	v19 =	vadd.f32 v19, v30;
	v21 =	vadd.f32 v21, v31  }
0x28d: {  	v35 =	vld [tilespmem:s22+$0x360];
	v22 =	vadd.f32 v22, v32;
	v23 =	vadd.f32 v23, v33  }
0x28e: {  	v12 =	vadd.f32 v12, v19;
	v19 =	vld [tilespmem:s22+$0x370];
	v13 =	vadd.f32 v13, v21  }
0x28f: {  	v63 =	vld [tilespmem:s22+$0x380];
	v14 =	vadd.f32 v14, v22;
	v22 =	vadd.f32 v24, v34  }
0x290: {  	v21 =	vld [tilespmem:s22+$0x390];
	v15 =	vadd.f32 v15, v23;
	[tilespmem:s22+$0x300] =	vst v12  }
0x291: {  	v23 =	vadd.f32 v25, v62;
	[tilespmem:s22+$0x310] =	vst v13;
	v12 =	vld [tilespmem:s22+$0x3A0];
	v16 =	vadd.f32 v16, v22  }
0x292: {  	[tilespmem:s22+$0x320] =	vst v14;
	v13 =	vld [tilespmem:s22+$0x3B0];
	v22 =	vadd.f32 v26, v35  }
0x293: {  	v14 =	vld [tilespmem:s22+$0x3C0];
	v17 =	vadd.f32 v17, v23;
	[tilespmem:s22+$0x340] =	vst v16;
	v16 =	vadd.f32 v27, v19  }
0x294: {  	[tilespmem:s22+$0x330] =	vst v15;
	v15 =	vld [tilespmem:s22+$0x3D0];
	v19 =	vadd.f32 v18, v22;
	v18 =	vadd.f32 v28, v63  }
0x295: {  	s23 =	simm.s32 $0x400;
	[tilespmem:s22+$0x350] =	vst v17;
	v17 =	vadd.f32 v29, v21;
	v20 =	vadd.f32 v20, v16;
	v16 =	vld [tilespmem:s22+$0x3E0]  }
.LBB2_10:
0x296: {  	p0 =	sne.s32 s23, $0xFC00;
	[tilespmem:s22+$0x360] =	vst v19;
	v5 =	vadd.f32 v5, v18;
	v11 =	vadd.f32 v11, v12;
	v12 =	vld [tilespmem:s22+$0x3F0]  }
0x297: {  	[tilespmem:s22+$0x370] =	vst v20;
	v4 =	vadd.f32 v4, v17;
	v10 =	vadd.f32 v10, v13;
	v13 =	vld [tilespmem:s22+$0x83E0]  }
0x298: {  	s24 =	sshra.s32 s23, $0x2;
	[tilespmem:s22+$0x380] =	vst v5;
	v3 =	vadd.f32 v3, v11;
	v5 =	vadd.f32 v9, v14;
	v9 =	vld [tilespmem:s22+$0x83F0]  }
0x299: {  	v14 =	vld [tilespmem:s24+$0x8300];
	[tilespmem:s22+$0x390] =	vst v4;
	v2 =	vadd.f32 v2, v10;
	v4 =	vadd.f32 v8, v15  }
0x29a: {  	v15 =	vld [tilespmem:s24+$0x8310];
	[tilespmem:s22+$0x3A0] =	vst v3;
	v1 =	vadd.f32 v1, v5;
	v3 =	vadd.f32 v7, v16  }
0x29b: {  	v16 =	vld [tilespmem:s24+$0x8320];
	[tilespmem:s22+$0x3B0] =	vst v2;
	v0 =	vadd.f32 v0, v4;
	v2 =	vadd.f32 v6, v12  }
0x29c: {  	v12 =	vld [tilespmem:s24+$0x8330];
	[tilespmem:s22+$0x3C0] =	vst v1;
	v1 =	vadd.f32 v13, v3  }
0x29d: {  	v13 =	vld [tilespmem:s24+$0x8340];
	[tilespmem:s22+$0x3D0] =	vst v0;
	v0 =	vadd.f32 v9, v2  }
0x29e: {  	v17 =	vld [tilespmem:s24+$0x8350];
	[tilespmem:s22+$0x3E0] =	vst v1  }
0x29f: {  	v18 =	vld [tilespmem:s24+$0x8360];
	[tilespmem:s22+$0x3F0] =	vst v0;
	s22 =	smov.u32 s24  }
0x2a0: {  	v20 =	vld [tilespmem:s22+$0x8370]  }
0x2a1: {  	v5 =	vld [tilespmem:s22+$0x8380]  }
0x2a2: {  	v4 =	vld [tilespmem:s22+$0x8390]  }
0x2a3: {  	v3 =	vld [tilespmem:s22+$0x83A0]  }
0x2a4: {  	v2 =	vld [tilespmem:s22+$0x83B0]  }
0x2a5: {  	v1 =	vld [tilespmem:s22+$0x83C0]  }
0x2a6: {  	v0 =	vld [tilespmem:s22+$0x83D0]  }
0x2a7: {  	v19 =	vld [tilespmem:s22+$0x4300]  }
0x2a8: {  	v21 =	vld [tilespmem:s22+$0x4310]  }
0x2a9: {  	v22 =	vld [tilespmem:s22+$0x4320]  }
0x2aa: {  	v23 =	vld [tilespmem:s22+$0x4330]  }
0x2ab: {  	v24 =	vld [tilespmem:s22+$0x4340]  }
0x2ac: {  	v25 =	vld [tilespmem:s22+$0x4350]  }
0x2ad: {  	v26 =	vld [tilespmem:s22+$0x4360]  }
0x2ae: {  	v27 =	vld [tilespmem:s22+$0x4370]  }
0x2af: {  	v28 =	vld [tilespmem:s22+$0x4380]  }
0x2b0: {  	v29 =	vld [tilespmem:s22+$0x4390]  }
0x2b1: {  	v11 =	vld [tilespmem:s22+$0x43A0]  }
0x2b2: {  	v10 =	vld [tilespmem:s22+$0x43B0]  }
0x2b3: {  	v9 =	vld [tilespmem:s22+$0x43C0]  }
0x2b4: {  	v8 =	vld [tilespmem:s22+$0x43D0]  }
0x2b5: {  	v7 =	vld [tilespmem:s22+$0x43E0]  }
0x2b6: {  	v6 =	vld [tilespmem:s22+$0x43F0]  }
0x2b7: {  	v30 =	vld [tilespmem:s22+$0x300]  }
0x2b8: {  	v31 =	vld [tilespmem:s22+$0x310]  }
0x2b9: {  	v32 =	vld [tilespmem:s22+$0x320]  }
0x2ba: {  	v33 =	vld [tilespmem:s22+$0x330]  }
0x2bb: {  	v34 =	vld [tilespmem:s22+$0x340]  }
0x2bc: {  	v19 =	vadd.f32 v19, v30;
	v30 =	vld [tilespmem:s22+$0x350]  }
0x2bd: {  	v21 =	vadd.f32 v21, v31;
	v31 =	vld [tilespmem:s22+$0x360]  }
0x2be: {  	v14 =	vadd.f32 v14, v19;
	v19 =	vadd.f32 v22, v32;
	v22 =	vld [tilespmem:s22+$0x370]  }
0x2bf: {  	v15 =	vadd.f32 v15, v21;
	v21 =	vadd.f32 v23, v33;
	v23 =	vld [tilespmem:s22+$0x380]  }
0x2c0: {  	[tilespmem:s22+$0x300] =	vst v14;
	v14 =	vadd.f32 v16, v19;
	v16 =	vadd.f32 v24, v34;
	v24 =	vld [tilespmem:s22+$0x390]  }
.Ltmp4:
0x2c1: {  	[tilespmem:s22+$0x310] =	vst v15;
	v15 =	vadd.f32 v12, v21;
	v19 =	vadd.f32 v25, v30;
	v12 =	vld [tilespmem:s22+$0x3A0];
	(pc) =	sbr.rel @p0 .LBB2_10-.Ltmp4, $4  }
0x2c2: {  	[tilespmem:s22+$0x320] =	vst v14;
	v16 =	vadd.f32 v13, v16;
	v21 =	vadd.f32 v26, v31;
	v13 =	vld [tilespmem:s22+$0x3B0]  }
0x2c3: {  	[tilespmem:s22+$0x330] =	vst v15;
	v17 =	vadd.f32 v17, v19;
	v22 =	vadd.f32 v27, v22;
	v14 =	vld [tilespmem:s22+$0x3C0]  }
0x2c4: {  	[tilespmem:s22+$0x340] =	vst v16;
	v19 =	vadd.f32 v18, v21;
	v18 =	vadd.f32 v28, v23;
	v15 =	vld [tilespmem:s22+$0x3D0]  }
0x2c5: {  	s23 =	sadd.s32 $0x400, s23;
	[tilespmem:s22+$0x350] =	vst v17;
	v20 =	vadd.f32 v20, v22;
	v17 =	vadd.f32 v29, v24;
	v16 =	vld [tilespmem:s22+$0x3E0]  }
0x2c6: {  	[tilespmem:s22+$0x360] =	vst v19;
	v19 =	vld [tilespmem:s22+$0x3F0];
	v5 =	vadd.f32 v5, v18;
	v11 =	vadd.f32 v11, v12  }
0x2c7: {  	v12 =	vld [tilespmem:s22+$0x83E0];
	[tilespmem:s22+$0x370] =	vst v20;
	v4 =	vadd.f32 v4, v17;
	v10 =	vadd.f32 v10, v13  }
0x2c8: {  	[tilespmem:s22+$0x380] =	vst v5;
	v3 =	vadd.f32 v3, v11;
	v5 =	vadd.f32 v9, v14;
	v9 =	vld [tilespmem:s22+$0x83F0]  }
0x2c9: {  	[tilespmem:s22+$0x390] =	vst v4;
	v2 =	vadd.f32 v2, v10;
	v4 =	vadd.f32 v8, v15  }
0x2ca: {  	[tilespmem:s22+$0x3A0] =	vst v3;
	v1 =	vadd.f32 v1, v5;
	v3 =	vadd.f32 v7, v16  }
0x2cb: {  	[tilespmem:s22+$0x3B0] =	vst v2;
	v0 =	vadd.f32 v0, v4;
	v2 =	vadd.f32 v6, v19  }
0x2cc: {  	[tilespmem:s22+$0x3C0] =	vst v1;
	v1 =	vadd.f32 v12, v3  }
0x2cd: {  	[tilespmem:s22+$0x3D0] =	vst v0;
	v0 =	vadd.f32 v9, v2  }
0x2ce: {  	[tilespmem:s22+$0x3E0] =	vst v1  }
0x2cf: {  	[tilespmem:s22+$0x3F0] =	vst v0;
	s22 =	simm.s32 $0x0  }
0x2d0: {  	[hbm4b:s31+s22] =	stream.linear.scatter [tilespmem:s8], [sflag:$0x3], $0x4000, $0x38;
	[tilespmem:$0x18300] =	vst v63  }
0x2d1: {  	_ =	swait.ge [sflag:s18], $0x4000  }
0x2d2: {  	[sflag:s18] =	ssyncset.done $0x0  }
0x2d3: {  	s23 =	rddreg [dreg:$0x15];
	[sflag:s18] =	ssyncadd.s32 $0xFFFFC000  }
0x2d4: {  	[tilespmem:s22], [sflag:$0x5] =	stream.linear.gather [hbm4b:s23+s22], $0x80, $0x38;
	[tilespmem:$0x18300] =	vst v63  }
0x2d5: {  	_ =	swait.ge [sflag:s5], $0x80  }
0x2d6: {  	[sflag:s5] =	ssyncset.done $0x0  }
0x2d7: {  	s24 =	rddreg [dreg:$0x16];
	[sflag:s5] =	ssyncadd.s32 $0xFFFFFF80  }
0x2d8: {  	[tilespmem:s6], [sflag:$0x5] =	stream.linear.gather [hbm4b:s24+s22], $0x80, $0x38;
	[tilespmem:$0x18300] =	vst v63  }
0x2d9: {  	_ =	swait.ge [sflag:s5], $0x80  }
0x2da: {  	[sflag:s5] =	ssyncset.done $0x0  }
0x2db: {  	s24 =	rddreg [dreg:$0x17];
	[sflag:s5] =	ssyncadd.s32 $0xFFFFFF80  }
0x2dc: {  	[tilespmem:s7], [sflag:$0x5] =	stream.linear.gather [hbm4b:s24+s22], $0x80, $0x38;
	[tilespmem:$0x18300] =	vst v63  }
0x2dd: {  	_ =	swait.ge [sflag:s5], $0x80  }
0x2de: {  	[sflag:s5] =	ssyncset.done $0x0  }
0x2df: {  	[sflag:s5] =	ssyncadd.s32 $0xFFFFFF80  }
0x2e0: {  	[tilespmem:s8], [sflag:$0x1] =	stream.indirect.gather [hbm4b:s3+s6], $0x80, s22, s6, $0xb8;
	[tilespmem:$0x18300] =	vst v63  }
0x2e1: {  	_ = 	snop  }
0x2e2: {  	[tilespmem:s9], [sflag:$0x1] =	stream.indirect.gather [hbm4b:s3+s6], $0x80, s6, s6, $0xb8;
	[tilespmem:$0x18300] =	vst v63  }
0x2e3: {  	_ = 	snop  }
0x2e4: {  	[tilespmem:s10], [sflag:$0x1] =	stream.indirect.gather [hbm4b:s3+s6], $0x80, s7, s6, $0xb8;
	[tilespmem:$0x18300] =	vst v63  }
0x2e5: {  	_ =	swait.ge [sflag:s19], $0x4000  }
0x2e6: {  	[sflag:s19] =	ssyncset.done $0x0  }
0x2e7: {  	[sflag:s19] =	ssyncadd.s32 $0xFFFFC000  }
0x2e8: {  	_ =	swait.ge [sflag:s19], $0x4000  }
0x2e9: {  	[sflag:s19] =	ssyncset.done $0x0  }
0x2ea: {  	[sflag:s19] =	ssyncadd.s32 $0xFFFFC000  }
0x2eb: {  	_ =	swait.ge [sflag:s19], $0x4000  }
0x2ec: {  	[sflag:s19] =	ssyncset.done $0x0  }
0x2ed: {  	s22 =	simm.s32 $0x0;
	[sflag:s19] =	ssyncadd.s32 $0xFFFFC000  }
0x2ee: {  	v12 =	vld [tilespmem:s22+$0x14300]  }
0x2ef: {  	v13 =	vld [tilespmem:s22+$0x14310]  }
0x2f0: {  	v14 =	vld [tilespmem:s22+$0x14320]  }
0x2f1: {  	v15 =	vld [tilespmem:s22+$0x14330]  }
0x2f2: {  	v16 =	vld [tilespmem:s22+$0x14340]  }
0x2f3: {  	v17 =	vld [tilespmem:s22+$0x14350]  }
0x2f4: {  	v18 =	vld [tilespmem:s22+$0x14360]  }
0x2f5: {  	v20 =	vld [tilespmem:s22+$0x14370]  }
0x2f6: {  	v5 =	vld [tilespmem:s22+$0x14380]  }
0x2f7: {  	v4 =	vld [tilespmem:s22+$0x14390]  }
0x2f8: {  	v3 =	vld [tilespmem:s22+$0x143A0]  }
0x2f9: {  	v2 =	vld [tilespmem:s22+$0x143B0]  }
0x2fa: {  	v1 =	vld [tilespmem:s22+$0x143C0]  }
0x2fb: {  	v0 =	vld [tilespmem:s22+$0x143D0]  }
0x2fc: {  	v19 =	vld [tilespmem:s22+$0x10300]  }
0x2fd: {  	v21 =	vld [tilespmem:s22+$0x10310]  }
0x2fe: {  	v22 =	vld [tilespmem:s22+$0x10320]  }
0x2ff: {  	v23 =	vld [tilespmem:s22+$0x10330]  }
0x300: {  	v24 =	vld [tilespmem:s22+$0x10340]  }
0x301: {  	v25 =	vld [tilespmem:s22+$0x10350]  }
0x302: {  	v26 =	vld [tilespmem:s22+$0x10360]  }
0x303: {  	v27 =	vld [tilespmem:s22+$0x10370]  }
0x304: {  	v28 =	vld [tilespmem:s22+$0x10380]  }
0x305: {  	v29 =	vld [tilespmem:s22+$0x10390]  }
0x306: {  	v11 =	vld [tilespmem:s22+$0x103A0]  }
0x307: {  	v10 =	vld [tilespmem:s22+$0x103B0]  }
0x308: {  	v9 =	vld [tilespmem:s22+$0x103C0]  }
0x309: {  	v8 =	vld [tilespmem:s22+$0x103D0]  }
0x30a: {  	v30 =	vld [tilespmem:s22+$0xC300]  }
0x30b: {  	v31 =	vld [tilespmem:s22+$0xC310]  }
0x30c: {  	v32 =	vld [tilespmem:s22+$0xC320]  }
0x30d: {  	v33 =	vld [tilespmem:s22+$0xC330]  }
0x30e: {  	v7 =	vld [tilespmem:s22+$0x103E0]  }
0x30f: {  	v34 =	vld [tilespmem:s22+$0xC340]  }
0x310: {  	v6 =	vld [tilespmem:s22+$0x103F0]  }
0x311: {  	v62 =	vld [tilespmem:s22+$0xC350];
	v19 =	vadd.f32 v19, v30;
	v21 =	vadd.f32 v21, v31  }
0x312: {  	v35 =	vld [tilespmem:s22+$0xC360];
	v22 =	vadd.f32 v22, v32;
	v23 =	vadd.f32 v23, v33  }
0x313: {  	v12 =	vadd.f32 v12, v19;
	v19 =	vld [tilespmem:s22+$0xC370];
	v13 =	vadd.f32 v13, v21  }
0x314: {  	v63 =	vld [tilespmem:s22+$0xC380];
	v14 =	vadd.f32 v14, v22;
	v22 =	vadd.f32 v24, v34  }
0x315: {  	v21 =	vld [tilespmem:s22+$0xC390];
	v15 =	vadd.f32 v15, v23;
	[tilespmem:s22+$0xC300] =	vst v12  }
0x316: {  	v23 =	vadd.f32 v25, v62;
	[tilespmem:s22+$0xC310] =	vst v13;
	v12 =	vld [tilespmem:s22+$0xC3A0];
	v16 =	vadd.f32 v16, v22  }
0x317: {  	[tilespmem:s22+$0xC320] =	vst v14;
	v13 =	vld [tilespmem:s22+$0xC3B0];
	v22 =	vadd.f32 v26, v35  }
0x318: {  	v14 =	vld [tilespmem:s22+$0xC3C0];
	v17 =	vadd.f32 v17, v23;
	[tilespmem:s22+$0xC340] =	vst v16;
	v16 =	vadd.f32 v27, v19  }
0x319: {  	[tilespmem:s22+$0xC330] =	vst v15;
	v15 =	vld [tilespmem:s22+$0xC3D0];
	v19 =	vadd.f32 v18, v22;
	v18 =	vadd.f32 v28, v63  }
0x31a: {  	s23 =	simm.s32 $0x400;
	[tilespmem:s22+$0xC350] =	vst v17;
	v17 =	vadd.f32 v29, v21;
	v20 =	vadd.f32 v20, v16;
	v16 =	vld [tilespmem:s22+$0xC3E0]  }
.LBB2_12:
0x31b: {  	p0 =	sne.s32 s23, $0xFC00;
	[tilespmem:s22+$0xC360] =	vst v19;
	v5 =	vadd.f32 v5, v18;
	v11 =	vadd.f32 v11, v12;
	v12 =	vld [tilespmem:s22+$0xC3F0]  }
0x31c: {  	[tilespmem:s22+$0xC370] =	vst v20;
	v4 =	vadd.f32 v4, v17;
	v10 =	vadd.f32 v10, v13;
	v13 =	vld [tilespmem:s22+$0x143E0]  }
0x31d: {  	s24 =	sshra.s32 s23, $0x2;
	[tilespmem:s22+$0xC380] =	vst v5;
	v3 =	vadd.f32 v3, v11;
	v5 =	vadd.f32 v9, v14;
	v9 =	vld [tilespmem:s22+$0x143F0]  }
0x31e: {  	v14 =	vld [tilespmem:s24+$0x14300];
	[tilespmem:s22+$0xC390] =	vst v4;
	v2 =	vadd.f32 v2, v10;
	v4 =	vadd.f32 v8, v15  }
0x31f: {  	v15 =	vld [tilespmem:s24+$0x14310];
	[tilespmem:s22+$0xC3A0] =	vst v3;
	v1 =	vadd.f32 v1, v5;
	v3 =	vadd.f32 v7, v16  }
0x320: {  	v16 =	vld [tilespmem:s24+$0x14320];
	[tilespmem:s22+$0xC3B0] =	vst v2;
	v0 =	vadd.f32 v0, v4;
	v2 =	vadd.f32 v6, v12  }
0x321: {  	v12 =	vld [tilespmem:s24+$0x14330];
	[tilespmem:s22+$0xC3C0] =	vst v1;
	v1 =	vadd.f32 v13, v3  }
0x322: {  	v13 =	vld [tilespmem:s24+$0x14340];
	[tilespmem:s22+$0xC3D0] =	vst v0;
	v0 =	vadd.f32 v9, v2  }
0x323: {  	v17 =	vld [tilespmem:s24+$0x14350];
	[tilespmem:s22+$0xC3E0] =	vst v1  }
0x324: {  	v18 =	vld [tilespmem:s24+$0x14360];
	[tilespmem:s22+$0xC3F0] =	vst v0;
	s22 =	smov.u32 s24  }
0x325: {  	v20 =	vld [tilespmem:s22+$0x14370]  }
0x326: {  	v5 =	vld [tilespmem:s22+$0x14380]  }
0x327: {  	v4 =	vld [tilespmem:s22+$0x14390]  }
0x328: {  	v3 =	vld [tilespmem:s22+$0x143A0]  }
0x329: {  	v2 =	vld [tilespmem:s22+$0x143B0]  }
0x32a: {  	v1 =	vld [tilespmem:s22+$0x143C0]  }
0x32b: {  	v0 =	vld [tilespmem:s22+$0x143D0]  }
0x32c: {  	v19 =	vld [tilespmem:s22+$0x10300]  }
0x32d: {  	v21 =	vld [tilespmem:s22+$0x10310]  }
0x32e: {  	v22 =	vld [tilespmem:s22+$0x10320]  }
0x32f: {  	v23 =	vld [tilespmem:s22+$0x10330]  }
0x330: {  	v24 =	vld [tilespmem:s22+$0x10340]  }
0x331: {  	v25 =	vld [tilespmem:s22+$0x10350]  }
0x332: {  	v26 =	vld [tilespmem:s22+$0x10360]  }
0x333: {  	v27 =	vld [tilespmem:s22+$0x10370]  }
0x334: {  	v28 =	vld [tilespmem:s22+$0x10380]  }
0x335: {  	v29 =	vld [tilespmem:s22+$0x10390]  }
0x336: {  	v11 =	vld [tilespmem:s22+$0x103A0]  }
0x337: {  	v10 =	vld [tilespmem:s22+$0x103B0]  }
0x338: {  	v9 =	vld [tilespmem:s22+$0x103C0]  }
0x339: {  	v8 =	vld [tilespmem:s22+$0x103D0]  }
0x33a: {  	v7 =	vld [tilespmem:s22+$0x103E0]  }
0x33b: {  	v6 =	vld [tilespmem:s22+$0x103F0]  }
0x33c: {  	v30 =	vld [tilespmem:s22+$0xC300]  }
0x33d: {  	v31 =	vld [tilespmem:s22+$0xC310]  }
0x33e: {  	v32 =	vld [tilespmem:s22+$0xC320]  }
0x33f: {  	v33 =	vld [tilespmem:s22+$0xC330]  }
0x340: {  	v34 =	vld [tilespmem:s22+$0xC340]  }
0x341: {  	v19 =	vadd.f32 v19, v30;
	v30 =	vld [tilespmem:s22+$0xC350]  }
0x342: {  	v21 =	vadd.f32 v21, v31;
	v31 =	vld [tilespmem:s22+$0xC360]  }
0x343: {  	v14 =	vadd.f32 v14, v19;
	v19 =	vadd.f32 v22, v32;
	v22 =	vld [tilespmem:s22+$0xC370]  }
0x344: {  	v15 =	vadd.f32 v15, v21;
	v21 =	vadd.f32 v23, v33;
	v23 =	vld [tilespmem:s22+$0xC380]  }
0x345: {  	[tilespmem:s22+$0xC300] =	vst v14;
	v14 =	vadd.f32 v16, v19;
	v16 =	vadd.f32 v24, v34;
	v24 =	vld [tilespmem:s22+$0xC390]  }
.Ltmp5:
0x346: {  	[tilespmem:s22+$0xC310] =	vst v15;
	v15 =	vadd.f32 v12, v21;
	v19 =	vadd.f32 v25, v30;
	v12 =	vld [tilespmem:s22+$0xC3A0];
	(pc) =	sbr.rel @p0 .LBB2_12-.Ltmp5, $4  }
0x347: {  	[tilespmem:s22+$0xC320] =	vst v14;
	v16 =	vadd.f32 v13, v16;
	v21 =	vadd.f32 v26, v31;
	v13 =	vld [tilespmem:s22+$0xC3B0]  }
0x348: {  	[tilespmem:s22+$0xC330] =	vst v15;
	v17 =	vadd.f32 v17, v19;
	v22 =	vadd.f32 v27, v22;
	v14 =	vld [tilespmem:s22+$0xC3C0]  }
0x349: {  	[tilespmem:s22+$0xC340] =	vst v16;
	v19 =	vadd.f32 v18, v21;
	v18 =	vadd.f32 v28, v23;
	v15 =	vld [tilespmem:s22+$0xC3D0]  }
0x34a: {  	s23 =	sadd.s32 $0x400, s23;
	[tilespmem:s22+$0xC350] =	vst v17;
	v20 =	vadd.f32 v20, v22;
	v17 =	vadd.f32 v29, v24;
	v16 =	vld [tilespmem:s22+$0xC3E0]  }
0x34b: {  	[tilespmem:s22+$0xC360] =	vst v19;
	v19 =	vld [tilespmem:s22+$0xC3F0];
	v5 =	vadd.f32 v5, v18;
	v11 =	vadd.f32 v11, v12  }
0x34c: {  	v12 =	vld [tilespmem:s22+$0x143E0];
	[tilespmem:s22+$0xC370] =	vst v20;
	v4 =	vadd.f32 v4, v17;
	v10 =	vadd.f32 v10, v13  }
0x34d: {  	[tilespmem:s22+$0xC380] =	vst v5;
	v3 =	vadd.f32 v3, v11;
	v5 =	vadd.f32 v9, v14;
	v9 =	vld [tilespmem:s22+$0x143F0]  }
0x34e: {  	[tilespmem:s22+$0xC390] =	vst v4;
	v2 =	vadd.f32 v2, v10;
	v4 =	vadd.f32 v8, v15  }
0x34f: {  	[tilespmem:s22+$0xC3A0] =	vst v3;
	v1 =	vadd.f32 v1, v5;
	v3 =	vadd.f32 v7, v16  }
0x350: {  	[tilespmem:s22+$0xC3B0] =	vst v2;
	v0 =	vadd.f32 v0, v4;
	v2 =	vadd.f32 v6, v19  }
0x351: {  	[tilespmem:s22+$0xC3C0] =	vst v1;
	v1 =	vadd.f32 v12, v3  }
0x352: {  	[tilespmem:s22+$0xC3D0] =	vst v0;
	v0 =	vadd.f32 v9, v2  }
0x353: {  	[tilespmem:s22+$0xC3E0] =	vst v1  }
0x354: {  	[tilespmem:s22+$0xC3F0] =	vst v0;
	s22 =	simm.s32 $0x0  }
0x355: {  	[hbm4b:s0+s22] =	stream.linear.scatter [tilespmem:s14], [sflag:$0x4], $0x4000, $0x38;
	[tilespmem:$0x18300] =	vst v63  }
0x356: {  	_ =	swait.ge [sflag:s20], $0x4000  }
0x357: {  	[sflag:s20] =	ssyncset.done $0x0  }
0x358: {  	s23 =	rddreg [dreg:$0x18];
	[sflag:s20] =	ssyncadd.s32 $0xFFFFC000  }
0x359: {  	[tilespmem:s11], [sflag:$0x5] =	stream.linear.gather [hbm4b:s23+s22], $0x80, $0x38;
	[tilespmem:$0x18300] =	vst v63  }
0x35a: {  	_ =	swait.ge [sflag:s5], $0x80  }
0x35b: {  	[sflag:s5] =	ssyncset.done $0x0  }
0x35c: {  	s24 =	rddreg [dreg:$0x19];
	[sflag:s5] =	ssyncadd.s32 $0xFFFFFF80  }
0x35d: {  	[tilespmem:s12], [sflag:$0x5] =	stream.linear.gather [hbm4b:s24+s22], $0x80, $0x38;
	[tilespmem:$0x18300] =	vst v63  }
0x35e: {  	_ =	swait.ge [sflag:s5], $0x80  }
0x35f: {  	[sflag:s5] =	ssyncset.done $0x0  }
0x360: {  	s24 =	rddreg [dreg:$0x1a];
	[sflag:s5] =	ssyncadd.s32 $0xFFFFFF80  }
0x361: {  	[tilespmem:s13], [sflag:$0x5] =	stream.linear.gather [hbm4b:s24+s22], $0x80, $0x38;
	[tilespmem:$0x18300] =	vst v63  }
0x362: {  	_ =	swait.ge [sflag:s5], $0x80  }
0x363: {  	[sflag:s5] =	ssyncset.done $0x0  }
0x364: {  	[sflag:s5] =	ssyncadd.s32 $0xFFFFFF80  }
0x365: {  	[tilespmem:s14], [sflag:$0x2] =	stream.indirect.gather [hbm4b:s3+s6], $0x80, s11, s6, $0xb8;
	[tilespmem:$0x18300] =	vst v63  }
0x366: {  	_ = 	snop  }
0x367: {  	[tilespmem:s15], [sflag:$0x2] =	stream.indirect.gather [hbm4b:s3+s6], $0x80, s12, s6, $0xb8;
	[tilespmem:$0x18300] =	vst v63  }
0x368: {  	_ = 	snop  }
0x369: {  	[tilespmem:s16], [sflag:$0x2] =	stream.indirect.gather [hbm4b:s3+s6], $0x80, s13, s6, $0xb8;
	[tilespmem:$0x18300] =	vst v63  }
0x36a: {  	_ =	swait.ge [sflag:s17], $0x4000  }
0x36b: {  	[sflag:s17] =	ssyncset.done $0x0  }
0x36c: {  	[sflag:s17] =	ssyncadd.s32 $0xFFFFC000  }
0x36d: {  	_ =	swait.ge [sflag:s17], $0x4000  }
0x36e: {  	[sflag:s17] =	ssyncset.done $0x0  }
0x36f: {  	[sflag:s17] =	ssyncadd.s32 $0xFFFFC000  }
0x370: {  	_ =	swait.ge [sflag:s17], $0x4000  }
0x371: {  	[sflag:s17] =	ssyncset.done $0x0  }
0x372: {  	s22 =	simm.s32 $0x0;
	[sflag:s17] =	ssyncadd.s32 $0xFFFFC000  }
0x373: {  	v12 =	vld [tilespmem:s22+$0x8300]  }
0x374: {  	v13 =	vld [tilespmem:s22+$0x8310]  }
0x375: {  	v14 =	vld [tilespmem:s22+$0x8320]  }
0x376: {  	v15 =	vld [tilespmem:s22+$0x8330]  }
0x377: {  	v16 =	vld [tilespmem:s22+$0x8340]  }
0x378: {  	v17 =	vld [tilespmem:s22+$0x8350]  }
0x379: {  	v18 =	vld [tilespmem:s22+$0x8360]  }
0x37a: {  	v20 =	vld [tilespmem:s22+$0x8370]  }
0x37b: {  	v5 =	vld [tilespmem:s22+$0x8380]  }
0x37c: {  	v4 =	vld [tilespmem:s22+$0x8390]  }
0x37d: {  	v3 =	vld [tilespmem:s22+$0x83A0]  }
0x37e: {  	v2 =	vld [tilespmem:s22+$0x83B0]  }
0x37f: {  	v1 =	vld [tilespmem:s22+$0x83C0]  }
0x380: {  	v0 =	vld [tilespmem:s22+$0x83D0]  }
0x381: {  	v19 =	vld [tilespmem:s22+$0x4300]  }
0x382: {  	v21 =	vld [tilespmem:s22+$0x4310]  }
0x383: {  	v22 =	vld [tilespmem:s22+$0x4320]  }
0x384: {  	v23 =	vld [tilespmem:s22+$0x4330]  }
0x385: {  	v24 =	vld [tilespmem:s22+$0x4340]  }
0x386: {  	v25 =	vld [tilespmem:s22+$0x4350]  }
0x387: {  	v26 =	vld [tilespmem:s22+$0x4360]  }
0x388: {  	v27 =	vld [tilespmem:s22+$0x4370]  }
0x389: {  	v28 =	vld [tilespmem:s22+$0x4380]  }
0x38a: {  	v29 =	vld [tilespmem:s22+$0x4390]  }
0x38b: {  	v11 =	vld [tilespmem:s22+$0x43A0]  }
0x38c: {  	v10 =	vld [tilespmem:s22+$0x43B0]  }
0x38d: {  	v9 =	vld [tilespmem:s22+$0x43C0]  }
0x38e: {  	v8 =	vld [tilespmem:s22+$0x43D0]  }
0x38f: {  	v30 =	vld [tilespmem:s22+$0x300]  }
0x390: {  	v31 =	vld [tilespmem:s22+$0x310]  }
0x391: {  	v32 =	vld [tilespmem:s22+$0x320]  }
0x392: {  	v33 =	vld [tilespmem:s22+$0x330]  }
0x393: {  	v7 =	vld [tilespmem:s22+$0x43E0]  }
0x394: {  	v34 =	vld [tilespmem:s22+$0x340]  }
0x395: {  	v6 =	vld [tilespmem:s22+$0x43F0]  }
0x396: {  	v62 =	vld [tilespmem:s22+$0x350];
	v19 =	vadd.f32 v19, v30;
	v21 =	vadd.f32 v21, v31  }
0x397: {  	v35 =	vld [tilespmem:s22+$0x360];
	v22 =	vadd.f32 v22, v32;
	v23 =	vadd.f32 v23, v33  }
0x398: {  	v12 =	vadd.f32 v12, v19;
	v19 =	vld [tilespmem:s22+$0x370];
	v13 =	vadd.f32 v13, v21  }
0x399: {  	v63 =	vld [tilespmem:s22+$0x380];
	v14 =	vadd.f32 v14, v22;
	v22 =	vadd.f32 v24, v34  }
0x39a: {  	v21 =	vld [tilespmem:s22+$0x390];
	v15 =	vadd.f32 v15, v23;
	[tilespmem:s22+$0x300] =	vst v12  }
0x39b: {  	v23 =	vadd.f32 v25, v62;
	[tilespmem:s22+$0x310] =	vst v13;
	v12 =	vld [tilespmem:s22+$0x3A0];
	v16 =	vadd.f32 v16, v22  }
0x39c: {  	[tilespmem:s22+$0x320] =	vst v14;
	v13 =	vld [tilespmem:s22+$0x3B0];
	v22 =	vadd.f32 v26, v35  }
0x39d: {  	v14 =	vld [tilespmem:s22+$0x3C0];
	v17 =	vadd.f32 v17, v23;
	[tilespmem:s22+$0x340] =	vst v16;
	v16 =	vadd.f32 v27, v19  }
0x39e: {  	[tilespmem:s22+$0x330] =	vst v15;
	v15 =	vld [tilespmem:s22+$0x3D0];
	v19 =	vadd.f32 v18, v22;
	v18 =	vadd.f32 v28, v63  }
0x39f: {  	s23 =	simm.s32 $0x400;
	[tilespmem:s22+$0x350] =	vst v17;
	v17 =	vadd.f32 v29, v21;
	v20 =	vadd.f32 v20, v16;
	v16 =	vld [tilespmem:s22+$0x3E0]  }
.LBB2_14:
0x3a0: {  	p0 =	sne.s32 s23, $0xFC00;
	[tilespmem:s22+$0x360] =	vst v19;
	v5 =	vadd.f32 v5, v18;
	v11 =	vadd.f32 v11, v12;
	v12 =	vld [tilespmem:s22+$0x3F0]  }
0x3a1: {  	[tilespmem:s22+$0x370] =	vst v20;
	v4 =	vadd.f32 v4, v17;
	v10 =	vadd.f32 v10, v13;
	v13 =	vld [tilespmem:s22+$0x83E0]  }
0x3a2: {  	s24 =	sshra.s32 s23, $0x2;
	[tilespmem:s22+$0x380] =	vst v5;
	v3 =	vadd.f32 v3, v11;
	v5 =	vadd.f32 v9, v14;
	v9 =	vld [tilespmem:s22+$0x83F0]  }
0x3a3: {  	v14 =	vld [tilespmem:s24+$0x8300];
	[tilespmem:s22+$0x390] =	vst v4;
	v2 =	vadd.f32 v2, v10;
	v4 =	vadd.f32 v8, v15  }
0x3a4: {  	v15 =	vld [tilespmem:s24+$0x8310];
	[tilespmem:s22+$0x3A0] =	vst v3;
	v1 =	vadd.f32 v1, v5;
	v3 =	vadd.f32 v7, v16  }
0x3a5: {  	v16 =	vld [tilespmem:s24+$0x8320];
	[tilespmem:s22+$0x3B0] =	vst v2;
	v0 =	vadd.f32 v0, v4;
	v2 =	vadd.f32 v6, v12  }
0x3a6: {  	v12 =	vld [tilespmem:s24+$0x8330];
	[tilespmem:s22+$0x3C0] =	vst v1;
	v1 =	vadd.f32 v13, v3  }
0x3a7: {  	v13 =	vld [tilespmem:s24+$0x8340];
	[tilespmem:s22+$0x3D0] =	vst v0;
	v0 =	vadd.f32 v9, v2  }
0x3a8: {  	v17 =	vld [tilespmem:s24+$0x8350];
	[tilespmem:s22+$0x3E0] =	vst v1  }
0x3a9: {  	v18 =	vld [tilespmem:s24+$0x8360];
	[tilespmem:s22+$0x3F0] =	vst v0;
	s22 =	smov.u32 s24  }
0x3aa: {  	v20 =	vld [tilespmem:s22+$0x8370]  }
0x3ab: {  	v5 =	vld [tilespmem:s22+$0x8380]  }
0x3ac: {  	v4 =	vld [tilespmem:s22+$0x8390]  }
0x3ad: {  	v3 =	vld [tilespmem:s22+$0x83A0]  }
0x3ae: {  	v2 =	vld [tilespmem:s22+$0x83B0]  }
0x3af: {  	v1 =	vld [tilespmem:s22+$0x83C0]  }
0x3b0: {  	v0 =	vld [tilespmem:s22+$0x83D0]  }
0x3b1: {  	v19 =	vld [tilespmem:s22+$0x4300]  }
0x3b2: {  	v21 =	vld [tilespmem:s22+$0x4310]  }
0x3b3: {  	v22 =	vld [tilespmem:s22+$0x4320]  }
0x3b4: {  	v23 =	vld [tilespmem:s22+$0x4330]  }
0x3b5: {  	v24 =	vld [tilespmem:s22+$0x4340]  }
0x3b6: {  	v25 =	vld [tilespmem:s22+$0x4350]  }
0x3b7: {  	v26 =	vld [tilespmem:s22+$0x4360]  }
0x3b8: {  	v27 =	vld [tilespmem:s22+$0x4370]  }
0x3b9: {  	v28 =	vld [tilespmem:s22+$0x4380]  }
0x3ba: {  	v29 =	vld [tilespmem:s22+$0x4390]  }
0x3bb: {  	v11 =	vld [tilespmem:s22+$0x43A0]  }
0x3bc: {  	v10 =	vld [tilespmem:s22+$0x43B0]  }
0x3bd: {  	v9 =	vld [tilespmem:s22+$0x43C0]  }
0x3be: {  	v8 =	vld [tilespmem:s22+$0x43D0]  }
0x3bf: {  	v7 =	vld [tilespmem:s22+$0x43E0]  }
0x3c0: {  	v6 =	vld [tilespmem:s22+$0x43F0]  }
0x3c1: {  	v30 =	vld [tilespmem:s22+$0x300]  }
0x3c2: {  	v31 =	vld [tilespmem:s22+$0x310]  }
0x3c3: {  	v32 =	vld [tilespmem:s22+$0x320]  }
0x3c4: {  	v33 =	vld [tilespmem:s22+$0x330]  }
0x3c5: {  	v34 =	vld [tilespmem:s22+$0x340]  }
0x3c6: {  	v19 =	vadd.f32 v19, v30;
	v30 =	vld [tilespmem:s22+$0x350]  }
0x3c7: {  	v21 =	vadd.f32 v21, v31;
	v31 =	vld [tilespmem:s22+$0x360]  }
0x3c8: {  	v14 =	vadd.f32 v14, v19;
	v19 =	vadd.f32 v22, v32;
	v22 =	vld [tilespmem:s22+$0x370]  }
0x3c9: {  	v15 =	vadd.f32 v15, v21;
	v21 =	vadd.f32 v23, v33;
	v23 =	vld [tilespmem:s22+$0x380]  }
0x3ca: {  	[tilespmem:s22+$0x300] =	vst v14;
	v14 =	vadd.f32 v16, v19;
	v16 =	vadd.f32 v24, v34;
	v24 =	vld [tilespmem:s22+$0x390]  }
.Ltmp6:
0x3cb: {  	[tilespmem:s22+$0x310] =	vst v15;
	v15 =	vadd.f32 v12, v21;
	v19 =	vadd.f32 v25, v30;
	v12 =	vld [tilespmem:s22+$0x3A0];
	(pc) =	sbr.rel @p0 .LBB2_14-.Ltmp6, $4  }
0x3cc: {  	[tilespmem:s22+$0x320] =	vst v14;
	v16 =	vadd.f32 v13, v16;
	v21 =	vadd.f32 v26, v31;
	v13 =	vld [tilespmem:s22+$0x3B0]  }
0x3cd: {  	[tilespmem:s22+$0x330] =	vst v15;
	v17 =	vadd.f32 v17, v19;
	v22 =	vadd.f32 v27, v22;
	v14 =	vld [tilespmem:s22+$0x3C0]  }
0x3ce: {  	[tilespmem:s22+$0x340] =	vst v16;
	v19 =	vadd.f32 v18, v21;
	v18 =	vadd.f32 v28, v23;
	v15 =	vld [tilespmem:s22+$0x3D0]  }
0x3cf: {  	s23 =	sadd.s32 $0x400, s23;
	[tilespmem:s22+$0x350] =	vst v17;
	v20 =	vadd.f32 v20, v22;
	v17 =	vadd.f32 v29, v24;
	v16 =	vld [tilespmem:s22+$0x3E0]  }
0x3d0: {  	[tilespmem:s22+$0x360] =	vst v19;
	v19 =	vld [tilespmem:s22+$0x3F0];
	v5 =	vadd.f32 v5, v18;
	v11 =	vadd.f32 v11, v12  }
0x3d1: {  	v12 =	vld [tilespmem:s22+$0x83E0];
	[tilespmem:s22+$0x370] =	vst v20;
	v4 =	vadd.f32 v4, v17;
	v10 =	vadd.f32 v10, v13  }
0x3d2: {  	[tilespmem:s22+$0x380] =	vst v5;
	v3 =	vadd.f32 v3, v11;
	v5 =	vadd.f32 v9, v14;
	v9 =	vld [tilespmem:s22+$0x83F0]  }
0x3d3: {  	[tilespmem:s22+$0x390] =	vst v4;
	v2 =	vadd.f32 v2, v10;
	v4 =	vadd.f32 v8, v15  }
0x3d4: {  	[tilespmem:s22+$0x3A0] =	vst v3;
	v1 =	vadd.f32 v1, v5;
	v3 =	vadd.f32 v7, v16  }
0x3d5: {  	[tilespmem:s22+$0x3B0] =	vst v2;
	v0 =	vadd.f32 v0, v4;
	v2 =	vadd.f32 v6, v19  }
0x3d6: {  	[tilespmem:s22+$0x3C0] =	vst v1;
	v1 =	vadd.f32 v12, v3  }
0x3d7: {  	[tilespmem:s22+$0x3D0] =	vst v0;
	v0 =	vadd.f32 v9, v2  }
0x3d8: {  	[tilespmem:s22+$0x3E0] =	vst v1  }
0x3d9: {  	s24 =	simm.s32 $0x0;
	[tilespmem:s22+$0x3F0] =	vst v0  }
0x3da: {  	[hbm4b:s1+s24] =	stream.linear.scatter [tilespmem:s8], [sflag:$0x3], $0x4000, $0x38;
	[tilespmem:$0x18300] =	vst v63  }
0x3db: {  	_ =	swait.ge [sflag:s19], $0x4000  }
0x3dc: {  	[sflag:s19] =	ssyncset.done $0x0  }
0x3dd: {  	[sflag:s19] =	ssyncadd.s32 $0xFFFFC000  }
0x3de: {  	_ =	swait.ge [sflag:s19], $0x4000  }
0x3df: {  	[sflag:s19] =	ssyncset.done $0x0  }
0x3e0: {  	[sflag:s19] =	ssyncadd.s32 $0xFFFFC000  }
0x3e1: {  	_ =	swait.ge [sflag:s19], $0x4000  }
0x3e2: {  	[sflag:s19] =	ssyncset.done $0x0  }
0x3e3: {  	s22 =	simm.s32 $0x0;
	[sflag:s19] =	ssyncadd.s32 $0xFFFFC000  }
0x3e4: {  	v12 =	vld [tilespmem:s22+$0x14300]  }
0x3e5: {  	v13 =	vld [tilespmem:s22+$0x14310]  }
0x3e6: {  	v14 =	vld [tilespmem:s22+$0x14320]  }
0x3e7: {  	v15 =	vld [tilespmem:s22+$0x14330]  }
0x3e8: {  	v16 =	vld [tilespmem:s22+$0x14340]  }
0x3e9: {  	v17 =	vld [tilespmem:s22+$0x14350]  }
0x3ea: {  	v18 =	vld [tilespmem:s22+$0x14360]  }
0x3eb: {  	v20 =	vld [tilespmem:s22+$0x14370]  }
0x3ec: {  	v5 =	vld [tilespmem:s22+$0x14380]  }
0x3ed: {  	v4 =	vld [tilespmem:s22+$0x14390]  }
0x3ee: {  	v3 =	vld [tilespmem:s22+$0x143A0]  }
0x3ef: {  	v2 =	vld [tilespmem:s22+$0x143B0]  }
0x3f0: {  	v1 =	vld [tilespmem:s22+$0x143C0]  }
0x3f1: {  	v0 =	vld [tilespmem:s22+$0x143D0]  }
0x3f2: {  	v19 =	vld [tilespmem:s22+$0x10300]  }
0x3f3: {  	v21 =	vld [tilespmem:s22+$0x10310]  }
0x3f4: {  	v22 =	vld [tilespmem:s22+$0x10320]  }
0x3f5: {  	v23 =	vld [tilespmem:s22+$0x10330]  }
0x3f6: {  	v24 =	vld [tilespmem:s22+$0x10340]  }
0x3f7: {  	v25 =	vld [tilespmem:s22+$0x10350]  }
0x3f8: {  	v26 =	vld [tilespmem:s22+$0x10360]  }
0x3f9: {  	v27 =	vld [tilespmem:s22+$0x10370]  }
0x3fa: {  	v28 =	vld [tilespmem:s22+$0x10380]  }
0x3fb: {  	v29 =	vld [tilespmem:s22+$0x10390]  }
0x3fc: {  	v11 =	vld [tilespmem:s22+$0x103A0]  }
0x3fd: {  	v10 =	vld [tilespmem:s22+$0x103B0]  }
0x3fe: {  	v9 =	vld [tilespmem:s22+$0x103C0]  }
0x3ff: {  	v8 =	vld [tilespmem:s22+$0x103D0]  }
0x400: {  	v30 =	vld [tilespmem:s22+$0xC300]  }
0x401: {  	v31 =	vld [tilespmem:s22+$0xC310]  }
0x402: {  	v32 =	vld [tilespmem:s22+$0xC320]  }
0x403: {  	v33 =	vld [tilespmem:s22+$0xC330]  }
0x404: {  	v7 =	vld [tilespmem:s22+$0x103E0]  }
0x405: {  	v34 =	vld [tilespmem:s22+$0xC340]  }
0x406: {  	v6 =	vld [tilespmem:s22+$0x103F0]  }
0x407: {  	v62 =	vld [tilespmem:s22+$0xC350];
	v19 =	vadd.f32 v19, v30;
	v21 =	vadd.f32 v21, v31  }
0x408: {  	v35 =	vld [tilespmem:s22+$0xC360];
	v22 =	vadd.f32 v22, v32;
	v23 =	vadd.f32 v23, v33  }
0x409: {  	v12 =	vadd.f32 v12, v19;
	v19 =	vld [tilespmem:s22+$0xC370];
	v13 =	vadd.f32 v13, v21  }
0x40a: {  	v63 =	vld [tilespmem:s22+$0xC380];
	v14 =	vadd.f32 v14, v22;
	v22 =	vadd.f32 v24, v34  }
0x40b: {  	v21 =	vld [tilespmem:s22+$0xC390];
	v15 =	vadd.f32 v15, v23;
	[tilespmem:s22+$0xC300] =	vst v12  }
0x40c: {  	v23 =	vadd.f32 v25, v62;
	[tilespmem:s22+$0xC310] =	vst v13;
	v12 =	vld [tilespmem:s22+$0xC3A0];
	v16 =	vadd.f32 v16, v22  }
0x40d: {  	[tilespmem:s22+$0xC320] =	vst v14;
	v13 =	vld [tilespmem:s22+$0xC3B0];
	v22 =	vadd.f32 v26, v35  }
0x40e: {  	v14 =	vld [tilespmem:s22+$0xC3C0];
	v17 =	vadd.f32 v17, v23;
	[tilespmem:s22+$0xC340] =	vst v16;
	v16 =	vadd.f32 v27, v19  }
0x40f: {  	[tilespmem:s22+$0xC330] =	vst v15;
	v15 =	vld [tilespmem:s22+$0xC3D0];
	v19 =	vadd.f32 v18, v22;
	v18 =	vadd.f32 v28, v63  }
0x410: {  	s23 =	simm.s32 $0x400;
	[tilespmem:s22+$0xC350] =	vst v17;
	v17 =	vadd.f32 v29, v21;
	v20 =	vadd.f32 v20, v16;
	v16 =	vld [tilespmem:s22+$0xC3E0]  }
.LBB2_16:
0x411: {  	p0 =	sne.s32 s23, $0xFC00;
	[tilespmem:s22+$0xC360] =	vst v19;
	v5 =	vadd.f32 v5, v18;
	v11 =	vadd.f32 v11, v12;
	v12 =	vld [tilespmem:s22+$0xC3F0]  }
0x412: {  	[tilespmem:s22+$0xC370] =	vst v20;
	v4 =	vadd.f32 v4, v17;
	v10 =	vadd.f32 v10, v13;
	v13 =	vld [tilespmem:s22+$0x143E0]  }
0x413: {  	s24 =	sshra.s32 s23, $0x2;
	[tilespmem:s22+$0xC380] =	vst v5;
	v3 =	vadd.f32 v3, v11;
	v5 =	vadd.f32 v9, v14;
	v9 =	vld [tilespmem:s22+$0x143F0]  }
0x414: {  	v14 =	vld [tilespmem:s24+$0x14300];
	[tilespmem:s22+$0xC390] =	vst v4;
	v2 =	vadd.f32 v2, v10;
	v4 =	vadd.f32 v8, v15  }
0x415: {  	v15 =	vld [tilespmem:s24+$0x14310];
	[tilespmem:s22+$0xC3A0] =	vst v3;
	v1 =	vadd.f32 v1, v5;
	v3 =	vadd.f32 v7, v16  }
0x416: {  	v16 =	vld [tilespmem:s24+$0x14320];
	[tilespmem:s22+$0xC3B0] =	vst v2;
	v0 =	vadd.f32 v0, v4;
	v2 =	vadd.f32 v6, v12  }
0x417: {  	v12 =	vld [tilespmem:s24+$0x14330];
	[tilespmem:s22+$0xC3C0] =	vst v1;
	v1 =	vadd.f32 v13, v3  }
0x418: {  	v13 =	vld [tilespmem:s24+$0x14340];
	[tilespmem:s22+$0xC3D0] =	vst v0;
	v0 =	vadd.f32 v9, v2  }
0x419: {  	v17 =	vld [tilespmem:s24+$0x14350];
	[tilespmem:s22+$0xC3E0] =	vst v1  }
0x41a: {  	v18 =	vld [tilespmem:s24+$0x14360];
	[tilespmem:s22+$0xC3F0] =	vst v0;
	s22 =	smov.u32 s24  }
0x41b: {  	v20 =	vld [tilespmem:s22+$0x14370]  }
0x41c: {  	v5 =	vld [tilespmem:s22+$0x14380]  }
0x41d: {  	v4 =	vld [tilespmem:s22+$0x14390]  }
0x41e: {  	v3 =	vld [tilespmem:s22+$0x143A0]  }
0x41f: {  	v2 =	vld [tilespmem:s22+$0x143B0]  }
0x420: {  	v1 =	vld [tilespmem:s22+$0x143C0]  }
0x421: {  	v0 =	vld [tilespmem:s22+$0x143D0]  }
0x422: {  	v19 =	vld [tilespmem:s22+$0x10300]  }
0x423: {  	v21 =	vld [tilespmem:s22+$0x10310]  }
0x424: {  	v22 =	vld [tilespmem:s22+$0x10320]  }
0x425: {  	v23 =	vld [tilespmem:s22+$0x10330]  }
0x426: {  	v24 =	vld [tilespmem:s22+$0x10340]  }
0x427: {  	v25 =	vld [tilespmem:s22+$0x10350]  }
0x428: {  	v26 =	vld [tilespmem:s22+$0x10360]  }
0x429: {  	v27 =	vld [tilespmem:s22+$0x10370]  }
0x42a: {  	v28 =	vld [tilespmem:s22+$0x10380]  }
0x42b: {  	v29 =	vld [tilespmem:s22+$0x10390]  }
0x42c: {  	v11 =	vld [tilespmem:s22+$0x103A0]  }
0x42d: {  	v10 =	vld [tilespmem:s22+$0x103B0]  }
0x42e: {  	v9 =	vld [tilespmem:s22+$0x103C0]  }
0x42f: {  	v8 =	vld [tilespmem:s22+$0x103D0]  }
0x430: {  	v7 =	vld [tilespmem:s22+$0x103E0]  }
0x431: {  	v6 =	vld [tilespmem:s22+$0x103F0]  }
0x432: {  	v30 =	vld [tilespmem:s22+$0xC300]  }
0x433: {  	v31 =	vld [tilespmem:s22+$0xC310]  }
0x434: {  	v32 =	vld [tilespmem:s22+$0xC320]  }
0x435: {  	v33 =	vld [tilespmem:s22+$0xC330]  }
0x436: {  	v34 =	vld [tilespmem:s22+$0xC340]  }
0x437: {  	v19 =	vadd.f32 v19, v30;
	v30 =	vld [tilespmem:s22+$0xC350]  }
0x438: {  	v21 =	vadd.f32 v21, v31;
	v31 =	vld [tilespmem:s22+$0xC360]  }
0x439: {  	v14 =	vadd.f32 v14, v19;
	v19 =	vadd.f32 v22, v32;
	v22 =	vld [tilespmem:s22+$0xC370]  }
0x43a: {  	v15 =	vadd.f32 v15, v21;
	v21 =	vadd.f32 v23, v33;
	v23 =	vld [tilespmem:s22+$0xC380]  }
0x43b: {  	[tilespmem:s22+$0xC300] =	vst v14;
	v14 =	vadd.f32 v16, v19;
	v16 =	vadd.f32 v24, v34;
	v24 =	vld [tilespmem:s22+$0xC390]  }
.Ltmp7:
0x43c: {  	[tilespmem:s22+$0xC310] =	vst v15;
	v15 =	vadd.f32 v12, v21;
	v19 =	vadd.f32 v25, v30;
	v12 =	vld [tilespmem:s22+$0xC3A0];
	(pc) =	sbr.rel @p0 .LBB2_16-.Ltmp7, $4  }
0x43d: {  	[tilespmem:s22+$0xC320] =	vst v14;
	v16 =	vadd.f32 v13, v16;
	v21 =	vadd.f32 v26, v31;
	v13 =	vld [tilespmem:s22+$0xC3B0]  }
0x43e: {  	[tilespmem:s22+$0xC330] =	vst v15;
	v17 =	vadd.f32 v17, v19;
	v22 =	vadd.f32 v27, v22;
	v14 =	vld [tilespmem:s22+$0xC3C0]  }
0x43f: {  	[tilespmem:s22+$0xC340] =	vst v16;
	v19 =	vadd.f32 v18, v21;
	v18 =	vadd.f32 v28, v23;
	v15 =	vld [tilespmem:s22+$0xC3D0]  }
0x440: {  	s23 =	sadd.s32 $0x400, s23;
	[tilespmem:s22+$0xC350] =	vst v17;
	v20 =	vadd.f32 v20, v22;
	v17 =	vadd.f32 v29, v24;
	v16 =	vld [tilespmem:s22+$0xC3E0]  }
0x441: {  	[tilespmem:s22+$0xC360] =	vst v19;
	v55 =	vld [tilespmem:s22+$0xC3F0];
	v5 =	vadd.f32 v5, v18;
	v11 =	vadd.f32 v11, v12  }
0x442: {  	v56 =	vld [tilespmem:s22+$0x143E0];
	[tilespmem:s22+$0xC370] =	vst v20;
	v4 =	vadd.f32 v4, v17;
	v10 =	vadd.f32 v10, v13  }
0x443: {  	v58 =	vld [tilespmem:s22+$0x143F0];
	[tilespmem:s22+$0xC380] =	vst v5;
	v3 =	vadd.f32 v3, v11;
	v57 =	vadd.f32 v9, v14  }
0x444: {  	[tilespmem:s22+$0xC390] =	vst v4;
	v2 =	vadd.f32 v2, v10;
	v59 =	vadd.f32 v8, v15  }
0x445: {  	[tilespmem:s22+$0xC3A0] =	vst v3;
	v1 =	vadd.f32 v1, v57;
	v60 =	vadd.f32 v7, v16  }
0x446: {  	[tilespmem:s22+$0xC3B0] =	vst v2;
	v0 =	vadd.f32 v0, v59;
	v61 =	vadd.f32 v6, v55  }
0x447: {  	[tilespmem:s22+$0xC3C0] =	vst v1;
	v62 =	vadd.f32 v56, v60  }
0x448: {  	[tilespmem:s22+$0xC3D0] =	vst v0;
	v63 =	vadd.f32 v58, v61  }
0x449: {  	[tilespmem:s22+$0xC3E0] =	vst v62  }
0x44a: {  	s21 =	sadd.s32 $0x1, s21;
	[tilespmem:s22+$0xC3F0] =	vst v63  }
0x44b: {  	[hbm4b:s2+s25] =	stream.linear.scatter [tilespmem:s14], [sflag:$0x4], $0x4000, $0x38;
	[tilespmem:$0x18300] =	vst v63  }
0x44c: {  	p0 =	sne.s32 s21, s4;
	_ =	swait.ge [sflag:s18], $0x4000  }
.Ltmp8:
0x44d: {  	[sflag:s18] =	ssyncset.done $0x0;
	(pc) =	sbr.rel @p0 .LBB2_1-.Ltmp8, $4  }
0x44e: {  	[sflag:s18] =	ssyncadd.s32 $0xFFFFC000  }
0x44f: {  	_ =	swait.ge [sflag:s20], $0x4000  }
0x450: {  	[sflag:s20] =	ssyncset.done $0x0  }
0x451: {  	[sflag:s20] =	ssyncadd.s32 $0xFFFFC000  }
0x452: {  	_ =	sfence.sel $0x180000  }
0x453: {  	[bflag:$0x0] =	sbarrier.arrive $0xFFFF  }
0x454: {  	_ =	strace $0x90000047  }
0x455: {  	s0 =	stileid.u32;
	[bflag:$0x2] =	sbarrier.arrive $0xFFFF  }
0x456: {  	p0 =	sne.s32 s0, $0x0;
	s0 =	rddreg [dreg:$0x2]  }
0x457: {  	s0 =	sadd.s32 @!p0 $0x100000, s0  }
0x458: {  	[sflag:s0] =	ssyncadd.tile.s32 @!p0 $0x1;
	_ =	shalt  }
.Lfunc_end2:
_tile_overlayer_lowered:
.L_overlay_start_2:
0x459: {  	(tag) =	ssettag $0x2  }
0x45a: {  	s0 =	rddreg [dreg:$0x0];
	s2 =	stileid.u32  }
0x45b: {  	s1 =	rddreg [dreg:$0x1];
	p0 =	sne.s32 s2, $0x0  }
0x45c: {  	s3 =	rddreg [dreg:$0x2];
	[bflag:$0x3] =	sbarrier.arrive $0xFFFF;
	s2 =	simm.s32 @!p0 $0x1C05  }
0x45d: {  	[timem:s3], [sflag:s2] =	dma.local @!p0 [hbm:s0], s1  }
0x45e: {  	s0 =	simm.s32 @!p0 $0x5  }
0x45f: {  	_ =	swait.ge @!p0 [sflag:s0], s1  }
0x460: {  	s1 =	ssub.s32 @!p0 $0x0, s1;
	[sflag:s0] =	ssyncset.done @!p0 $0x0  }
0x461: {  	[sflag:s0] =	ssyncadd.s32 @!p0 s1  }
0x462: {  	[bflag:$0x3] =	sbarrier.arrive $0xFFFF  }
0x463: {  	_ =	shalt  }

</sc_bundles>
